<compile_context>
chip_gen: v7x
topology: tpu7x:2x2x1
jax: 0.10.2.dev20260603
libtpu: 0.0.44.dev20260713+nightly
codegen_flags: <defaults>
</compile_context>

<pallas_src>
import functools

import jax
import jax.numpy as jnp
from jax import lax
from jax.experimental import pallas as pl
from jax.experimental.pallas import tpu as pltpu
from jax.experimental.pallas import tpu_sc as plsc

N = 10000
E = 320000
D = 128
ED = 16
H = 128
L = 3
G = 64
OUT = 128

NUM_CORES = 2
NUM_SUBCORES = 16
NW = NUM_CORES * NUM_SUBCORES
EW = E // NW
EB = 40
NBLK = EW // EB
ROW_SLAB = 624
ROW_TAIL_START = ROW_SLAB * NUM_SUBCORES
ROW_TAIL = N - ROW_TAIL_START



def _dense_pre_body(h_ref, wn_ref, ws_ref, p_ref, hs_ref):
    h = h_ref[...]
    p_ref[...] = jnp.dot(h, wn_ref[...], preferred_element_type=jnp.float32)
    hs_ref[...] = jnp.dot(h, ws_ref[...], preferred_element_type=jnp.float32)


def _q_body(ea_ref, we_ref, bm_ref, q_ref):
    q_ref[...] = (
        jnp.dot(ea_ref[...], we_ref[...], preferred_element_type=jnp.float32)
        + bm_ref[...]
    )


def _post_body(hs_ref, agg_ref, wa_ref, bu_ref, out_ref):
    agg = agg_ref[0] + agg_ref[1]
    out_ref[...] = jnp.maximum(
        jnp.dot(agg, wa_ref[...], preferred_element_type=jnp.float32)
        + hs_ref[...] + bu_ref[...],
        0.0,
    )


def _readout_body(h_ref, b_ref, w1_ref, b1_ref, w2_ref, b2_ref, out_ref):
    gi = lax.broadcasted_iota(jnp.int32, (G, N), 0)
    onehot = (gi == b_ref[...]).astype(jnp.float32)
    cnt = jnp.sum(onehot, axis=1, keepdims=True)
    pooled = jnp.dot(onehot, h_ref[...], preferred_element_type=jnp.float32)
    pooled = pooled / jnp.maximum(cnt, 1.0)
    t = jnp.maximum(
        jnp.dot(pooled, w1_ref[...], preferred_element_type=jnp.float32)
        + b1_ref[...],
        0.0,
    )
    out_ref[...] = (
        jnp.dot(t, w2_ref[...], preferred_element_type=jnp.float32) + b2_ref[...]
    )


_dense_pre = pl.pallas_call(
    _dense_pre_body,
    out_shape=[
        jax.ShapeDtypeStruct((N, H), jnp.float32),
        jax.ShapeDtypeStruct((N, H), jnp.float32),
    ],
)

_QB = 8000
_q_call = pl.pallas_call(
    _q_body,
    grid=(E // _QB,),
    in_specs=[
        pl.BlockSpec((_QB, ED), lambda i: (i, 0)),
        pl.BlockSpec((ED, H), lambda i: (0, 0)),
        pl.BlockSpec((1, H), lambda i: (0, 0)),
    ],
    out_specs=pl.BlockSpec((_QB, H), lambda i: (i, 0)),
    out_shape=jax.ShapeDtypeStruct((E, H), jnp.float32),
)

_post_call = pl.pallas_call(
    _post_body,
    out_shape=jax.ShapeDtypeStruct((N, H), jnp.float32),
)

_readout_call = pl.pallas_call(
    _readout_body,
    out_shape=jax.ShapeDtypeStruct((G, OUT), jnp.float32),
)



def _edge_body(p_hbm, q_hbm, src_hbm, dst_hbm, zero_hbm, out_hbm,
               idx_s0, idx_d0, idx_s1, idx_d1,
               rs0, rd0, qb0, mb0, rs1, rd1, qb1, mb1,
               agg_sh, sem0, sem1, semi0, semi1):
    c = lax.axis_index("c")
    s = lax.axis_index("s")
    wid = s * NUM_CORES + c

    r0 = s * ROW_SLAB
    pltpu.sync_copy(zero_hbm.at[pl.ds(r0, ROW_SLAB)],
                    agg_sh.at[pl.ds(r0, ROW_SLAB)])

    @pl.when(s == 0)
    def _zero_tail():
        pltpu.sync_copy(zero_hbm.at[pl.ds(ROW_TAIL_START, ROW_TAIL)],
                        agg_sh.at[pl.ds(ROW_TAIL_START, ROW_TAIL)])

    plsc.subcore_barrier()

    base0 = wid * EW
    sets = (
        (idx_s0, idx_d0, rs0, rd0, qb0, mb0, sem0, semi0),
        (idx_s1, idx_d1, rs1, rd1, qb1, mb1, sem1, semi1),
    )

    def issue_idx(i, st):
        base = base0 + i * EB
        pltpu.async_copy(src_hbm.at[pl.ds(base, EB)], st[0], st[7])
        pltpu.async_copy(dst_hbm.at[pl.ds(base, EB)], st[1], st[7])

    def wait_idx(st):
        pltpu.make_async_copy(src_hbm.at[pl.ds(0, EB)], st[0], st[7]).wait()
        pltpu.make_async_copy(dst_hbm.at[pl.ds(0, EB)], st[1], st[7]).wait()

    def issue_gathers(i, st):
        base = base0 + i * EB
        pltpu.async_copy(p_hbm.at[st[0]], st[2], st[6])
        pltpu.async_copy(p_hbm.at[st[1]], st[3], st[6])
        pltpu.async_copy(q_hbm.at[pl.ds(base, EB)], st[4], st[6])

    def wait_gathers(st):
        pltpu.make_async_copy(p_hbm.at[st[0]], st[2], st[6]).wait()
        pltpu.make_async_copy(p_hbm.at[st[1]], st[3], st[6]).wait()
        pltpu.make_async_copy(q_hbm.at[pl.ds(0, EB)], st[4], st[6]).wait()

    def process(i, st, do_issue, guard_idx):
        wait_gathers(st)
        nxt = sets[1] if st is sets[0] else sets[0]
        if do_issue:
            wait_idx(nxt)
            issue_gathers(i + 1, nxt)
        rs, rd, qb, mb = st[2], st[3], st[4], st[5]

        def row(r, carry2):
            for j in range(H // 16):
                sl = pl.ds(j * 16, 16)
                v = rs[r, sl] + rd[r, sl] + qb[r, sl]
                mb[r, sl] = jnp.maximum(v, 0.0)
            return carry2

        lax.fori_loop(0, EB, row, 0)
        pltpu.sync_copy(mb, agg_sh.at[st[0]], add=True)
        pltpu.sync_copy(mb, agg_sh.at[st[1]], add=True)
        if do_issue:
            if guard_idx:
                @pl.when(i < NBLK - 2)
                def _issue():
                    issue_idx(i + 2, st)
            else:
                issue_idx(i + 2, st)

    issue_idx(0, sets[0])
    wait_idx(sets[0])
    issue_gathers(0, sets[0])
    issue_idx(1, sets[1])

    def pair(k, carry):
        process(2 * k, sets[0], do_issue=True, guard_idx=True)
        process(2 * k + 1, sets[1], do_issue=True, guard_idx=True)
        return carry

    lax.fori_loop(0, NBLK // 2 - 1, pair, 0)
    process(NBLK - 2, sets[0], do_issue=True, guard_idx=True)
    process(NBLK - 1, sets[1], do_issue=False, guard_idx=False)

    plsc.subcore_barrier()
    pltpu.sync_copy(agg_sh.at[pl.ds(r0, ROW_SLAB)],
                    out_hbm.at[c, pl.ds(r0, ROW_SLAB)])

    @pl.when(s == 0)
    def _write_tail():
        pltpu.sync_copy(agg_sh.at[pl.ds(ROW_TAIL_START, ROW_TAIL)],
                        out_hbm.at[c, pl.ds(ROW_TAIL_START, ROW_TAIL)])


_edge_call = pl.kernel(
    _edge_body,
    out_type=jax.ShapeDtypeStruct((NUM_CORES, N, H), jnp.float32),
    mesh=plsc.VectorSubcoreMesh(
        core_axis_name="c", subcore_axis_name="s",
        num_cores=NUM_CORES, num_subcores=NUM_SUBCORES,
    ),
    scratch_types=(
        [pltpu.VMEM((EB,), jnp.int32)] * 4
        + [pltpu.VMEM((EB, H), jnp.float32)] * 8
        + [pltpu.VMEM_SHARED((N, H), jnp.float32)]
        + [pltpu.SemaphoreType.DMA] * 4
    ),
)



def kernel(x, edge_index, edge_attr, batch, Wn, We, bm, Ws, Wa, bu, W1, b1, W2, b2):
    src = edge_index[0]
    dst = edge_index[1]
    zeros = jnp.zeros((N, H), jnp.float32)
    bm2 = bm.reshape(L, 1, H)
    bu2 = bu.reshape(L, 1, H)
    batch2 = batch.reshape(1, N)

    h = x
    for l in range(L):
        p, hs = _dense_pre(h, Wn[l], Ws[l])
        q = _q_call(edge_attr, We[l], bm2[l])
        agg2 = _edge_call(p, q, src, dst, zeros)
        h = _post_call(hs, agg2, Wa[l], bu2[l])

    return _readout_call(h, batch2, W1, b1.reshape(1, H), W2, b2.reshape(1, OUT))

# --- scband reference (transcript-rebuilt; emitter-appended) ---
"""Pipeline reference for scband-ssgnngraph-encoder-71433896067562 (READ-ONLY COPY).

The authoritative reference and input builder live on the scoring server;
editing this copy changes nothing except your own understanding.
"""

import jax, jax.numpy as jnp
import numpy as np

N = 10000      # nodes
E = 320000     # edges
D = 128        # in_channels
ED = 16        # edge_dim
H = 128        # hidden_dim
L = 3          # num_layers
G = 64         # number of sampled subgraphs (readout segments)
OUT = 128      # out_channels


def setup_inputs(seed: int = 0) -> dict:
    key = jax.random.key(seed)
    ks = jax.random.split(key, 20)
    x = jax.random.normal(ks[0], (N, D), dtype=jnp.float32)
    edge_index = jax.random.randint(ks[1], (2, E), 0, N, dtype=jnp.int32)
    edge_attr = jax.random.normal(ks[2], (E, ED), dtype=jnp.float32)
    batch = jnp.sort(jax.random.randint(ks[3], (N,), 0, G, dtype=jnp.int32))
    s = 1.0 / np.sqrt(H)
    Wn = jax.random.normal(ks[4], (L, H, H), dtype=jnp.float32) * s
    We = jax.random.normal(ks[5], (L, ED, H), dtype=jnp.float32) * s
    bm = jnp.zeros((L, H), dtype=jnp.float32)
    Ws = jax.random.normal(ks[6], (L, H, H), dtype=jnp.float32) * s
    Wa = jax.random.normal(ks[7], (L, H, H), dtype=jnp.float32) * s
    bu = jnp.zeros((L, H), dtype=jnp.float32)
    W1 = jax.random.normal(ks[8], (H, H), dtype=jnp.float32) * s
    b1 = jnp.zeros((H,), dtype=jnp.float32)
    W2 = jax.random.normal(ks[9], (H, OUT), dtype=jnp.float32) * s
    b2 = jnp.zeros((OUT,), dtype=jnp.float32)
    return {"x": x, "edge_index": edge_index, "edge_attr": edge_attr, "batch": batch,
            "Wn": Wn, "We": We, "bm": bm, "Ws": Ws, "Wa": Wa, "bu": bu,
            "W1": W1, "b1": b1, "W2": W2, "b2": b2}


def reference(x, edge_index, edge_attr, batch, Wn, We, bm, Ws, Wa, bu, W1, b1, W2, b2):
    # Symmetric message passing over sampled subgraphs + mean readout + MLP head.
    src = edge_index[0]
    dst = edge_index[1]
    h = x
    for l in range(L):
        # symmetric message: depends on unordered pair (u, v) plus edge features
        m = jax.nn.relu((h[src] + h[dst]) @ Wn[l] + edge_attr @ We[l] + bm[l])
        # symmetric aggregation: message flows to BOTH endpoints (scatter-add)
        agg = jax.ops.segment_sum(m, dst, num_segments=N) + jax.ops.segment_sum(m, src, num_segments=N)
        h = jax.nn.relu(h @ Ws[l] + agg @ Wa[l] + bu[l])
    # mean pooling readout per subgraph
    counts = jax.ops.segment_sum(jnp.ones((N, 1), dtype=h.dtype), batch, num_segments=G)
    pooled = jax.ops.segment_sum(h, batch, num_segments=G) / jnp.maximum(counts, 1.0)
    # mlp_layers = 2 readout MLP -> graph representation
    out = jax.nn.relu(pooled @ W1 + b1) @ W2 + b2
    return out

if __name__ == "__main__":
    import jax
    _d = setup_inputs()
    print(jax.jit(kernel)(*tuple(_d.values())))

</pallas_src>

<mosaic_0001>
#map = affine_map<(d0, d1) -> (0, 0)>
#map1 = affine_map<(d0, d1) -> (0)>
#map2 = affine_map<(d0, d1) -> (0, 0, 0)>
module attributes {stable_mosaic.version = 14 : i64} {
  func.func @_edge_body(%arg0: i32, %arg1: i32, %arg2: memref<10000x128xf32, #tpu.memory_space<hbm>>, %arg3: memref<320000x128xf32, #tpu.memory_space<hbm>>, %arg4: memref<320000xi32, #tpu.memory_space<hbm>>, %arg5: memref<320000xi32, #tpu.memory_space<hbm>>, %arg6: memref<10000x128xf32, #tpu.memory_space<hbm>>, %arg7: memref<2x10000x128xf32, #tpu.memory_space<hbm>>, %arg8: memref<40xi32, #tpu.memory_space<vmem>>, %arg9: memref<40xi32, #tpu.memory_space<vmem>>, %arg10: memref<40xi32, #tpu.memory_space<vmem>>, %arg11: memref<40xi32, #tpu.memory_space<vmem>>, %arg12: memref<40x128xf32, #tpu.memory_space<vmem>>, %arg13: memref<40x128xf32, #tpu.memory_space<vmem>>, %arg14: memref<40x128xf32, #tpu.memory_space<vmem>>, %arg15: memref<40x128xf32, #tpu.memory_space<vmem>>, %arg16: memref<40x128xf32, #tpu.memory_space<vmem>>, %arg17: memref<40x128xf32, #tpu.memory_space<vmem>>, %arg18: memref<40x128xf32, #tpu.memory_space<vmem>>, %arg19: memref<40x128xf32, #tpu.memory_space<vmem>>, %arg20: memref<10000x128xf32, #tpu.memory_space<vmem_shared>>, %arg21: memref<!tpu.dma_semaphore, #tpu.memory_space<semaphore_mem>>, %arg22: memref<!tpu.dma_semaphore, #tpu.memory_space<semaphore_mem>>, %arg23: memref<!tpu.dma_semaphore, #tpu.memory_space<semaphore_mem>>, %arg24: memref<!tpu.dma_semaphore, #tpu.memory_space<semaphore_mem>>) attributes {dimension_semantics = [#tpu.dimension_semantics<core_parallel>, #tpu.dimension_semantics<subcore_parallel>], iteration_bounds = array<i64: 2, 16>, scalar_prefetch = 0 : i64, scratch_operands = 17 : i64, tpu.core_type = #tpu.core_type<sc_vector_subcore>, window_params = [{transform_indices = #map}, {transform_indices = #map}, {transform_indices = #map1}, {transform_indices = #map1}, {transform_indices = #map}, {transform_indices = #map2}]} {
    %mul3A = arith.constant 2 : i32
    %mul3A_0 = arith.muli %arg1, %mul3A : i32
    %add3A = arith.addi %mul3A_0, %arg0 : i32
    %mul3A_1 = arith.constant 624 : i32
    %mul3A_2 = arith.muli %arg1, %mul3A_1 : i32
    "tpu.region"() ({
      %run_scoped3A = tpu.sem_alloc : memref<!tpu.dma_semaphore, #tpu.memory_space<semaphore_mem>>
      %dma_start3A_104 = arith.constant 0 : i32
      %dma_start3A_105 = tpu.memref_slice %arg20[%mul3A_2, %dma_start3A_104] : memref<10000x128xf32, #tpu.memory_space<vmem_shared>> -> memref<624x128xf32, #tpu.memory_space<vmem_shared>>
      %dma_start3A_106 = arith.constant 0 : i32
      %dma_start3A_107 = tpu.memref_slice %arg6[%mul3A_2, %dma_start3A_106] : memref<10000x128xf32, #tpu.memory_space<hbm>> -> memref<624x128xf32, #tpu.memory_space<hbm>>
      tpu.enqueue_dma source(%dma_start3A_107 : memref<624x128xf32, #tpu.memory_space<hbm>>) target(%dma_start3A_105 : memref<624x128xf32, #tpu.memory_space<vmem_shared>>) target_semaphore(%run_scoped3A : memref<!tpu.dma_semaphore, #tpu.memory_space<semaphore_mem>>)
      %dma_wait3A_108 = arith.constant 0 : i32
      %dma_wait3A_109 = tpu.memref_slice %arg20[%mul3A_2, %dma_wait3A_108] : memref<10000x128xf32, #tpu.memory_space<vmem_shared>> -> memref<624x128xf32, #tpu.memory_space<vmem_shared>>
      %dma_wait3A_110 = arith.constant 0 : i32
      %dma_wait3A_111 = tpu.memref_slice %arg6[%mul3A_2, %dma_wait3A_110] : memref<10000x128xf32, #tpu.memory_space<hbm>> -> memref<624x128xf32, #tpu.memory_space<hbm>>
      tpu.wait_dma2 semaphore(%run_scoped3A : memref<!tpu.dma_semaphore, #tpu.memory_space<semaphore_mem>>) src(%dma_wait3A_111 : memref<624x128xf32, #tpu.memory_space<hbm>>) dst(%dma_wait3A_109 : memref<624x128xf32, #tpu.memory_space<vmem_shared>>)
      tpu.yield
    }) : () -> ()
    %eq3A = arith.constant 0 : i32
    %eq3A_3 = arith.cmpi eq, %arg1, %eq3A : i32
    %convert_element_type3A = arith.extui %eq3A_3 : i1 to i32
    %cond3A = arith.constant 0 : i32
    %cond3A_4 = arith.cmpi ne, %convert_element_type3A, %cond3A : i32
    scf.if %cond3A_4 {
      "tpu.region"() ({
        %run_scoped3A = tpu.sem_alloc : memref<!tpu.dma_semaphore, #tpu.memory_space<semaphore_mem>>
        %dma_start3A_104 = arith.constant 9984 : i32
        %dma_start3A_105 = arith.constant 0 : i32
        %dma_start3A_106 = tpu.memref_slice %arg20[%dma_start3A_104, %dma_start3A_105] : memref<10000x128xf32, #tpu.memory_space<vmem_shared>> -> memref<16x128xf32, #tpu.memory_space<vmem_shared>>
        %dma_start3A_107 = arith.constant 9984 : i32
        %dma_start3A_108 = arith.constant 0 : i32
        %dma_start3A_109 = tpu.memref_slice %arg6[%dma_start3A_107, %dma_start3A_108] : memref<10000x128xf32, #tpu.memory_space<hbm>> -> memref<16x128xf32, #tpu.memory_space<hbm>>
        tpu.enqueue_dma source(%dma_start3A_109 : memref<16x128xf32, #tpu.memory_space<hbm>>) target(%dma_start3A_106 : memref<16x128xf32, #tpu.memory_space<vmem_shared>>) target_semaphore(%run_scoped3A : memref<!tpu.dma_semaphore, #tpu.memory_space<semaphore_mem>>)
        %dma_wait3A_110 = arith.constant 9984 : i32
        %dma_wait3A_111 = arith.constant 0 : i32
        %dma_wait3A_112 = tpu.memref_slice %arg20[%dma_wait3A_110, %dma_wait3A_111] : memref<10000x128xf32, #tpu.memory_space<vmem_shared>> -> memref<16x128xf32, #tpu.memory_space<vmem_shared>>
        %dma_wait3A_113 = arith.constant 9984 : i32
        %dma_wait3A_114 = arith.constant 0 : i32
        %dma_wait3A_115 = tpu.memref_slice %arg6[%dma_wait3A_113, %dma_wait3A_114] : memref<10000x128xf32, #tpu.memory_space<hbm>> -> memref<16x128xf32, #tpu.memory_space<hbm>>
        tpu.wait_dma2 semaphore(%run_scoped3A : memref<!tpu.dma_semaphore, #tpu.memory_space<semaphore_mem>>) src(%dma_wait3A_115 : memref<16x128xf32, #tpu.memory_space<hbm>>) dst(%dma_wait3A_112 : memref<16x128xf32, #tpu.memory_space<vmem_shared>>)
        tpu.yield
      }) : () -> ()
    } else {
    }
    %barrier3A = arith.constant 0 : index
    tpu.barrier barrier_id(%barrier3A)
    %mul3A_5 = arith.constant 10000 : i32
    %mul3A_6 = arith.muli %add3A, %mul3A_5 : i32
    %add3A_7 = arith.constant 0 : i32
    %add3A_8 = arith.addi %mul3A_6, %add3A_7 : i32
    %dma_start3A = tpu.memref_slice %arg4[%add3A_8] : memref<320000xi32, #tpu.memory_space<hbm>> -> memref<40xi32, #tpu.memory_space<hbm>>
    %dma_start3A_9 = tpu.memref_slice %arg4[%add3A_8] : memref<320000xi32, #tpu.memory_space<hbm>> -> memref<40xi32, #tpu.memory_space<hbm>>
    tpu.enqueue_dma source(%dma_start3A_9 : memref<40xi32, #tpu.memory_space<hbm>>) target(%arg8 : memref<40xi32, #tpu.memory_space<vmem>>) target_semaphore(%arg23 : memref<!tpu.dma_semaphore, #tpu.memory_space<semaphore_mem>>)
    %dma_start3A_10 = tpu.memref_slice %arg5[%add3A_8] : memref<320000xi32, #tpu.memory_space<hbm>> -> memref<40xi32, #tpu.memory_space<hbm>>
    %dma_start3A_11 = tpu.memref_slice %arg5[%add3A_8] : memref<320000xi32, #tpu.memory_space<hbm>> -> memref<40xi32, #tpu.memory_space<hbm>>
    tpu.enqueue_dma source(%dma_start3A_11 : memref<40xi32, #tpu.memory_space<hbm>>) target(%arg9 : memref<40xi32, #tpu.memory_space<vmem>>) target_semaphore(%arg23 : memref<!tpu.dma_semaphore, #tpu.memory_space<semaphore_mem>>)
    %dma_wait3A = arith.constant 0 : i32
    %dma_wait3A_12 = tpu.memref_slice %arg4[%dma_wait3A] : memref<320000xi32, #tpu.memory_space<hbm>> -> memref<40xi32, #tpu.memory_space<hbm>>
    %dma_wait3A_13 = arith.constant 0 : i32
    %dma_wait3A_14 = tpu.memref_slice %arg4[%dma_wait3A_13] : memref<320000xi32, #tpu.memory_space<hbm>> -> memref<40xi32, #tpu.memory_space<hbm>>
    tpu.wait_dma2 semaphore(%arg23 : memref<!tpu.dma_semaphore, #tpu.memory_space<semaphore_mem>>) src(%dma_wait3A_14 : memref<40xi32, #tpu.memory_space<hbm>>) dst(%arg8 : memref<40xi32, #tpu.memory_space<vmem>>)
    %dma_wait3A_15 = arith.constant 0 : i32
    %dma_wait3A_16 = tpu.memref_slice %arg5[%dma_wait3A_15] : memref<320000xi32, #tpu.memory_space<hbm>> -> memref<40xi32, #tpu.memory_space<hbm>>
    %dma_wait3A_17 = arith.constant 0 : i32
    %dma_wait3A_18 = tpu.memref_slice %arg5[%dma_wait3A_17] : memref<320000xi32, #tpu.memory_space<hbm>> -> memref<40xi32, #tpu.memory_space<hbm>>
    tpu.wait_dma2 semaphore(%arg23 : memref<!tpu.dma_semaphore, #tpu.memory_space<semaphore_mem>>) src(%dma_wait3A_18 : memref<40xi32, #tpu.memory_space<hbm>>) dst(%arg9 : memref<40xi32, #tpu.memory_space<vmem>>)
    %add3A_19 = arith.constant 0 : i32
    %add3A_20 = arith.addi %mul3A_6, %add3A_19 : i32
    %dma_start3A_21 = arith.constant 0 : i32
    %dma_start3A_22 = arith.constant 0 : i32
    %dma_start3A_23 = tpu.memref_slice %arg2[%dma_start3A_21, %dma_start3A_22] : memref<10000x128xf32, #tpu.memory_space<hbm>> -> memref<10000x128xf32, #tpu.memory_space<hbm>>
    tpu.enqueue_indirect_dma source(%dma_start3A_23 : memref<10000x128xf32, #tpu.memory_space<hbm>>) target(%arg12 : memref<40x128xf32, #tpu.memory_space<vmem>>) offsets(%arg8 : memref<40xi32, #tpu.memory_space<vmem>>) semaphore(%arg21 : memref<!tpu.dma_semaphore, #tpu.memory_space<semaphore_mem>>)
    %dma_start3A_24 = arith.constant 0 : i32
    %dma_start3A_25 = arith.constant 0 : i32
    %dma_start3A_26 = tpu.memref_slice %arg2[%dma_start3A_24, %dma_start3A_25] : memref<10000x128xf32, #tpu.memory_space<hbm>> -> memref<10000x128xf32, #tpu.memory_space<hbm>>
    tpu.enqueue_indirect_dma source(%dma_start3A_26 : memref<10000x128xf32, #tpu.memory_space<hbm>>) target(%arg13 : memref<40x128xf32, #tpu.memory_space<vmem>>) offsets(%arg9 : memref<40xi32, #tpu.memory_space<vmem>>) semaphore(%arg21 : memref<!tpu.dma_semaphore, #tpu.memory_space<semaphore_mem>>)
    %dma_start3A_27 = arith.constant 0 : i32
    %dma_start3A_28 = tpu.memref_slice %arg3[%add3A_20, %dma_start3A_27] : memref<320000x128xf32, #tpu.memory_space<hbm>> -> memref<40x128xf32, #tpu.memory_space<hbm>>
    %dma_start3A_29 = arith.constant 0 : i32
    %dma_start3A_30 = tpu.memref_slice %arg3[%add3A_20, %dma_start3A_29] : memref<320000x128xf32, #tpu.memory_space<hbm>> -> memref<40x128xf32, #tpu.memory_space<hbm>>
    tpu.enqueue_dma source(%dma_start3A_30 : memref<40x128xf32, #tpu.memory_space<hbm>>) target(%arg14 : memref<40x128xf32, #tpu.memory_space<vmem>>) target_semaphore(%arg21 : memref<!tpu.dma_semaphore, #tpu.memory_space<semaphore_mem>>)
    %add3A_31 = arith.constant 40 : i32
    %add3A_32 = arith.addi %mul3A_6, %add3A_31 : i32
    %dma_start3A_33 = tpu.memref_slice %arg4[%add3A_32] : memref<320000xi32, #tpu.memory_space<hbm>> -> memref<40xi32, #tpu.memory_space<hbm>>
    %dma_start3A_34 = tpu.memref_slice %arg4[%add3A_32] : memref<320000xi32, #tpu.memory_space<hbm>> -> memref<40xi32, #tpu.memory_space<hbm>>
    tpu.enqueue_dma source(%dma_start3A_34 : memref<40xi32, #tpu.memory_space<hbm>>) target(%arg10 : memref<40xi32, #tpu.memory_space<vmem>>) target_semaphore(%arg24 : memref<!tpu.dma_semaphore, #tpu.memory_space<semaphore_mem>>)
    %dma_start3A_35 = tpu.memref_slice %arg5[%add3A_32] : memref<320000xi32, #tpu.memory_space<hbm>> -> memref<40xi32, #tpu.memory_space<hbm>>
    %dma_start3A_36 = tpu.memref_slice %arg5[%add3A_32] : memref<320000xi32, #tpu.memory_space<hbm>> -> memref<40xi32, #tpu.memory_space<hbm>>
    tpu.enqueue_dma source(%dma_start3A_36 : memref<40xi32, #tpu.memory_space<hbm>>) target(%arg11 : memref<40xi32, #tpu.memory_space<vmem>>) target_semaphore(%arg24 : memref<!tpu.dma_semaphore, #tpu.memory_space<semaphore_mem>>)
    %scan3A = arith.constant 0 : i32
    %scan3A_37 = arith.constant 0 : i32
    %scan3A_38 = arith.constant 124 : i32
    %scan3A_39 = arith.addi %scan3A_37, %scan3A_38 : i32
    %scan3A_40 = arith.constant 1 : i32
    scf.for %scan3A_104 = %scan3A_37 to %scan3A_39 step %scan3A_40  : i32 {
      %mul3A_105 = arith.constant 2 : i32
      %mul3A_106 = arith.muli %mul3A_105, %scan3A_104 : i32
      %dma_wait3A_107 = arith.constant 0 : i32
      %dma_wait3A_108 = arith.constant 0 : i32
      %dma_wait3A_109 = tpu.memref_slice %arg2[%dma_wait3A_107, %dma_wait3A_108] : memref<10000x128xf32, #tpu.memory_space<hbm>> -> memref<10000x128xf32, #tpu.memory_space<hbm>>
      tpu.wait_indirect_dma semaphore(%arg21 : memref<!tpu.dma_semaphore, #tpu.memory_space<semaphore_mem>>) src(%dma_wait3A_109 : memref<10000x128xf32, #tpu.memory_space<hbm>>) dst(%arg12 : memref<40x128xf32, #tpu.memory_space<vmem>>)
      %dma_wait3A_110 = arith.constant 0 : i32
      %dma_wait3A_111 = arith.constant 0 : i32
      %dma_wait3A_112 = tpu.memref_slice %arg2[%dma_wait3A_110, %dma_wait3A_111] : memref<10000x128xf32, #tpu.memory_space<hbm>> -> memref<10000x128xf32, #tpu.memory_space<hbm>>
      tpu.wait_indirect_dma semaphore(%arg21 : memref<!tpu.dma_semaphore, #tpu.memory_space<semaphore_mem>>) src(%dma_wait3A_112 : memref<10000x128xf32, #tpu.memory_space<hbm>>) dst(%arg13 : memref<40x128xf32, #tpu.memory_space<vmem>>)
      %dma_wait3A_113 = arith.constant 0 : i32
      %dma_wait3A_114 = arith.constant 0 : i32
      %dma_wait3A_115 = tpu.memref_slice %arg3[%dma_wait3A_113, %dma_wait3A_114] : memref<320000x128xf32, #tpu.memory_space<hbm>> -> memref<40x128xf32, #tpu.memory_space<hbm>>
      %dma_wait3A_116 = arith.constant 0 : i32
      %dma_wait3A_117 = arith.constant 0 : i32
      %dma_wait3A_118 = tpu.memref_slice %arg3[%dma_wait3A_116, %dma_wait3A_117] : memref<320000x128xf32, #tpu.memory_space<hbm>> -> memref<40x128xf32, #tpu.memory_space<hbm>>
      tpu.wait_dma2 semaphore(%arg21 : memref<!tpu.dma_semaphore, #tpu.memory_space<semaphore_mem>>) src(%dma_wait3A_118 : memref<40x128xf32, #tpu.memory_space<hbm>>) dst(%arg14 : memref<40x128xf32, #tpu.memory_space<vmem>>)
      %dma_wait3A_119 = arith.constant 0 : i32
      %dma_wait3A_120 = tpu.memref_slice %arg4[%dma_wait3A_119] : memref<320000xi32, #tpu.memory_space<hbm>> -> memref<40xi32, #tpu.memory_space<hbm>>
      %dma_wait3A_121 = arith.constant 0 : i32
      %dma_wait3A_122 = tpu.memref_slice %arg4[%dma_wait3A_121] : memref<320000xi32, #tpu.memory_space<hbm>> -> memref<40xi32, #tpu.memory_space<hbm>>
      tpu.wait_dma2 semaphore(%arg24 : memref<!tpu.dma_semaphore, #tpu.memory_space<semaphore_mem>>) src(%dma_wait3A_122 : memref<40xi32, #tpu.memory_space<hbm>>) dst(%arg10 : memref<40xi32, #tpu.memory_space<vmem>>)
      %dma_wait3A_123 = arith.constant 0 : i32
      %dma_wait3A_124 = tpu.memref_slice %arg5[%dma_wait3A_123] : memref<320000xi32, #tpu.memory_space<hbm>> -> memref<40xi32, #tpu.memory_space<hbm>>
      %dma_wait3A_125 = arith.constant 0 : i32
      %dma_wait3A_126 = tpu.memref_slice %arg5[%dma_wait3A_125] : memref<320000xi32, #tpu.memory_space<hbm>> -> memref<40xi32, #tpu.memory_space<hbm>>
      tpu.wait_dma2 semaphore(%arg24 : memref<!tpu.dma_semaphore, #tpu.memory_space<semaphore_mem>>) src(%dma_wait3A_126 : memref<40xi32, #tpu.memory_space<hbm>>) dst(%arg11 : memref<40xi32, #tpu.memory_space<vmem>>)
      %add3A_127 = arith.constant 1 : i32
      %add3A_128 = arith.addi %mul3A_106, %add3A_127 : i32
      %mul3A_129 = arith.constant 40 : i32
      %mul3A_130 = arith.muli %add3A_128, %mul3A_129 : i32
      %add3A_131 = arith.addi %mul3A_6, %mul3A_130 : i32
      %dma_start3A_132 = arith.constant 0 : i32
      %dma_start3A_133 = arith.constant 0 : i32
      %dma_start3A_134 = tpu.memref_slice %arg2[%dma_start3A_132, %dma_start3A_133] : memref<10000x128xf32, #tpu.memory_space<hbm>> -> memref<10000x128xf32, #tpu.memory_space<hbm>>
      tpu.enqueue_indirect_dma source(%dma_start3A_134 : memref<10000x128xf32, #tpu.memory_space<hbm>>) target(%arg16 : memref<40x128xf32, #tpu.memory_space<vmem>>) offsets(%arg10 : memref<40xi32, #tpu.memory_space<vmem>>) semaphore(%arg22 : memref<!tpu.dma_semaphore, #tpu.memory_space<semaphore_mem>>)
      %dma_start3A_135 = arith.constant 0 : i32
      %dma_start3A_136 = arith.constant 0 : i32
      %dma_start3A_137 = tpu.memref_slice %arg2[%dma_start3A_135, %dma_start3A_136] : memref<10000x128xf32, #tpu.memory_space<hbm>> -> memref<10000x128xf32, #tpu.memory_space<hbm>>
      tpu.enqueue_indirect_dma source(%dma_start3A_137 : memref<10000x128xf32, #tpu.memory_space<hbm>>) target(%arg17 : memref<40x128xf32, #tpu.memory_space<vmem>>) offsets(%arg11 : memref<40xi32, #tpu.memory_space<vmem>>) semaphore(%arg22 : memref<!tpu.dma_semaphore, #tpu.memory_space<semaphore_mem>>)
      %dma_start3A_138 = arith.constant 0 : i32
      %dma_start3A_139 = tpu.memref_slice %arg3[%add3A_131, %dma_start3A_138] : memref<320000x128xf32, #tpu.memory_space<hbm>> -> memref<40x128xf32, #tpu.memory_space<hbm>>
      %dma_start3A_140 = arith.constant 0 : i32
      %dma_start3A_141 = tpu.memref_slice %arg3[%add3A_131, %dma_start3A_140] : memref<320000x128xf32, #tpu.memory_space<hbm>> -> memref<40x128xf32, #tpu.memory_space<hbm>>
      tpu.enqueue_dma source(%dma_start3A_141 : memref<40x128xf32, #tpu.memory_space<hbm>>) target(%arg18 : memref<40x128xf32, #tpu.memory_space<vmem>>) target_semaphore(%arg22 : memref<!tpu.dma_semaphore, #tpu.memory_space<semaphore_mem>>)
      %scan3A_142 = arith.constant 0 : i32
      %scan3A_143 = arith.constant 0 : i32
      %scan3A_144 = arith.constant 40 : i32
      %scan3A_145 = arith.addi %scan3A_143, %scan3A_144 : i32
      %scan3A_146 = arith.constant 1 : i32
      scf.for %scan3A_202 = %scan3A_143 to %scan3A_145 step %scan3A_146  : i32 {
        %get3A = arith.index_cast %scan3A_202 : i32 to index
        %get3A_203 = arith.constant 0 : index
        %get3A_204 = tpu.vector_load %arg12[%get3A, %get3A_203] {strides = array<i32>} : memref<40x128xf32, #tpu.memory_space<vmem>>, vector<1x16xf32>,
        %get3A_205 = vector.shape_cast %get3A_204 : vector<1x16xf32> to vector<16xf32>
        %get3A_206 = arith.index_cast %scan3A_202 : i32 to index
        %get3A_207 = arith.constant 0 : index
        %get3A_208 = tpu.vector_load %arg13[%get3A_206, %get3A_207] {strides = array<i32>} : memref<40x128xf32, #tpu.memory_space<vmem>>, vector<1x16xf32>,
        %get3A_209 = vector.shape_cast %get3A_208 : vector<1x16xf32> to vector<16xf32>
        %add3A_210 = arith.addf %get3A_205, %get3A_209 : vector<16xf32>
        %get3A_211 = arith.index_cast %scan3A_202 : i32 to index
        %get3A_212 = arith.constant 0 : index
        %get3A_213 = tpu.vector_load %arg14[%get3A_211, %get3A_212] {strides = array<i32>} : memref<40x128xf32, #tpu.memory_space<vmem>>, vector<1x16xf32>,
        %get3A_214 = vector.shape_cast %get3A_213 : vector<1x16xf32> to vector<16xf32>
        %add3A_215 = arith.addf %add3A_210, %get3A_214 : vector<16xf32>
        %max3A = arith.constant 0.000000e+00 : f32
        %max3A_216 = vector.broadcast %max3A : f32 to vector<16xf32>
        %max3A_217 = arith.maximumf %add3A_215, %max3A_216 : vector<16xf32>
        %swap3A = arith.index_cast %scan3A_202 : i32 to index
        %swap3A_218 = arith.constant 0 : index
        %swap3A_219 = tpu.vector_load %arg15[%swap3A, %swap3A_218] {strides = array<i32>} : memref<40x128xf32, #tpu.memory_space<vmem>>, vector<1x16xf32>,
        %swap3A_220 = vector.shape_cast %swap3A_219 : vector<1x16xf32> to vector<16xf32>
        %swap3A_221 = vector.shape_cast %max3A_217 : vector<16xf32> to vector<1x16xf32>
        tpu.vector_store %arg15[%swap3A, %swap3A_218], %swap3A_221 {strides = array<i32>} : memref<40x128xf32, #tpu.memory_space<vmem>>, vector<1x16xf32>,
        %get3A_222 = arith.index_cast %scan3A_202 : i32 to index
        %get3A_223 = arith.constant 16 : index
        %get3A_224 = tpu.vector_load %arg12[%get3A_222, %get3A_223] {strides = array<i32>} : memref<40x128xf32, #tpu.memory_space<vmem>>, vector<1x16xf32>,
        %get3A_225 = vector.shape_cast %get3A_224 : vector<1x16xf32> to vector<16xf32>
        %get3A_226 = arith.index_cast %scan3A_202 : i32 to index
        %get3A_227 = arith.constant 16 : index
        %get3A_228 = tpu.vector_load %arg13[%get3A_226, %get3A_227] {strides = array<i32>} : memref<40x128xf32, #tpu.memory_space<vmem>>, vector<1x16xf32>,
        %get3A_229 = vector.shape_cast %get3A_228 : vector<1x16xf32> to vector<16xf32>
        %add3A_230 = arith.addf %get3A_225, %get3A_229 : vector<16xf32>
        %get3A_231 = arith.index_cast %scan3A_202 : i32 to index
        %get3A_232 = arith.constant 16 : index
        %get3A_233 = tpu.vector_load %arg14[%get3A_231, %get3A_232] {strides = array<i32>} : memref<40x128xf32, #tpu.memory_space<vmem>>, vector<1x16xf32>,
        %get3A_234 = vector.shape_cast %get3A_233 : vector<1x16xf32> to vector<16xf32>
        %add3A_235 = arith.addf %add3A_230, %get3A_234 : vector<16xf32>
        %max3A_236 = arith.constant 0.000000e+00 : f32
        %max3A_237 = vector.broadcast %max3A_236 : f32 to vector<16xf32>
        %max3A_238 = arith.maximumf %add3A_235, %max3A_237 : vector<16xf32>
        %swap3A_239 = arith.index_cast %scan3A_202 : i32 to index
        %swap3A_240 = arith.constant 16 : index
        %swap3A_241 = tpu.vector_load %arg15[%swap3A_239, %swap3A_240] {strides = array<i32>} : memref<40x128xf32, #tpu.memory_space<vmem>>, vector<1x16xf32>,
        %swap3A_242 = vector.shape_cast %swap3A_241 : vector<1x16xf32> to vector<16xf32>
        %swap3A_243 = vector.shape_cast %max3A_238 : vector<16xf32> to vector<1x16xf32>
        tpu.vector_store %arg15[%swap3A_239, %swap3A_240], %swap3A_243 {strides = array<i32>} : memref<40x128xf32, #tpu.memory_space<vmem>>, vector<1x16xf32>,
        %get3A_244 = arith.index_cast %scan3A_202 : i32 to index
        %get3A_245 = arith.constant 32 : index
        %get3A_246 = tpu.vector_load %arg12[%get3A_244, %get3A_245] {strides = array<i32>} : memref<40x128xf32, #tpu.memory_space<vmem>>, vector<1x16xf32>,
        %get3A_247 = vector.shape_cast %get3A_246 : vector<1x16xf32> to vector<16xf32>
        %get3A_248 = arith.index_cast %scan3A_202 : i32 to index
        %get3A_249 = arith.constant 32 : index
        %get3A_250 = tpu.vector_load %arg13[%get3A_248, %get3A_249] {strides = array<i32>} : memref<40x128xf32, #tpu.memory_space<vmem>>, vector<1x16xf32>,
        %get3A_251 = vector.shape_cast %get3A_250 : vector<1x16xf32> to vector<16xf32>
        %add3A_252 = arith.addf %get3A_247, %get3A_251 : vector<16xf32>
        %get3A_253 = arith.index_cast %scan3A_202 : i32 to index
        %get3A_254 = arith.constant 32 : index
        %get3A_255 = tpu.vector_load %arg14[%get3A_253, %get3A_254] {strides = array<i32>} : memref<40x128xf32, #tpu.memory_space<vmem>>, vector<1x16xf32>,
        %get3A_256 = vector.shape_cast %get3A_255 : vector<1x16xf32> to vector<16xf32>
        %add3A_257 = arith.addf %add3A_252, %get3A_256 : vector<16xf32>
        %max3A_258 = arith.constant 0.000000e+00 : f32
        %max3A_259 = vector.broadcast %max3A_258 : f32 to vector<16xf32>
        %max3A_260 = arith.maximumf %add3A_257, %max3A_259 : vector<16xf32>
        %swap3A_261 = arith.index_cast %scan3A_202 : i32 to index
        %swap3A_262 = arith.constant 32 : index
        %swap3A_263 = tpu.vector_load %arg15[%swap3A_261, %swap3A_262] {strides = array<i32>} : memref<40x128xf32, #tpu.memory_space<vmem>>, vector<1x16xf32>,
        %swap3A_264 = vector.shape_cast %swap3A_263 : vector<1x16xf32> to vector<16xf32>
        %swap3A_265 = vector.shape_cast %max3A_260 : vector<16xf32> to vector<1x16xf32>
        tpu.vector_store %arg15[%swap3A_261, %swap3A_262], %swap3A_265 {strides = array<i32>} : memref<40x128xf32, #tpu.memory_space<vmem>>, vector<1x16xf32>,
        %get3A_266 = arith.index_cast %scan3A_202 : i32 to index
        %get3A_267 = arith.constant 48 : index
        %get3A_268 = tpu.vector_load %arg12[%get3A_266, %get3A_267] {strides = array<i32>} : memref<40x128xf32, #tpu.memory_space<vmem>>, vector<1x16xf32>,
        %get3A_269 = vector.shape_cast %get3A_268 : vector<1x16xf32> to vector<16xf32>
        %get3A_270 = arith.index_cast %scan3A_202 : i32 to index
        %get3A_271 = arith.constant 48 : index
        %get3A_272 = tpu.vector_load %arg13[%get3A_270, %get3A_271] {strides = array<i32>} : memref<40x128xf32, #tpu.memory_space<vmem>>, vector<1x16xf32>,
        %get3A_273 = vector.shape_cast %get3A_272 : vector<1x16xf32> to vector<16xf32>
        %add3A_274 = arith.addf %get3A_269, %get3A_273 : vector<16xf32>
        %get3A_275 = arith.index_cast %scan3A_202 : i32 to index
        %get3A_276 = arith.constant 48 : index
        %get3A_277 = tpu.vector_load %arg14[%get3A_275, %get3A_276] {strides = array<i32>} : memref<40x128xf32, #tpu.memory_space<vmem>>, vector<1x16xf32>,
        %get3A_278 = vector.shape_cast %get3A_277 : vector<1x16xf32> to vector<16xf32>
        %add3A_279 = arith.addf %add3A_274, %get3A_278 : vector<16xf32>
        %max3A_280 = arith.constant 0.000000e+00 : f32
        %max3A_281 = vector.broadcast %max3A_280 : f32 to vector<16xf32>
        %max3A_282 = arith.maximumf %add3A_279, %max3A_281 : vector<16xf32>
        %swap3A_283 = arith.index_cast %scan3A_202 : i32 to index
        %swap3A_284 = arith.constant 48 : index
        %swap3A_285 = tpu.vector_load %arg15[%swap3A_283, %swap3A_284] {strides = array<i32>} : memref<40x128xf32, #tpu.memory_space<vmem>>, vector<1x16xf32>,
        %swap3A_286 = vector.shape_cast %swap3A_285 : vector<1x16xf32> to vector<16xf32>
        %swap3A_287 = vector.shape_cast %max3A_282 : vector<16xf32> to vector<1x16xf32>
        tpu.vector_store %arg15[%swap3A_283, %swap3A_284], %swap3A_287 {strides = array<i32>} : memref<40x128xf32, #tpu.memory_space<vmem>>, vector<1x16xf32>,
        %get3A_288 = arith.index_cast %scan3A_202 : i32 to index
        %get3A_289 = arith.constant 64 : index
        %get3A_290 = tpu.vector_load %arg12[%get3A_288, %get3A_289] {strides = array<i32>} : memref<40x128xf32, #tpu.memory_space<vmem>>, vector<1x16xf32>,
        %get3A_291 = vector.shape_cast %get3A_290 : vector<1x16xf32> to vector<16xf32>
        %get3A_292 = arith.index_cast %scan3A_202 : i32 to index
        %get3A_293 = arith.constant 64 : index
        %get3A_294 = tpu.vector_load %arg13[%get3A_292, %get3A_293] {strides = array<i32>} : memref<40x128xf32, #tpu.memory_space<vmem>>, vector<1x16xf32>,
        %get3A_295 = vector.shape_cast %get3A_294 : vector<1x16xf32> to vector<16xf32>
        %add3A_296 = arith.addf %get3A_291, %get3A_295 : vector<16xf32>
        %get3A_297 = arith.index_cast %scan3A_202 : i32 to index
        %get3A_298 = arith.constant 64 : index
        %get3A_299 = tpu.vector_load %arg14[%get3A_297, %get3A_298] {strides = array<i32>} : memref<40x128xf32, #tpu.memory_space<vmem>>, vector<1x16xf32>,
        %get3A_300 = vector.shape_cast %get3A_299 : vector<1x16xf32> to vector<16xf32>
        %add3A_301 = arith.addf %add3A_296, %get3A_300 : vector<16xf32>
        %max3A_302 = arith.constant 0.000000e+00 : f32
        %max3A_303 = vector.broadcast %max3A_302 : f32 to vector<16xf32>
        %max3A_304 = arith.maximumf %add3A_301, %max3A_303 : vector<16xf32>
        %swap3A_305 = arith.index_cast %scan3A_202 : i32 to index
        %swap3A_306 = arith.constant 64 : index
        %swap3A_307 = tpu.vector_load %arg15[%swap3A_305, %swap3A_306] {strides = array<i32>} : memref<40x128xf32, #tpu.memory_space<vmem>>, vector<1x16xf32>,
        %swap3A_308 = vector.shape_cast %swap3A_307 : vector<1x16xf32> to vector<16xf32>
        %swap3A_309 = vector.shape_cast %max3A_304 : vector<16xf32> to vector<1x16xf32>
        tpu.vector_store %arg15[%swap3A_305, %swap3A_306], %swap3A_309 {strides = array<i32>} : memref<40x128xf32, #tpu.memory_space<vmem>>, vector<1x16xf32>,
        %get3A_310 = arith.index_cast %scan3A_202 : i32 to index
        %get3A_311 = arith.constant 80 : index
        %get3A_312 = tpu.vector_load %arg12[%get3A_310, %get3A_311] {strides = array<i32>} : memref<40x128xf32, #tpu.memory_space<vmem>>, vector<1x16xf32>,
        %get3A_313 = vector.shape_cast %get3A_312 : vector<1x16xf32> to vector<16xf32>
        %get3A_314 = arith.index_cast %scan3A_202 : i32 to index
        %get3A_315 = arith.constant 80 : index
        %get3A_316 = tpu.vector_load %arg13[%get3A_314, %get3A_315] {strides = array<i32>} : memref<40x128xf32, #tpu.memory_space<vmem>>, vector<1x16xf32>,
        %get3A_317 = vector.shape_cast %get3A_316 : vector<1x16xf32> to vector<16xf32>
        %add3A_318 = arith.addf %get3A_313, %get3A_317 : vector<16xf32>
        %get3A_319 = arith.index_cast %scan3A_202 : i32 to index
        %get3A_320 = arith.constant 80 : index
        %get3A_321 = tpu.vector_load %arg14[%get3A_319, %get3A_320] {strides = array<i32>} : memref<40x128xf32, #tpu.memory_space<vmem>>, vector<1x16xf32>,
        %get3A_322 = vector.shape_cast %get3A_321 : vector<1x16xf32> to vector<16xf32>
        %add3A_323 = arith.addf %add3A_318, %get3A_322 : vector<16xf32>
        %max3A_324 = arith.constant 0.000000e+00 : f32
        %max3A_325 = vector.broadcast %max3A_324 : f32 to vector<16xf32>
        %max3A_326 = arith.maximumf %add3A_323, %max3A_325 : vector<16xf32>
        %swap3A_327 = arith.index_cast %scan3A_202 : i32 to index
        %swap3A_328 = arith.constant 80 : index
        %swap3A_329 = tpu.vector_load %arg15[%swap3A_327, %swap3A_328] {strides = array<i32>} : memref<40x128xf32, #tpu.memory_space<vmem>>, vector<1x16xf32>,
        %swap3A_330 = vector.shape_cast %swap3A_329 : vector<1x16xf32> to vector<16xf32>
        %swap3A_331 = vector.shape_cast %max3A_326 : vector<16xf32> to vector<1x16xf32>
        tpu.vector_store %arg15[%swap3A_327, %swap3A_328], %swap3A_331 {strides = array<i32>} : memref<40x128xf32, #tpu.memory_space<vmem>>, vector<1x16xf32>,
        %get3A_332 = arith.index_cast %scan3A_202 : i32 to index
        %get3A_333 = arith.constant 96 : index
        %get3A_334 = tpu.vector_load %arg12[%get3A_332, %get3A_333] {strides = array<i32>} : memref<40x128xf32, #tpu.memory_space<vmem>>, vector<1x16xf32>,
        %get3A_335 = vector.shape_cast %get3A_334 : vector<1x16xf32> to vector<16xf32>
        %get3A_336 = arith.index_cast %scan3A_202 : i32 to index
        %get3A_337 = arith.constant 96 : index
        %get3A_338 = tpu.vector_load %arg13[%get3A_336, %get3A_337] {strides = array<i32>} : memref<40x128xf32, #tpu.memory_space<vmem>>, vector<1x16xf32>,
        %get3A_339 = vector.shape_cast %get3A_338 : vector<1x16xf32> to vector<16xf32>
        %add3A_340 = arith.addf %get3A_335, %get3A_339 : vector<16xf32>
        %get3A_341 = arith.index_cast %scan3A_202 : i32 to index
        %get3A_342 = arith.constant 96 : index
        %get3A_343 = tpu.vector_load %arg14[%get3A_341, %get3A_342] {strides = array<i32>} : memref<40x128xf32, #tpu.memory_space<vmem>>, vector<1x16xf32>,
        %get3A_344 = vector.shape_cast %get3A_343 : vector<1x16xf32> to vector<16xf32>
        %add3A_345 = arith.addf %add3A_340, %get3A_344 : vector<16xf32>
        %max3A_346 = arith.constant 0.000000e+00 : f32
        %max3A_347 = vector.broadcast %max3A_346 : f32 to vector<16xf32>
        %max3A_348 = arith.maximumf %add3A_345, %max3A_347 : vector<16xf32>
        %swap3A_349 = arith.index_cast %scan3A_202 : i32 to index
        %swap3A_350 = arith.constant 96 : index
        %swap3A_351 = tpu.vector_load %arg15[%swap3A_349, %swap3A_350] {strides = array<i32>} : memref<40x128xf32, #tpu.memory_space<vmem>>, vector<1x16xf32>,
        %swap3A_352 = vector.shape_cast %swap3A_351 : vector<1x16xf32> to vector<16xf32>
        %swap3A_353 = vector.shape_cast %max3A_348 : vector<16xf32> to vector<1x16xf32>
        tpu.vector_store %arg15[%swap3A_349, %swap3A_350], %swap3A_353 {strides = array<i32>} : memref<40x128xf32, #tpu.memory_space<vmem>>, vector<1x16xf32>,
        %get3A_354 = arith.index_cast %scan3A_202 : i32 to index
        %get3A_355 = arith.constant 112 : index
        %get3A_356 = tpu.vector_load %arg12[%get3A_354, %get3A_355] {strides = array<i32>} : memref<40x128xf32, #tpu.memory_space<vmem>>, vector<1x16xf32>,
        %get3A_357 = vector.shape_cast %get3A_356 : vector<1x16xf32> to vector<16xf32>
        %get3A_358 = arith.index_cast %scan3A_202 : i32 to index
        %get3A_359 = arith.constant 112 : index
        %get3A_360 = tpu.vector_load %arg13[%get3A_358, %get3A_359] {strides = array<i32>} : memref<40x128xf32, #tpu.memory_space<vmem>>, vector<1x16xf32>,
        %get3A_361 = vector.shape_cast %get3A_360 : vector<1x16xf32> to vector<16xf32>
        %add3A_362 = arith.addf %get3A_357, %get3A_361 : vector<16xf32>
        %get3A_363 = arith.index_cast %scan3A_202 : i32 to index
        %get3A_364 = arith.constant 112 : index
        %get3A_365 = tpu.vector_load %arg14[%get3A_363, %get3A_364] {strides = array<i32>} : memref<40x128xf32, #tpu.memory_space<vmem>>, vector<1x16xf32>,
        %get3A_366 = vector.shape_cast %get3A_365 : vector<1x16xf32> to vector<16xf32>
        %add3A_367 = arith.addf %add3A_362, %get3A_366 : vector<16xf32>
        %max3A_368 = arith.constant 0.000000e+00 : f32
        %max3A_369 = vector.broadcast %max3A_368 : f32 to vector<16xf32>
        %max3A_370 = arith.maximumf %add3A_367, %max3A_369 : vector<16xf32>
        %swap3A_371 = arith.index_cast %scan3A_202 : i32 to index
        %swap3A_372 = arith.constant 112 : index
        %swap3A_373 = tpu.vector_load %arg15[%swap3A_371, %swap3A_372] {strides = array<i32>} : memref<40x128xf32, #tpu.memory_space<vmem>>, vector<1x16xf32>,
        %swap3A_374 = vector.shape_cast %swap3A_373 : vector<1x16xf32> to vector<16xf32>
        %swap3A_375 = vector.shape_cast %max3A_370 : vector<16xf32> to vector<1x16xf32>
        tpu.vector_store %arg15[%swap3A_371, %swap3A_372], %swap3A_375 {strides = array<i32>} : memref<40x128xf32, #tpu.memory_space<vmem>>, vector<1x16xf32>,
      }
      %scan3A_147 = arith.constant 40 : i32
      "tpu.region"() ({
        %run_scoped3A = tpu.sem_alloc : memref<!tpu.dma_semaphore, #tpu.memory_space<semaphore_mem>>
        %dma_start3A_202 = arith.constant 0 : i32
        %dma_start3A_203 = arith.constant 0 : i32
        %dma_start3A_204 = tpu.memref_slice %arg20[%dma_start3A_202, %dma_start3A_203] : memref<10000x128xf32, #tpu.memory_space<vmem_shared>> -> memref<10000x128xf32, #tpu.memory_space<vmem_shared>>
        tpu.enqueue_indirect_dma source(%arg15 : memref<40x128xf32, #tpu.memory_space<vmem>>) target(%dma_start3A_204 : memref<10000x128xf32, #tpu.memory_space<vmem_shared>>) offsets(%arg8 : memref<40xi32, #tpu.memory_space<vmem>>) semaphore(%run_scoped3A : memref<!tpu.dma_semaphore, #tpu.memory_space<semaphore_mem>>) {add = true}
        %dma_wait3A_205 = arith.constant 0 : i32
        %dma_wait3A_206 = arith.constant 0 : i32
        %dma_wait3A_207 = tpu.memref_slice %arg20[%dma_wait3A_205, %dma_wait3A_206] : memref<10000x128xf32, #tpu.memory_space<vmem_shared>> -> memref<10000x128xf32, #tpu.memory_space<vmem_shared>>
        tpu.wait_indirect_dma semaphore(%run_scoped3A : memref<!tpu.dma_semaphore, #tpu.memory_space<semaphore_mem>>) src(%arg15 : memref<40x128xf32, #tpu.memory_space<vmem>>) dst(%dma_wait3A_207 : memref<10000x128xf32, #tpu.memory_space<vmem_shared>>)
        tpu.yield
      }) : () -> ()
      "tpu.region"() ({
        %run_scoped3A = tpu.sem_alloc : memref<!tpu.dma_semaphore, #tpu.memory_space<semaphore_mem>>
        %dma_start3A_202 = arith.constant 0 : i32
        %dma_start3A_203 = arith.constant 0 : i32
        %dma_start3A_204 = tpu.memref_slice %arg20[%dma_start3A_202, %dma_start3A_203] : memref<10000x128xf32, #tpu.memory_space<vmem_shared>> -> memref<10000x128xf32, #tpu.memory_space<vmem_shared>>
        tpu.enqueue_indirect_dma source(%arg15 : memref<40x128xf32, #tpu.memory_space<vmem>>) target(%dma_start3A_204 : memref<10000x128xf32, #tpu.memory_space<vmem_shared>>) offsets(%arg9 : memref<40xi32, #tpu.memory_space<vmem>>) semaphore(%run_scoped3A : memref<!tpu.dma_semaphore, #tpu.memory_space<semaphore_mem>>) {add = true}
        %dma_wait3A_205 = arith.constant 0 : i32
        %dma_wait3A_206 = arith.constant 0 : i32
        %dma_wait3A_207 = tpu.memref_slice %arg20[%dma_wait3A_205, %dma_wait3A_206] : memref<10000x128xf32, #tpu.memory_space<vmem_shared>> -> memref<10000x128xf32, #tpu.memory_space<vmem_shared>>
        tpu.wait_indirect_dma semaphore(%run_scoped3A : memref<!tpu.dma_semaphore, #tpu.memory_space<semaphore_mem>>) src(%arg15 : memref<40x128xf32, #tpu.memory_space<vmem>>) dst(%dma_wait3A_207 : memref<10000x128xf32, #tpu.memory_space<vmem_shared>>)
        tpu.yield
      }) : () -> ()
      %lt3A = arith.constant 248 : i32
      %lt3A_148 = arith.cmpi slt, %mul3A_106, %lt3A : i32
      %convert_element_type3A_149 = arith.extui %lt3A_148 : i1 to i32
      %cond3A_150 = arith.constant 0 : i32
      %cond3A_151 = arith.cmpi ne, %convert_element_type3A_149, %cond3A_150 : i32
      scf.if %cond3A_151 {
        %add3A_202 = arith.constant 2 : i32
        %add3A_203 = arith.addi %mul3A_106, %add3A_202 : i32
        %mul3A_204 = arith.constant 40 : i32
        %mul3A_205 = arith.muli %add3A_203, %mul3A_204 : i32
        %add3A_206 = arith.addi %mul3A_6, %mul3A_205 : i32
        %dma_start3A_207 = tpu.memref_slice %arg4[%add3A_206] : memref<320000xi32, #tpu.memory_space<hbm>> -> memref<40xi32, #tpu.memory_space<hbm>>
        %dma_start3A_208 = tpu.memref_slice %arg4[%add3A_206] : memref<320000xi32, #tpu.memory_space<hbm>> -> memref<40xi32, #tpu.memory_space<hbm>>
        tpu.enqueue_dma source(%dma_start3A_208 : memref<40xi32, #tpu.memory_space<hbm>>) target(%arg8 : memref<40xi32, #tpu.memory_space<vmem>>) target_semaphore(%arg23 : memref<!tpu.dma_semaphore, #tpu.memory_space<semaphore_mem>>)
        %dma_start3A_209 = tpu.memref_slice %arg5[%add3A_206] : memref<320000xi32, #tpu.memory_space<hbm>> -> memref<40xi32, #tpu.memory_space<hbm>>
        %dma_start3A_210 = tpu.memref_slice %arg5[%add3A_206] : memref<320000xi32, #tpu.memory_space<hbm>> -> memref<40xi32, #tpu.memory_space<hbm>>
        tpu.enqueue_dma source(%dma_start3A_210 : memref<40xi32, #tpu.memory_space<hbm>>) target(%arg9 : memref<40xi32, #tpu.memory_space<vmem>>) target_semaphore(%arg23 : memref<!tpu.dma_semaphore, #tpu.memory_space<semaphore_mem>>)
      } else {
      }
      %mul3A_152 = arith.constant 2 : i32
      %mul3A_153 = arith.muli %mul3A_152, %scan3A_104 : i32
      %add3A_154 = arith.constant 1 : i32
      %add3A_155 = arith.addi %mul3A_153, %add3A_154 : i32
      %dma_wait3A_156 = arith.constant 0 : i32
      %dma_wait3A_157 = arith.constant 0 : i32
      %dma_wait3A_158 = tpu.memref_slice %arg2[%dma_wait3A_156, %dma_wait3A_157] : memref<10000x128xf32, #tpu.memory_space<hbm>> -> memref<10000x128xf32, #tpu.memory_space<hbm>>
      tpu.wait_indirect_dma semaphore(%arg22 : memref<!tpu.dma_semaphore, #tpu.memory_space<semaphore_mem>>) src(%dma_wait3A_158 : memref<10000x128xf32, #tpu.memory_space<hbm>>) dst(%arg16 : memref<40x128xf32, #tpu.memory_space<vmem>>)
      %dma_wait3A_159 = arith.constant 0 : i32
      %dma_wait3A_160 = arith.constant 0 : i32
      %dma_wait3A_161 = tpu.memref_slice %arg2[%dma_wait3A_159, %dma_wait3A_160] : memref<10000x128xf32, #tpu.memory_space<hbm>> -> memref<10000x128xf32, #tpu.memory_space<hbm>>
      tpu.wait_indirect_dma semaphore(%arg22 : memref<!tpu.dma_semaphore, #tpu.memory_space<semaphore_mem>>) src(%dma_wait3A_161 : memref<10000x128xf32, #tpu.memory_space<hbm>>) dst(%arg17 : memref<40x128xf32, #tpu.memory_space<vmem>>)
      %dma_wait3A_162 = arith.constant 0 : i32
      %dma_wait3A_163 = arith.constant 0 : i32
      %dma_wait3A_164 = tpu.memref_slice %arg3[%dma_wait3A_162, %dma_wait3A_163] : memref<320000x128xf32, #tpu.memory_space<hbm>> -> memref<40x128xf32, #tpu.memory_space<hbm>>
      %dma_wait3A_165 = arith.constant 0 : i32
      %dma_wait3A_166 = arith.constant 0 : i32
      %dma_wait3A_167 = tpu.memref_slice %arg3[%dma_wait3A_165, %dma_wait3A_166] : memref<320000x128xf32, #tpu.memory_space<hbm>> -> memref<40x128xf32, #tpu.memory_space<hbm>>
      tpu.wait_dma2 semaphore(%arg22 : memref<!tpu.dma_semaphore, #tpu.memory_space<semaphore_mem>>) src(%dma_wait3A_167 : memref<40x128xf32, #tpu.memory_space<hbm>>) dst(%arg18 : memref<40x128xf32, #tpu.memory_space<vmem>>)
      %dma_wait3A_168 = arith.constant 0 : i32
      %dma_wait3A_169 = tpu.memref_slice %arg4[%dma_wait3A_168] : memref<320000xi32, #tpu.memory_space<hbm>> -> memref<40xi32, #tpu.memory_space<hbm>>
      %dma_wait3A_170 = arith.constant 0 : i32
      %dma_wait3A_171 = tpu.memref_slice %arg4[%dma_wait3A_170] : memref<320000xi32, #tpu.memory_space<hbm>> -> memref<40xi32, #tpu.memory_space<hbm>>
      tpu.wait_dma2 semaphore(%arg23 : memref<!tpu.dma_semaphore, #tpu.memory_space<semaphore_mem>>) src(%dma_wait3A_171 : memref<40xi32, #tpu.memory_space<hbm>>) dst(%arg8 : memref<40xi32, #tpu.memory_space<vmem>>)
      %dma_wait3A_172 = arith.constant 0 : i32
      %dma_wait3A_173 = tpu.memref_slice %arg5[%dma_wait3A_172] : memref<320000xi32, #tpu.memory_space<hbm>> -> memref<40xi32, #tpu.memory_space<hbm>>
      %dma_wait3A_174 = arith.constant 0 : i32
      %dma_wait3A_175 = tpu.memref_slice %arg5[%dma_wait3A_174] : memref<320000xi32, #tpu.memory_space<hbm>> -> memref<40xi32, #tpu.memory_space<hbm>>
      tpu.wait_dma2 semaphore(%arg23 : memref<!tpu.dma_semaphore, #tpu.memory_space<semaphore_mem>>) src(%dma_wait3A_175 : memref<40xi32, #tpu.memory_space<hbm>>) dst(%arg9 : memref<40xi32, #tpu.memory_space<vmem>>)
      %add3A_176 = arith.constant 1 : i32
      %add3A_177 = arith.addi %add3A_155, %add3A_176 : i32
      %mul3A_178 = arith.constant 40 : i32
      %mul3A_179 = arith.muli %add3A_177, %mul3A_178 : i32
      %add3A_180 = arith.addi %mul3A_6, %mul3A_179 : i32
      %dma_start3A_181 = arith.constant 0 : i32
      %dma_start3A_182 = arith.constant 0 : i32
      %dma_start3A_183 = tpu.memref_slice %arg2[%dma_start3A_181, %dma_start3A_182] : memref<10000x128xf32, #tpu.memory_space<hbm>> -> memref<10000x128xf32, #tpu.memory_space<hbm>>
      tpu.enqueue_indirect_dma source(%dma_start3A_183 : memref<10000x128xf32, #tpu.memory_space<hbm>>) target(%arg12 : memref<40x128xf32, #tpu.memory_space<vmem>>) offsets(%arg8 : memref<40xi32, #tpu.memory_space<vmem>>) semaphore(%arg21 : memref<!tpu.dma_semaphore, #tpu.memory_space<semaphore_mem>>)
      %dma_start3A_184 = arith.constant 0 : i32
      %dma_start3A_185 = arith.constant 0 : i32
      %dma_start3A_186 = tpu.memref_slice %arg2[%dma_start3A_184, %dma_start3A_185] : memref<10000x128xf32, #tpu.memory_space<hbm>> -> memref<10000x128xf32, #tpu.memory_space<hbm>>
      tpu.enqueue_indirect_dma source(%dma_start3A_186 : memref<10000x128xf32, #tpu.memory_space<hbm>>) target(%arg13 : memref<40x128xf32, #tpu.memory_space<vmem>>) offsets(%arg9 : memref<40xi32, #tpu.memory_space<vmem>>) semaphore(%arg21 : memref<!tpu.dma_semaphore, #tpu.memory_space<semaphore_mem>>)
      %dma_start3A_187 = arith.constant 0 : i32
      %dma_start3A_188 = tpu.memref_slice %arg3[%add3A_180, %dma_start3A_187] : memref<320000x128xf32, #tpu.memory_space<hbm>> -> memref<40x128xf32, #tpu.memory_space<hbm>>
      %dma_start3A_189 = arith.constant 0 : i32
      %dma_start3A_190 = tpu.memref_slice %arg3[%add3A_180, %dma_start3A_189] : memref<320000x128xf32, #tpu.memory_space<hbm>> -> memref<40x128xf32, #tpu.memory_space<hbm>>
      tpu.enqueue_dma source(%dma_start3A_190 : memref<40x128xf32, #tpu.memory_space<hbm>>) target(%arg14 : memref<40x128xf32, #tpu.memory_space<vmem>>) target_semaphore(%arg21 : memref<!tpu.dma_semaphore, #tpu.memory_space<semaphore_mem>>)
      %scan3A_191 = arith.constant 0 : i32
      %scan3A_192 = arith.constant 0 : i32
      %scan3A_193 = arith.constant 40 : i32
      %scan3A_194 = arith.addi %scan3A_192, %scan3A_193 : i32
      %scan3A_195 = arith.constant 1 : i32
      scf.for %scan3A_202 = %scan3A_192 to %scan3A_194 step %scan3A_195  : i32 {
        %get3A = arith.index_cast %scan3A_202 : i32 to index
        %get3A_203 = arith.constant 0 : index
        %get3A_204 = tpu.vector_load %arg16[%get3A, %get3A_203] {strides = array<i32>} : memref<40x128xf32, #tpu.memory_space<vmem>>, vector<1x16xf32>,
        %get3A_205 = vector.shape_cast %get3A_204 : vector<1x16xf32> to vector<16xf32>
        %get3A_206 = arith.index_cast %scan3A_202 : i32 to index
        %get3A_207 = arith.constant 0 : index
        %get3A_208 = tpu.vector_load %arg17[%get3A_206, %get3A_207] {strides = array<i32>} : memref<40x128xf32, #tpu.memory_space<vmem>>, vector<1x16xf32>,
        %get3A_209 = vector.shape_cast %get3A_208 : vector<1x16xf32> to vector<16xf32>
        %add3A_210 = arith.addf %get3A_205, %get3A_209 : vector<16xf32>
        %get3A_211 = arith.index_cast %scan3A_202 : i32 to index
        %get3A_212 = arith.constant 0 : index
        %get3A_213 = tpu.vector_load %arg18[%get3A_211, %get3A_212] {strides = array<i32>} : memref<40x128xf32, #tpu.memory_space<vmem>>, vector<1x16xf32>,
        %get3A_214 = vector.shape_cast %get3A_213 : vector<1x16xf32> to vector<16xf32>
        %add3A_215 = arith.addf %add3A_210, %get3A_214 : vector<16xf32>
        %max3A = arith.constant 0.000000e+00 : f32
        %max3A_216 = vector.broadcast %max3A : f32 to vector<16xf32>
        %max3A_217 = arith.maximumf %add3A_215, %max3A_216 : vector<16xf32>
        %swap3A = arith.index_cast %scan3A_202 : i32 to index
        %swap3A_218 = arith.constant 0 : index
        %swap3A_219 = tpu.vector_load %arg19[%swap3A, %swap3A_218] {strides = array<i32>} : memref<40x128xf32, #tpu.memory_space<vmem>>, vector<1x16xf32>,
        %swap3A_220 = vector.shape_cast %swap3A_219 : vector<1x16xf32> to vector<16xf32>
        %swap3A_221 = vector.shape_cast %max3A_217 : vector<16xf32> to vector<1x16xf32>
        tpu.vector_store %arg19[%swap3A, %swap3A_218], %swap3A_221 {strides = array<i32>} : memref<40x128xf32, #tpu.memory_space<vmem>>, vector<1x16xf32>,
        %get3A_222 = arith.index_cast %scan3A_202 : i32 to index
        %get3A_223 = arith.constant 16 : index
        %get3A_224 = tpu.vector_load %arg16[%get3A_222, %get3A_223] {strides = array<i32>} : memref<40x128xf32, #tpu.memory_space<vmem>>, vector<1x16xf32>,
        %get3A_225 = vector.shape_cast %get3A_224 : vector<1x16xf32> to vector<16xf32>
        %get3A_226 = arith.index_cast %scan3A_202 : i32 to index
        %get3A_227 = arith.constant 16 : index
        %get3A_228 = tpu.vector_load %arg17[%get3A_226, %get3A_227] {strides = array<i32>} : memref<40x128xf32, #tpu.memory_space<vmem>>, vector<1x16xf32>,
        %get3A_229 = vector.shape_cast %get3A_228 : vector<1x16xf32> to vector<16xf32>
        %add3A_230 = arith.addf %get3A_225, %get3A_229 : vector<16xf32>
        %get3A_231 = arith.index_cast %scan3A_202 : i32 to index
        %get3A_232 = arith.constant 16 : index
        %get3A_233 = tpu.vector_load %arg18[%get3A_231, %get3A_232] {strides = array<i32>} : memref<40x128xf32, #tpu.memory_space<vmem>>, vector<1x16xf32>,
        %get3A_234 = vector.shape_cast %get3A_233 : vector<1x16xf32> to vector<16xf32>
        %add3A_235 = arith.addf %add3A_230, %get3A_234 : vector<16xf32>
        %max3A_236 = arith.constant 0.000000e+00 : f32
        %max3A_237 = vector.broadcast %max3A_236 : f32 to vector<16xf32>
        %max3A_238 = arith.maximumf %add3A_235, %max3A_237 : vector<16xf32>
        %swap3A_239 = arith.index_cast %scan3A_202 : i32 to index
        %swap3A_240 = arith.constant 16 : index
        %swap3A_241 = tpu.vector_load %arg19[%swap3A_239, %swap3A_240] {strides = array<i32>} : memref<40x128xf32, #tpu.memory_space<vmem>>, vector<1x16xf32>,
        %swap3A_242 = vector.shape_cast %swap3A_241 : vector<1x16xf32> to vector<16xf32>
        %swap3A_243 = vector.shape_cast %max3A_238 : vector<16xf32> to vector<1x16xf32>
        tpu.vector_store %arg19[%swap3A_239, %swap3A_240], %swap3A_243 {strides = array<i32>} : memref<40x128xf32, #tpu.memory_space<vmem>>, vector<1x16xf32>,
        %get3A_244 = arith.index_cast %scan3A_202 : i32 to index
        %get3A_245 = arith.constant 32 : index
        %get3A_246 = tpu.vector_load %arg16[%get3A_244, %get3A_245] {strides = array<i32>} : memref<40x128xf32, #tpu.memory_space<vmem>>, vector<1x16xf32>,
        %get3A_247 = vector.shape_cast %get3A_246 : vector<1x16xf32> to vector<16xf32>
        %get3A_248 = arith.index_cast %scan3A_202 : i32 to index
        %get3A_249 = arith.constant 32 : index
        %get3A_250 = tpu.vector_load %arg17[%get3A_248, %get3A_249] {strides = array<i32>} : memref<40x128xf32, #tpu.memory_space<vmem>>, vector<1x16xf32>,
        %get3A_251 = vector.shape_cast %get3A_250 : vector<1x16xf32> to vector<16xf32>
        %add3A_252 = arith.addf %get3A_247, %get3A_251 : vector<16xf32>
        %get3A_253 = arith.index_cast %scan3A_202 : i32 to index
        %get3A_254 = arith.constant 32 : index
        %get3A_255 = tpu.vector_load %arg18[%get3A_253, %get3A_254] {strides = array<i32>} : memref<40x128xf32, #tpu.memory_space<vmem>>, vector<1x16xf32>,
        %get3A_256 = vector.shape_cast %get3A_255 : vector<1x16xf32> to vector<16xf32>
        %add3A_257 = arith.addf %add3A_252, %get3A_256 : vector<16xf32>
        %max3A_258 = arith.constant 0.000000e+00 : f32
        %max3A_259 = vector.broadcast %max3A_258 : f32 to vector<16xf32>
        %max3A_260 = arith.maximumf %add3A_257, %max3A_259 : vector<16xf32>
        %swap3A_261 = arith.index_cast %scan3A_202 : i32 to index
        %swap3A_262 = arith.constant 32 : index
        %swap3A_263 = tpu.vector_load %arg19[%swap3A_261, %swap3A_262] {strides = array<i32>} : memref<40x128xf32, #tpu.memory_space<vmem>>, vector<1x16xf32>,
        %swap3A_264 = vector.shape_cast %swap3A_263 : vector<1x16xf32> to vector<16xf32>
        %swap3A_265 = vector.shape_cast %max3A_260 : vector<16xf32> to vector<1x16xf32>
        tpu.vector_store %arg19[%swap3A_261, %swap3A_262], %swap3A_265 {strides = array<i32>} : memref<40x128xf32, #tpu.memory_space<vmem>>, vector<1x16xf32>,
        %get3A_266 = arith.index_cast %scan3A_202 : i32 to index
        %get3A_267 = arith.constant 48 : index
        %get3A_268 = tpu.vector_load %arg16[%get3A_266, %get3A_267] {strides = array<i32>} : memref<40x128xf32, #tpu.memory_space<vmem>>, vector<1x16xf32>,
        %get3A_269 = vector.shape_cast %get3A_268 : vector<1x16xf32> to vector<16xf32>
        %get3A_270 = arith.index_cast %scan3A_202 : i32 to index
        %get3A_271 = arith.constant 48 : index
        %get3A_272 = tpu.vector_load %arg17[%get3A_270, %get3A_271] {strides = array<i32>} : memref<40x128xf32, #tpu.memory_space<vmem>>, vector<1x16xf32>,
        %get3A_273 = vector.shape_cast %get3A_272 : vector<1x16xf32> to vector<16xf32>
        %add3A_274 = arith.addf %get3A_269, %get3A_273 : vector<16xf32>
        %get3A_275 = arith.index_cast %scan3A_202 : i32 to index
        %get3A_276 = arith.constant 48 : index
        %get3A_277 = tpu.vector_load %arg18[%get3A_275, %get3A_276] {strides = array<i32>} : memref<40x128xf32, #tpu.memory_space<vmem>>, vector<1x16xf32>,
        %get3A_278 = vector.shape_cast %get3A_277 : vector<1x16xf32> to vector<16xf32>
        %add3A_279 = arith.addf %add3A_274, %get3A_278 : vector<16xf32>
        %max3A_280 = arith.constant 0.000000e+00 : f32
        %max3A_281 = vector.broadcast %max3A_280 : f32 to vector<16xf32>
        %max3A_282 = arith.maximumf %add3A_279, %max3A_281 : vector<16xf32>
        %swap3A_283 = arith.index_cast %scan3A_202 : i32 to index
        %swap3A_284 = arith.constant 48 : index
        %swap3A_285 = tpu.vector_load %arg19[%swap3A_283, %swap3A_284] {strides = array<i32>} : memref<40x128xf32, #tpu.memory_space<vmem>>, vector<1x16xf32>,
        %swap3A_286 = vector.shape_cast %swap3A_285 : vector<1x16xf32> to vector<16xf32>
        %swap3A_287 = vector.shape_cast %max3A_282 : vector<16xf32> to vector<1x16xf32>
        tpu.vector_store %arg19[%swap3A_283, %swap3A_284], %swap3A_287 {strides = array<i32>} : memref<40x128xf32, #tpu.memory_space<vmem>>, vector<1x16xf32>,
        %get3A_288 = arith.index_cast %scan3A_202 : i32 to index
        %get3A_289 = arith.constant 64 : index
        %get3A_290 = tpu.vector_load %arg16[%get3A_288, %get3A_289] {strides = array<i32>} : memref<40x128xf32, #tpu.memory_space<vmem>>, vector<1x16xf32>,
        %get3A_291 = vector.shape_cast %get3A_290 : vector<1x16xf32> to vector<16xf32>
        %get3A_292 = arith.index_cast %scan3A_202 : i32 to index
        %get3A_293 = arith.constant 64 : index
        %get3A_294 = tpu.vector_load %arg17[%get3A_292, %get3A_293] {strides = array<i32>} : memref<40x128xf32, #tpu.memory_space<vmem>>, vector<1x16xf32>,
        %get3A_295 = vector.shape_cast %get3A_294 : vector<1x16xf32> to vector<16xf32>
        %add3A_296 = arith.addf %get3A_291, %get3A_295 : vector<16xf32>
        %get3A_297 = arith.index_cast %scan3A_202 : i32 to index
        %get3A_298 = arith.constant 64 : index
        %get3A_299 = tpu.vector_load %arg18[%get3A_297, %get3A_298] {strides = array<i32>} : memref<40x128xf32, #tpu.memory_space<vmem>>, vector<1x16xf32>,
        %get3A_300 = vector.shape_cast %get3A_299 : vector<1x16xf32> to vector<16xf32>
        %add3A_301 = arith.addf %add3A_296, %get3A_300 : vector<16xf32>
        %max3A_302 = arith.constant 0.000000e+00 : f32
        %max3A_303 = vector.broadcast %max3A_302 : f32 to vector<16xf32>
        %max3A_304 = arith.maximumf %add3A_301, %max3A_303 : vector<16xf32>
        %swap3A_305 = arith.index_cast %scan3A_202 : i32 to index
        %swap3A_306 = arith.constant 64 : index
        %swap3A_307 = tpu.vector_load %arg19[%swap3A_305, %swap3A_306] {strides = array<i32>} : memref<40x128xf32, #tpu.memory_space<vmem>>, vector<1x16xf32>,
        %swap3A_308 = vector.shape_cast %swap3A_307 : vector<1x16xf32> to vector<16xf32>
        %swap3A_309 = vector.shape_cast %max3A_304 : vector<16xf32> to vector<1x16xf32>
        tpu.vector_store %arg19[%swap3A_305, %swap3A_306], %swap3A_309 {strides = array<i32>} : memref<40x128xf32, #tpu.memory_space<vmem>>, vector<1x16xf32>,
        %get3A_310 = arith.index_cast %scan3A_202 : i32 to index
        %get3A_311 = arith.constant 80 : index
        %get3A_312 = tpu.vector_load %arg16[%get3A_310, %get3A_311] {strides = array<i32>} : memref<40x128xf32, #tpu.memory_space<vmem>>, vector<1x16xf32>,
        %get3A_313 = vector.shape_cast %get3A_312 : vector<1x16xf32> to vector<16xf32>
        %get3A_314 = arith.index_cast %scan3A_202 : i32 to index
        %get3A_315 = arith.constant 80 : index
        %get3A_316 = tpu.vector_load %arg17[%get3A_314, %get3A_315] {strides = array<i32>} : memref<40x128xf32, #tpu.memory_space<vmem>>, vector<1x16xf32>,
        %get3A_317 = vector.shape_cast %get3A_316 : vector<1x16xf32> to vector<16xf32>
        %add3A_318 = arith.addf %get3A_313, %get3A_317 : vector<16xf32>
        %get3A_319 = arith.index_cast %scan3A_202 : i32 to index
        %get3A_320 = arith.constant 80 : index
        %get3A_321 = tpu.vector_load %arg18[%get3A_319, %get3A_320] {strides = array<i32>} : memref<40x128xf32, #tpu.memory_space<vmem>>, vector<1x16xf32>,
        %get3A_322 = vector.shape_cast %get3A_321 : vector<1x16xf32> to vector<16xf32>
        %add3A_323 = arith.addf %add3A_318, %get3A_322 : vector<16xf32>
        %max3A_324 = arith.constant 0.000000e+00 : f32
        %max3A_325 = vector.broadcast %max3A_324 : f32 to vector<16xf32>
        %max3A_326 = arith.maximumf %add3A_323, %max3A_325 : vector<16xf32>
        %swap3A_327 = arith.index_cast %scan3A_202 : i32 to index
        %swap3A_328 = arith.constant 80 : index
        %swap3A_329 = tpu.vector_load %arg19[%swap3A_327, %swap3A_328] {strides = array<i32>} : memref<40x128xf32, #tpu.memory_space<vmem>>, vector<1x16xf32>,
        %swap3A_330 = vector.shape_cast %swap3A_329 : vector<1x16xf32> to vector<16xf32>
        %swap3A_331 = vector.shape_cast %max3A_326 : vector<16xf32> to vector<1x16xf32>
        tpu.vector_store %arg19[%swap3A_327, %swap3A_328], %swap3A_331 {strides = array<i32>} : memref<40x128xf32, #tpu.memory_space<vmem>>, vector<1x16xf32>,
        %get3A_332 = arith.index_cast %scan3A_202 : i32 to index
        %get3A_333 = arith.constant 96 : index
        %get3A_334 = tpu.vector_load %arg16[%get3A_332, %get3A_333] {strides = array<i32>} : memref<40x128xf32, #tpu.memory_space<vmem>>, vector<1x16xf32>,
        %get3A_335 = vector.shape_cast %get3A_334 : vector<1x16xf32> to vector<16xf32>
        %get3A_336 = arith.index_cast %scan3A_202 : i32 to index
        %get3A_337 = arith.constant 96 : index
        %get3A_338 = tpu.vector_load %arg17[%get3A_336, %get3A_337] {strides = array<i32>} : memref<40x128xf32, #tpu.memory_space<vmem>>, vector<1x16xf32>,
        %get3A_339 = vector.shape_cast %get3A_338 : vector<1x16xf32> to vector<16xf32>
        %add3A_340 = arith.addf %get3A_335, %get3A_339 : vector<16xf32>
        %get3A_341 = arith.index_cast %scan3A_202 : i32 to index
        %get3A_342 = arith.constant 96 : index
        %get3A_343 = tpu.vector_load %arg18[%get3A_341, %get3A_342] {strides = array<i32>} : memref<40x128xf32, #tpu.memory_space<vmem>>, vector<1x16xf32>,
        %get3A_344 = vector.shape_cast %get3A_343 : vector<1x16xf32> to vector<16xf32>
        %add3A_345 = arith.addf %add3A_340, %get3A_344 : vector<16xf32>
        %max3A_346 = arith.constant 0.000000e+00 : f32
        %max3A_347 = vector.broadcast %max3A_346 : f32 to vector<16xf32>
        %max3A_348 = arith.maximumf %add3A_345, %max3A_347 : vector<16xf32>
        %swap3A_349 = arith.index_cast %scan3A_202 : i32 to index
        %swap3A_350 = arith.constant 96 : index
        %swap3A_351 = tpu.vector_load %arg19[%swap3A_349, %swap3A_350] {strides = array<i32>} : memref<40x128xf32, #tpu.memory_space<vmem>>, vector<1x16xf32>,
        %swap3A_352 = vector.shape_cast %swap3A_351 : vector<1x16xf32> to vector<16xf32>
        %swap3A_353 = vector.shape_cast %max3A_348 : vector<16xf32> to vector<1x16xf32>
        tpu.vector_store %arg19[%swap3A_349, %swap3A_350], %swap3A_353 {strides = array<i32>} : memref<40x128xf32, #tpu.memory_space<vmem>>, vector<1x16xf32>,
        %get3A_354 = arith.index_cast %scan3A_202 : i32 to index
        %get3A_355 = arith.constant 112 : index
        %get3A_356 = tpu.vector_load %arg16[%get3A_354, %get3A_355] {strides = array<i32>} : memref<40x128xf32, #tpu.memory_space<vmem>>, vector<1x16xf32>,
        %get3A_357 = vector.shape_cast %get3A_356 : vector<1x16xf32> to vector<16xf32>
        %get3A_358 = arith.index_cast %scan3A_202 : i32 to index
        %get3A_359 = arith.constant 112 : index
        %get3A_360 = tpu.vector_load %arg17[%get3A_358, %get3A_359] {strides = array<i32>} : memref<40x128xf32, #tpu.memory_space<vmem>>, vector<1x16xf32>,
        %get3A_361 = vector.shape_cast %get3A_360 : vector<1x16xf32> to vector<16xf32>
        %add3A_362 = arith.addf %get3A_357, %get3A_361 : vector<16xf32>
        %get3A_363 = arith.index_cast %scan3A_202 : i32 to index
        %get3A_364 = arith.constant 112 : index
        %get3A_365 = tpu.vector_load %arg18[%get3A_363, %get3A_364] {strides = array<i32>} : memref<40x128xf32, #tpu.memory_space<vmem>>, vector<1x16xf32>,
        %get3A_366 = vector.shape_cast %get3A_365 : vector<1x16xf32> to vector<16xf32>
        %add3A_367 = arith.addf %add3A_362, %get3A_366 : vector<16xf32>
        %max3A_368 = arith.constant 0.000000e+00 : f32
        %max3A_369 = vector.broadcast %max3A_368 : f32 to vector<16xf32>
        %max3A_370 = arith.maximumf %add3A_367, %max3A_369 : vector<16xf32>
        %swap3A_371 = arith.index_cast %scan3A_202 : i32 to index
        %swap3A_372 = arith.constant 112 : index
        %swap3A_373 = tpu.vector_load %arg19[%swap3A_371, %swap3A_372] {strides = array<i32>} : memref<40x128xf32, #tpu.memory_space<vmem>>, vector<1x16xf32>,
        %swap3A_374 = vector.shape_cast %swap3A_373 : vector<1x16xf32> to vector<16xf32>
        %swap3A_375 = vector.shape_cast %max3A_370 : vector<16xf32> to vector<1x16xf32>
        tpu.vector_store %arg19[%swap3A_371, %swap3A_372], %swap3A_375 {strides = array<i32>} : memref<40x128xf32, #tpu.memory_space<vmem>>, vector<1x16xf32>,
      }
      %scan3A_196 = arith.constant 40 : i32
      "tpu.region"() ({
        %run_scoped3A = tpu.sem_alloc : memref<!tpu.dma_semaphore, #tpu.memory_space<semaphore_mem>>
        %dma_start3A_202 = arith.constant 0 : i32
        %dma_start3A_203 = arith.constant 0 : i32
        %dma_start3A_204 = tpu.memref_slice %arg20[%dma_start3A_202, %dma_start3A_203] : memref<10000x128xf32, #tpu.memory_space<vmem_shared>> -> memref<10000x128xf32, #tpu.memory_space<vmem_shared>>
        tpu.enqueue_indirect_dma source(%arg19 : memref<40x128xf32, #tpu.memory_space<vmem>>) target(%dma_start3A_204 : memref<10000x128xf32, #tpu.memory_space<vmem_shared>>) offsets(%arg10 : memref<40xi32, #tpu.memory_space<vmem>>) semaphore(%run_scoped3A : memref<!tpu.dma_semaphore, #tpu.memory_space<semaphore_mem>>) {add = true}
        %dma_wait3A_205 = arith.constant 0 : i32
        %dma_wait3A_206 = arith.constant 0 : i32
        %dma_wait3A_207 = tpu.memref_slice %arg20[%dma_wait3A_205, %dma_wait3A_206] : memref<10000x128xf32, #tpu.memory_space<vmem_shared>> -> memref<10000x128xf32, #tpu.memory_space<vmem_shared>>
        tpu.wait_indirect_dma semaphore(%run_scoped3A : memref<!tpu.dma_semaphore, #tpu.memory_space<semaphore_mem>>) src(%arg19 : memref<40x128xf32, #tpu.memory_space<vmem>>) dst(%dma_wait3A_207 : memref<10000x128xf32, #tpu.memory_space<vmem_shared>>)
        tpu.yield
      }) : () -> ()
      "tpu.region"() ({
        %run_scoped3A = tpu.sem_alloc : memref<!tpu.dma_semaphore, #tpu.memory_space<semaphore_mem>>
        %dma_start3A_202 = arith.constant 0 : i32
        %dma_start3A_203 = arith.constant 0 : i32
        %dma_start3A_204 = tpu.memref_slice %arg20[%dma_start3A_202, %dma_start3A_203] : memref<10000x128xf32, #tpu.memory_space<vmem_shared>> -> memref<10000x128xf32, #tpu.memory_space<vmem_shared>>
        tpu.enqueue_indirect_dma source(%arg19 : memref<40x128xf32, #tpu.memory_space<vmem>>) target(%dma_start3A_204 : memref<10000x128xf32, #tpu.memory_space<vmem_shared>>) offsets(%arg11 : memref<40xi32, #tpu.memory_space<vmem>>) semaphore(%run_scoped3A : memref<!tpu.dma_semaphore, #tpu.memory_space<semaphore_mem>>) {add = true}
        %dma_wait3A_205 = arith.constant 0 : i32
        %dma_wait3A_206 = arith.constant 0 : i32
        %dma_wait3A_207 = tpu.memref_slice %arg20[%dma_wait3A_205, %dma_wait3A_206] : memref<10000x128xf32, #tpu.memory_space<vmem_shared>> -> memref<10000x128xf32, #tpu.memory_space<vmem_shared>>
        tpu.wait_indirect_dma semaphore(%run_scoped3A : memref<!tpu.dma_semaphore, #tpu.memory_space<semaphore_mem>>) src(%arg19 : memref<40x128xf32, #tpu.memory_space<vmem>>) dst(%dma_wait3A_207 : memref<10000x128xf32, #tpu.memory_space<vmem_shared>>)
        tpu.yield
      }) : () -> ()
      %lt3A_197 = arith.constant 248 : i32
      %lt3A_198 = arith.cmpi slt, %add3A_155, %lt3A_197 : i32
      %convert_element_type3A_199 = arith.extui %lt3A_198 : i1 to i32
      %cond3A_200 = arith.constant 0 : i32
      %cond3A_201 = arith.cmpi ne, %convert_element_type3A_199, %cond3A_200 : i32
      scf.if %cond3A_201 {
        %add3A_202 = arith.constant 2 : i32
        %add3A_203 = arith.addi %add3A_155, %add3A_202 : i32
        %mul3A_204 = arith.constant 40 : i32
        %mul3A_205 = arith.muli %add3A_203, %mul3A_204 : i32
        %add3A_206 = arith.addi %mul3A_6, %mul3A_205 : i32
        %dma_start3A_207 = tpu.memref_slice %arg4[%add3A_206] : memref<320000xi32, #tpu.memory_space<hbm>> -> memref<40xi32, #tpu.memory_space<hbm>>
        %dma_start3A_208 = tpu.memref_slice %arg4[%add3A_206] : memref<320000xi32, #tpu.memory_space<hbm>> -> memref<40xi32, #tpu.memory_space<hbm>>
        tpu.enqueue_dma source(%dma_start3A_208 : memref<40xi32, #tpu.memory_space<hbm>>) target(%arg10 : memref<40xi32, #tpu.memory_space<vmem>>) target_semaphore(%arg24 : memref<!tpu.dma_semaphore, #tpu.memory_space<semaphore_mem>>)
        %dma_start3A_209 = tpu.memref_slice %arg5[%add3A_206] : memref<320000xi32, #tpu.memory_space<hbm>> -> memref<40xi32, #tpu.memory_space<hbm>>
        %dma_start3A_210 = tpu.memref_slice %arg5[%add3A_206] : memref<320000xi32, #tpu.memory_space<hbm>> -> memref<40xi32, #tpu.memory_space<hbm>>
        tpu.enqueue_dma source(%dma_start3A_210 : memref<40xi32, #tpu.memory_space<hbm>>) target(%arg11 : memref<40xi32, #tpu.memory_space<vmem>>) target_semaphore(%arg24 : memref<!tpu.dma_semaphore, #tpu.memory_space<semaphore_mem>>)
      } else {
      }
    }
    %scan3A_41 = arith.constant 124 : i32
    %dma_wait3A_42 = arith.constant 0 : i32
    %dma_wait3A_43 = arith.constant 0 : i32
    %dma_wait3A_44 = tpu.memref_slice %arg2[%dma_wait3A_42, %dma_wait3A_43] : memref<10000x128xf32, #tpu.memory_space<hbm>> -> memref<10000x128xf32, #tpu.memory_space<hbm>>
    tpu.wait_indirect_dma semaphore(%arg21 : memref<!tpu.dma_semaphore, #tpu.memory_space<semaphore_mem>>) src(%dma_wait3A_44 : memref<10000x128xf32, #tpu.memory_space<hbm>>) dst(%arg12 : memref<40x128xf32, #tpu.memory_space<vmem>>)
    %dma_wait3A_45 = arith.constant 0 : i32
    %dma_wait3A_46 = arith.constant 0 : i32
    %dma_wait3A_47 = tpu.memref_slice %arg2[%dma_wait3A_45, %dma_wait3A_46] : memref<10000x128xf32, #tpu.memory_space<hbm>> -> memref<10000x128xf32, #tpu.memory_space<hbm>>
    tpu.wait_indirect_dma semaphore(%arg21 : memref<!tpu.dma_semaphore, #tpu.memory_space<semaphore_mem>>) src(%dma_wait3A_47 : memref<10000x128xf32, #tpu.memory_space<hbm>>) dst(%arg13 : memref<40x128xf32, #tpu.memory_space<vmem>>)
    %dma_wait3A_48 = arith.constant 0 : i32
    %dma_wait3A_49 = arith.constant 0 : i32
    %dma_wait3A_50 = tpu.memref_slice %arg3[%dma_wait3A_48, %dma_wait3A_49] : memref<320000x128xf32, #tpu.memory_space<hbm>> -> memref<40x128xf32, #tpu.memory_space<hbm>>
    %dma_wait3A_51 = arith.constant 0 : i32
    %dma_wait3A_52 = arith.constant 0 : i32
    %dma_wait3A_53 = tpu.memref_slice %arg3[%dma_wait3A_51, %dma_wait3A_52] : memref<320000x128xf32, #tpu.memory_space<hbm>> -> memref<40x128xf32, #tpu.memory_space<hbm>>
    tpu.wait_dma2 semaphore(%arg21 : memref<!tpu.dma_semaphore, #tpu.memory_space<semaphore_mem>>) src(%dma_wait3A_53 : memref<40x128xf32, #tpu.memory_space<hbm>>) dst(%arg14 : memref<40x128xf32, #tpu.memory_space<vmem>>)
    %dma_wait3A_54 = arith.constant 0 : i32
    %dma_wait3A_55 = tpu.memref_slice %arg4[%dma_wait3A_54] : memref<320000xi32, #tpu.memory_space<hbm>> -> memref<40xi32, #tpu.memory_space<hbm>>
    %dma_wait3A_56 = arith.constant 0 : i32
    %dma_wait3A_57 = tpu.memref_slice %arg4[%dma_wait3A_56] : memref<320000xi32, #tpu.memory_space<hbm>> -> memref<40xi32, #tpu.memory_space<hbm>>
    tpu.wait_dma2 semaphore(%arg24 : memref<!tpu.dma_semaphore, #tpu.memory_space<semaphore_mem>>) src(%dma_wait3A_57 : memref<40xi32, #tpu.memory_space<hbm>>) dst(%arg10 : memref<40xi32, #tpu.memory_space<vmem>>)
    %dma_wait3A_58 = arith.constant 0 : i32
    %dma_wait3A_59 = tpu.memref_slice %arg5[%dma_wait3A_58] : memref<320000xi32, #tpu.memory_space<hbm>> -> memref<40xi32, #tpu.memory_space<hbm>>
    %dma_wait3A_60 = arith.constant 0 : i32
    %dma_wait3A_61 = tpu.memref_slice %arg5[%dma_wait3A_60] : memref<320000xi32, #tpu.memory_space<hbm>> -> memref<40xi32, #tpu.memory_space<hbm>>
    tpu.wait_dma2 semaphore(%arg24 : memref<!tpu.dma_semaphore, #tpu.memory_space<semaphore_mem>>) src(%dma_wait3A_61 : memref<40xi32, #tpu.memory_space<hbm>>) dst(%arg11 : memref<40xi32, #tpu.memory_space<vmem>>)
    %add3A_62 = arith.constant 9960 : i32
    %add3A_63 = arith.addi %mul3A_6, %add3A_62 : i32
    %dma_start3A_64 = arith.constant 0 : i32
    %dma_start3A_65 = arith.constant 0 : i32
    %dma_start3A_66 = tpu.memref_slice %arg2[%dma_start3A_64, %dma_start3A_65] : memref<10000x128xf32, #tpu.memory_space<hbm>> -> memref<10000x128xf32, #tpu.memory_space<hbm>>
    tpu.enqueue_indirect_dma source(%dma_start3A_66 : memref<10000x128xf32, #tpu.memory_space<hbm>>) target(%arg16 : memref<40x128xf32, #tpu.memory_space<vmem>>) offsets(%arg10 : memref<40xi32, #tpu.memory_space<vmem>>) semaphore(%arg22 : memref<!tpu.dma_semaphore, #tpu.memory_space<semaphore_mem>>)
    %dma_start3A_67 = arith.constant 0 : i32
    %dma_start3A_68 = arith.constant 0 : i32
    %dma_start3A_69 = tpu.memref_slice %arg2[%dma_start3A_67, %dma_start3A_68] : memref<10000x128xf32, #tpu.memory_space<hbm>> -> memref<10000x128xf32, #tpu.memory_space<hbm>>
    tpu.enqueue_indirect_dma source(%dma_start3A_69 : memref<10000x128xf32, #tpu.memory_space<hbm>>) target(%arg17 : memref<40x128xf32, #tpu.memory_space<vmem>>) offsets(%arg11 : memref<40xi32, #tpu.memory_space<vmem>>) semaphore(%arg22 : memref<!tpu.dma_semaphore, #tpu.memory_space<semaphore_mem>>)
    %dma_start3A_70 = arith.constant 0 : i32
    %dma_start3A_71 = tpu.memref_slice %arg3[%add3A_63, %dma_start3A_70] : memref<320000x128xf32, #tpu.memory_space<hbm>> -> memref<40x128xf32, #tpu.memory_space<hbm>>
    %dma_start3A_72 = arith.constant 0 : i32
    %dma_start3A_73 = tpu.memref_slice %arg3[%add3A_63, %dma_start3A_72] : memref<320000x128xf32, #tpu.memory_space<hbm>> -> memref<40x128xf32, #tpu.memory_space<hbm>>
    tpu.enqueue_dma source(%dma_start3A_73 : memref<40x128xf32, #tpu.memory_space<hbm>>) target(%arg18 : memref<40x128xf32, #tpu.memory_space<vmem>>) target_semaphore(%arg22 : memref<!tpu.dma_semaphore, #tpu.memory_space<semaphore_mem>>)
    %scan3A_74 = arith.constant 0 : i32
    %scan3A_75 = arith.constant 0 : i32
    %scan3A_76 = arith.constant 40 : i32
    %scan3A_77 = arith.addi %scan3A_75, %scan3A_76 : i32
    %scan3A_78 = arith.constant 1 : i32
    scf.for %scan3A_104 = %scan3A_75 to %scan3A_77 step %scan3A_78  : i32 {
      %get3A = arith.index_cast %scan3A_104 : i32 to index
      %get3A_105 = arith.constant 0 : index
      %get3A_106 = tpu.vector_load %arg12[%get3A, %get3A_105] {strides = array<i32>} : memref<40x128xf32, #tpu.memory_space<vmem>>, vector<1x16xf32>,
      %get3A_107 = vector.shape_cast %get3A_106 : vector<1x16xf32> to vector<16xf32>
      %get3A_108 = arith.index_cast %scan3A_104 : i32 to index
      %get3A_109 = arith.constant 0 : index
      %get3A_110 = tpu.vector_load %arg13[%get3A_108, %get3A_109] {strides = array<i32>} : memref<40x128xf32, #tpu.memory_space<vmem>>, vector<1x16xf32>,
      %get3A_111 = vector.shape_cast %get3A_110 : vector<1x16xf32> to vector<16xf32>
      %add3A_112 = arith.addf %get3A_107, %get3A_111 : vector<16xf32>
      %get3A_113 = arith.index_cast %scan3A_104 : i32 to index
      %get3A_114 = arith.constant 0 : index
      %get3A_115 = tpu.vector_load %arg14[%get3A_113, %get3A_114] {strides = array<i32>} : memref<40x128xf32, #tpu.memory_space<vmem>>, vector<1x16xf32>,
      %get3A_116 = vector.shape_cast %get3A_115 : vector<1x16xf32> to vector<16xf32>
      %add3A_117 = arith.addf %add3A_112, %get3A_116 : vector<16xf32>
      %max3A = arith.constant 0.000000e+00 : f32
      %max3A_118 = vector.broadcast %max3A : f32 to vector<16xf32>
      %max3A_119 = arith.maximumf %add3A_117, %max3A_118 : vector<16xf32>
      %swap3A = arith.index_cast %scan3A_104 : i32 to index
      %swap3A_120 = arith.constant 0 : index
      %swap3A_121 = tpu.vector_load %arg15[%swap3A, %swap3A_120] {strides = array<i32>} : memref<40x128xf32, #tpu.memory_space<vmem>>, vector<1x16xf32>,
      %swap3A_122 = vector.shape_cast %swap3A_121 : vector<1x16xf32> to vector<16xf32>
      %swap3A_123 = vector.shape_cast %max3A_119 : vector<16xf32> to vector<1x16xf32>
      tpu.vector_store %arg15[%swap3A, %swap3A_120], %swap3A_123 {strides = array<i32>} : memref<40x128xf32, #tpu.memory_space<vmem>>, vector<1x16xf32>,
      %get3A_124 = arith.index_cast %scan3A_104 : i32 to index
      %get3A_125 = arith.constant 16 : index
      %get3A_126 = tpu.vector_load %arg12[%get3A_124, %get3A_125] {strides = array<i32>} : memref<40x128xf32, #tpu.memory_space<vmem>>, vector<1x16xf32>,
      %get3A_127 = vector.shape_cast %get3A_126 : vector<1x16xf32> to vector<16xf32>
      %get3A_128 = arith.index_cast %scan3A_104 : i32 to index
      %get3A_129 = arith.constant 16 : index
      %get3A_130 = tpu.vector_load %arg13[%get3A_128, %get3A_129] {strides = array<i32>} : memref<40x128xf32, #tpu.memory_space<vmem>>, vector<1x16xf32>,
      %get3A_131 = vector.shape_cast %get3A_130 : vector<1x16xf32> to vector<16xf32>
      %add3A_132 = arith.addf %get3A_127, %get3A_131 : vector<16xf32>
      %get3A_133 = arith.index_cast %scan3A_104 : i32 to index
      %get3A_134 = arith.constant 16 : index
      %get3A_135 = tpu.vector_load %arg14[%get3A_133, %get3A_134] {strides = array<i32>} : memref<40x128xf32, #tpu.memory_space<vmem>>, vector<1x16xf32>,
      %get3A_136 = vector.shape_cast %get3A_135 : vector<1x16xf32> to vector<16xf32>
      %add3A_137 = arith.addf %add3A_132, %get3A_136 : vector<16xf32>
      %max3A_138 = arith.constant 0.000000e+00 : f32
      %max3A_139 = vector.broadcast %max3A_138 : f32 to vector<16xf32>
      %max3A_140 = arith.maximumf %add3A_137, %max3A_139 : vector<16xf32>
      %swap3A_141 = arith.index_cast %scan3A_104 : i32 to index
      %swap3A_142 = arith.constant 16 : index
      %swap3A_143 = tpu.vector_load %arg15[%swap3A_141, %swap3A_142] {strides = array<i32>} : memref<40x128xf32, #tpu.memory_space<vmem>>, vector<1x16xf32>,
      %swap3A_144 = vector.shape_cast %swap3A_143 : vector<1x16xf32> to vector<16xf32>
      %swap3A_145 = vector.shape_cast %max3A_140 : vector<16xf32> to vector<1x16xf32>
      tpu.vector_store %arg15[%swap3A_141, %swap3A_142], %swap3A_145 {strides = array<i32>} : memref<40x128xf32, #tpu.memory_space<vmem>>, vector<1x16xf32>,
      %get3A_146 = arith.index_cast %scan3A_104 : i32 to index
      %get3A_147 = arith.constant 32 : index
      %get3A_148 = tpu.vector_load %arg12[%get3A_146, %get3A_147] {strides = array<i32>} : memref<40x128xf32, #tpu.memory_space<vmem>>, vector<1x16xf32>,
      %get3A_149 = vector.shape_cast %get3A_148 : vector<1x16xf32> to vector<16xf32>
      %get3A_150 = arith.index_cast %scan3A_104 : i32 to index
      %get3A_151 = arith.constant 32 : index
      %get3A_152 = tpu.vector_load %arg13[%get3A_150, %get3A_151] {strides = array<i32>} : memref<40x128xf32, #tpu.memory_space<vmem>>, vector<1x16xf32>,
      %get3A_153 = vector.shape_cast %get3A_152 : vector<1x16xf32> to vector<16xf32>
      %add3A_154 = arith.addf %get3A_149, %get3A_153 : vector<16xf32>
      %get3A_155 = arith.index_cast %scan3A_104 : i32 to index
      %get3A_156 = arith.constant 32 : index
      %get3A_157 = tpu.vector_load %arg14[%get3A_155, %get3A_156] {strides = array<i32>} : memref<40x128xf32, #tpu.memory_space<vmem>>, vector<1x16xf32>,
      %get3A_158 = vector.shape_cast %get3A_157 : vector<1x16xf32> to vector<16xf32>
      %add3A_159 = arith.addf %add3A_154, %get3A_158 : vector<16xf32>
      %max3A_160 = arith.constant 0.000000e+00 : f32
      %max3A_161 = vector.broadcast %max3A_160 : f32 to vector<16xf32>
      %max3A_162 = arith.maximumf %add3A_159, %max3A_161 : vector<16xf32>
      %swap3A_163 = arith.index_cast %scan3A_104 : i32 to index
      %swap3A_164 = arith.constant 32 : index
      %swap3A_165 = tpu.vector_load %arg15[%swap3A_163, %swap3A_164] {strides = array<i32>} : memref<40x128xf32, #tpu.memory_space<vmem>>, vector<1x16xf32>,
      %swap3A_166 = vector.shape_cast %swap3A_165 : vector<1x16xf32> to vector<16xf32>
      %swap3A_167 = vector.shape_cast %max3A_162 : vector<16xf32> to vector<1x16xf32>
      tpu.vector_store %arg15[%swap3A_163, %swap3A_164], %swap3A_167 {strides = array<i32>} : memref<40x128xf32, #tpu.memory_space<vmem>>, vector<1x16xf32>,
      %get3A_168 = arith.index_cast %scan3A_104 : i32 to index
      %get3A_169 = arith.constant 48 : index
      %get3A_170 = tpu.vector_load %arg12[%get3A_168, %get3A_169] {strides = array<i32>} : memref<40x128xf32, #tpu.memory_space<vmem>>, vector<1x16xf32>,
      %get3A_171 = vector.shape_cast %get3A_170 : vector<1x16xf32> to vector<16xf32>
      %get3A_172 = arith.index_cast %scan3A_104 : i32 to index
      %get3A_173 = arith.constant 48 : index
      %get3A_174 = tpu.vector_load %arg13[%get3A_172, %get3A_173] {strides = array<i32>} : memref<40x128xf32, #tpu.memory_space<vmem>>, vector<1x16xf32>,
      %get3A_175 = vector.shape_cast %get3A_174 : vector<1x16xf32> to vector<16xf32>
      %add3A_176 = arith.addf %get3A_171, %get3A_175 : vector<16xf32>
      %get3A_177 = arith.index_cast %scan3A_104 : i32 to index
      %get3A_178 = arith.constant 48 : index
      %get3A_179 = tpu.vector_load %arg14[%get3A_177, %get3A_178] {strides = array<i32>} : memref<40x128xf32, #tpu.memory_space<vmem>>, vector<1x16xf32>,
      %get3A_180 = vector.shape_cast %get3A_179 : vector<1x16xf32> to vector<16xf32>
      %add3A_181 = arith.addf %add3A_176, %get3A_180 : vector<16xf32>
      %max3A_182 = arith.constant 0.000000e+00 : f32
      %max3A_183 = vector.broadcast %max3A_182 : f32 to vector<16xf32>
      %max3A_184 = arith.maximumf %add3A_181, %max3A_183 : vector<16xf32>
      %swap3A_185 = arith.index_cast %scan3A_104 : i32 to index
      %swap3A_186 = arith.constant 48 : index
      %swap3A_187 = tpu.vector_load %arg15[%swap3A_185, %swap3A_186] {strides = array<i32>} : memref<40x128xf32, #tpu.memory_space<vmem>>, vector<1x16xf32>,
      %swap3A_188 = vector.shape_cast %swap3A_187 : vector<1x16xf32> to vector<16xf32>
      %swap3A_189 = vector.shape_cast %max3A_184 : vector<16xf32> to vector<1x16xf32>
      tpu.vector_store %arg15[%swap3A_185, %swap3A_186], %swap3A_189 {strides = array<i32>} : memref<40x128xf32, #tpu.memory_space<vmem>>, vector<1x16xf32>,
      %get3A_190 = arith.index_cast %scan3A_104 : i32 to index
      %get3A_191 = arith.constant 64 : index
      %get3A_192 = tpu.vector_load %arg12[%get3A_190, %get3A_191] {strides = array<i32>} : memref<40x128xf32, #tpu.memory_space<vmem>>, vector<1x16xf32>,
      %get3A_193 = vector.shape_cast %get3A_192 : vector<1x16xf32> to vector<16xf32>
      %get3A_194 = arith.index_cast %scan3A_104 : i32 to index
      %get3A_195 = arith.constant 64 : index
      %get3A_196 = tpu.vector_load %arg13[%get3A_194, %get3A_195] {strides = array<i32>} : memref<40x128xf32, #tpu.memory_space<vmem>>, vector<1x16xf32>,
      %get3A_197 = vector.shape_cast %get3A_196 : vector<1x16xf32> to vector<16xf32>
      %add3A_198 = arith.addf %get3A_193, %get3A_197 : vector<16xf32>
      %get3A_199 = arith.index_cast %scan3A_104 : i32 to index
      %get3A_200 = arith.constant 64 : index
      %get3A_201 = tpu.vector_load %arg14[%get3A_199, %get3A_200] {strides = array<i32>} : memref<40x128xf32, #tpu.memory_space<vmem>>, vector<1x16xf32>,
      %get3A_202 = vector.shape_cast %get3A_201 : vector<1x16xf32> to vector<16xf32>
      %add3A_203 = arith.addf %add3A_198, %get3A_202 : vector<16xf32>
      %max3A_204 = arith.constant 0.000000e+00 : f32
      %max3A_205 = vector.broadcast %max3A_204 : f32 to vector<16xf32>
      %max3A_206 = arith.maximumf %add3A_203, %max3A_205 : vector<16xf32>
      %swap3A_207 = arith.index_cast %scan3A_104 : i32 to index
      %swap3A_208 = arith.constant 64 : index
      %swap3A_209 = tpu.vector_load %arg15[%swap3A_207, %swap3A_208] {strides = array<i32>} : memref<40x128xf32, #tpu.memory_space<vmem>>, vector<1x16xf32>,
      %swap3A_210 = vector.shape_cast %swap3A_209 : vector<1x16xf32> to vector<16xf32>
      %swap3A_211 = vector.shape_cast %max3A_206 : vector<16xf32> to vector<1x16xf32>
      tpu.vector_store %arg15[%swap3A_207, %swap3A_208], %swap3A_211 {strides = array<i32>} : memref<40x128xf32, #tpu.memory_space<vmem>>, vector<1x16xf32>,
      %get3A_212 = arith.index_cast %scan3A_104 : i32 to index
      %get3A_213 = arith.constant 80 : index
      %get3A_214 = tpu.vector_load %arg12[%get3A_212, %get3A_213] {strides = array<i32>} : memref<40x128xf32, #tpu.memory_space<vmem>>, vector<1x16xf32>,
      %get3A_215 = vector.shape_cast %get3A_214 : vector<1x16xf32> to vector<16xf32>
      %get3A_216 = arith.index_cast %scan3A_104 : i32 to index
      %get3A_217 = arith.constant 80 : index
      %get3A_218 = tpu.vector_load %arg13[%get3A_216, %get3A_217] {strides = array<i32>} : memref<40x128xf32, #tpu.memory_space<vmem>>, vector<1x16xf32>,
      %get3A_219 = vector.shape_cast %get3A_218 : vector<1x16xf32> to vector<16xf32>
      %add3A_220 = arith.addf %get3A_215, %get3A_219 : vector<16xf32>
      %get3A_221 = arith.index_cast %scan3A_104 : i32 to index
      %get3A_222 = arith.constant 80 : index
      %get3A_223 = tpu.vector_load %arg14[%get3A_221, %get3A_222] {strides = array<i32>} : memref<40x128xf32, #tpu.memory_space<vmem>>, vector<1x16xf32>,
      %get3A_224 = vector.shape_cast %get3A_223 : vector<1x16xf32> to vector<16xf32>
      %add3A_225 = arith.addf %add3A_220, %get3A_224 : vector<16xf32>
      %max3A_226 = arith.constant 0.000000e+00 : f32
      %max3A_227 = vector.broadcast %max3A_226 : f32 to vector<16xf32>
      %max3A_228 = arith.maximumf %add3A_225, %max3A_227 : vector<16xf32>
      %swap3A_229 = arith.index_cast %scan3A_104 : i32 to index
      %swap3A_230 = arith.constant 80 : index
      %swap3A_231 = tpu.vector_load %arg15[%swap3A_229, %swap3A_230] {strides = array<i32>} : memref<40x128xf32, #tpu.memory_space<vmem>>, vector<1x16xf32>,
      %swap3A_232 = vector.shape_cast %swap3A_231 : vector<1x16xf32> to vector<16xf32>
      %swap3A_233 = vector.shape_cast %max3A_228 : vector<16xf32> to vector<1x16xf32>
      tpu.vector_store %arg15[%swap3A_229, %swap3A_230], %swap3A_233 {strides = array<i32>} : memref<40x128xf32, #tpu.memory_space<vmem>>, vector<1x16xf32>,
      %get3A_234 = arith.index_cast %scan3A_104 : i32 to index
      %get3A_235 = arith.constant 96 : index
      %get3A_236 = tpu.vector_load %arg12[%get3A_234, %get3A_235] {strides = array<i32>} : memref<40x128xf32, #tpu.memory_space<vmem>>, vector<1x16xf32>,
      %get3A_237 = vector.shape_cast %get3A_236 : vector<1x16xf32> to vector<16xf32>
      %get3A_238 = arith.index_cast %scan3A_104 : i32 to index
      %get3A_239 = arith.constant 96 : index
      %get3A_240 = tpu.vector_load %arg13[%get3A_238, %get3A_239] {strides = array<i32>} : memref<40x128xf32, #tpu.memory_space<vmem>>, vector<1x16xf32>,
      %get3A_241 = vector.shape_cast %get3A_240 : vector<1x16xf32> to vector<16xf32>
      %add3A_242 = arith.addf %get3A_237, %get3A_241 : vector<16xf32>
      %get3A_243 = arith.index_cast %scan3A_104 : i32 to index
      %get3A_244 = arith.constant 96 : index
      %get3A_245 = tpu.vector_load %arg14[%get3A_243, %get3A_244] {strides = array<i32>} : memref<40x128xf32, #tpu.memory_space<vmem>>, vector<1x16xf32>,
      %get3A_246 = vector.shape_cast %get3A_245 : vector<1x16xf32> to vector<16xf32>
      %add3A_247 = arith.addf %add3A_242, %get3A_246 : vector<16xf32>
      %max3A_248 = arith.constant 0.000000e+00 : f32
      %max3A_249 = vector.broadcast %max3A_248 : f32 to vector<16xf32>
      %max3A_250 = arith.maximumf %add3A_247, %max3A_249 : vector<16xf32>
      %swap3A_251 = arith.index_cast %scan3A_104 : i32 to index
      %swap3A_252 = arith.constant 96 : index
      %swap3A_253 = tpu.vector_load %arg15[%swap3A_251, %swap3A_252] {strides = array<i32>} : memref<40x128xf32, #tpu.memory_space<vmem>>, vector<1x16xf32>,
      %swap3A_254 = vector.shape_cast %swap3A_253 : vector<1x16xf32> to vector<16xf32>
      %swap3A_255 = vector.shape_cast %max3A_250 : vector<16xf32> to vector<1x16xf32>
      tpu.vector_store %arg15[%swap3A_251, %swap3A_252], %swap3A_255 {strides = array<i32>} : memref<40x128xf32, #tpu.memory_space<vmem>>, vector<1x16xf32>,
      %get3A_256 = arith.index_cast %scan3A_104 : i32 to index
      %get3A_257 = arith.constant 112 : index
      %get3A_258 = tpu.vector_load %arg12[%get3A_256, %get3A_257] {strides = array<i32>} : memref<40x128xf32, #tpu.memory_space<vmem>>, vector<1x16xf32>,
      %get3A_259 = vector.shape_cast %get3A_258 : vector<1x16xf32> to vector<16xf32>
      %get3A_260 = arith.index_cast %scan3A_104 : i32 to index
      %get3A_261 = arith.constant 112 : index
      %get3A_262 = tpu.vector_load %arg13[%get3A_260, %get3A_261] {strides = array<i32>} : memref<40x128xf32, #tpu.memory_space<vmem>>, vector<1x16xf32>,
      %get3A_263 = vector.shape_cast %get3A_262 : vector<1x16xf32> to vector<16xf32>
      %add3A_264 = arith.addf %get3A_259, %get3A_263 : vector<16xf32>
      %get3A_265 = arith.index_cast %scan3A_104 : i32 to index
      %get3A_266 = arith.constant 112 : index
      %get3A_267 = tpu.vector_load %arg14[%get3A_265, %get3A_266] {strides = array<i32>} : memref<40x128xf32, #tpu.memory_space<vmem>>, vector<1x16xf32>,
      %get3A_268 = vector.shape_cast %get3A_267 : vector<1x16xf32> to vector<16xf32>
      %add3A_269 = arith.addf %add3A_264, %get3A_268 : vector<16xf32>
      %max3A_270 = arith.constant 0.000000e+00 : f32
      %max3A_271 = vector.broadcast %max3A_270 : f32 to vector<16xf32>
      %max3A_272 = arith.maximumf %add3A_269, %max3A_271 : vector<16xf32>
      %swap3A_273 = arith.index_cast %scan3A_104 : i32 to index
      %swap3A_274 = arith.constant 112 : index
      %swap3A_275 = tpu.vector_load %arg15[%swap3A_273, %swap3A_274] {strides = array<i32>} : memref<40x128xf32, #tpu.memory_space<vmem>>, vector<1x16xf32>,
      %swap3A_276 = vector.shape_cast %swap3A_275 : vector<1x16xf32> to vector<16xf32>
      %swap3A_277 = vector.shape_cast %max3A_272 : vector<16xf32> to vector<1x16xf32>
      tpu.vector_store %arg15[%swap3A_273, %swap3A_274], %swap3A_277 {strides = array<i32>} : memref<40x128xf32, #tpu.memory_space<vmem>>, vector<1x16xf32>,
    }
    %scan3A_79 = arith.constant 40 : i32
    "tpu.region"() ({
      %run_scoped3A = tpu.sem_alloc : memref<!tpu.dma_semaphore, #tpu.memory_space<semaphore_mem>>
      %dma_start3A_104 = arith.constant 0 : i32
      %dma_start3A_105 = arith.constant 0 : i32
      %dma_start3A_106 = tpu.memref_slice %arg20[%dma_start3A_104, %dma_start3A_105] : memref<10000x128xf32, #tpu.memory_space<vmem_shared>> -> memref<10000x128xf32, #tpu.memory_space<vmem_shared>>
      tpu.enqueue_indirect_dma source(%arg15 : memref<40x128xf32, #tpu.memory_space<vmem>>) target(%dma_start3A_106 : memref<10000x128xf32, #tpu.memory_space<vmem_shared>>) offsets(%arg8 : memref<40xi32, #tpu.memory_space<vmem>>) semaphore(%run_scoped3A : memref<!tpu.dma_semaphore, #tpu.memory_space<semaphore_mem>>) {add = true}
      %dma_wait3A_107 = arith.constant 0 : i32
      %dma_wait3A_108 = arith.constant 0 : i32
      %dma_wait3A_109 = tpu.memref_slice %arg20[%dma_wait3A_107, %dma_wait3A_108] : memref<10000x128xf32, #tpu.memory_space<vmem_shared>> -> memref<10000x128xf32, #tpu.memory_space<vmem_shared>>
      tpu.wait_indirect_dma semaphore(%run_scoped3A : memref<!tpu.dma_semaphore, #tpu.memory_space<semaphore_mem>>) src(%arg15 : memref<40x128xf32, #tpu.memory_space<vmem>>) dst(%dma_wait3A_109 : memref<10000x128xf32, #tpu.memory_space<vmem_shared>>)
      tpu.yield
    }) : () -> ()
    "tpu.region"() ({
      %run_scoped3A = tpu.sem_alloc : memref<!tpu.dma_semaphore, #tpu.memory_space<semaphore_mem>>
      %dma_start3A_104 = arith.constant 0 : i32
      %dma_start3A_105 = arith.constant 0 : i32
      %dma_start3A_106 = tpu.memref_slice %arg20[%dma_start3A_104, %dma_start3A_105] : memref<10000x128xf32, #tpu.memory_space<vmem_shared>> -> memref<10000x128xf32, #tpu.memory_space<vmem_shared>>
      tpu.enqueue_indirect_dma source(%arg15 : memref<40x128xf32, #tpu.memory_space<vmem>>) target(%dma_start3A_106 : memref<10000x128xf32, #tpu.memory_space<vmem_shared>>) offsets(%arg9 : memref<40xi32, #tpu.memory_space<vmem>>) semaphore(%run_scoped3A : memref<!tpu.dma_semaphore, #tpu.memory_space<semaphore_mem>>) {add = true}
      %dma_wait3A_107 = arith.constant 0 : i32
      %dma_wait3A_108 = arith.constant 0 : i32
      %dma_wait3A_109 = tpu.memref_slice %arg20[%dma_wait3A_107, %dma_wait3A_108] : memref<10000x128xf32, #tpu.memory_space<vmem_shared>> -> memref<10000x128xf32, #tpu.memory_space<vmem_shared>>
      tpu.wait_indirect_dma semaphore(%run_scoped3A : memref<!tpu.dma_semaphore, #tpu.memory_space<semaphore_mem>>) src(%arg15 : memref<40x128xf32, #tpu.memory_space<vmem>>) dst(%dma_wait3A_109 : memref<10000x128xf32, #tpu.memory_space<vmem_shared>>)
      tpu.yield
    }) : () -> ()
    %dma_wait3A_80 = arith.constant 0 : i32
    %dma_wait3A_81 = arith.constant 0 : i32
    %dma_wait3A_82 = tpu.memref_slice %arg2[%dma_wait3A_80, %dma_wait3A_81] : memref<10000x128xf32, #tpu.memory_space<hbm>> -> memref<10000x128xf32, #tpu.memory_space<hbm>>
    tpu.wait_indirect_dma semaphore(%arg22 : memref<!tpu.dma_semaphore, #tpu.memory_space<semaphore_mem>>) src(%dma_wait3A_82 : memref<10000x128xf32, #tpu.memory_space<hbm>>) dst(%arg16 : memref<40x128xf32, #tpu.memory_space<vmem>>)
    %dma_wait3A_83 = arith.constant 0 : i32
    %dma_wait3A_84 = arith.constant 0 : i32
    %dma_wait3A_85 = tpu.memref_slice %arg2[%dma_wait3A_83, %dma_wait3A_84] : memref<10000x128xf32, #tpu.memory_space<hbm>> -> memref<10000x128xf32, #tpu.memory_space<hbm>>
    tpu.wait_indirect_dma semaphore(%arg22 : memref<!tpu.dma_semaphore, #tpu.memory_space<semaphore_mem>>) src(%dma_wait3A_85 : memref<10000x128xf32, #tpu.memory_space<hbm>>) dst(%arg17 : memref<40x128xf32, #tpu.memory_space<vmem>>)
    %dma_wait3A_86 = arith.constant 0 : i32
    %dma_wait3A_87 = arith.constant 0 : i32
    %dma_wait3A_88 = tpu.memref_slice %arg3[%dma_wait3A_86, %dma_wait3A_87] : memref<320000x128xf32, #tpu.memory_space<hbm>> -> memref<40x128xf32, #tpu.memory_space<hbm>>
    %dma_wait3A_89 = arith.constant 0 : i32
    %dma_wait3A_90 = arith.constant 0 : i32
    %dma_wait3A_91 = tpu.memref_slice %arg3[%dma_wait3A_89, %dma_wait3A_90] : memref<320000x128xf32, #tpu.memory_space<hbm>> -> memref<40x128xf32, #tpu.memory_space<hbm>>
    tpu.wait_dma2 semaphore(%arg22 : memref<!tpu.dma_semaphore, #tpu.memory_space<semaphore_mem>>) src(%dma_wait3A_91 : memref<40x128xf32, #tpu.memory_space<hbm>>) dst(%arg18 : memref<40x128xf32, #tpu.memory_space<vmem>>)
    %scan3A_92 = arith.constant 0 : i32
    %scan3A_93 = arith.constant 0 : i32
    %scan3A_94 = arith.constant 40 : i32
    %scan3A_95 = arith.addi %scan3A_93, %scan3A_94 : i32
    %scan3A_96 = arith.constant 1 : i32
    scf.for %scan3A_104 = %scan3A_93 to %scan3A_95 step %scan3A_96  : i32 {
      %get3A = arith.index_cast %scan3A_104 : i32 to index
      %get3A_105 = arith.constant 0 : index
      %get3A_106 = tpu.vector_load %arg16[%get3A, %get3A_105] {strides = array<i32>} : memref<40x128xf32, #tpu.memory_space<vmem>>, vector<1x16xf32>,
      %get3A_107 = vector.shape_cast %get3A_106 : vector<1x16xf32> to vector<16xf32>
      %get3A_108 = arith.index_cast %scan3A_104 : i32 to index
      %get3A_109 = arith.constant 0 : index
      %get3A_110 = tpu.vector_load %arg17[%get3A_108, %get3A_109] {strides = array<i32>} : memref<40x128xf32, #tpu.memory_space<vmem>>, vector<1x16xf32>,
      %get3A_111 = vector.shape_cast %get3A_110 : vector<1x16xf32> to vector<16xf32>
      %add3A_112 = arith.addf %get3A_107, %get3A_111 : vector<16xf32>
      %get3A_113 = arith.index_cast %scan3A_104 : i32 to index
      %get3A_114 = arith.constant 0 : index
      %get3A_115 = tpu.vector_load %arg18[%get3A_113, %get3A_114] {strides = array<i32>} : memref<40x128xf32, #tpu.memory_space<vmem>>, vector<1x16xf32>,
      %get3A_116 = vector.shape_cast %get3A_115 : vector<1x16xf32> to vector<16xf32>
      %add3A_117 = arith.addf %add3A_112, %get3A_116 : vector<16xf32>
      %max3A = arith.constant 0.000000e+00 : f32
      %max3A_118 = vector.broadcast %max3A : f32 to vector<16xf32>
      %max3A_119 = arith.maximumf %add3A_117, %max3A_118 : vector<16xf32>
      %swap3A = arith.index_cast %scan3A_104 : i32 to index
      %swap3A_120 = arith.constant 0 : index
      %swap3A_121 = tpu.vector_load %arg19[%swap3A, %swap3A_120] {strides = array<i32>} : memref<40x128xf32, #tpu.memory_space<vmem>>, vector<1x16xf32>,
      %swap3A_122 = vector.shape_cast %swap3A_121 : vector<1x16xf32> to vector<16xf32>
      %swap3A_123 = vector.shape_cast %max3A_119 : vector<16xf32> to vector<1x16xf32>
      tpu.vector_store %arg19[%swap3A, %swap3A_120], %swap3A_123 {strides = array<i32>} : memref<40x128xf32, #tpu.memory_space<vmem>>, vector<1x16xf32>,
      %get3A_124 = arith.index_cast %scan3A_104 : i32 to index
      %get3A_125 = arith.constant 16 : index
      %get3A_126 = tpu.vector_load %arg16[%get3A_124, %get3A_125] {strides = array<i32>} : memref<40x128xf32, #tpu.memory_space<vmem>>, vector<1x16xf32>,
      %get3A_127 = vector.shape_cast %get3A_126 : vector<1x16xf32> to vector<16xf32>
      %get3A_128 = arith.index_cast %scan3A_104 : i32 to index
      %get3A_129 = arith.constant 16 : index
      %get3A_130 = tpu.vector_load %arg17[%get3A_128, %get3A_129] {strides = array<i32>} : memref<40x128xf32, #tpu.memory_space<vmem>>, vector<1x16xf32>,
      %get3A_131 = vector.shape_cast %get3A_130 : vector<1x16xf32> to vector<16xf32>
      %add3A_132 = arith.addf %get3A_127, %get3A_131 : vector<16xf32>
      %get3A_133 = arith.index_cast %scan3A_104 : i32 to index
      %get3A_134 = arith.constant 16 : index
      %get3A_135 = tpu.vector_load %arg18[%get3A_133, %get3A_134] {strides = array<i32>} : memref<40x128xf32, #tpu.memory_space<vmem>>, vector<1x16xf32>,
      %get3A_136 = vector.shape_cast %get3A_135 : vector<1x16xf32> to vector<16xf32>
      %add3A_137 = arith.addf %add3A_132, %get3A_136 : vector<16xf32>
      %max3A_138 = arith.constant 0.000000e+00 : f32
      %max3A_139 = vector.broadcast %max3A_138 : f32 to vector<16xf32>
      %max3A_140 = arith.maximumf %add3A_137, %max3A_139 : vector<16xf32>
      %swap3A_141 = arith.index_cast %scan3A_104 : i32 to index
      %swap3A_142 = arith.constant 16 : index
      %swap3A_143 = tpu.vector_load %arg19[%swap3A_141, %swap3A_142] {strides = array<i32>} : memref<40x128xf32, #tpu.memory_space<vmem>>, vector<1x16xf32>,
      %swap3A_144 = vector.shape_cast %swap3A_143 : vector<1x16xf32> to vector<16xf32>
      %swap3A_145 = vector.shape_cast %max3A_140 : vector<16xf32> to vector<1x16xf32>
      tpu.vector_store %arg19[%swap3A_141, %swap3A_142], %swap3A_145 {strides = array<i32>} : memref<40x128xf32, #tpu.memory_space<vmem>>, vector<1x16xf32>,
      %get3A_146 = arith.index_cast %scan3A_104 : i32 to index
      %get3A_147 = arith.constant 32 : index
      %get3A_148 = tpu.vector_load %arg16[%get3A_146, %get3A_147] {strides = array<i32>} : memref<40x128xf32, #tpu.memory_space<vmem>>, vector<1x16xf32>,
      %get3A_149 = vector.shape_cast %get3A_148 : vector<1x16xf32> to vector<16xf32>
      %get3A_150 = arith.index_cast %scan3A_104 : i32 to index
      %get3A_151 = arith.constant 32 : index
      %get3A_152 = tpu.vector_load %arg17[%get3A_150, %get3A_151] {strides = array<i32>} : memref<40x128xf32, #tpu.memory_space<vmem>>, vector<1x16xf32>,
      %get3A_153 = vector.shape_cast %get3A_152 : vector<1x16xf32> to vector<16xf32>
      %add3A_154 = arith.addf %get3A_149, %get3A_153 : vector<16xf32>
      %get3A_155 = arith.index_cast %scan3A_104 : i32 to index
      %get3A_156 = arith.constant 32 : index
      %get3A_157 = tpu.vector_load %arg18[%get3A_155, %get3A_156] {strides = array<i32>} : memref<40x128xf32, #tpu.memory_space<vmem>>, vector<1x16xf32>,
      %get3A_158 = vector.shape_cast %get3A_157 : vector<1x16xf32> to vector<16xf32>
      %add3A_159 = arith.addf %add3A_154, %get3A_158 : vector<16xf32>
      %max3A_160 = arith.constant 0.000000e+00 : f32
      %max3A_161 = vector.broadcast %max3A_160 : f32 to vector<16xf32>
      %max3A_162 = arith.maximumf %add3A_159, %max3A_161 : vector<16xf32>
      %swap3A_163 = arith.index_cast %scan3A_104 : i32 to index
      %swap3A_164 = arith.constant 32 : index
      %swap3A_165 = tpu.vector_load %arg19[%swap3A_163, %swap3A_164] {strides = array<i32>} : memref<40x128xf32, #tpu.memory_space<vmem>>, vector<1x16xf32>,
      %swap3A_166 = vector.shape_cast %swap3A_165 : vector<1x16xf32> to vector<16xf32>
      %swap3A_167 = vector.shape_cast %max3A_162 : vector<16xf32> to vector<1x16xf32>
      tpu.vector_store %arg19[%swap3A_163, %swap3A_164], %swap3A_167 {strides = array<i32>} : memref<40x128xf32, #tpu.memory_space<vmem>>, vector<1x16xf32>,
      %get3A_168 = arith.index_cast %scan3A_104 : i32 to index
      %get3A_169 = arith.constant 48 : index
      %get3A_170 = tpu.vector_load %arg16[%get3A_168, %get3A_169] {strides = array<i32>} : memref<40x128xf32, #tpu.memory_space<vmem>>, vector<1x16xf32>,
      %get3A_171 = vector.shape_cast %get3A_170 : vector<1x16xf32> to vector<16xf32>
      %get3A_172 = arith.index_cast %scan3A_104 : i32 to index
      %get3A_173 = arith.constant 48 : index
      %get3A_174 = tpu.vector_load %arg17[%get3A_172, %get3A_173] {strides = array<i32>} : memref<40x128xf32, #tpu.memory_space<vmem>>, vector<1x16xf32>,
      %get3A_175 = vector.shape_cast %get3A_174 : vector<1x16xf32> to vector<16xf32>
      %add3A_176 = arith.addf %get3A_171, %get3A_175 : vector<16xf32>
      %get3A_177 = arith.index_cast %scan3A_104 : i32 to index
      %get3A_178 = arith.constant 48 : index
      %get3A_179 = tpu.vector_load %arg18[%get3A_177, %get3A_178] {strides = array<i32>} : memref<40x128xf32, #tpu.memory_space<vmem>>, vector<1x16xf32>,
      %get3A_180 = vector.shape_cast %get3A_179 : vector<1x16xf32> to vector<16xf32>
      %add3A_181 = arith.addf %add3A_176, %get3A_180 : vector<16xf32>
      %max3A_182 = arith.constant 0.000000e+00 : f32
      %max3A_183 = vector.broadcast %max3A_182 : f32 to vector<16xf32>
      %max3A_184 = arith.maximumf %add3A_181, %max3A_183 : vector<16xf32>
      %swap3A_185 = arith.index_cast %scan3A_104 : i32 to index
      %swap3A_186 = arith.constant 48 : index
      %swap3A_187 = tpu.vector_load %arg19[%swap3A_185, %swap3A_186] {strides = array<i32>} : memref<40x128xf32, #tpu.memory_space<vmem>>, vector<1x16xf32>,
      %swap3A_188 = vector.shape_cast %swap3A_187 : vector<1x16xf32> to vector<16xf32>
      %swap3A_189 = vector.shape_cast %max3A_184 : vector<16xf32> to vector<1x16xf32>
      tpu.vector_store %arg19[%swap3A_185, %swap3A_186], %swap3A_189 {strides = array<i32>} : memref<40x128xf32, #tpu.memory_space<vmem>>, vector<1x16xf32>,
      %get3A_190 = arith.index_cast %scan3A_104 : i32 to index
      %get3A_191 = arith.constant 64 : index
      %get3A_192 = tpu.vector_load %arg16[%get3A_190, %get3A_191] {strides = array<i32>} : memref<40x128xf32, #tpu.memory_space<vmem>>, vector<1x16xf32>,
      %get3A_193 = vector.shape_cast %get3A_192 : vector<1x16xf32> to vector<16xf32>
      %get3A_194 = arith.index_cast %scan3A_104 : i32 to index
      %get3A_195 = arith.constant 64 : index
      %get3A_196 = tpu.vector_load %arg17[%get3A_194, %get3A_195] {strides = array<i32>} : memref<40x128xf32, #tpu.memory_space<vmem>>, vector<1x16xf32>,
      %get3A_197 = vector.shape_cast %get3A_196 : vector<1x16xf32> to vector<16xf32>
      %add3A_198 = arith.addf %get3A_193, %get3A_197 : vector<16xf32>
      %get3A_199 = arith.index_cast %scan3A_104 : i32 to index
      %get3A_200 = arith.constant 64 : index
      %get3A_201 = tpu.vector_load %arg18[%get3A_199, %get3A_200] {strides = array<i32>} : memref<40x128xf32, #tpu.memory_space<vmem>>, vector<1x16xf32>,
      %get3A_202 = vector.shape_cast %get3A_201 : vector<1x16xf32> to vector<16xf32>
      %add3A_203 = arith.addf %add3A_198, %get3A_202 : vector<16xf32>
      %max3A_204 = arith.constant 0.000000e+00 : f32
      %max3A_205 = vector.broadcast %max3A_204 : f32 to vector<16xf32>
      %max3A_206 = arith.maximumf %add3A_203, %max3A_205 : vector<16xf32>
      %swap3A_207 = arith.index_cast %scan3A_104 : i32 to index
      %swap3A_208 = arith.constant 64 : index
      %swap3A_209 = tpu.vector_load %arg19[%swap3A_207, %swap3A_208] {strides = array<i32>} : memref<40x128xf32, #tpu.memory_space<vmem>>, vector<1x16xf32>,
      %swap3A_210 = vector.shape_cast %swap3A_209 : vector<1x16xf32> to vector<16xf32>
      %swap3A_211 = vector.shape_cast %max3A_206 : vector<16xf32> to vector<1x16xf32>
      tpu.vector_store %arg19[%swap3A_207, %swap3A_208], %swap3A_211 {strides = array<i32>} : memref<40x128xf32, #tpu.memory_space<vmem>>, vector<1x16xf32>,
      %get3A_212 = arith.index_cast %scan3A_104 : i32 to index
      %get3A_213 = arith.constant 80 : index
      %get3A_214 = tpu.vector_load %arg16[%get3A_212, %get3A_213] {strides = array<i32>} : memref<40x128xf32, #tpu.memory_space<vmem>>, vector<1x16xf32>,
      %get3A_215 = vector.shape_cast %get3A_214 : vector<1x16xf32> to vector<16xf32>
      %get3A_216 = arith.index_cast %scan3A_104 : i32 to index
      %get3A_217 = arith.constant 80 : index
      %get3A_218 = tpu.vector_load %arg17[%get3A_216, %get3A_217] {strides = array<i32>} : memref<40x128xf32, #tpu.memory_space<vmem>>, vector<1x16xf32>,
      %get3A_219 = vector.shape_cast %get3A_218 : vector<1x16xf32> to vector<16xf32>
      %add3A_220 = arith.addf %get3A_215, %get3A_219 : vector<16xf32>
      %get3A_221 = arith.index_cast %scan3A_104 : i32 to index
      %get3A_222 = arith.constant 80 : index
      %get3A_223 = tpu.vector_load %arg18[%get3A_221, %get3A_222] {strides = array<i32>} : memref<40x128xf32, #tpu.memory_space<vmem>>, vector<1x16xf32>,
      %get3A_224 = vector.shape_cast %get3A_223 : vector<1x16xf32> to vector<16xf32>
      %add3A_225 = arith.addf %add3A_220, %get3A_224 : vector<16xf32>
      %max3A_226 = arith.constant 0.000000e+00 : f32
      %max3A_227 = vector.broadcast %max3A_226 : f32 to vector<16xf32>
      %max3A_228 = arith.maximumf %add3A_225, %max3A_227 : vector<16xf32>
      %swap3A_229 = arith.index_cast %scan3A_104 : i32 to index
      %swap3A_230 = arith.constant 80 : index
      %swap3A_231 = tpu.vector_load %arg19[%swap3A_229, %swap3A_230] {strides = array<i32>} : memref<40x128xf32, #tpu.memory_space<vmem>>, vector<1x16xf32>,
      %swap3A_232 = vector.shape_cast %swap3A_231 : vector<1x16xf32> to vector<16xf32>
      %swap3A_233 = vector.shape_cast %max3A_228 : vector<16xf32> to vector<1x16xf32>
      tpu.vector_store %arg19[%swap3A_229, %swap3A_230], %swap3A_233 {strides = array<i32>} : memref<40x128xf32, #tpu.memory_space<vmem>>, vector<1x16xf32>,
      %get3A_234 = arith.index_cast %scan3A_104 : i32 to index
      %get3A_235 = arith.constant 96 : index
      %get3A_236 = tpu.vector_load %arg16[%get3A_234, %get3A_235] {strides = array<i32>} : memref<40x128xf32, #tpu.memory_space<vmem>>, vector<1x16xf32>,
      %get3A_237 = vector.shape_cast %get3A_236 : vector<1x16xf32> to vector<16xf32>
      %get3A_238 = arith.index_cast %scan3A_104 : i32 to index
      %get3A_239 = arith.constant 96 : index
      %get3A_240 = tpu.vector_load %arg17[%get3A_238, %get3A_239] {strides = array<i32>} : memref<40x128xf32, #tpu.memory_space<vmem>>, vector<1x16xf32>,
      %get3A_241 = vector.shape_cast %get3A_240 : vector<1x16xf32> to vector<16xf32>
      %add3A_242 = arith.addf %get3A_237, %get3A_241 : vector<16xf32>
      %get3A_243 = arith.index_cast %scan3A_104 : i32 to index
      %get3A_244 = arith.constant 96 : index
      %get3A_245 = tpu.vector_load %arg18[%get3A_243, %get3A_244] {strides = array<i32>} : memref<40x128xf32, #tpu.memory_space<vmem>>, vector<1x16xf32>,
      %get3A_246 = vector.shape_cast %get3A_245 : vector<1x16xf32> to vector<16xf32>
      %add3A_247 = arith.addf %add3A_242, %get3A_246 : vector<16xf32>
      %max3A_248 = arith.constant 0.000000e+00 : f32
      %max3A_249 = vector.broadcast %max3A_248 : f32 to vector<16xf32>
      %max3A_250 = arith.maximumf %add3A_247, %max3A_249 : vector<16xf32>
      %swap3A_251 = arith.index_cast %scan3A_104 : i32 to index
      %swap3A_252 = arith.constant 96 : index
      %swap3A_253 = tpu.vector_load %arg19[%swap3A_251, %swap3A_252] {strides = array<i32>} : memref<40x128xf32, #tpu.memory_space<vmem>>, vector<1x16xf32>,
      %swap3A_254 = vector.shape_cast %swap3A_253 : vector<1x16xf32> to vector<16xf32>
      %swap3A_255 = vector.shape_cast %max3A_250 : vector<16xf32> to vector<1x16xf32>
      tpu.vector_store %arg19[%swap3A_251, %swap3A_252], %swap3A_255 {strides = array<i32>} : memref<40x128xf32, #tpu.memory_space<vmem>>, vector<1x16xf32>,
      %get3A_256 = arith.index_cast %scan3A_104 : i32 to index
      %get3A_257 = arith.constant 112 : index
      %get3A_258 = tpu.vector_load %arg16[%get3A_256, %get3A_257] {strides = array<i32>} : memref<40x128xf32, #tpu.memory_space<vmem>>, vector<1x16xf32>,
      %get3A_259 = vector.shape_cast %get3A_258 : vector<1x16xf32> to vector<16xf32>
      %get3A_260 = arith.index_cast %scan3A_104 : i32 to index
      %get3A_261 = arith.constant 112 : index
      %get3A_262 = tpu.vector_load %arg17[%get3A_260, %get3A_261] {strides = array<i32>} : memref<40x128xf32, #tpu.memory_space<vmem>>, vector<1x16xf32>,
      %get3A_263 = vector.shape_cast %get3A_262 : vector<1x16xf32> to vector<16xf32>
      %add3A_264 = arith.addf %get3A_259, %get3A_263 : vector<16xf32>
      %get3A_265 = arith.index_cast %scan3A_104 : i32 to index
      %get3A_266 = arith.constant 112 : index
      %get3A_267 = tpu.vector_load %arg18[%get3A_265, %get3A_266] {strides = array<i32>} : memref<40x128xf32, #tpu.memory_space<vmem>>, vector<1x16xf32>,
      %get3A_268 = vector.shape_cast %get3A_267 : vector<1x16xf32> to vector<16xf32>
      %add3A_269 = arith.addf %add3A_264, %get3A_268 : vector<16xf32>
      %max3A_270 = arith.constant 0.000000e+00 : f32
      %max3A_271 = vector.broadcast %max3A_270 : f32 to vector<16xf32>
      %max3A_272 = arith.maximumf %add3A_269, %max3A_271 : vector<16xf32>
      %swap3A_273 = arith.index_cast %scan3A_104 : i32 to index
      %swap3A_274 = arith.constant 112 : index
      %swap3A_275 = tpu.vector_load %arg19[%swap3A_273, %swap3A_274] {strides = array<i32>} : memref<40x128xf32, #tpu.memory_space<vmem>>, vector<1x16xf32>,
      %swap3A_276 = vector.shape_cast %swap3A_275 : vector<1x16xf32> to vector<16xf32>
      %swap3A_277 = vector.shape_cast %max3A_272 : vector<16xf32> to vector<1x16xf32>
      tpu.vector_store %arg19[%swap3A_273, %swap3A_274], %swap3A_277 {strides = array<i32>} : memref<40x128xf32, #tpu.memory_space<vmem>>, vector<1x16xf32>,
    }
    %scan3A_97 = arith.constant 40 : i32
    "tpu.region"() ({
      %run_scoped3A = tpu.sem_alloc : memref<!tpu.dma_semaphore, #tpu.memory_space<semaphore_mem>>
      %dma_start3A_104 = arith.constant 0 : i32
      %dma_start3A_105 = arith.constant 0 : i32
      %dma_start3A_106 = tpu.memref_slice %arg20[%dma_start3A_104, %dma_start3A_105] : memref<10000x128xf32, #tpu.memory_space<vmem_shared>> -> memref<10000x128xf32, #tpu.memory_space<vmem_shared>>
      tpu.enqueue_indirect_dma source(%arg19 : memref<40x128xf32, #tpu.memory_space<vmem>>) target(%dma_start3A_106 : memref<10000x128xf32, #tpu.memory_space<vmem_shared>>) offsets(%arg10 : memref<40xi32, #tpu.memory_space<vmem>>) semaphore(%run_scoped3A : memref<!tpu.dma_semaphore, #tpu.memory_space<semaphore_mem>>) {add = true}
      %dma_wait3A_107 = arith.constant 0 : i32
      %dma_wait3A_108 = arith.constant 0 : i32
      %dma_wait3A_109 = tpu.memref_slice %arg20[%dma_wait3A_107, %dma_wait3A_108] : memref<10000x128xf32, #tpu.memory_space<vmem_shared>> -> memref<10000x128xf32, #tpu.memory_space<vmem_shared>>
      tpu.wait_indirect_dma semaphore(%run_scoped3A : memref<!tpu.dma_semaphore, #tpu.memory_space<semaphore_mem>>) src(%arg19 : memref<40x128xf32, #tpu.memory_space<vmem>>) dst(%dma_wait3A_109 : memref<10000x128xf32, #tpu.memory_space<vmem_shared>>)
      tpu.yield
    }) : () -> ()
    "tpu.region"() ({
      %run_scoped3A = tpu.sem_alloc : memref<!tpu.dma_semaphore, #tpu.memory_space<semaphore_mem>>
      %dma_start3A_104 = arith.constant 0 : i32
      %dma_start3A_105 = arith.constant 0 : i32
      %dma_start3A_106 = tpu.memref_slice %arg20[%dma_start3A_104, %dma_start3A_105] : memref<10000x128xf32, #tpu.memory_space<vmem_shared>> -> memref<10000x128xf32, #tpu.memory_space<vmem_shared>>
      tpu.enqueue_indirect_dma source(%arg19 : memref<40x128xf32, #tpu.memory_space<vmem>>) target(%dma_start3A_106 : memref<10000x128xf32, #tpu.memory_space<vmem_shared>>) offsets(%arg11 : memref<40xi32, #tpu.memory_space<vmem>>) semaphore(%run_scoped3A : memref<!tpu.dma_semaphore, #tpu.memory_space<semaphore_mem>>) {add = true}
      %dma_wait3A_107 = arith.constant 0 : i32
      %dma_wait3A_108 = arith.constant 0 : i32
      %dma_wait3A_109 = tpu.memref_slice %arg20[%dma_wait3A_107, %dma_wait3A_108] : memref<10000x128xf32, #tpu.memory_space<vmem_shared>> -> memref<10000x128xf32, #tpu.memory_space<vmem_shared>>
      tpu.wait_indirect_dma semaphore(%run_scoped3A : memref<!tpu.dma_semaphore, #tpu.memory_space<semaphore_mem>>) src(%arg19 : memref<40x128xf32, #tpu.memory_space<vmem>>) dst(%dma_wait3A_109 : memref<10000x128xf32, #tpu.memory_space<vmem_shared>>)
      tpu.yield
    }) : () -> ()
    %barrier3A_98 = arith.constant 0 : index
    tpu.barrier barrier_id(%barrier3A_98)
    "tpu.region"() ({
      %run_scoped3A = tpu.sem_alloc : memref<!tpu.dma_semaphore, #tpu.memory_space<semaphore_mem>>
      %dma_start3A_104 = arith.constant 0 : i32
      %dma_start3A_105 = tpu.memref_slice %arg7[%arg0, %mul3A_2, %dma_start3A_104] : memref<2x10000x128xf32, #tpu.memory_space<hbm>> -> memref<1x624x128xf32, #tpu.memory_space<hbm>>
      %dma_start3A_106 = tpu.memref_squeeze %dma_start3A_105 : memref<1x624x128xf32, #tpu.memory_space<hbm>> -> memref<624x128xf32, #tpu.memory_space<hbm>>
      %dma_start3A_107 = arith.constant 0 : i32
      %dma_start3A_108 = tpu.memref_slice %arg20[%mul3A_2, %dma_start3A_107] : memref<10000x128xf32, #tpu.memory_space<vmem_shared>> -> memref<624x128xf32, #tpu.memory_space<vmem_shared>>
      tpu.enqueue_dma source(%dma_start3A_108 : memref<624x128xf32, #tpu.memory_space<vmem_shared>>) target(%dma_start3A_106 : memref<624x128xf32, #tpu.memory_space<hbm>>) target_semaphore(%run_scoped3A : memref<!tpu.dma_semaphore, #tpu.memory_space<semaphore_mem>>)
      %dma_wait3A_109 = arith.constant 0 : i32
      %dma_wait3A_110 = tpu.memref_slice %arg7[%arg0, %mul3A_2, %dma_wait3A_109] : memref<2x10000x128xf32, #tpu.memory_space<hbm>> -> memref<1x624x128xf32, #tpu.memory_space<hbm>>
      %dma_wait3A_111 = tpu.memref_squeeze %dma_wait3A_110 : memref<1x624x128xf32, #tpu.memory_space<hbm>> -> memref<624x128xf32, #tpu.memory_space<hbm>>
      %dma_wait3A_112 = arith.constant 0 : i32
      %dma_wait3A_113 = tpu.memref_slice %arg20[%mul3A_2, %dma_wait3A_112] : memref<10000x128xf32, #tpu.memory_space<vmem_shared>> -> memref<624x128xf32, #tpu.memory_space<vmem_shared>>
      tpu.wait_dma2 semaphore(%run_scoped3A : memref<!tpu.dma_semaphore, #tpu.memory_space<semaphore_mem>>) src(%dma_wait3A_113 : memref<624x128xf32, #tpu.memory_space<vmem_shared>>) dst(%dma_wait3A_111 : memref<624x128xf32, #tpu.memory_space<hbm>>)
      tpu.yield
    }) : () -> ()
    %eq3A_99 = arith.constant 0 : i32
    %eq3A_100 = arith.cmpi eq, %arg1, %eq3A_99 : i32
    %convert_element_type3A_101 = arith.extui %eq3A_100 : i1 to i32
    %cond3A_102 = arith.constant 0 : i32
    %cond3A_103 = arith.cmpi ne, %convert_element_type3A_101, %cond3A_102 : i32
    scf.if %cond3A_103 {
      "tpu.region"() ({
        %run_scoped3A = tpu.sem_alloc : memref<!tpu.dma_semaphore, #tpu.memory_space<semaphore_mem>>
        %dma_start3A_104 = arith.constant 9984 : i32
        %dma_start3A_105 = arith.constant 0 : i32
        %dma_start3A_106 = tpu.memref_slice %arg7[%arg0, %dma_start3A_104, %dma_start3A_105] : memref<2x10000x128xf32, #tpu.memory_space<hbm>> -> memref<1x16x128xf32, #tpu.memory_space<hbm>>
        %dma_start3A_107 = tpu.memref_squeeze %dma_start3A_106 : memref<1x16x128xf32, #tpu.memory_space<hbm>> -> memref<16x128xf32, #tpu.memory_space<hbm>>
        %dma_start3A_108 = arith.constant 9984 : i32
        %dma_start3A_109 = arith.constant 0 : i32
        %dma_start3A_110 = tpu.memref_slice %arg20[%dma_start3A_108, %dma_start3A_109] : memref<10000x128xf32, #tpu.memory_space<vmem_shared>> -> memref<16x128xf32, #tpu.memory_space<vmem_shared>>
        tpu.enqueue_dma source(%dma_start3A_110 : memref<16x128xf32, #tpu.memory_space<vmem_shared>>) target(%dma_start3A_107 : memref<16x128xf32, #tpu.memory_space<hbm>>) target_semaphore(%run_scoped3A : memref<!tpu.dma_semaphore, #tpu.memory_space<semaphore_mem>>)
        %dma_wait3A_111 = arith.constant 9984 : i32
        %dma_wait3A_112 = arith.constant 0 : i32
        %dma_wait3A_113 = tpu.memref_slice %arg7[%arg0, %dma_wait3A_111, %dma_wait3A_112] : memref<2x10000x128xf32, #tpu.memory_space<hbm>> -> memref<1x16x128xf32, #tpu.memory_space<hbm>>
        %dma_wait3A_114 = tpu.memref_squeeze %dma_wait3A_113 : memref<1x16x128xf32, #tpu.memory_space<hbm>> -> memref<16x128xf32, #tpu.memory_space<hbm>>
        %dma_wait3A_115 = arith.constant 9984 : i32
        %dma_wait3A_116 = arith.constant 0 : i32
        %dma_wait3A_117 = tpu.memref_slice %arg20[%dma_wait3A_115, %dma_wait3A_116] : memref<10000x128xf32, #tpu.memory_space<vmem_shared>> -> memref<16x128xf32, #tpu.memory_space<vmem_shared>>
        tpu.wait_dma2 semaphore(%run_scoped3A : memref<!tpu.dma_semaphore, #tpu.memory_space<semaphore_mem>>) src(%dma_wait3A_117 : memref<16x128xf32, #tpu.memory_space<vmem_shared>>) dst(%dma_wait3A_114 : memref<16x128xf32, #tpu.memory_space<hbm>>)
        tpu.yield
      }) : () -> ()
    } else {
    }
    return
  }
}

#map = affine_map<(d0, d1) -> (0, 0)>
#map1 = affine_map<(d0, d1) -> (0)>
#map2 = affine_map<(d0, d1) -> (0, 0, 0)>
module attributes {stable_mosaic.version = 14 : i64} {
  func.func @_edge_body(%arg0: i32, %arg1: i32, %arg2: memref<10000x128xf32, #tpu.memory_space<hbm>>, %arg3: memref<320000x128xf32, #tpu.memory_space<hbm>>, %arg4: memref<320000xi32, #tpu.memory_space<hbm>>, %arg5: memref<320000xi32, #tpu.memory_space<hbm>>, %arg6: memref<10000x128xf32, #tpu.memory_space<hbm>>, %arg7: memref<2x10000x128xf32, #tpu.memory_space<hbm>>, %arg8: memref<40xi32, #tpu.memory_space<vmem>>, %arg9: memref<40xi32, #tpu.memory_space<vmem>>, %arg10: memref<40xi32, #tpu.memory_space<vmem>>, %arg11: memref<40xi32, #tpu.memory_space<vmem>>, %arg12: memref<40x128xf32, #tpu.memory_space<vmem>>, %arg13: memref<40x128xf32, #tpu.memory_space<vmem>>, %arg14: memref<40x128xf32, #tpu.memory_space<vmem>>, %arg15: memref<40x128xf32, #tpu.memory_space<vmem>>, %arg16: memref<40x128xf32, #tpu.memory_space<vmem>>, %arg17: memref<40x128xf32, #tpu.memory_space<vmem>>, %arg18: memref<40x128xf32, #tpu.memory_space<vmem>>, %arg19: memref<40x128xf32, #tpu.memory_space<vmem>>, %arg20: memref<10000x128xf32, #tpu.memory_space<vmem_shared>>, %arg21: memref<!tpu.dma_semaphore, #tpu.memory_space<semaphore_mem>>, %arg22: memref<!tpu.dma_semaphore, #tpu.memory_space<semaphore_mem>>, %arg23: memref<!tpu.dma_semaphore, #tpu.memory_space<semaphore_mem>>, %arg24: memref<!tpu.dma_semaphore, #tpu.memory_space<semaphore_mem>>) attributes {dimension_semantics = [#tpu.dimension_semantics<core_parallel>, #tpu.dimension_semantics<subcore_parallel>], iteration_bounds = array<i64: 2, 16>, scalar_prefetch = 0 : i64, scratch_operands = 17 : i64, tpu.core_type = #tpu.core_type<sc_vector_subcore>, window_params = [{transform_indices = #map}, {transform_indices = #map}, {transform_indices = #map1}, {transform_indices = #map1}, {transform_indices = #map}, {transform_indices = #map2}]} {
    %mul3A = arith.constant 2 : i32
    %mul3A_0 = arith.muli %arg1, %mul3A : i32
    %add3A = arith.addi %mul3A_0, %arg0 : i32
    %mul3A_1 = arith.constant 624 : i32
    %mul3A_2 = arith.muli %arg1, %mul3A_1 : i32
    "tpu.region"() ({
      %run_scoped3A = tpu.sem_alloc : memref<!tpu.dma_semaphore, #tpu.memory_space<semaphore_mem>>
      %dma_start3A_104 = arith.constant 0 : i32
      %dma_start3A_105 = tpu.memref_slice %arg20[%mul3A_2, %dma_start3A_104] : memref<10000x128xf32, #tpu.memory_space<vmem_shared>> -> memref<624x128xf32, #tpu.memory_space<vmem_shared>>
      %dma_start3A_106 = arith.constant 0 : i32
      %dma_start3A_107 = tpu.memref_slice %arg6[%mul3A_2, %dma_start3A_106] : memref<10000x128xf32, #tpu.memory_space<hbm>> -> memref<624x128xf32, #tpu.memory_space<hbm>>
      tpu.enqueue_dma source(%dma_start3A_107 : memref<624x128xf32, #tpu.memory_space<hbm>>) target(%dma_start3A_105 : memref<624x128xf32, #tpu.memory_space<vmem_shared>>) target_semaphore(%run_scoped3A : memref<!tpu.dma_semaphore, #tpu.memory_space<semaphore_mem>>)
      %dma_wait3A_108 = arith.constant 0 : i32
      %dma_wait3A_109 = tpu.memref_slice %arg20[%mul3A_2, %dma_wait3A_108] : memref<10000x128xf32, #tpu.memory_space<vmem_shared>> -> memref<624x128xf32, #tpu.memory_space<vmem_shared>>
      %dma_wait3A_110 = arith.constant 0 : i32
      %dma_wait3A_111 = tpu.memref_slice %arg6[%mul3A_2, %dma_wait3A_110] : memref<10000x128xf32, #tpu.memory_space<hbm>> -> memref<624x128xf32, #tpu.memory_space<hbm>>
      tpu.wait_dma2 semaphore(%run_scoped3A : memref<!tpu.dma_semaphore, #tpu.memory_space<semaphore_mem>>) src(%dma_wait3A_111 : memref<624x128xf32, #tpu.memory_space<hbm>>) dst(%dma_wait3A_109 : memref<624x128xf32, #tpu.memory_space<vmem_shared>>)
      tpu.yield
    }) : () -> ()
    %eq3A = arith.constant 0 : i32
    %eq3A_3 = arith.cmpi eq, %arg1, %eq3A : i32
    %convert_element_type3A = arith.extui %eq3A_3 : i1 to i32
    %cond3A = arith.constant 0 : i32
    %cond3A_4 = arith.cmpi ne, %convert_element_type3A, %cond3A : i32
    scf.if %cond3A_4 {
      "tpu.region"() ({
        %run_scoped3A = tpu.sem_alloc : memref<!tpu.dma_semaphore, #tpu.memory_space<semaphore_mem>>
        %dma_start3A_104 = arith.constant 9984 : i32
        %dma_start3A_105 = arith.constant 0 : i32
        %dma_start3A_106 = tpu.memref_slice %arg20[%dma_start3A_104, %dma_start3A_105] : memref<10000x128xf32, #tpu.memory_space<vmem_shared>> -> memref<16x128xf32, #tpu.memory_space<vmem_shared>>
        %dma_start3A_107 = arith.constant 9984 : i32
        %dma_start3A_108 = arith.constant 0 : i32
        %dma_start3A_109 = tpu.memref_slice %arg6[%dma_start3A_107, %dma_start3A_108] : memref<10000x128xf32, #tpu.memory_space<hbm>> -> memref<16x128xf32, #tpu.memory_space<hbm>>
        tpu.enqueue_dma source(%dma_start3A_109 : memref<16x128xf32, #tpu.memory_space<hbm>>) target(%dma_start3A_106 : memref<16x128xf32, #tpu.memory_space<vmem_shared>>) target_semaphore(%run_scoped3A : memref<!tpu.dma_semaphore, #tpu.memory_space<semaphore_mem>>)
        %dma_wait3A_110 = arith.constant 9984 : i32
        %dma_wait3A_111 = arith.constant 0 : i32
        %dma_wait3A_112 = tpu.memref_slice %arg20[%dma_wait3A_110, %dma_wait3A_111] : memref<10000x128xf32, #tpu.memory_space<vmem_shared>> -> memref<16x128xf32, #tpu.memory_space<vmem_shared>>
        %dma_wait3A_113 = arith.constant 9984 : i32
        %dma_wait3A_114 = arith.constant 0 : i32
        %dma_wait3A_115 = tpu.memref_slice %arg6[%dma_wait3A_113, %dma_wait3A_114] : memref<10000x128xf32, #tpu.memory_space<hbm>> -> memref<16x128xf32, #tpu.memory_space<hbm>>
        tpu.wait_dma2 semaphore(%run_scoped3A : memref<!tpu.dma_semaphore, #tpu.memory_space<semaphore_mem>>) src(%dma_wait3A_115 : memref<16x128xf32, #tpu.memory_space<hbm>>) dst(%dma_wait3A_112 : memref<16x128xf32, #tpu.memory_space<vmem_shared>>)
        tpu.yield
      }) : () -> ()
    } else {
    }
    %barrier3A = arith.constant 0 : index
    tpu.barrier barrier_id(%barrier3A)
    %mul3A_5 = arith.constant 10000 : i32
    %mul3A_6 = arith.muli %add3A, %mul3A_5 : i32
    %add3A_7 = arith.constant 0 : i32
    %add3A_8 = arith.addi %mul3A_6, %add3A_7 : i32
    %dma_start3A = tpu.memref_slice %arg4[%add3A_8] : memref<320000xi32, #tpu.memory_space<hbm>> -> memref<40xi32, #tpu.memory_space<hbm>>
    %dma_start3A_9 = tpu.memref_slice %arg4[%add3A_8] : memref<320000xi32, #tpu.memory_space<hbm>> -> memref<40xi32, #tpu.memory_space<hbm>>
    tpu.enqueue_dma source(%dma_start3A_9 : memref<40xi32, #tpu.memory_space<hbm>>) target(%arg8 : memref<40xi32, #tpu.memory_space<vmem>>) target_semaphore(%arg23 : memref<!tpu.dma_semaphore, #tpu.memory_space<semaphore_mem>>)
    %dma_start3A_10 = tpu.memref_slice %arg5[%add3A_8] : memref<320000xi32, #tpu.memory_space<hbm>> -> memref<40xi32, #tpu.memory_space<hbm>>
    %dma_start3A_11 = tpu.memref_slice %arg5[%add3A_8] : memref<320000xi32, #tpu.memory_space<hbm>> -> memref<40xi32, #tpu.memory_space<hbm>>
    tpu.enqueue_dma source(%dma_start3A_11 : memref<40xi32, #tpu.memory_space<hbm>>) target(%arg9 : memref<40xi32, #tpu.memory_space<vmem>>) target_semaphore(%arg23 : memref<!tpu.dma_semaphore, #tpu.memory_space<semaphore_mem>>)
    %dma_wait3A = arith.constant 0 : i32
    %dma_wait3A_12 = tpu.memref_slice %arg4[%dma_wait3A] : memref<320000xi32, #tpu.memory_space<hbm>> -> memref<40xi32, #tpu.memory_space<hbm>>
    %dma_wait3A_13 = arith.constant 0 : i32
    %dma_wait3A_14 = tpu.memref_slice %arg4[%dma_wait3A_13] : memref<320000xi32, #tpu.memory_space<hbm>> -> memref<40xi32, #tpu.memory_space<hbm>>
    tpu.wait_dma2 semaphore(%arg23 : memref<!tpu.dma_semaphore, #tpu.memory_space<semaphore_mem>>) src(%dma_wait3A_14 : memref<40xi32, #tpu.memory_space<hbm>>) dst(%arg8 : memref<40xi32, #tpu.memory_space<vmem>>)
    %dma_wait3A_15 = arith.constant 0 : i32
    %dma_wait3A_16 = tpu.memref_slice %arg5[%dma_wait3A_15] : memref<320000xi32, #tpu.memory_space<hbm>> -> memref<40xi32, #tpu.memory_space<hbm>>
    %dma_wait3A_17 = arith.constant 0 : i32
    %dma_wait3A_18 = tpu.memref_slice %arg5[%dma_wait3A_17] : memref<320000xi32, #tpu.memory_space<hbm>> -> memref<40xi32, #tpu.memory_space<hbm>>
    tpu.wait_dma2 semaphore(%arg23 : memref<!tpu.dma_semaphore, #tpu.memory_space<semaphore_mem>>) src(%dma_wait3A_18 : memref<40xi32, #tpu.memory_space<hbm>>) dst(%arg9 : memref<40xi32, #tpu.memory_space<vmem>>)
    %add3A_19 = arith.constant 0 : i32
    %add3A_20 = arith.addi %mul3A_6, %add3A_19 : i32
    %dma_start3A_21 = arith.constant 0 : i32
    %dma_start3A_22 = arith.constant 0 : i32
    %dma_start3A_23 = tpu.memref_slice %arg2[%dma_start3A_21, %dma_start3A_22] : memref<10000x128xf32, #tpu.memory_space<hbm>> -> memref<10000x128xf32, #tpu.memory_space<hbm>>
    tpu.enqueue_indirect_dma source(%dma_start3A_23 : memref<10000x128xf32, #tpu.memory_space<hbm>>) target(%arg12 : memref<40x128xf32, #tpu.memory_space<vmem>>) offsets(%arg8 : memref<40xi32, #tpu.memory_space<vmem>>) semaphore(%arg21 : memref<!tpu.dma_semaphore, #tpu.memory_space<semaphore_mem>>)
    %dma_start3A_24 = arith.constant 0 : i32
    %dma_start3A_25 = arith.constant 0 : i32
    %dma_start3A_26 = tpu.memref_slice %arg2[%dma_start3A_24, %dma_start3A_25] : memref<10000x128xf32, #tpu.memory_space<hbm>> -> memref<10000x128xf32, #tpu.memory_space<hbm>>
    tpu.enqueue_indirect_dma source(%dma_start3A_26 : memref<10000x128xf32, #tpu.memory_space<hbm>>) target(%arg13 : memref<40x128xf32, #tpu.memory_space<vmem>>) offsets(%arg9 : memref<40xi32, #tpu.memory_space<vmem>>) semaphore(%arg21 : memref<!tpu.dma_semaphore, #tpu.memory_space<semaphore_mem>>)
    %dma_start3A_27 = arith.constant 0 : i32
    %dma_start3A_28 = tpu.memref_slice %arg3[%add3A_20, %dma_start3A_27] : memref<320000x128xf32, #tpu.memory_space<hbm>> -> memref<40x128xf32, #tpu.memory_space<hbm>>
    %dma_start3A_29 = arith.constant 0 : i32
    %dma_start3A_30 = tpu.memref_slice %arg3[%add3A_20, %dma_start3A_29] : memref<320000x128xf32, #tpu.memory_space<hbm>> -> memref<40x128xf32, #tpu.memory_space<hbm>>
    tpu.enqueue_dma source(%dma_start3A_30 : memref<40x128xf32, #tpu.memory_space<hbm>>) target(%arg14 : memref<40x128xf32, #tpu.memory_space<vmem>>) target_semaphore(%arg21 : memref<!tpu.dma_semaphore, #tpu.memory_space<semaphore_mem>>)
    %add3A_31 = arith.constant 40 : i32
    %add3A_32 = arith.addi %mul3A_6, %add3A_31 : i32
    %dma_start3A_33 = tpu.memref_slice %arg4[%add3A_32] : memref<320000xi32, #tpu.memory_space<hbm>> -> memref<40xi32, #tpu.memory_space<hbm>>
    %dma_start3A_34 = tpu.memref_slice %arg4[%add3A_32] : memref<320000xi32, #tpu.memory_space<hbm>> -> memref<40xi32, #tpu.memory_space<hbm>>
    tpu.enqueue_dma source(%dma_start3A_34 : memref<40xi32, #tpu.memory_space<hbm>>) target(%arg10 : memref<40xi32, #tpu.memory_space<vmem>>) target_semaphore(%arg24 : memref<!tpu.dma_semaphore, #tpu.memory_space<semaphore_mem>>)
    %dma_start3A_35 = tpu.memref_slice %arg5[%add3A_32] : memref<320000xi32, #tpu.memory_space<hbm>> -> memref<40xi32, #tpu.memory_space<hbm>>
    %dma_start3A_36 = tpu.memref_slice %arg5[%add3A_32] : memref<320000xi32, #tpu.memory_space<hbm>> -> memref<40xi32, #tpu.memory_space<hbm>>
    tpu.enqueue_dma source(%dma_start3A_36 : memref<40xi32, #tpu.memory_space<hbm>>) target(%arg11 : memref<40xi32, #tpu.memory_space<vmem>>) target_semaphore(%arg24 : memref<!tpu.dma_semaphore, #tpu.memory_space<semaphore_mem>>)
    %scan3A = arith.constant 0 : i32
    %scan3A_37 = arith.constant 0 : i32
    %scan3A_38 = arith.constant 124 : i32
    %scan3A_39 = arith.addi %scan3A_37, %scan3A_38 : i32
    %scan3A_40 = arith.constant 1 : i32
    scf.for %scan3A_104 = %scan3A_37 to %scan3A_39 step %scan3A_40  : i32 {
      %mul3A_105 = arith.constant 2 : i32
      %mul3A_106 = arith.muli %mul3A_105, %scan3A_104 : i32
      %dma_wait3A_107 = arith.constant 0 : i32
      %dma_wait3A_108 = arith.constant 0 : i32
      %dma_wait3A_109 = tpu.memref_slice %arg2[%dma_wait3A_107, %dma_wait3A_108] : memref<10000x128xf32, #tpu.memory_space<hbm>> -> memref<10000x128xf32, #tpu.memory_space<hbm>>
      tpu.wait_indirect_dma semaphore(%arg21 : memref<!tpu.dma_semaphore, #tpu.memory_space<semaphore_mem>>) src(%dma_wait3A_109 : memref<10000x128xf32, #tpu.memory_space<hbm>>) dst(%arg12 : memref<40x128xf32, #tpu.memory_space<vmem>>)
      %dma_wait3A_110 = arith.constant 0 : i32
      %dma_wait3A_111 = arith.constant 0 : i32
      %dma_wait3A_112 = tpu.memref_slice %arg2[%dma_wait3A_110, %dma_wait3A_111] : memref<10000x128xf32, #tpu.memory_space<hbm>> -> memref<10000x128xf32, #tpu.memory_space<hbm>>
      tpu.wait_indirect_dma semaphore(%arg21 : memref<!tpu.dma_semaphore, #tpu.memory_space<semaphore_mem>>) src(%dma_wait3A_112 : memref<10000x128xf32, #tpu.memory_space<hbm>>) dst(%arg13 : memref<40x128xf32, #tpu.memory_space<vmem>>)
      %dma_wait3A_113 = arith.constant 0 : i32
      %dma_wait3A_114 = arith.constant 0 : i32
      %dma_wait3A_115 = tpu.memref_slice %arg3[%dma_wait3A_113, %dma_wait3A_114] : memref<320000x128xf32, #tpu.memory_space<hbm>> -> memref<40x128xf32, #tpu.memory_space<hbm>>
      %dma_wait3A_116 = arith.constant 0 : i32
      %dma_wait3A_117 = arith.constant 0 : i32
      %dma_wait3A_118 = tpu.memref_slice %arg3[%dma_wait3A_116, %dma_wait3A_117] : memref<320000x128xf32, #tpu.memory_space<hbm>> -> memref<40x128xf32, #tpu.memory_space<hbm>>
      tpu.wait_dma2 semaphore(%arg21 : memref<!tpu.dma_semaphore, #tpu.memory_space<semaphore_mem>>) src(%dma_wait3A_118 : memref<40x128xf32, #tpu.memory_space<hbm>>) dst(%arg14 : memref<40x128xf32, #tpu.memory_space<vmem>>)
      %dma_wait3A_119 = arith.constant 0 : i32
      %dma_wait3A_120 = tpu.memref_slice %arg4[%dma_wait3A_119] : memref<320000xi32, #tpu.memory_space<hbm>> -> memref<40xi32, #tpu.memory_space<hbm>>
      %dma_wait3A_121 = arith.constant 0 : i32
      %dma_wait3A_122 = tpu.memref_slice %arg4[%dma_wait3A_121] : memref<320000xi32, #tpu.memory_space<hbm>> -> memref<40xi32, #tpu.memory_space<hbm>>
      tpu.wait_dma2 semaphore(%arg24 : memref<!tpu.dma_semaphore, #tpu.memory_space<semaphore_mem>>) src(%dma_wait3A_122 : memref<40xi32, #tpu.memory_space<hbm>>) dst(%arg10 : memref<40xi32, #tpu.memory_space<vmem>>)
      %dma_wait3A_123 = arith.constant 0 : i32
      %dma_wait3A_124 = tpu.memref_slice %arg5[%dma_wait3A_123] : memref<320000xi32, #tpu.memory_space<hbm>> -> memref<40xi32, #tpu.memory_space<hbm>>
      %dma_wait3A_125 = arith.constant 0 : i32
      %dma_wait3A_126 = tpu.memref_slice %arg5[%dma_wait3A_125] : memref<320000xi32, #tpu.memory_space<hbm>> -> memref<40xi32, #tpu.memory_space<hbm>>
      tpu.wait_dma2 semaphore(%arg24 : memref<!tpu.dma_semaphore, #tpu.memory_space<semaphore_mem>>) src(%dma_wait3A_126 : memref<40xi32, #tpu.memory_space<hbm>>) dst(%arg11 : memref<40xi32, #tpu.memory_space<vmem>>)
      %add3A_127 = arith.constant 1 : i32
      %add3A_128 = arith.addi %mul3A_106, %add3A_127 : i32
      %mul3A_129 = arith.constant 40 : i32
      %mul3A_130 = arith.muli %add3A_128, %mul3A_129 : i32
      %add3A_131 = arith.addi %mul3A_6, %mul3A_130 : i32
      %dma_start3A_132 = arith.constant 0 : i32
      %dma_start3A_133 = arith.constant 0 : i32
      %dma_start3A_134 = tpu.memref_slice %arg2[%dma_start3A_132, %dma_start3A_133] : memref<10000x128xf32, #tpu.memory_space<hbm>> -> memref<10000x128xf32, #tpu.memory_space<hbm>>
      tpu.enqueue_indirect_dma source(%dma_start3A_134 : memref<10000x128xf32, #tpu.memory_space<hbm>>) target(%arg16 : memref<40x128xf32, #tpu.memory_space<vmem>>) offsets(%arg10 : memref<40xi32, #tpu.memory_space<vmem>>) semaphore(%arg22 : memref<!tpu.dma_semaphore, #tpu.memory_space<semaphore_mem>>)
      %dma_start3A_135 = arith.constant 0 : i32
      %dma_start3A_136 = arith.constant 0 : i32
      %dma_start3A_137 = tpu.memref_slice %arg2[%dma_start3A_135, %dma_start3A_136] : memref<10000x128xf32, #tpu.memory_space<hbm>> -> memref<10000x128xf32, #tpu.memory_space<hbm>>
      tpu.enqueue_indirect_dma source(%dma_start3A_137 : memref<10000x128xf32, #tpu.memory_space<hbm>>) target(%arg17 : memref<40x128xf32, #tpu.memory_space<vmem>>) offsets(%arg11 : memref<40xi32, #tpu.memory_space<vmem>>) semaphore(%arg22 : memref<!tpu.dma_semaphore, #tpu.memory_space<semaphore_mem>>)
      %dma_start3A_138 = arith.constant 0 : i32
      %dma_start3A_139 = tpu.memref_slice %arg3[%add3A_131, %dma_start3A_138] : memref<320000x128xf32, #tpu.memory_space<hbm>> -> memref<40x128xf32, #tpu.memory_space<hbm>>
      %dma_start3A_140 = arith.constant 0 : i32
      %dma_start3A_141 = tpu.memref_slice %arg3[%add3A_131, %dma_start3A_140] : memref<320000x128xf32, #tpu.memory_space<hbm>> -> memref<40x128xf32, #tpu.memory_space<hbm>>
      tpu.enqueue_dma source(%dma_start3A_141 : memref<40x128xf32, #tpu.memory_space<hbm>>) target(%arg18 : memref<40x128xf32, #tpu.memory_space<vmem>>) target_semaphore(%arg22 : memref<!tpu.dma_semaphore, #tpu.memory_space<semaphore_mem>>)
      %scan3A_142 = arith.constant 0 : i32
      %scan3A_143 = arith.constant 0 : i32
      %scan3A_144 = arith.constant 40 : i32
      %scan3A_145 = arith.addi %scan3A_143, %scan3A_144 : i32
      %scan3A_146 = arith.constant 1 : i32
      scf.for %scan3A_202 = %scan3A_143 to %scan3A_145 step %scan3A_146  : i32 {
        %get3A = arith.index_cast %scan3A_202 : i32 to index
        %get3A_203 = arith.constant 0 : index
        %get3A_204 = tpu.vector_load %arg12[%get3A, %get3A_203] {strides = array<i32>} : memref<40x128xf32, #tpu.memory_space<vmem>>, vector<1x16xf32>,
        %get3A_205 = vector.shape_cast %get3A_204 : vector<1x16xf32> to vector<16xf32>
        %get3A_206 = arith.index_cast %scan3A_202 : i32 to index
        %get3A_207 = arith.constant 0 : index
        %get3A_208 = tpu.vector_load %arg13[%get3A_206, %get3A_207] {strides = array<i32>} : memref<40x128xf32, #tpu.memory_space<vmem>>, vector<1x16xf32>,
        %get3A_209 = vector.shape_cast %get3A_208 : vector<1x16xf32> to vector<16xf32>
        %add3A_210 = arith.addf %get3A_205, %get3A_209 : vector<16xf32>
        %get3A_211 = arith.index_cast %scan3A_202 : i32 to index
        %get3A_212 = arith.constant 0 : index
        %get3A_213 = tpu.vector_load %arg14[%get3A_211, %get3A_212] {strides = array<i32>} : memref<40x128xf32, #tpu.memory_space<vmem>>, vector<1x16xf32>,
        %get3A_214 = vector.shape_cast %get3A_213 : vector<1x16xf32> to vector<16xf32>
        %add3A_215 = arith.addf %add3A_210, %get3A_214 : vector<16xf32>
        %max3A = arith.constant 0.000000e+00 : f32
        %max3A_216 = vector.broadcast %max3A : f32 to vector<16xf32>
        %max3A_217 = arith.maximumf %add3A_215, %max3A_216 : vector<16xf32>
        %swap3A = arith.index_cast %scan3A_202 : i32 to index
        %swap3A_218 = arith.constant 0 : index
        %swap3A_219 = tpu.vector_load %arg15[%swap3A, %swap3A_218] {strides = array<i32>} : memref<40x128xf32, #tpu.memory_space<vmem>>, vector<1x16xf32>,
        %swap3A_220 = vector.shape_cast %swap3A_219 : vector<1x16xf32> to vector<16xf32>
        %swap3A_221 = vector.shape_cast %max3A_217 : vector<16xf32> to vector<1x16xf32>
        tpu.vector_store %arg15[%swap3A, %swap3A_218], %swap3A_221 {strides = array<i32>} : memref<40x128xf32, #tpu.memory_space<vmem>>, vector<1x16xf32>,
        %get3A_222 = arith.index_cast %scan3A_202 : i32 to index
        %get3A_223 = arith.constant 16 : index
        %get3A_224 = tpu.vector_load %arg12[%get3A_222, %get3A_223] {strides = array<i32>} : memref<40x128xf32, #tpu.memory_space<vmem>>, vector<1x16xf32>,
        %get3A_225 = vector.shape_cast %get3A_224 : vector<1x16xf32> to vector<16xf32>
        %get3A_226 = arith.index_cast %scan3A_202 : i32 to index
        %get3A_227 = arith.constant 16 : index
        %get3A_228 = tpu.vector_load %arg13[%get3A_226, %get3A_227] {strides = array<i32>} : memref<40x128xf32, #tpu.memory_space<vmem>>, vector<1x16xf32>,
        %get3A_229 = vector.shape_cast %get3A_228 : vector<1x16xf32> to vector<16xf32>
        %add3A_230 = arith.addf %get3A_225, %get3A_229 : vector<16xf32>
        %get3A_231 = arith.index_cast %scan3A_202 : i32 to index
        %get3A_232 = arith.constant 16 : index
        %get3A_233 = tpu.vector_load %arg14[%get3A_231, %get3A_232] {strides = array<i32>} : memref<40x128xf32, #tpu.memory_space<vmem>>, vector<1x16xf32>,
        %get3A_234 = vector.shape_cast %get3A_233 : vector<1x16xf32> to vector<16xf32>
        %add3A_235 = arith.addf %add3A_230, %get3A_234 : vector<16xf32>
        %max3A_236 = arith.constant 0.000000e+00 : f32
        %max3A_237 = vector.broadcast %max3A_236 : f32 to vector<16xf32>
        %max3A_238 = arith.maximumf %add3A_235, %max3A_237 : vector<16xf32>
        %swap3A_239 = arith.index_cast %scan3A_202 : i32 to index
        %swap3A_240 = arith.constant 16 : index
        %swap3A_241 = tpu.vector_load %arg15[%swap3A_239, %swap3A_240] {strides = array<i32>} : memref<40x128xf32, #tpu.memory_space<vmem>>, vector<1x16xf32>,
        %swap3A_242 = vector.shape_cast %swap3A_241 : vector<1x16xf32> to vector<16xf32>
        %swap3A_243 = vector.shape_cast %max3A_238 : vector<16xf32> to vector<1x16xf32>
        tpu.vector_store %arg15[%swap3A_239, %swap3A_240], %swap3A_243 {strides = array<i32>} : memref<40x128xf32, #tpu.memory_space<vmem>>, vector<1x16xf32>,
        %get3A_244 = arith.index_cast %scan3A_202 : i32 to index
        %get3A_245 = arith.constant 32 : index
        %get3A_246 = tpu.vector_load %arg12[%get3A_244, %get3A_245] {strides = array<i32>} : memref<40x128xf32, #tpu.memory_space<vmem>>, vector<1x16xf32>,
        %get3A_247 = vector.shape_cast %get3A_246 : vector<1x16xf32> to vector<16xf32>
        %get3A_248 = arith.index_cast %scan3A_202 : i32 to index
        %get3A_249 = arith.constant 32 : index
        %get3A_250 = tpu.vector_load %arg13[%get3A_248, %get3A_249] {strides = array<i32>} : memref<40x128xf32, #tpu.memory_space<vmem>>, vector<1x16xf32>,
        %get3A_251 = vector.shape_cast %get3A_250 : vector<1x16xf32> to vector<16xf32>
        %add3A_252 = arith.addf %get3A_247, %get3A_251 : vector<16xf32>
        %get3A_253 = arith.index_cast %scan3A_202 : i32 to index
        %get3A_254 = arith.constant 32 : index
        %get3A_255 = tpu.vector_load %arg14[%get3A_253, %get3A_254] {strides = array<i32>} : memref<40x128xf32, #tpu.memory_space<vmem>>, vector<1x16xf32>,
        %get3A_256 = vector.shape_cast %get3A_255 : vector<1x16xf32> to vector<16xf32>
        %add3A_257 = arith.addf %add3A_252, %get3A_256 : vector<16xf32>
        %max3A_258 = arith.constant 0.000000e+00 : f32
        %max3A_259 = vector.broadcast %max3A_258 : f32 to vector<16xf32>
        %max3A_260 = arith.maximumf %add3A_257, %max3A_259 : vector<16xf32>
        %swap3A_261 = arith.index_cast %scan3A_202 : i32 to index
        %swap3A_262 = arith.constant 32 : index
        %swap3A_263 = tpu.vector_load %arg15[%swap3A_261, %swap3A_262] {strides = array<i32>} : memref<40x128xf32, #tpu.memory_space<vmem>>, vector<1x16xf32>,
        %swap3A_264 = vector.shape_cast %swap3A_263 : vector<1x16xf32> to vector<16xf32>
        %swap3A_265 = vector.shape_cast %max3A_260 : vector<16xf32> to vector<1x16xf32>
        tpu.vector_store %arg15[%swap3A_261, %swap3A_262], %swap3A_265 {strides = array<i32>} : memref<40x128xf32, #tpu.memory_space<vmem>>, vector<1x16xf32>,
        %get3A_266 = arith.index_cast %scan3A_202 : i32 to index
        %get3A_267 = arith.constant 48 : index
        %get3A_268 = tpu.vector_load %arg12[%get3A_266, %get3A_267] {strides = array<i32>} : memref<40x128xf32, #tpu.memory_space<vmem>>, vector<1x16xf32>,
        %get3A_269 = vector.shape_cast %get3A_268 : vector<1x16xf32> to vector<16xf32>
        %get3A_270 = arith.index_cast %scan3A_202 : i32 to index
        %get3A_271 = arith.constant 48 : index
        %get3A_272 = tpu.vector_load %arg13[%get3A_270, %get3A_271] {strides = array<i32>} : memref<40x128xf32, #tpu.memory_space<vmem>>, vector<1x16xf32>,
        %get3A_273 = vector.shape_cast %get3A_272 : vector<1x16xf32> to vector<16xf32>
        %add3A_274 = arith.addf %get3A_269, %get3A_273 : vector<16xf32>
        %get3A_275 = arith.index_cast %scan3A_202 : i32 to index
        %get3A_276 = arith.constant 48 : index
        %get3A_277 = tpu.vector_load %arg14[%get3A_275, %get3A_276] {strides = array<i32>} : memref<40x128xf32, #tpu.memory_space<vmem>>, vector<1x16xf32>,
        %get3A_278 = vector.shape_cast %get3A_277 : vector<1x16xf32> to vector<16xf32>
        %add3A_279 = arith.addf %add3A_274, %get3A_278 : vector<16xf32>
        %max3A_280 = arith.constant 0.000000e+00 : f32
        %max3A_281 = vector.broadcast %max3A_280 : f32 to vector<16xf32>
        %max3A_282 = arith.maximumf %add3A_279, %max3A_281 : vector<16xf32>
        %swap3A_283 = arith.index_cast %scan3A_202 : i32 to index
        %swap3A_284 = arith.constant 48 : index
        %swap3A_285 = tpu.vector_load %arg15[%swap3A_283, %swap3A_284] {strides = array<i32>} : memref<40x128xf32, #tpu.memory_space<vmem>>, vector<1x16xf32>,
        %swap3A_286 = vector.shape_cast %swap3A_285 : vector<1x16xf32> to vector<16xf32>
        %swap3A_287 = vector.shape_cast %max3A_282 : vector<16xf32> to vector<1x16xf32>
        tpu.vector_store %arg15[%swap3A_283, %swap3A_284], %swap3A_287 {strides = array<i32>} : memref<40x128xf32, #tpu.memory_space<vmem>>, vector<1x16xf32>,
        %get3A_288 = arith.index_cast %scan3A_202 : i32 to index
        %get3A_289 = arith.constant 64 : index
        %get3A_290 = tpu.vector_load %arg12[%get3A_288, %get3A_289] {strides = array<i32>} : memref<40x128xf32, #tpu.memory_space<vmem>>, vector<1x16xf32>,
        %get3A_291 = vector.shape_cast %get3A_290 : vector<1x16xf32> to vector<16xf32>
        %get3A_292 = arith.index_cast %scan3A_202 : i32 to index
        %get3A_293 = arith.constant 64 : index
        %get3A_294 = tpu.vector_load %arg13[%get3A_292, %get3A_293] {strides = array<i32>} : memref<40x128xf32, #tpu.memory_space<vmem>>, vector<1x16xf32>,
        %get3A_295 = vector.shape_cast %get3A_294 : vector<1x16xf32> to vector<16xf32>
        %add3A_296 = arith.addf %get3A_291, %get3A_295 : vector<16xf32>
        %get3A_297 = arith.index_cast %scan3A_202 : i32 to index
        %get3A_298 = arith.constant 64 : index
        %get3A_299 = tpu.vector_load %arg14[%get3A_297, %get3A_298] {strides = array<i32>} : memref<40x128xf32, #tpu.memory_space<vmem>>, vector<1x16xf32>,
        %get3A_300 = vector.shape_cast %get3A_299 : vector<1x16xf32> to vector<16xf32>
        %add3A_301 = arith.addf %add3A_296, %get3A_300 : vector<16xf32>
        %max3A_302 = arith.constant 0.000000e+00 : f32
        %max3A_303 = vector.broadcast %max3A_302 : f32 to vector<16xf32>
        %max3A_304 = arith.maximumf %add3A_301, %max3A_303 : vector<16xf32>
        %swap3A_305 = arith.index_cast %scan3A_202 : i32 to index
        %swap3A_306 = arith.constant 64 : index
        %swap3A_307 = tpu.vector_load %arg15[%swap3A_305, %swap3A_306] {strides = array<i32>} : memref<40x128xf32, #tpu.memory_space<vmem>>, vector<1x16xf32>,
        %swap3A_308 = vector.shape_cast %swap3A_307 : vector<1x16xf32> to vector<16xf32>
        %swap3A_309 = vector.shape_cast %max3A_304 : vector<16xf32> to vector<1x16xf32>
        tpu.vector_store %arg15[%swap3A_305, %swap3A_306], %swap3A_309 {strides = array<i32>} : memref<40x128xf32, #tpu.memory_space<vmem>>, vector<1x16xf32>,
        %get3A_310 = arith.index_cast %scan3A_202 : i32 to index
        %get3A_311 = arith.constant 80 : index
        %get3A_312 = tpu.vector_load %arg12[%get3A_310, %get3A_311] {strides = array<i32>} : memref<40x128xf32, #tpu.memory_space<vmem>>, vector<1x16xf32>,
        %get3A_313 = vector.shape_cast %get3A_312 : vector<1x16xf32> to vector<16xf32>
        %get3A_314 = arith.index_cast %scan3A_202 : i32 to index
        %get3A_315 = arith.constant 80 : index
        %get3A_316 = tpu.vector_load %arg13[%get3A_314, %get3A_315] {strides = array<i32>} : memref<40x128xf32, #tpu.memory_space<vmem>>, vector<1x16xf32>,
        %get3A_317 = vector.shape_cast %get3A_316 : vector<1x16xf32> to vector<16xf32>
        %add3A_318 = arith.addf %get3A_313, %get3A_317 : vector<16xf32>
        %get3A_319 = arith.index_cast %scan3A_202 : i32 to index
        %get3A_320 = arith.constant 80 : index
        %get3A_321 = tpu.vector_load %arg14[%get3A_319, %get3A_320] {strides = array<i32>} : memref<40x128xf32, #tpu.memory_space<vmem>>, vector<1x16xf32>,
        %get3A_322 = vector.shape_cast %get3A_321 : vector<1x16xf32> to vector<16xf32>
        %add3A_323 = arith.addf %add3A_318, %get3A_322 : vector<16xf32>
        %max3A_324 = arith.constant 0.000000e+00 : f32
        %max3A_325 = vector.broadcast %max3A_324 : f32 to vector<16xf32>
        %max3A_326 = arith.maximumf %add3A_323, %max3A_325 : vector<16xf32>
        %swap3A_327 = arith.index_cast %scan3A_202 : i32 to index
        %swap3A_328 = arith.constant 80 : index
        %swap3A_329 = tpu.vector_load %arg15[%swap3A_327, %swap3A_328] {strides = array<i32>} : memref<40x128xf32, #tpu.memory_space<vmem>>, vector<1x16xf32>,
        %swap3A_330 = vector.shape_cast %swap3A_329 : vector<1x16xf32> to vector<16xf32>
        %swap3A_331 = vector.shape_cast %max3A_326 : vector<16xf32> to vector<1x16xf32>
        tpu.vector_store %arg15[%swap3A_327, %swap3A_328], %swap3A_331 {strides = array<i32>} : memref<40x128xf32, #tpu.memory_space<vmem>>, vector<1x16xf32>,
        %get3A_332 = arith.index_cast %scan3A_202 : i32 to index
        %get3A_333 = arith.constant 96 : index
        %get3A_334 = tpu.vector_load %arg12[%get3A_332, %get3A_333] {strides = array<i32>} : memref<40x128xf32, #tpu.memory_space<vmem>>, vector<1x16xf32>,
        %get3A_335 = vector.shape_cast %get3A_334 : vector<1x16xf32> to vector<16xf32>
        %get3A_336 = arith.index_cast %scan3A_202 : i32 to index
        %get3A_337 = arith.constant 96 : index
        %get3A_338 = tpu.vector_load %arg13[%get3A_336, %get3A_337] {strides = array<i32>} : memref<40x128xf32, #tpu.memory_space<vmem>>, vector<1x16xf32>,
        %get3A_339 = vector.shape_cast %get3A_338 : vector<1x16xf32> to vector<16xf32>
        %add3A_340 = arith.addf %get3A_335, %get3A_339 : vector<16xf32>
        %get3A_341 = arith.index_cast %scan3A_202 : i32 to index
        %get3A_342 = arith.constant 96 : index
        %get3A_343 = tpu.vector_load %arg14[%get3A_341, %get3A_342] {strides = array<i32>} : memref<40x128xf32, #tpu.memory_space<vmem>>, vector<1x16xf32>,
        %get3A_344 = vector.shape_cast %get3A_343 : vector<1x16xf32> to vector<16xf32>
        %add3A_345 = arith.addf %add3A_340, %get3A_344 : vector<16xf32>
        %max3A_346 = arith.constant 0.000000e+00 : f32
        %max3A_347 = vector.broadcast %max3A_346 : f32 to vector<16xf32>
        %max3A_348 = arith.maximumf %add3A_345, %max3A_347 : vector<16xf32>
        %swap3A_349 = arith.index_cast %scan3A_202 : i32 to index
        %swap3A_350 = arith.constant 96 : index
        %swap3A_351 = tpu.vector_load %arg15[%swap3A_349, %swap3A_350] {strides = array<i32>} : memref<40x128xf32, #tpu.memory_space<vmem>>, vector<1x16xf32>,
        %swap3A_352 = vector.shape_cast %swap3A_351 : vector<1x16xf32> to vector<16xf32>
        %swap3A_353 = vector.shape_cast %max3A_348 : vector<16xf32> to vector<1x16xf32>
        tpu.vector_store %arg15[%swap3A_349, %swap3A_350], %swap3A_353 {strides = array<i32>} : memref<40x128xf32, #tpu.memory_space<vmem>>, vector<1x16xf32>,
        %get3A_354 = arith.index_cast %scan3A_202 : i32 to index
        %get3A_355 = arith.constant 112 : index
        %get3A_356 = tpu.vector_load %arg12[%get3A_354, %get3A_355] {strides = array<i32>} : memref<40x128xf32, #tpu.memory_space<vmem>>, vector<1x16xf32>,
        %get3A_357 = vector.shape_cast %get3A_356 : vector<1x16xf32> to vector<16xf32>
        %get3A_358 = arith.index_cast %scan3A_202 : i32 to index
        %get3A_359 = arith.constant 112 : index
        %get3A_360 = tpu.vector_load %arg13[%get3A_358, %get3A_359] {strides = array<i32>} : memref<40x128xf32, #tpu.memory_space<vmem>>, vector<1x16xf32>,
        %get3A_361 = vector.shape_cast %get3A_360 : vector<1x16xf32> to vector<16xf32>
        %add3A_362 = arith.addf %get3A_357, %get3A_361 : vector<16xf32>
        %get3A_363 = arith.index_cast %scan3A_202 : i32 to index
        %get3A_364 = arith.constant 112 : index
        %get3A_365 = tpu.vector_load %arg14[%get3A_363, %get3A_364] {strides = array<i32>} : memref<40x128xf32, #tpu.memory_space<vmem>>, vector<1x16xf32>,
        %get3A_366 = vector.shape_cast %get3A_365 : vector<1x16xf32> to vector<16xf32>
        %add3A_367 = arith.addf %add3A_362, %get3A_366 : vector<16xf32>
        %max3A_368 = arith.constant 0.000000e+00 : f32
        %max3A_369 = vector.broadcast %max3A_368 : f32 to vector<16xf32>
        %max3A_370 = arith.maximumf %add3A_367, %max3A_369 : vector<16xf32>
        %swap3A_371 = arith.index_cast %scan3A_202 : i32 to index
        %swap3A_372 = arith.constant 112 : index
        %swap3A_373 = tpu.vector_load %arg15[%swap3A_371, %swap3A_372] {strides = array<i32>} : memref<40x128xf32, #tpu.memory_space<vmem>>, vector<1x16xf32>,
        %swap3A_374 = vector.shape_cast %swap3A_373 : vector<1x16xf32> to vector<16xf32>
        %swap3A_375 = vector.shape_cast %max3A_370 : vector<16xf32> to vector<1x16xf32>
        tpu.vector_store %arg15[%swap3A_371, %swap3A_372], %swap3A_375 {strides = array<i32>} : memref<40x128xf32, #tpu.memory_space<vmem>>, vector<1x16xf32>,
      }
      %scan3A_147 = arith.constant 40 : i32
      "tpu.region"() ({
        %run_scoped3A = tpu.sem_alloc : memref<!tpu.dma_semaphore, #tpu.memory_space<semaphore_mem>>
        %dma_start3A_202 = arith.constant 0 : i32
        %dma_start3A_203 = arith.constant 0 : i32
        %dma_start3A_204 = tpu.memref_slice %arg20[%dma_start3A_202, %dma_start3A_203] : memref<10000x128xf32, #tpu.memory_space<vmem_shared>> -> memref<10000x128xf32, #tpu.memory_space<vmem_shared>>
        tpu.enqueue_indirect_dma source(%arg15 : memref<40x128xf32, #tpu.memory_space<vmem>>) target(%dma_start3A_204 : memref<10000x128xf32, #tpu.memory_space<vmem_shared>>) offsets(%arg8 : memref<40xi32, #tpu.memory_space<vmem>>) semaphore(%run_scoped3A : memref<!tpu.dma_semaphore, #tpu.memory_space<semaphore_mem>>) {add = true}
        %dma_wait3A_205 = arith.constant 0 : i32
        %dma_wait3A_206 = arith.constant 0 : i32
        %dma_wait3A_207 = tpu.memref_slice %arg20[%dma_wait3A_205, %dma_wait3A_206] : memref<10000x128xf32, #tpu.memory_space<vmem_shared>> -> memref<10000x128xf32, #tpu.memory_space<vmem_shared>>
        tpu.wait_indirect_dma semaphore(%run_scoped3A : memref<!tpu.dma_semaphore, #tpu.memory_space<semaphore_mem>>) src(%arg15 : memref<40x128xf32, #tpu.memory_space<vmem>>) dst(%dma_wait3A_207 : memref<10000x128xf32, #tpu.memory_space<vmem_shared>>)
        tpu.yield
      }) : () -> ()
      "tpu.region"() ({
        %run_scoped3A = tpu.sem_alloc : memref<!tpu.dma_semaphore, #tpu.memory_space<semaphore_mem>>
        %dma_start3A_202 = arith.constant 0 : i32
        %dma_start3A_203 = arith.constant 0 : i32
        %dma_start3A_204 = tpu.memref_slice %arg20[%dma_start3A_202, %dma_start3A_203] : memref<10000x128xf32, #tpu.memory_space<vmem_shared>> -> memref<10000x128xf32, #tpu.memory_space<vmem_shared>>
        tpu.enqueue_indirect_dma source(%arg15 : memref<40x128xf32, #tpu.memory_space<vmem>>) target(%dma_start3A_204 : memref<10000x128xf32, #tpu.memory_space<vmem_shared>>) offsets(%arg9 : memref<40xi32, #tpu.memory_space<vmem>>) semaphore(%run_scoped3A : memref<!tpu.dma_semaphore, #tpu.memory_space<semaphore_mem>>) {add = true}
        %dma_wait3A_205 = arith.constant 0 : i32
        %dma_wait3A_206 = arith.constant 0 : i32
        %dma_wait3A_207 = tpu.memref_slice %arg20[%dma_wait3A_205, %dma_wait3A_206] : memref<10000x128xf32, #tpu.memory_space<vmem_shared>> -> memref<10000x128xf32, #tpu.memory_space<vmem_shared>>
        tpu.wait_indirect_dma semaphore(%run_scoped3A : memref<!tpu.dma_semaphore, #tpu.memory_space<semaphore_mem>>) src(%arg15 : memref<40x128xf32, #tpu.memory_space<vmem>>) dst(%dma_wait3A_207 : memref<10000x128xf32, #tpu.memory_space<vmem_shared>>)
        tpu.yield
      }) : () -> ()
      %lt3A = arith.constant 248 : i32
      %lt3A_148 = arith.cmpi slt, %mul3A_106, %lt3A : i32
      %convert_element_type3A_149 = arith.extui %lt3A_148 : i1 to i32
      %cond3A_150 = arith.constant 0 : i32
      %cond3A_151 = arith.cmpi ne, %convert_element_type3A_149, %cond3A_150 : i32
      scf.if %cond3A_151 {
        %add3A_202 = arith.constant 2 : i32
        %add3A_203 = arith.addi %mul3A_106, %add3A_202 : i32
        %mul3A_204 = arith.constant 40 : i32
        %mul3A_205 = arith.muli %add3A_203, %mul3A_204 : i32
        %add3A_206 = arith.addi %mul3A_6, %mul3A_205 : i32
        %dma_start3A_207 = tpu.memref_slice %arg4[%add3A_206] : memref<320000xi32, #tpu.memory_space<hbm>> -> memref<40xi32, #tpu.memory_space<hbm>>
        %dma_start3A_208 = tpu.memref_slice %arg4[%add3A_206] : memref<320000xi32, #tpu.memory_space<hbm>> -> memref<40xi32, #tpu.memory_space<hbm>>
        tpu.enqueue_dma source(%dma_start3A_208 : memref<40xi32, #tpu.memory_space<hbm>>) target(%arg8 : memref<40xi32, #tpu.memory_space<vmem>>) target_semaphore(%arg23 : memref<!tpu.dma_semaphore, #tpu.memory_space<semaphore_mem>>)
        %dma_start3A_209 = tpu.memref_slice %arg5[%add3A_206] : memref<320000xi32, #tpu.memory_space<hbm>> -> memref<40xi32, #tpu.memory_space<hbm>>
        %dma_start3A_210 = tpu.memref_slice %arg5[%add3A_206] : memref<320000xi32, #tpu.memory_space<hbm>> -> memref<40xi32, #tpu.memory_space<hbm>>
        tpu.enqueue_dma source(%dma_start3A_210 : memref<40xi32, #tpu.memory_space<hbm>>) target(%arg9 : memref<40xi32, #tpu.memory_space<vmem>>) target_semaphore(%arg23 : memref<!tpu.dma_semaphore, #tpu.memory_space<semaphore_mem>>)
      } else {
      }
      %mul3A_152 = arith.constant 2 : i32
      %mul3A_153 = arith.muli %mul3A_152, %scan3A_104 : i32
      %add3A_154 = arith.constant 1 : i32
      %add3A_155 = arith.addi %mul3A_153, %add3A_154 : i32
      %dma_wait3A_156 = arith.constant 0 : i32
      %dma_wait3A_157 = arith.constant 0 : i32
      %dma_wait3A_158 = tpu.memref_slice %arg2[%dma_wait3A_156, %dma_wait3A_157] : memref<10000x128xf32, #tpu.memory_space<hbm>> -> memref<10000x128xf32, #tpu.memory_space<hbm>>
      tpu.wait_indirect_dma semaphore(%arg22 : memref<!tpu.dma_semaphore, #tpu.memory_space<semaphore_mem>>) src(%dma_wait3A_158 : memref<10000x128xf32, #tpu.memory_space<hbm>>) dst(%arg16 : memref<40x128xf32, #tpu.memory_space<vmem>>)
      %dma_wait3A_159 = arith.constant 0 : i32
      %dma_wait3A_160 = arith.constant 0 : i32
      %dma_wait3A_161 = tpu.memref_slice %arg2[%dma_wait3A_159, %dma_wait3A_160] : memref<10000x128xf32, #tpu.memory_space<hbm>> -> memref<10000x128xf32, #tpu.memory_space<hbm>>
      tpu.wait_indirect_dma semaphore(%arg22 : memref<!tpu.dma_semaphore, #tpu.memory_space<semaphore_mem>>) src(%dma_wait3A_161 : memref<10000x128xf32, #tpu.memory_space<hbm>>) dst(%arg17 : memref<40x128xf32, #tpu.memory_space<vmem>>)
      %dma_wait3A_162 = arith.constant 0 : i32
      %dma_wait3A_163 = arith.constant 0 : i32
      %dma_wait3A_164 = tpu.memref_slice %arg3[%dma_wait3A_162, %dma_wait3A_163] : memref<320000x128xf32, #tpu.memory_space<hbm>> -> memref<40x128xf32, #tpu.memory_space<hbm>>
      %dma_wait3A_165 = arith.constant 0 : i32
      %dma_wait3A_166 = arith.constant 0 : i32
      %dma_wait3A_167 = tpu.memref_slice %arg3[%dma_wait3A_165, %dma_wait3A_166] : memref<320000x128xf32, #tpu.memory_space<hbm>> -> memref<40x128xf32, #tpu.memory_space<hbm>>
      tpu.wait_dma2 semaphore(%arg22 : memref<!tpu.dma_semaphore, #tpu.memory_space<semaphore_mem>>) src(%dma_wait3A_167 : memref<40x128xf32, #tpu.memory_space<hbm>>) dst(%arg18 : memref<40x128xf32, #tpu.memory_space<vmem>>)
      %dma_wait3A_168 = arith.constant 0 : i32
      %dma_wait3A_169 = tpu.memref_slice %arg4[%dma_wait3A_168] : memref<320000xi32, #tpu.memory_space<hbm>> -> memref<40xi32, #tpu.memory_space<hbm>>
      %dma_wait3A_170 = arith.constant 0 : i32
      %dma_wait3A_171 = tpu.memref_slice %arg4[%dma_wait3A_170] : memref<320000xi32, #tpu.memory_space<hbm>> -> memref<40xi32, #tpu.memory_space<hbm>>
      tpu.wait_dma2 semaphore(%arg23 : memref<!tpu.dma_semaphore, #tpu.memory_space<semaphore_mem>>) src(%dma_wait3A_171 : memref<40xi32, #tpu.memory_space<hbm>>) dst(%arg8 : memref<40xi32, #tpu.memory_space<vmem>>)
      %dma_wait3A_172 = arith.constant 0 : i32
      %dma_wait3A_173 = tpu.memref_slice %arg5[%dma_wait3A_172] : memref<320000xi32, #tpu.memory_space<hbm>> -> memref<40xi32, #tpu.memory_space<hbm>>
      %dma_wait3A_174 = arith.constant 0 : i32
      %dma_wait3A_175 = tpu.memref_slice %arg5[%dma_wait3A_174] : memref<320000xi32, #tpu.memory_space<hbm>> -> memref<40xi32, #tpu.memory_space<hbm>>
      tpu.wait_dma2 semaphore(%arg23 : memref<!tpu.dma_semaphore, #tpu.memory_space<semaphore_mem>>) src(%dma_wait3A_175 : memref<40xi32, #tpu.memory_space<hbm>>) dst(%arg9 : memref<40xi32, #tpu.memory_space<vmem>>)
      %add3A_176 = arith.constant 1 : i32
      %add3A_177 = arith.addi %add3A_155, %add3A_176 : i32
      %mul3A_178 = arith.constant 40 : i32
      %mul3A_179 = arith.muli %add3A_177, %mul3A_178 : i32
      %add3A_180 = arith.addi %mul3A_6, %mul3A_179 : i32
      %dma_start3A_181 = arith.constant 0 : i32
      %dma_start3A_182 = arith.constant 0 : i32
      %dma_start3A_183 = tpu.memref_slice %arg2[%dma_start3A_181, %dma_start3A_182] : memref<10000x128xf32, #tpu.memory_space<hbm>> -> memref<10000x128xf32, #tpu.memory_space<hbm>>
      tpu.enqueue_indirect_dma source(%dma_start3A_183 : memref<10000x128xf32, #tpu.memory_space<hbm>>) target(%arg12 : memref<40x128xf32, #tpu.memory_space<vmem>>) offsets(%arg8 : memref<40xi32, #tpu.memory_space<vmem>>) semaphore(%arg21 : memref<!tpu.dma_semaphore, #tpu.memory_space<semaphore_mem>>)
      %dma_start3A_184 = arith.constant 0 : i32
      %dma_start3A_185 = arith.constant 0 : i32
      %dma_start3A_186 = tpu.memref_slice %arg2[%dma_start3A_184, %dma_start3A_185] : memref<10000x128xf32, #tpu.memory_space<hbm>> -> memref<10000x128xf32, #tpu.memory_space<hbm>>
      tpu.enqueue_indirect_dma source(%dma_start3A_186 : memref<10000x128xf32, #tpu.memory_space<hbm>>) target(%arg13 : memref<40x128xf32, #tpu.memory_space<vmem>>) offsets(%arg9 : memref<40xi32, #tpu.memory_space<vmem>>) semaphore(%arg21 : memref<!tpu.dma_semaphore, #tpu.memory_space<semaphore_mem>>)
      %dma_start3A_187 = arith.constant 0 : i32
      %dma_start3A_188 = tpu.memref_slice %arg3[%add3A_180, %dma_start3A_187] : memref<320000x128xf32, #tpu.memory_space<hbm>> -> memref<40x128xf32, #tpu.memory_space<hbm>>
      %dma_start3A_189 = arith.constant 0 : i32
      %dma_start3A_190 = tpu.memref_slice %arg3[%add3A_180, %dma_start3A_189] : memref<320000x128xf32, #tpu.memory_space<hbm>> -> memref<40x128xf32, #tpu.memory_space<hbm>>
      tpu.enqueue_dma source(%dma_start3A_190 : memref<40x128xf32, #tpu.memory_space<hbm>>) target(%arg14 : memref<40x128xf32, #tpu.memory_space<vmem>>) target_semaphore(%arg21 : memref<!tpu.dma_semaphore, #tpu.memory_space<semaphore_mem>>)
      %scan3A_191 = arith.constant 0 : i32
      %scan3A_192 = arith.constant 0 : i32
      %scan3A_193 = arith.constant 40 : i32
      %scan3A_194 = arith.addi %scan3A_192, %scan3A_193 : i32
      %scan3A_195 = arith.constant 1 : i32
      scf.for %scan3A_202 = %scan3A_192 to %scan3A_194 step %scan3A_195  : i32 {
        %get3A = arith.index_cast %scan3A_202 : i32 to index
        %get3A_203 = arith.constant 0 : index
        %get3A_204 = tpu.vector_load %arg16[%get3A, %get3A_203] {strides = array<i32>} : memref<40x128xf32, #tpu.memory_space<vmem>>, vector<1x16xf32>,
        %get3A_205 = vector.shape_cast %get3A_204 : vector<1x16xf32> to vector<16xf32>
        %get3A_206 = arith.index_cast %scan3A_202 : i32 to index
        %get3A_207 = arith.constant 0 : index
        %get3A_208 = tpu.vector_load %arg17[%get3A_206, %get3A_207] {strides = array<i32>} : memref<40x128xf32, #tpu.memory_space<vmem>>, vector<1x16xf32>,
        %get3A_209 = vector.shape_cast %get3A_208 : vector<1x16xf32> to vector<16xf32>
        %add3A_210 = arith.addf %get3A_205, %get3A_209 : vector<16xf32>
        %get3A_211 = arith.index_cast %scan3A_202 : i32 to index
        %get3A_212 = arith.constant 0 : index
        %get3A_213 = tpu.vector_load %arg18[%get3A_211, %get3A_212] {strides = array<i32>} : memref<40x128xf32, #tpu.memory_space<vmem>>, vector<1x16xf32>,
        %get3A_214 = vector.shape_cast %get3A_213 : vector<1x16xf32> to vector<16xf32>
        %add3A_215 = arith.addf %add3A_210, %get3A_214 : vector<16xf32>
        %max3A = arith.constant 0.000000e+00 : f32
        %max3A_216 = vector.broadcast %max3A : f32 to vector<16xf32>
        %max3A_217 = arith.maximumf %add3A_215, %max3A_216 : vector<16xf32>
        %swap3A = arith.index_cast %scan3A_202 : i32 to index
        %swap3A_218 = arith.constant 0 : index
        %swap3A_219 = tpu.vector_load %arg19[%swap3A, %swap3A_218] {strides = array<i32>} : memref<40x128xf32, #tpu.memory_space<vmem>>, vector<1x16xf32>,
        %swap3A_220 = vector.shape_cast %swap3A_219 : vector<1x16xf32> to vector<16xf32>
        %swap3A_221 = vector.shape_cast %max3A_217 : vector<16xf32> to vector<1x16xf32>
        tpu.vector_store %arg19[%swap3A, %swap3A_218], %swap3A_221 {strides = array<i32>} : memref<40x128xf32, #tpu.memory_space<vmem>>, vector<1x16xf32>,
        %get3A_222 = arith.index_cast %scan3A_202 : i32 to index
        %get3A_223 = arith.constant 16 : index
        %get3A_224 = tpu.vector_load %arg16[%get3A_222, %get3A_223] {strides = array<i32>} : memref<40x128xf32, #tpu.memory_space<vmem>>, vector<1x16xf32>,
        %get3A_225 = vector.shape_cast %get3A_224 : vector<1x16xf32> to vector<16xf32>
        %get3A_226 = arith.index_cast %scan3A_202 : i32 to index
        %get3A_227 = arith.constant 16 : index
        %get3A_228 = tpu.vector_load %arg17[%get3A_226, %get3A_227] {strides = array<i32>} : memref<40x128xf32, #tpu.memory_space<vmem>>, vector<1x16xf32>,
        %get3A_229 = vector.shape_cast %get3A_228 : vector<1x16xf32> to vector<16xf32>
        %add3A_230 = arith.addf %get3A_225, %get3A_229 : vector<16xf32>
        %get3A_231 = arith.index_cast %scan3A_202 : i32 to index
        %get3A_232 = arith.constant 16 : index
        %get3A_233 = tpu.vector_load %arg18[%get3A_231, %get3A_232] {strides = array<i32>} : memref<40x128xf32, #tpu.memory_space<vmem>>, vector<1x16xf32>,
        %get3A_234 = vector.shape_cast %get3A_233 : vector<1x16xf32> to vector<16xf32>
        %add3A_235 = arith.addf %add3A_230, %get3A_234 : vector<16xf32>
        %max3A_236 = arith.constant 0.000000e+00 : f32
        %max3A_237 = vector.broadcast %max3A_236 : f32 to vector<16xf32>
        %max3A_238 = arith.maximumf %add3A_235, %max3A_237 : vector<16xf32>
        %swap3A_239 = arith.index_cast %scan3A_202 : i32 to index
        %swap3A_240 = arith.constant 16 : index
        %swap3A_241 = tpu.vector_load %arg19[%swap3A_239, %swap3A_240] {strides = array<i32>} : memref<40x128xf32, #tpu.memory_space<vmem>>, vector<1x16xf32>,
        %swap3A_242 = vector.shape_cast %swap3A_241 : vector<1x16xf32> to vector<16xf32>
        %swap3A_243 = vector.shape_cast %max3A_238 : vector<16xf32> to vector<1x16xf32>
        tpu.vector_store %arg19[%swap3A_239, %swap3A_240], %swap3A_243 {strides = array<i32>} : memref<40x128xf32, #tpu.memory_space<vmem>>, vector<1x16xf32>,
        %get3A_244 = arith.index_cast %scan3A_202 : i32 to index
        %get3A_245 = arith.constant 32 : index
        %get3A_246 = tpu.vector_load %arg16[%get3A_244, %get3A_245] {strides = array<i32>} : memref<40x128xf32, #tpu.memory_space<vmem>>, vector<1x16xf32>,
        %get3A_247 = vector.shape_cast %get3A_246 : vector<1x16xf32> to vector<16xf32>
        %get3A_248 = arith.index_cast %scan3A_202 : i32 to index
        %get3A_249 = arith.constant 32 : index
        %get3A_250 = tpu.vector_load %arg17[%get3A_248, %get3A_249] {strides = array<i32>} : memref<40x128xf32, #tpu.memory_space<vmem>>, vector<1x16xf32>,
        %get3A_251 = vector.shape_cast %get3A_250 : vector<1x16xf32> to vector<16xf32>
        %add3A_252 = arith.addf %get3A_247, %get3A_251 : vector<16xf32>
        %get3A_253 = arith.index_cast %scan3A_202 : i32 to index
        %get3A_254 = arith.constant 32 : index
        %get3A_255 = tpu.vector_load %arg18[%get3A_253, %get3A_254] {strides = array<i32>} : memref<40x128xf32, #tpu.memory_space<vmem>>, vector<1x16xf32>,
        %get3A_256 = vector.shape_cast %get3A_255 : vector<1x16xf32> to vector<16xf32>
        %add3A_257 = arith.addf %add3A_252, %get3A_256 : vector<16xf32>
        %max3A_258 = arith.constant 0.000000e+00 : f32
        %max3A_259 = vector.broadcast %max3A_258 : f32 to vector<16xf32>
        %max3A_260 = arith.maximumf %add3A_257, %max3A_259 : vector<16xf32>
        %swap3A_261 = arith.index_cast %scan3A_202 : i32 to index
        %swap3A_262 = arith.constant 32 : index
        %swap3A_263 = tpu.vector_load %arg19[%swap3A_261, %swap3A_262] {strides = array<i32>} : memref<40x128xf32, #tpu.memory_space<vmem>>, vector<1x16xf32>,
        %swap3A_264 = vector.shape_cast %swap3A_263 : vector<1x16xf32> to vector<16xf32>
        %swap3A_265 = vector.shape_cast %max3A_260 : vector<16xf32> to vector<1x16xf32>
        tpu.vector_store %arg19[%swap3A_261, %swap3A_262], %swap3A_265 {strides = array<i32>} : memref<40x128xf32, #tpu.memory_space<vmem>>, vector<1x16xf32>,
        %get3A_266 = arith.index_cast %scan3A_202 : i32 to index
        %get3A_267 = arith.constant 48 : index
        %get3A_268 = tpu.vector_load %arg16[%get3A_266, %get3A_267] {strides = array<i32>} : memref<40x128xf32, #tpu.memory_space<vmem>>, vector<1x16xf32>,
        %get3A_269 = vector.shape_cast %get3A_268 : vector<1x16xf32> to vector<16xf32>
        %get3A_270 = arith.index_cast %scan3A_202 : i32 to index
        %get3A_271 = arith.constant 48 : index
        %get3A_272 = tpu.vector_load %arg17[%get3A_270, %get3A_271] {strides = array<i32>} : memref<40x128xf32, #tpu.memory_space<vmem>>, vector<1x16xf32>,
        %get3A_273 = vector.shape_cast %get3A_272 : vector<1x16xf32> to vector<16xf32>
        %add3A_274 = arith.addf %get3A_269, %get3A_273 : vector<16xf32>
        %get3A_275 = arith.index_cast %scan3A_202 : i32 to index
        %get3A_276 = arith.constant 48 : index
        %get3A_277 = tpu.vector_load %arg18[%get3A_275, %get3A_276] {strides = array<i32>} : memref<40x128xf32, #tpu.memory_space<vmem>>, vector<1x16xf32>,
        %get3A_278 = vector.shape_cast %get3A_277 : vector<1x16xf32> to vector<16xf32>
        %add3A_279 = arith.addf %add3A_274, %get3A_278 : vector<16xf32>
        %max3A_280 = arith.constant 0.000000e+00 : f32
        %max3A_281 = vector.broadcast %max3A_280 : f32 to vector<16xf32>
        %max3A_282 = arith.maximumf %add3A_279, %max3A_281 : vector<16xf32>
        %swap3A_283 = arith.index_cast %scan3A_202 : i32 to index
        %swap3A_284 = arith.constant 48 : index
        %swap3A_285 = tpu.vector_load %arg19[%swap3A_283, %swap3A_284] {strides = array<i32>} : memref<40x128xf32, #tpu.memory_space<vmem>>, vector<1x16xf32>,
        %swap3A_286 = vector.shape_cast %swap3A_285 : vector<1x16xf32> to vector<16xf32>
        %swap3A_287 = vector.shape_cast %max3A_282 : vector<16xf32> to vector<1x16xf32>
        tpu.vector_store %arg19[%swap3A_283, %swap3A_284], %swap3A_287 {strides = array<i32>} : memref<40x128xf32, #tpu.memory_space<vmem>>, vector<1x16xf32>,
        %get3A_288 = arith.index_cast %scan3A_202 : i32 to index
        %get3A_289 = arith.constant 64 : index
        %get3A_290 = tpu.vector_load %arg16[%get3A_288, %get3A_289] {strides = array<i32>} : memref<40x128xf32, #tpu.memory_space<vmem>>, vector<1x16xf32>,
        %get3A_291 = vector.shape_cast %get3A_290 : vector<1x16xf32> to vector<16xf32>
        %get3A_292 = arith.index_cast %scan3A_202 : i32 to index
        %get3A_293 = arith.constant 64 : index
        %get3A_294 = tpu.vector_load %arg17[%get3A_292, %get3A_293] {strides = array<i32>} : memref<40x128xf32, #tpu.memory_space<vmem>>, vector<1x16xf32>,
        %get3A_295 = vector.shape_cast %get3A_294 : vector<1x16xf32> to vector<16xf32>
        %add3A_296 = arith.addf %get3A_291, %get3A_295 : vector<16xf32>
        %get3A_297 = arith.index_cast %scan3A_202 : i32 to index
        %get3A_298 = arith.constant 64 : index
        %get3A_299 = tpu.vector_load %arg18[%get3A_297, %get3A_298] {strides = array<i32>} : memref<40x128xf32, #tpu.memory_space<vmem>>, vector<1x16xf32>,
        %get3A_300 = vector.shape_cast %get3A_299 : vector<1x16xf32> to vector<16xf32>
        %add3A_301 = arith.addf %add3A_296, %get3A_300 : vector<16xf32>
        %max3A_302 = arith.constant 0.000000e+00 : f32
        %max3A_303 = vector.broadcast %max3A_302 : f32 to vector<16xf32>
        %max3A_304 = arith.maximumf %add3A_301, %max3A_303 : vector<16xf32>
        %swap3A_305 = arith.index_cast %scan3A_202 : i32 to index
        %swap3A_306 = arith.constant 64 : index
        %swap3A_307 = tpu.vector_load %arg19[%swap3A_305, %swap3A_306] {strides = array<i32>} : memref<40x128xf32, #tpu.memory_space<vmem>>, vector<1x16xf32>,
        %swap3A_308 = vector.shape_cast %swap3A_307 : vector<1x16xf32> to vector<16xf32>
        %swap3A_309 = vector.shape_cast %max3A_304 : vector<16xf32> to vector<1x16xf32>
        tpu.vector_store %arg19[%swap3A_305, %swap3A_306], %swap3A_309 {strides = array<i32>} : memref<40x128xf32, #tpu.memory_space<vmem>>, vector<1x16xf32>,
        %get3A_310 = arith.index_cast %scan3A_202 : i32 to index
        %get3A_311 = arith.constant 80 : index
        %get3A_312 = tpu.vector_load %arg16[%get3A_310, %get3A_311] {strides = array<i32>} : memref<40x128xf32, #tpu.memory_space<vmem>>, vector<1x16xf32>,
        %get3A_313 = vector.shape_cast %get3A_312 : vector<1x16xf32> to vector<16xf32>
        %get3A_314 = arith.index_cast %scan3A_202 : i32 to index
        %get3A_315 = arith.constant 80 : index
        %get3A_316 = tpu.vector_load %arg17[%get3A_314, %get3A_315] {strides = array<i32>} : memref<40x128xf32, #tpu.memory_space<vmem>>, vector<1x16xf32>,
        %get3A_317 = vector.shape_cast %get3A_316 : vector<1x16xf32> to vector<16xf32>
        %add3A_318 = arith.addf %get3A_313, %get3A_317 : vector<16xf32>
        %get3A_319 = arith.index_cast %scan3A_202 : i32 to index
        %get3A_320 = arith.constant 80 : index
        %get3A_321 = tpu.vector_load %arg18[%get3A_319, %get3A_320] {strides = array<i32>} : memref<40x128xf32, #tpu.memory_space<vmem>>, vector<1x16xf32>,
        %get3A_322 = vector.shape_cast %get3A_321 : vector<1x16xf32> to vector<16xf32>
        %add3A_323 = arith.addf %add3A_318, %get3A_322 : vector<16xf32>
        %max3A_324 = arith.constant 0.000000e+00 : f32
        %max3A_325 = vector.broadcast %max3A_324 : f32 to vector<16xf32>
        %max3A_326 = arith.maximumf %add3A_323, %max3A_325 : vector<16xf32>
        %swap3A_327 = arith.index_cast %scan3A_202 : i32 to index
        %swap3A_328 = arith.constant 80 : index
        %swap3A_329 = tpu.vector_load %arg19[%swap3A_327, %swap3A_328] {strides = array<i32>} : memref<40x128xf32, #tpu.memory_space<vmem>>, vector<1x16xf32>,
        %swap3A_330 = vector.shape_cast %swap3A_329 : vector<1x16xf32> to vector<16xf32>
        %swap3A_331 = vector.shape_cast %max3A_326 : vector<16xf32> to vector<1x16xf32>
        tpu.vector_store %arg19[%swap3A_327, %swap3A_328], %swap3A_331 {strides = array<i32>} : memref<40x128xf32, #tpu.memory_space<vmem>>, vector<1x16xf32>,
        %get3A_332 = arith.index_cast %scan3A_202 : i32 to index
        %get3A_333 = arith.constant 96 : index
        %get3A_334 = tpu.vector_load %arg16[%get3A_332, %get3A_333] {strides = array<i32>} : memref<40x128xf32, #tpu.memory_space<vmem>>, vector<1x16xf32>,
        %get3A_335 = vector.shape_cast %get3A_334 : vector<1x16xf32> to vector<16xf32>
        %get3A_336 = arith.index_cast %scan3A_202 : i32 to index
        %get3A_337 = arith.constant 96 : index
        %get3A_338 = tpu.vector_load %arg17[%get3A_336, %get3A_337] {strides = array<i32>} : memref<40x128xf32, #tpu.memory_space<vmem>>, vector<1x16xf32>,
        %get3A_339 = vector.shape_cast %get3A_338 : vector<1x16xf32> to vector<16xf32>
        %add3A_340 = arith.addf %get3A_335, %get3A_339 : vector<16xf32>
        %get3A_341 = arith.index_cast %scan3A_202 : i32 to index
        %get3A_342 = arith.constant 96 : index
        %get3A_343 = tpu.vector_load %arg18[%get3A_341, %get3A_342] {strides = array<i32>} : memref<40x128xf32, #tpu.memory_space<vmem>>, vector<1x16xf32>,
        %get3A_344 = vector.shape_cast %get3A_343 : vector<1x16xf32> to vector<16xf32>
        %add3A_345 = arith.addf %add3A_340, %get3A_344 : vector<16xf32>
        %max3A_346 = arith.constant 0.000000e+00 : f32
        %max3A_347 = vector.broadcast %max3A_346 : f32 to vector<16xf32>
        %max3A_348 = arith.maximumf %add3A_345, %max3A_347 : vector<16xf32>
        %swap3A_349 = arith.index_cast %scan3A_202 : i32 to index
        %swap3A_350 = arith.constant 96 : index
        %swap3A_351 = tpu.vector_load %arg19[%swap3A_349, %swap3A_350] {strides = array<i32>} : memref<40x128xf32, #tpu.memory_space<vmem>>, vector<1x16xf32>,
        %swap3A_352 = vector.shape_cast %swap3A_351 : vector<1x16xf32> to vector<16xf32>
        %swap3A_353 = vector.shape_cast %max3A_348 : vector<16xf32> to vector<1x16xf32>
        tpu.vector_store %arg19[%swap3A_349, %swap3A_350], %swap3A_353 {strides = array<i32>} : memref<40x128xf32, #tpu.memory_space<vmem>>, vector<1x16xf32>,
        %get3A_354 = arith.index_cast %scan3A_202 : i32 to index
        %get3A_355 = arith.constant 112 : index
        %get3A_356 = tpu.vector_load %arg16[%get3A_354, %get3A_355] {strides = array<i32>} : memref<40x128xf32, #tpu.memory_space<vmem>>, vector<1x16xf32>,
        %get3A_357 = vector.shape_cast %get3A_356 : vector<1x16xf32> to vector<16xf32>
        %get3A_358 = arith.index_cast %scan3A_202 : i32 to index
        %get3A_359 = arith.constant 112 : index
        %get3A_360 = tpu.vector_load %arg17[%get3A_358, %get3A_359] {strides = array<i32>} : memref<40x128xf32, #tpu.memory_space<vmem>>, vector<1x16xf32>,
        %get3A_361 = vector.shape_cast %get3A_360 : vector<1x16xf32> to vector<16xf32>
        %add3A_362 = arith.addf %get3A_357, %get3A_361 : vector<16xf32>
        %get3A_363 = arith.index_cast %scan3A_202 : i32 to index
        %get3A_364 = arith.constant 112 : index
        %get3A_365 = tpu.vector_load %arg18[%get3A_363, %get3A_364] {strides = array<i32>} : memref<40x128xf32, #tpu.memory_space<vmem>>, vector<1x16xf32>,
        %get3A_366 = vector.shape_cast %get3A_365 : vector<1x16xf32> to vector<16xf32>
        %add3A_367 = arith.addf %add3A_362, %get3A_366 : vector<16xf32>
        %max3A_368 = arith.constant 0.000000e+00 : f32
        %max3A_369 = vector.broadcast %max3A_368 : f32 to vector<16xf32>
        %max3A_370 = arith.maximumf %add3A_367, %max3A_369 : vector<16xf32>
        %swap3A_371 = arith.index_cast %scan3A_202 : i32 to index
        %swap3A_372 = arith.constant 112 : index
        %swap3A_373 = tpu.vector_load %arg19[%swap3A_371, %swap3A_372] {strides = array<i32>} : memref<40x128xf32, #tpu.memory_space<vmem>>, vector<1x16xf32>,
        %swap3A_374 = vector.shape_cast %swap3A_373 : vector<1x16xf32> to vector<16xf32>
        %swap3A_375 = vector.shape_cast %max3A_370 : vector<16xf32> to vector<1x16xf32>
        tpu.vector_store %arg19[%swap3A_371, %swap3A_372], %swap3A_375 {strides = array<i32>} : memref<40x128xf32, #tpu.memory_space<vmem>>, vector<1x16xf32>,
      }
      %scan3A_196 = arith.constant 40 : i32
      "tpu.region"() ({
        %run_scoped3A = tpu.sem_alloc : memref<!tpu.dma_semaphore, #tpu.memory_space<semaphore_mem>>
        %dma_start3A_202 = arith.constant 0 : i32
        %dma_start3A_203 = arith.constant 0 : i32
        %dma_start3A_204 = tpu.memref_slice %arg20[%dma_start3A_202, %dma_start3A_203] : memref<10000x128xf32, #tpu.memory_space<vmem_shared>> -> memref<10000x128xf32, #tpu.memory_space<vmem_shared>>
        tpu.enqueue_indirect_dma source(%arg19 : memref<40x128xf32, #tpu.memory_space<vmem>>) target(%dma_start3A_204 : memref<10000x128xf32, #tpu.memory_space<vmem_shared>>) offsets(%arg10 : memref<40xi32, #tpu.memory_space<vmem>>) semaphore(%run_scoped3A : memref<!tpu.dma_semaphore, #tpu.memory_space<semaphore_mem>>) {add = true}
        %dma_wait3A_205 = arith.constant 0 : i32
        %dma_wait3A_206 = arith.constant 0 : i32
        %dma_wait3A_207 = tpu.memref_slice %arg20[%dma_wait3A_205, %dma_wait3A_206] : memref<10000x128xf32, #tpu.memory_space<vmem_shared>> -> memref<10000x128xf32, #tpu.memory_space<vmem_shared>>
        tpu.wait_indirect_dma semaphore(%run_scoped3A : memref<!tpu.dma_semaphore, #tpu.memory_space<semaphore_mem>>) src(%arg19 : memref<40x128xf32, #tpu.memory_space<vmem>>) dst(%dma_wait3A_207 : memref<10000x128xf32, #tpu.memory_space<vmem_shared>>)
        tpu.yield
      }) : () -> ()
      "tpu.region"() ({
        %run_scoped3A = tpu.sem_alloc : memref<!tpu.dma_semaphore, #tpu.memory_space<semaphore_mem>>
        %dma_start3A_202 = arith.constant 0 : i32
        %dma_start3A_203 = arith.constant 0 : i32
        %dma_start3A_204 = tpu.memref_slice %arg20[%dma_start3A_202, %dma_start3A_203] : memref<10000x128xf32, #tpu.memory_space<vmem_shared>> -> memref<10000x128xf32, #tpu.memory_space<vmem_shared>>
        tpu.enqueue_indirect_dma source(%arg19 : memref<40x128xf32, #tpu.memory_space<vmem>>) target(%dma_start3A_204 : memref<10000x128xf32, #tpu.memory_space<vmem_shared>>) offsets(%arg11 : memref<40xi32, #tpu.memory_space<vmem>>) semaphore(%run_scoped3A : memref<!tpu.dma_semaphore, #tpu.memory_space<semaphore_mem>>) {add = true}
        %dma_wait3A_205 = arith.constant 0 : i32
        %dma_wait3A_206 = arith.constant 0 : i32
        %dma_wait3A_207 = tpu.memref_slice %arg20[%dma_wait3A_205, %dma_wait3A_206] : memref<10000x128xf32, #tpu.memory_space<vmem_shared>> -> memref<10000x128xf32, #tpu.memory_space<vmem_shared>>
        tpu.wait_indirect_dma semaphore(%run_scoped3A : memref<!tpu.dma_semaphore, #tpu.memory_space<semaphore_mem>>) src(%arg19 : memref<40x128xf32, #tpu.memory_space<vmem>>) dst(%dma_wait3A_207 : memref<10000x128xf32, #tpu.memory_space<vmem_shared>>)
        tpu.yield
      }) : () -> ()
      %lt3A_197 = arith.constant 248 : i32
      %lt3A_198 = arith.cmpi slt, %add3A_155, %lt3A_197 : i32
      %convert_element_type3A_199 = arith.extui %lt3A_198 : i1 to i32
      %cond3A_200 = arith.constant 0 : i32
      %cond3A_201 = arith.cmpi ne, %convert_element_type3A_199, %cond3A_200 : i32
      scf.if %cond3A_201 {
        %add3A_202 = arith.constant 2 : i32
        %add3A_203 = arith.addi %add3A_155, %add3A_202 : i32
        %mul3A_204 = arith.constant 40 : i32
        %mul3A_205 = arith.muli %add3A_203, %mul3A_204 : i32
        %add3A_206 = arith.addi %mul3A_6, %mul3A_205 : i32
        %dma_start3A_207 = tpu.memref_slice %arg4[%add3A_206] : memref<320000xi32, #tpu.memory_space<hbm>> -> memref<40xi32, #tpu.memory_space<hbm>>
        %dma_start3A_208 = tpu.memref_slice %arg4[%add3A_206] : memref<320000xi32, #tpu.memory_space<hbm>> -> memref<40xi32, #tpu.memory_space<hbm>>
        tpu.enqueue_dma source(%dma_start3A_208 : memref<40xi32, #tpu.memory_space<hbm>>) target(%arg10 : memref<40xi32, #tpu.memory_space<vmem>>) target_semaphore(%arg24 : memref<!tpu.dma_semaphore, #tpu.memory_space<semaphore_mem>>)
        %dma_start3A_209 = tpu.memref_slice %arg5[%add3A_206] : memref<320000xi32, #tpu.memory_space<hbm>> -> memref<40xi32, #tpu.memory_space<hbm>>
        %dma_start3A_210 = tpu.memref_slice %arg5[%add3A_206] : memref<320000xi32, #tpu.memory_space<hbm>> -> memref<40xi32, #tpu.memory_space<hbm>>
        tpu.enqueue_dma source(%dma_start3A_210 : memref<40xi32, #tpu.memory_space<hbm>>) target(%arg11 : memref<40xi32, #tpu.memory_space<vmem>>) target_semaphore(%arg24 : memref<!tpu.dma_semaphore, #tpu.memory_space<semaphore_mem>>)
      } else {
      }
    }
    %scan3A_41 = arith.constant 124 : i32
    %dma_wait3A_42 = arith.constant 0 : i32
    %dma_wait3A_43 = arith.constant 0 : i32
    %dma_wait3A_44 = tpu.memref_slice %arg2[%dma_wait3A_42, %dma_wait3A_43] : memref<10000x128xf32, #tpu.memory_space<hbm>> -> memref<10000x128xf32, #tpu.memory_space<hbm>>
    tpu.wait_indirect_dma semaphore(%arg21 : memref<!tpu.dma_semaphore, #tpu.memory_space<semaphore_mem>>) src(%dma_wait3A_44 : memref<10000x128xf32, #tpu.memory_space<hbm>>) dst(%arg12 : memref<40x128xf32, #tpu.memory_space<vmem>>)
    %dma_wait3A_45 = arith.constant 0 : i32
    %dma_wait3A_46 = arith.constant 0 : i32
    %dma_wait3A_47 = tpu.memref_slice %arg2[%dma_wait3A_45, %dma_wait3A_46] : memref<10000x128xf32, #tpu.memory_space<hbm>> -> memref<10000x128xf32, #tpu.memory_space<hbm>>
    tpu.wait_indirect_dma semaphore(%arg21 : memref<!tpu.dma_semaphore, #tpu.memory_space<semaphore_mem>>) src(%dma_wait3A_47 : memref<10000x128xf32, #tpu.memory_space<hbm>>) dst(%arg13 : memref<40x128xf32, #tpu.memory_space<vmem>>)
    %dma_wait3A_48 = arith.constant 0 : i32
    %dma_wait3A_49 = arith.constant 0 : i32
    %dma_wait3A_50 = tpu.memref_slice %arg3[%dma_wait3A_48, %dma_wait3A_49] : memref<320000x128xf32, #tpu.memory_space<hbm>> -> memref<40x128xf32, #tpu.memory_space<hbm>>
    %dma_wait3A_51 = arith.constant 0 : i32
    %dma_wait3A_52 = arith.constant 0 : i32
    %dma_wait3A_53 = tpu.memref_slice %arg3[%dma_wait3A_51, %dma_wait3A_52] : memref<320000x128xf32, #tpu.memory_space<hbm>> -> memref<40x128xf32, #tpu.memory_space<hbm>>
    tpu.wait_dma2 semaphore(%arg21 : memref<!tpu.dma_semaphore, #tpu.memory_space<semaphore_mem>>) src(%dma_wait3A_53 : memref<40x128xf32, #tpu.memory_space<hbm>>) dst(%arg14 : memref<40x128xf32, #tpu.memory_space<vmem>>)
    %dma_wait3A_54 = arith.constant 0 : i32
    %dma_wait3A_55 = tpu.memref_slice %arg4[%dma_wait3A_54] : memref<320000xi32, #tpu.memory_space<hbm>> -> memref<40xi32, #tpu.memory_space<hbm>>
    %dma_wait3A_56 = arith.constant 0 : i32
    %dma_wait3A_57 = tpu.memref_slice %arg4[%dma_wait3A_56] : memref<320000xi32, #tpu.memory_space<hbm>> -> memref<40xi32, #tpu.memory_space<hbm>>
    tpu.wait_dma2 semaphore(%arg24 : memref<!tpu.dma_semaphore, #tpu.memory_space<semaphore_mem>>) src(%dma_wait3A_57 : memref<40xi32, #tpu.memory_space<hbm>>) dst(%arg10 : memref<40xi32, #tpu.memory_space<vmem>>)
    %dma_wait3A_58 = arith.constant 0 : i32
    %dma_wait3A_59 = tpu.memref_slice %arg5[%dma_wait3A_58] : memref<320000xi32, #tpu.memory_space<hbm>> -> memref<40xi32, #tpu.memory_space<hbm>>
    %dma_wait3A_60 = arith.constant 0 : i32
    %dma_wait3A_61 = tpu.memref_slice %arg5[%dma_wait3A_60] : memref<320000xi32, #tpu.memory_space<hbm>> -> memref<40xi32, #tpu.memory_space<hbm>>
    tpu.wait_dma2 semaphore(%arg24 : memref<!tpu.dma_semaphore, #tpu.memory_space<semaphore_mem>>) src(%dma_wait3A_61 : memref<40xi32, #tpu.memory_space<hbm>>) dst(%arg11 : memref<40xi32, #tpu.memory_space<vmem>>)
    %add3A_62 = arith.constant 9960 : i32
    %add3A_63 = arith.addi %mul3A_6, %add3A_62 : i32
    %dma_start3A_64 = arith.constant 0 : i32
    %dma_start3A_65 = arith.constant 0 : i32
    %dma_start3A_66 = tpu.memref_slice %arg2[%dma_start3A_64, %dma_start3A_65] : memref<10000x128xf32, #tpu.memory_space<hbm>> -> memref<10000x128xf32, #tpu.memory_space<hbm>>
    tpu.enqueue_indirect_dma source(%dma_start3A_66 : memref<10000x128xf32, #tpu.memory_space<hbm>>) target(%arg16 : memref<40x128xf32, #tpu.memory_space<vmem>>) offsets(%arg10 : memref<40xi32, #tpu.memory_space<vmem>>) semaphore(%arg22 : memref<!tpu.dma_semaphore, #tpu.memory_space<semaphore_mem>>)
    %dma_start3A_67 = arith.constant 0 : i32
    %dma_start3A_68 = arith.constant 0 : i32
    %dma_start3A_69 = tpu.memref_slice %arg2[%dma_start3A_67, %dma_start3A_68] : memref<10000x128xf32, #tpu.memory_space<hbm>> -> memref<10000x128xf32, #tpu.memory_space<hbm>>
    tpu.enqueue_indirect_dma source(%dma_start3A_69 : memref<10000x128xf32, #tpu.memory_space<hbm>>) target(%arg17 : memref<40x128xf32, #tpu.memory_space<vmem>>) offsets(%arg11 : memref<40xi32, #tpu.memory_space<vmem>>) semaphore(%arg22 : memref<!tpu.dma_semaphore, #tpu.memory_space<semaphore_mem>>)
    %dma_start3A_70 = arith.constant 0 : i32
    %dma_start3A_71 = tpu.memref_slice %arg3[%add3A_63, %dma_start3A_70] : memref<320000x128xf32, #tpu.memory_space<hbm>> -> memref<40x128xf32, #tpu.memory_space<hbm>>
    %dma_start3A_72 = arith.constant 0 : i32
    %dma_start3A_73 = tpu.memref_slice %arg3[%add3A_63, %dma_start3A_72] : memref<320000x128xf32, #tpu.memory_space<hbm>> -> memref<40x128xf32, #tpu.memory_space<hbm>>
    tpu.enqueue_dma source(%dma_start3A_73 : memref<40x128xf32, #tpu.memory_space<hbm>>) target(%arg18 : memref<40x128xf32, #tpu.memory_space<vmem>>) target_semaphore(%arg22 : memref<!tpu.dma_semaphore, #tpu.memory_space<semaphore_mem>>)
    %scan3A_74 = arith.constant 0 : i32
    %scan3A_75 = arith.constant 0 : i32
    %scan3A_76 = arith.constant 40 : i32
    %scan3A_77 = arith.addi %scan3A_75, %scan3A_76 : i32
    %scan3A_78 = arith.constant 1 : i32
    scf.for %scan3A_104 = %scan3A_75 to %scan3A_77 step %scan3A_78  : i32 {
      %get3A = arith.index_cast %scan3A_104 : i32 to index
      %get3A_105 = arith.constant 0 : index
      %get3A_106 = tpu.vector_load %arg12[%get3A, %get3A_105] {strides = array<i32>} : memref<40x128xf32, #tpu.memory_space<vmem>>, vector<1x16xf32>,
      %get3A_107 = vector.shape_cast %get3A_106 : vector<1x16xf32> to vector<16xf32>
      %get3A_108 = arith.index_cast %scan3A_104 : i32 to index
      %get3A_109 = arith.constant 0 : index
      %get3A_110 = tpu.vector_load %arg13[%get3A_108, %get3A_109] {strides = array<i32>} : memref<40x128xf32, #tpu.memory_space<vmem>>, vector<1x16xf32>,
      %get3A_111 = vector.shape_cast %get3A_110 : vector<1x16xf32> to vector<16xf32>
      %add3A_112 = arith.addf %get3A_107, %get3A_111 : vector<16xf32>
      %get3A_113 = arith.index_cast %scan3A_104 : i32 to index
      %get3A_114 = arith.constant 0 : index
      %get3A_115 = tpu.vector_load %arg14[%get3A_113, %get3A_114] {strides = array<i32>} : memref<40x128xf32, #tpu.memory_space<vmem>>, vector<1x16xf32>,
      %get3A_116 = vector.shape_cast %get3A_115 : vector<1x16xf32> to vector<16xf32>
      %add3A_117 = arith.addf %add3A_112, %get3A_116 : vector<16xf32>
      %max3A = arith.constant 0.000000e+00 : f32
      %max3A_118 = vector.broadcast %max3A : f32 to vector<16xf32>
      %max3A_119 = arith.maximumf %add3A_117, %max3A_118 : vector<16xf32>
      %swap3A = arith.index_cast %scan3A_104 : i32 to index
      %swap3A_120 = arith.constant 0 : index
      %swap3A_121 = tpu.vector_load %arg15[%swap3A, %swap3A_120] {strides = array<i32>} : memref<40x128xf32, #tpu.memory_space<vmem>>, vector<1x16xf32>,
      %swap3A_122 = vector.shape_cast %swap3A_121 : vector<1x16xf32> to vector<16xf32>
      %swap3A_123 = vector.shape_cast %max3A_119 : vector<16xf32> to vector<1x16xf32>
      tpu.vector_store %arg15[%swap3A, %swap3A_120], %swap3A_123 {strides = array<i32>} : memref<40x128xf32, #tpu.memory_space<vmem>>, vector<1x16xf32>,
      %get3A_124 = arith.index_cast %scan3A_104 : i32 to index
      %get3A_125 = arith.constant 16 : index
      %get3A_126 = tpu.vector_load %arg12[%get3A_124, %get3A_125] {strides = array<i32>} : memref<40x128xf32, #tpu.memory_space<vmem>>, vector<1x16xf32>,
      %get3A_127 = vector.shape_cast %get3A_126 : vector<1x16xf32> to vector<16xf32>
      %get3A_128 = arith.index_cast %scan3A_104 : i32 to index
      %get3A_129 = arith.constant 16 : index
      %get3A_130 = tpu.vector_load %arg13[%get3A_128, %get3A_129] {strides = array<i32>} : memref<40x128xf32, #tpu.memory_space<vmem>>, vector<1x16xf32>,
      %get3A_131 = vector.shape_cast %get3A_130 : vector<1x16xf32> to vector<16xf32>
      %add3A_132 = arith.addf %get3A_127, %get3A_131 : vector<16xf32>
      %get3A_133 = arith.index_cast %scan3A_104 : i32 to index
      %get3A_134 = arith.constant 16 : index
      %get3A_135 = tpu.vector_load %arg14[%get3A_133, %get3A_134] {strides = array<i32>} : memref<40x128xf32, #tpu.memory_space<vmem>>, vector<1x16xf32>,
      %get3A_136 = vector.shape_cast %get3A_135 : vector<1x16xf32> to vector<16xf32>
      %add3A_137 = arith.addf %add3A_132, %get3A_136 : vector<16xf32>
      %max3A_138 = arith.constant 0.000000e+00 : f32
      %max3A_139 = vector.broadcast %max3A_138 : f32 to vector<16xf32>
      %max3A_140 = arith.maximumf %add3A_137, %max3A_139 : vector<16xf32>
      %swap3A_141 = arith.index_cast %scan3A_104 : i32 to index
      %swap3A_142 = arith.constant 16 : index
      %swap3A_143 = tpu.vector_load %arg15[%swap3A_141, %swap3A_142] {strides = array<i32>} : memref<40x128xf32, #tpu.memory_space<vmem>>, vector<1x16xf32>,
      %swap3A_144 = vector.shape_cast %swap3A_143 : vector<1x16xf32> to vector<16xf32>
      %swap3A_145 = vector.shape_cast %max3A_140 : vector<16xf32> to vector<1x16xf32>
      tpu.vector_store %arg15[%swap3A_141, %swap3A_142], %swap3A_145 {strides = array<i32>} : memref<40x128xf32, #tpu.memory_space<vmem>>, vector<1x16xf32>,
      %get3A_146 = arith.index_cast %scan3A_104 : i32 to index
      %get3A_147 = arith.constant 32 : index
      %get3A_148 = tpu.vector_load %arg12[%get3A_146, %get3A_147] {strides = array<i32>} : memref<40x128xf32, #tpu.memory_space<vmem>>, vector<1x16xf32>,
      %get3A_149 = vector.shape_cast %get3A_148 : vector<1x16xf32> to vector<16xf32>
      %get3A_150 = arith.index_cast %scan3A_104 : i32 to index
      %get3A_151 = arith.constant 32 : index
      %get3A_152 = tpu.vector_load %arg13[%get3A_150, %get3A_151] {strides = array<i32>} : memref<40x128xf32, #tpu.memory_space<vmem>>, vector<1x16xf32>,
      %get3A_153 = vector.shape_cast %get3A_152 : vector<1x16xf32> to vector<16xf32>
      %add3A_154 = arith.addf %get3A_149, %get3A_153 : vector<16xf32>
      %get3A_155 = arith.index_cast %scan3A_104 : i32 to index
      %get3A_156 = arith.constant 32 : index
      %get3A_157 = tpu.vector_load %arg14[%get3A_155, %get3A_156] {strides = array<i32>} : memref<40x128xf32, #tpu.memory_space<vmem>>, vector<1x16xf32>,
      %get3A_158 = vector.shape_cast %get3A_157 : vector<1x16xf32> to vector<16xf32>
      %add3A_159 = arith.addf %add3A_154, %get3A_158 : vector<16xf32>
      %max3A_160 = arith.constant 0.000000e+00 : f32
      %max3A_161 = vector.broadcast %max3A_160 : f32 to vector<16xf32>
      %max3A_162 = arith.maximumf %add3A_159, %max3A_161 : vector<16xf32>
      %swap3A_163 = arith.index_cast %scan3A_104 : i32 to index
      %swap3A_164 = arith.constant 32 : index
      %swap3A_165 = tpu.vector_load %arg15[%swap3A_163, %swap3A_164] {strides = array<i32>} : memref<40x128xf32, #tpu.memory_space<vmem>>, vector<1x16xf32>,
      %swap3A_166 = vector.shape_cast %swap3A_165 : vector<1x16xf32> to vector<16xf32>
      %swap3A_167 = vector.shape_cast %max3A_162 : vector<16xf32> to vector<1x16xf32>
      tpu.vector_store %arg15[%swap3A_163, %swap3A_164], %swap3A_167 {strides = array<i32>} : memref<40x128xf32, #tpu.memory_space<vmem>>, vector<1x16xf32>,
      %get3A_168 = arith.index_cast %scan3A_104 : i32 to index
      %get3A_169 = arith.constant 48 : index
      %get3A_170 = tpu.vector_load %arg12[%get3A_168, %get3A_169] {strides = array<i32>} : memref<40x128xf32, #tpu.memory_space<vmem>>, vector<1x16xf32>,
      %get3A_171 = vector.shape_cast %get3A_170 : vector<1x16xf32> to vector<16xf32>
      %get3A_172 = arith.index_cast %scan3A_104 : i32 to index
      %get3A_173 = arith.constant 48 : index
      %get3A_174 = tpu.vector_load %arg13[%get3A_172, %get3A_173] {strides = array<i32>} : memref<40x128xf32, #tpu.memory_space<vmem>>, vector<1x16xf32>,
      %get3A_175 = vector.shape_cast %get3A_174 : vector<1x16xf32> to vector<16xf32>
      %add3A_176 = arith.addf %get3A_171, %get3A_175 : vector<16xf32>
      %get3A_177 = arith.index_cast %scan3A_104 : i32 to index
      %get3A_178 = arith.constant 48 : index
      %get3A_179 = tpu.vector_load %arg14[%get3A_177, %get3A_178] {strides = array<i32>} : memref<40x128xf32, #tpu.memory_space<vmem>>, vector<1x16xf32>,
      %get3A_180 = vector.shape_cast %get3A_179 : vector<1x16xf32> to vector<16xf32>
      %add3A_181 = arith.addf %add3A_176, %get3A_180 : vector<16xf32>
      %max3A_182 = arith.constant 0.000000e+00 : f32
      %max3A_183 = vector.broadcast %max3A_182 : f32 to vector<16xf32>
      %max3A_184 = arith.maximumf %add3A_181, %max3A_183 : vector<16xf32>
      %swap3A_185 = arith.index_cast %scan3A_104 : i32 to index
      %swap3A_186 = arith.constant 48 : index
      %swap3A_187 = tpu.vector_load %arg15[%swap3A_185, %swap3A_186] {strides = array<i32>} : memref<40x128xf32, #tpu.memory_space<vmem>>, vector<1x16xf32>,
      %swap3A_188 = vector.shape_cast %swap3A_187 : vector<1x16xf32> to vector<16xf32>
      %swap3A_189 = vector.shape_cast %max3A_184 : vector<16xf32> to vector<1x16xf32>
      tpu.vector_store %arg15[%swap3A_185, %swap3A_186], %swap3A_189 {strides = array<i32>} : memref<40x128xf32, #tpu.memory_space<vmem>>, vector<1x16xf32>,
      %get3A_190 = arith.index_cast %scan3A_104 : i32 to index
      %get3A_191 = arith.constant 64 : index
      %get3A_192 = tpu.vector_load %arg12[%get3A_190, %get3A_191] {strides = array<i32>} : memref<40x128xf32, #tpu.memory_space<vmem>>, vector<1x16xf32>,
      %get3A_193 = vector.shape_cast %get3A_192 : vector<1x16xf32> to vector<16xf32>
      %get3A_194 = arith.index_cast %scan3A_104 : i32 to index
      %get3A_195 = arith.constant 64 : index
      %get3A_196 = tpu.vector_load %arg13[%get3A_194, %get3A_195] {strides = array<i32>} : memref<40x128xf32, #tpu.memory_space<vmem>>, vector<1x16xf32>,
      %get3A_197 = vector.shape_cast %get3A_196 : vector<1x16xf32> to vector<16xf32>
      %add3A_198 = arith.addf %get3A_193, %get3A_197 : vector<16xf32>
      %get3A_199 = arith.index_cast %scan3A_104 : i32 to index
      %get3A_200 = arith.constant 64 : index
      %get3A_201 = tpu.vector_load %arg14[%get3A_199, %get3A_200] {strides = array<i32>} : memref<40x128xf32, #tpu.memory_space<vmem>>, vector<1x16xf32>,
      %get3A_202 = vector.shape_cast %get3A_201 : vector<1x16xf32> to vector<16xf32>
      %add3A_203 = arith.addf %add3A_198, %get3A_202 : vector<16xf32>
      %max3A_204 = arith.constant 0.000000e+00 : f32
      %max3A_205 = vector.broadcast %max3A_204 : f32 to vector<16xf32>
      %max3A_206 = arith.maximumf %add3A_203, %max3A_205 : vector<16xf32>
      %swap3A_207 = arith.index_cast %scan3A_104 : i32 to index
      %swap3A_208 = arith.constant 64 : index
      %swap3A_209 = tpu.vector_load %arg15[%swap3A_207, %swap3A_208] {strides = array<i32>} : memref<40x128xf32, #tpu.memory_space<vmem>>, vector<1x16xf32>,
      %swap3A_210 = vector.shape_cast %swap3A_209 : vector<1x16xf32> to vector<16xf32>
      %swap3A_211 = vector.shape_cast %max3A_206 : vector<16xf32> to vector<1x16xf32>
      tpu.vector_store %arg15[%swap3A_207, %swap3A_208], %swap3A_211 {strides = array<i32>} : memref<40x128xf32, #tpu.memory_space<vmem>>, vector<1x16xf32>,
      %get3A_212 = arith.index_cast %scan3A_104 : i32 to index
      %get3A_213 = arith.constant 80 : index
      %get3A_214 = tpu.vector_load %arg12[%get3A_212, %get3A_213] {strides = array<i32>} : memref<40x128xf32, #tpu.memory_space<vmem>>, vector<1x16xf32>,
      %get3A_215 = vector.shape_cast %get3A_214 : vector<1x16xf32> to vector<16xf32>
      %get3A_216 = arith.index_cast %scan3A_104 : i32 to index
      %get3A_217 = arith.constant 80 : index
      %get3A_218 = tpu.vector_load %arg13[%get3A_216, %get3A_217] {strides = array<i32>} : memref<40x128xf32, #tpu.memory_space<vmem>>, vector<1x16xf32>,
      %get3A_219 = vector.shape_cast %get3A_218 : vector<1x16xf32> to vector<16xf32>
      %add3A_220 = arith.addf %get3A_215, %get3A_219 : vector<16xf32>
      %get3A_221 = arith.index_cast %scan3A_104 : i32 to index
      %get3A_222 = arith.constant 80 : index
      %get3A_223 = tpu.vector_load %arg14[%get3A_221, %get3A_222] {strides = array<i32>} : memref<40x128xf32, #tpu.memory_space<vmem>>, vector<1x16xf32>,
      %get3A_224 = vector.shape_cast %get3A_223 : vector<1x16xf32> to vector<16xf32>
      %add3A_225 = arith.addf %add3A_220, %get3A_224 : vector<16xf32>
      %max3A_226 = arith.constant 0.000000e+00 : f32
      %max3A_227 = vector.broadcast %max3A_226 : f32 to vector<16xf32>
      %max3A_228 = arith.maximumf %add3A_225, %max3A_227 : vector<16xf32>
      %swap3A_229 = arith.index_cast %scan3A_104 : i32 to index
      %swap3A_230 = arith.constant 80 : index
      %swap3A_231 = tpu.vector_load %arg15[%swap3A_229, %swap3A_230] {strides = array<i32>} : memref<40x128xf32, #tpu.memory_space<vmem>>, vector<1x16xf32>,
      %swap3A_232 = vector.shape_cast %swap3A_231 : vector<1x16xf32> to vector<16xf32>
      %swap3A_233 = vector.shape_cast %max3A_228 : vector<16xf32> to vector<1x16xf32>
      tpu.vector_store %arg15[%swap3A_229, %swap3A_230], %swap3A_233 {strides = array<i32>} : memref<40x128xf32, #tpu.memory_space<vmem>>, vector<1x16xf32>,
      %get3A_234 = arith.index_cast %scan3A_104 : i32 to index
      %get3A_235 = arith.constant 96 : index
      %get3A_236 = tpu.vector_load %arg12[%get3A_234, %get3A_235] {strides = array<i32>} : memref<40x128xf32, #tpu.memory_space<vmem>>, vector<1x16xf32>,
      %get3A_237 = vector.shape_cast %get3A_236 : vector<1x16xf32> to vector<16xf32>
      %get3A_238 = arith.index_cast %scan3A_104 : i32 to index
      %get3A_239 = arith.constant 96 : index
      %get3A_240 = tpu.vector_load %arg13[%get3A_238, %get3A_239] {strides = array<i32>} : memref<40x128xf32, #tpu.memory_space<vmem>>, vector<1x16xf32>,
      %get3A_241 = vector.shape_cast %get3A_240 : vector<1x16xf32> to vector<16xf32>
      %add3A_242 = arith.addf %get3A_237, %get3A_241 : vector<16xf32>
      %get3A_243 = arith.index_cast %scan3A_104 : i32 to index
      %get3A_244 = arith.constant 96 : index
      %get3A_245 = tpu.vector_load %arg14[%get3A_243, %get3A_244] {strides = array<i32>} : memref<40x128xf32, #tpu.memory_space<vmem>>, vector<1x16xf32>,
      %get3A_246 = vector.shape_cast %get3A_245 : vector<1x16xf32> to vector<16xf32>
      %add3A_247 = arith.addf %add3A_242, %get3A_246 : vector<16xf32>
      %max3A_248 = arith.constant 0.000000e+00 : f32
      %max3A_249 = vector.broadcast %max3A_248 : f32 to vector<16xf32>
      %max3A_250 = arith.maximumf %add3A_247, %max3A_249 : vector<16xf32>
      %swap3A_251 = arith.index_cast %scan3A_104 : i32 to index
      %swap3A_252 = arith.constant 96 : index
      %swap3A_253 = tpu.vector_load %arg15[%swap3A_251, %swap3A_252] {strides = array<i32>} : memref<40x128xf32, #tpu.memory_space<vmem>>, vector<1x16xf32>,
      %swap3A_254 = vector.shape_cast %swap3A_253 : vector<1x16xf32> to vector<16xf32>
      %swap3A_255 = vector.shape_cast %max3A_250 : vector<16xf32> to vector<1x16xf32>
      tpu.vector_store %arg15[%swap3A_251, %swap3A_252], %swap3A_255 {strides = array<i32>} : memref<40x128xf32, #tpu.memory_space<vmem>>, vector<1x16xf32>,
      %get3A_256 = arith.index_cast %scan3A_104 : i32 to index
      %get3A_257 = arith.constant 112 : index
      %get3A_258 = tpu.vector_load %arg12[%get3A_256, %get3A_257] {strides = array<i32>} : memref<40x128xf32, #tpu.memory_space<vmem>>, vector<1x16xf32>,
      %get3A_259 = vector.shape_cast %get3A_258 : vector<1x16xf32> to vector<16xf32>
      %get3A_260 = arith.index_cast %scan3A_104 : i32 to index
      %get3A_261 = arith.constant 112 : index
      %get3A_262 = tpu.vector_load %arg13[%get3A_260, %get3A_261] {strides = array<i32>} : memref<40x128xf32, #tpu.memory_space<vmem>>, vector<1x16xf32>,
      %get3A_263 = vector.shape_cast %get3A_262 : vector<1x16xf32> to vector<16xf32>
      %add3A_264 = arith.addf %get3A_259, %get3A_263 : vector<16xf32>
      %get3A_265 = arith.index_cast %scan3A_104 : i32 to index
      %get3A_266 = arith.constant 112 : index
      %get3A_267 = tpu.vector_load %arg14[%get3A_265, %get3A_266] {strides = array<i32>} : memref<40x128xf32, #tpu.memory_space<vmem>>, vector<1x16xf32>,
      %get3A_268 = vector.shape_cast %get3A_267 : vector<1x16xf32> to vector<16xf32>
      %add3A_269 = arith.addf %add3A_264, %get3A_268 : vector<16xf32>
      %max3A_270 = arith.constant 0.000000e+00 : f32
      %max3A_271 = vector.broadcast %max3A_270 : f32 to vector<16xf32>
      %max3A_272 = arith.maximumf %add3A_269, %max3A_271 : vector<16xf32>
      %swap3A_273 = arith.index_cast %scan3A_104 : i32 to index
      %swap3A_274 = arith.constant 112 : index
      %swap3A_275 = tpu.vector_load %arg15[%swap3A_273, %swap3A_274] {strides = array<i32>} : memref<40x128xf32, #tpu.memory_space<vmem>>, vector<1x16xf32>,
      %swap3A_276 = vector.shape_cast %swap3A_275 : vector<1x16xf32> to vector<16xf32>
      %swap3A_277 = vector.shape_cast %max3A_272 : vector<16xf32> to vector<1x16xf32>
      tpu.vector_store %arg15[%swap3A_273, %swap3A_274], %swap3A_277 {strides = array<i32>} : memref<40x128xf32, #tpu.memory_space<vmem>>, vector<1x16xf32>,
    }
    %scan3A_79 = arith.constant 40 : i32
    "tpu.region"() ({
      %run_scoped3A = tpu.sem_alloc : memref<!tpu.dma_semaphore, #tpu.memory_space<semaphore_mem>>
      %dma_start3A_104 = arith.constant 0 : i32
      %dma_start3A_105 = arith.constant 0 : i32
      %dma_start3A_106 = tpu.memref_slice %arg20[%dma_start3A_104, %dma_start3A_105] : memref<10000x128xf32, #tpu.memory_space<vmem_shared>> -> memref<10000x128xf32, #tpu.memory_space<vmem_shared>>
      tpu.enqueue_indirect_dma source(%arg15 : memref<40x128xf32, #tpu.memory_space<vmem>>) target(%dma_start3A_106 : memref<10000x128xf32, #tpu.memory_space<vmem_shared>>) offsets(%arg8 : memref<40xi32, #tpu.memory_space<vmem>>) semaphore(%run_scoped3A : memref<!tpu.dma_semaphore, #tpu.memory_space<semaphore_mem>>) {add = true}
      %dma_wait3A_107 = arith.constant 0 : i32
      %dma_wait3A_108 = arith.constant 0 : i32
      %dma_wait3A_109 = tpu.memref_slice %arg20[%dma_wait3A_107, %dma_wait3A_108] : memref<10000x128xf32, #tpu.memory_space<vmem_shared>> -> memref<10000x128xf32, #tpu.memory_space<vmem_shared>>
      tpu.wait_indirect_dma semaphore(%run_scoped3A : memref<!tpu.dma_semaphore, #tpu.memory_space<semaphore_mem>>) src(%arg15 : memref<40x128xf32, #tpu.memory_space<vmem>>) dst(%dma_wait3A_109 : memref<10000x128xf32, #tpu.memory_space<vmem_shared>>)
      tpu.yield
    }) : () -> ()
    "tpu.region"() ({
      %run_scoped3A = tpu.sem_alloc : memref<!tpu.dma_semaphore, #tpu.memory_space<semaphore_mem>>
      %dma_start3A_104 = arith.constant 0 : i32
      %dma_start3A_105 = arith.constant 0 : i32
      %dma_start3A_106 = tpu.memref_slice %arg20[%dma_start3A_104, %dma_start3A_105] : memref<10000x128xf32, #tpu.memory_space<vmem_shared>> -> memref<10000x128xf32, #tpu.memory_space<vmem_shared>>
      tpu.enqueue_indirect_dma source(%arg15 : memref<40x128xf32, #tpu.memory_space<vmem>>) target(%dma_start3A_106 : memref<10000x128xf32, #tpu.memory_space<vmem_shared>>) offsets(%arg9 : memref<40xi32, #tpu.memory_space<vmem>>) semaphore(%run_scoped3A : memref<!tpu.dma_semaphore, #tpu.memory_space<semaphore_mem>>) {add = true}
      %dma_wait3A_107 = arith.constant 0 : i32
      %dma_wait3A_108 = arith.constant 0 : i32
      %dma_wait3A_109 = tpu.memref_slice %arg20[%dma_wait3A_107, %dma_wait3A_108] : memref<10000x128xf32, #tpu.memory_space<vmem_shared>> -> memref<10000x128xf32, #tpu.memory_space<vmem_shared>>
      tpu.wait_indirect_dma semaphore(%run_scoped3A : memref<!tpu.dma_semaphore, #tpu.memory_space<semaphore_mem>>) src(%arg15 : memref<40x128xf32, #tpu.memory_space<vmem>>) dst(%dma_wait3A_109 : memref<10000x128xf32, #tpu.memory_space<vmem_shared>>)
      tpu.yield
    }) : () -> ()
    %dma_wait3A_80 = arith.constant 0 : i32
    %dma_wait3A_81 = arith.constant 0 : i32
    %dma_wait3A_82 = tpu.memref_slice %arg2[%dma_wait3A_80, %dma_wait3A_81] : memref<10000x128xf32, #tpu.memory_space<hbm>> -> memref<10000x128xf32, #tpu.memory_space<hbm>>
    tpu.wait_indirect_dma semaphore(%arg22 : memref<!tpu.dma_semaphore, #tpu.memory_space<semaphore_mem>>) src(%dma_wait3A_82 : memref<10000x128xf32, #tpu.memory_space<hbm>>) dst(%arg16 : memref<40x128xf32, #tpu.memory_space<vmem>>)
    %dma_wait3A_83 = arith.constant 0 : i32
    %dma_wait3A_84 = arith.constant 0 : i32
    %dma_wait3A_85 = tpu.memref_slice %arg2[%dma_wait3A_83, %dma_wait3A_84] : memref<10000x128xf32, #tpu.memory_space<hbm>> -> memref<10000x128xf32, #tpu.memory_space<hbm>>
    tpu.wait_indirect_dma semaphore(%arg22 : memref<!tpu.dma_semaphore, #tpu.memory_space<semaphore_mem>>) src(%dma_wait3A_85 : memref<10000x128xf32, #tpu.memory_space<hbm>>) dst(%arg17 : memref<40x128xf32, #tpu.memory_space<vmem>>)
    %dma_wait3A_86 = arith.constant 0 : i32
    %dma_wait3A_87 = arith.constant 0 : i32
    %dma_wait3A_88 = tpu.memref_slice %arg3[%dma_wait3A_86, %dma_wait3A_87] : memref<320000x128xf32, #tpu.memory_space<hbm>> -> memref<40x128xf32, #tpu.memory_space<hbm>>
    %dma_wait3A_89 = arith.constant 0 : i32
    %dma_wait3A_90 = arith.constant 0 : i32
    %dma_wait3A_91 = tpu.memref_slice %arg3[%dma_wait3A_89, %dma_wait3A_90] : memref<320000x128xf32, #tpu.memory_space<hbm>> -> memref<40x128xf32, #tpu.memory_space<hbm>>
    tpu.wait_dma2 semaphore(%arg22 : memref<!tpu.dma_semaphore, #tpu.memory_space<semaphore_mem>>) src(%dma_wait3A_91 : memref<40x128xf32, #tpu.memory_space<hbm>>) dst(%arg18 : memref<40x128xf32, #tpu.memory_space<vmem>>)
    %scan3A_92 = arith.constant 0 : i32
    %scan3A_93 = arith.constant 0 : i32
    %scan3A_94 = arith.constant 40 : i32
    %scan3A_95 = arith.addi %scan3A_93, %scan3A_94 : i32
    %scan3A_96 = arith.constant 1 : i32
    scf.for %scan3A_104 = %scan3A_93 to %scan3A_95 step %scan3A_96  : i32 {
      %get3A = arith.index_cast %scan3A_104 : i32 to index
      %get3A_105 = arith.constant 0 : index
      %get3A_106 = tpu.vector_load %arg16[%get3A, %get3A_105] {strides = array<i32>} : memref<40x128xf32, #tpu.memory_space<vmem>>, vector<1x16xf32>,
      %get3A_107 = vector.shape_cast %get3A_106 : vector<1x16xf32> to vector<16xf32>
      %get3A_108 = arith.index_cast %scan3A_104 : i32 to index
      %get3A_109 = arith.constant 0 : index
      %get3A_110 = tpu.vector_load %arg17[%get3A_108, %get3A_109] {strides = array<i32>} : memref<40x128xf32, #tpu.memory_space<vmem>>, vector<1x16xf32>,
      %get3A_111 = vector.shape_cast %get3A_110 : vector<1x16xf32> to vector<16xf32>
      %add3A_112 = arith.addf %get3A_107, %get3A_111 : vector<16xf32>
      %get3A_113 = arith.index_cast %scan3A_104 : i32 to index
      %get3A_114 = arith.constant 0 : index
      %get3A_115 = tpu.vector_load %arg18[%get3A_113, %get3A_114] {strides = array<i32>} : memref<40x128xf32, #tpu.memory_space<vmem>>, vector<1x16xf32>,
      %get3A_116 = vector.shape_cast %get3A_115 : vector<1x16xf32> to vector<16xf32>
      %add3A_117 = arith.addf %add3A_112, %get3A_116 : vector<16xf32>
      %max3A = arith.constant 0.000000e+00 : f32
      %max3A_118 = vector.broadcast %max3A : f32 to vector<16xf32>
      %max3A_119 = arith.maximumf %add3A_117, %max3A_118 : vector<16xf32>
      %swap3A = arith.index_cast %scan3A_104 : i32 to index
      %swap3A_120 = arith.constant 0 : index
      %swap3A_121 = tpu.vector_load %arg19[%swap3A, %swap3A_120] {strides = array<i32>} : memref<40x128xf32, #tpu.memory_space<vmem>>, vector<1x16xf32>,
      %swap3A_122 = vector.shape_cast %swap3A_121 : vector<1x16xf32> to vector<16xf32>
      %swap3A_123 = vector.shape_cast %max3A_119 : vector<16xf32> to vector<1x16xf32>
      tpu.vector_store %arg19[%swap3A, %swap3A_120], %swap3A_123 {strides = array<i32>} : memref<40x128xf32, #tpu.memory_space<vmem>>, vector<1x16xf32>,
      %get3A_124 = arith.index_cast %scan3A_104 : i32 to index
      %get3A_125 = arith.constant 16 : index
      %get3A_126 = tpu.vector_load %arg16[%get3A_124, %get3A_125] {strides = array<i32>} : memref<40x128xf32, #tpu.memory_space<vmem>>, vector<1x16xf32>,
      %get3A_127 = vector.shape_cast %get3A_126 : vector<1x16xf32> to vector<16xf32>
      %get3A_128 = arith.index_cast %scan3A_104 : i32 to index
      %get3A_129 = arith.constant 16 : index
      %get3A_130 = tpu.vector_load %arg17[%get3A_128, %get3A_129] {strides = array<i32>} : memref<40x128xf32, #tpu.memory_space<vmem>>, vector<1x16xf32>,
      %get3A_131 = vector.shape_cast %get3A_130 : vector<1x16xf32> to vector<16xf32>
      %add3A_132 = arith.addf %get3A_127, %get3A_131 : vector<16xf32>
      %get3A_133 = arith.index_cast %scan3A_104 : i32 to index
      %get3A_134 = arith.constant 16 : index
      %get3A_135 = tpu.vector_load %arg18[%get3A_133, %get3A_134] {strides = array<i32>} : memref<40x128xf32, #tpu.memory_space<vmem>>, vector<1x16xf32>,
      %get3A_136 = vector.shape_cast %get3A_135 : vector<1x16xf32> to vector<16xf32>
      %add3A_137 = arith.addf %add3A_132, %get3A_136 : vector<16xf32>
      %max3A_138 = arith.constant 0.000000e+00 : f32
      %max3A_139 = vector.broadcast %max3A_138 : f32 to vector<16xf32>
      %max3A_140 = arith.maximumf %add3A_137, %max3A_139 : vector<16xf32>
      %swap3A_141 = arith.index_cast %scan3A_104 : i32 to index
      %swap3A_142 = arith.constant 16 : index
      %swap3A_143 = tpu.vector_load %arg19[%swap3A_141, %swap3A_142] {strides = array<i32>} : memref<40x128xf32, #tpu.memory_space<vmem>>, vector<1x16xf32>,
      %swap3A_144 = vector.shape_cast %swap3A_143 : vector<1x16xf32> to vector<16xf32>
      %swap3A_145 = vector.shape_cast %max3A_140 : vector<16xf32> to vector<1x16xf32>
      tpu.vector_store %arg19[%swap3A_141, %swap3A_142], %swap3A_145 {strides = array<i32>} : memref<40x128xf32, #tpu.memory_space<vmem>>, vector<1x16xf32>,
      %get3A_146 = arith.index_cast %scan3A_104 : i32 to index
      %get3A_147 = arith.constant 32 : index
      %get3A_148 = tpu.vector_load %arg16[%get3A_146, %get3A_147] {strides = array<i32>} : memref<40x128xf32, #tpu.memory_space<vmem>>, vector<1x16xf32>,
      %get3A_149 = vector.shape_cast %get3A_148 : vector<1x16xf32> to vector<16xf32>
      %get3A_150 = arith.index_cast %scan3A_104 : i32 to index
      %get3A_151 = arith.constant 32 : index
      %get3A_152 = tpu.vector_load %arg17[%get3A_150, %get3A_151] {strides = array<i32>} : memref<40x128xf32, #tpu.memory_space<vmem>>, vector<1x16xf32>,
      %get3A_153 = vector.shape_cast %get3A_152 : vector<1x16xf32> to vector<16xf32>
      %add3A_154 = arith.addf %get3A_149, %get3A_153 : vector<16xf32>
      %get3A_155 = arith.index_cast %scan3A_104 : i32 to index
      %get3A_156 = arith.constant 32 : index
      %get3A_157 = tpu.vector_load %arg18[%get3A_155, %get3A_156] {strides = array<i32>} : memref<40x128xf32, #tpu.memory_space<vmem>>, vector<1x16xf32>,
      %get3A_158 = vector.shape_cast %get3A_157 : vector<1x16xf32> to vector<16xf32>
      %add3A_159 = arith.addf %add3A_154, %get3A_158 : vector<16xf32>
      %max3A_160 = arith.constant 0.000000e+00 : f32
      %max3A_161 = vector.broadcast %max3A_160 : f32 to vector<16xf32>
      %max3A_162 = arith.maximumf %add3A_159, %max3A_161 : vector<16xf32>
      %swap3A_163 = arith.index_cast %scan3A_104 : i32 to index
      %swap3A_164 = arith.constant 32 : index
      %swap3A_165 = tpu.vector_load %arg19[%swap3A_163, %swap3A_164] {strides = array<i32>} : memref<40x128xf32, #tpu.memory_space<vmem>>, vector<1x16xf32>,
      %swap3A_166 = vector.shape_cast %swap3A_165 : vector<1x16xf32> to vector<16xf32>
      %swap3A_167 = vector.shape_cast %max3A_162 : vector<16xf32> to vector<1x16xf32>
      tpu.vector_store %arg19[%swap3A_163, %swap3A_164], %swap3A_167 {strides = array<i32>} : memref<40x128xf32, #tpu.memory_space<vmem>>, vector<1x16xf32>,
      %get3A_168 = arith.index_cast %scan3A_104 : i32 to index
      %get3A_169 = arith.constant 48 : index
      %get3A_170 = tpu.vector_load %arg16[%get3A_168, %get3A_169] {strides = array<i32>} : memref<40x128xf32, #tpu.memory_space<vmem>>, vector<1x16xf32>,
      %get3A_171 = vector.shape_cast %get3A_170 : vector<1x16xf32> to vector<16xf32>
      %get3A_172 = arith.index_cast %scan3A_104 : i32 to index
      %get3A_173 = arith.constant 48 : index
      %get3A_174 = tpu.vector_load %arg17[%get3A_172, %get3A_173] {strides = array<i32>} : memref<40x128xf32, #tpu.memory_space<vmem>>, vector<1x16xf32>,
      %get3A_175 = vector.shape_cast %get3A_174 : vector<1x16xf32> to vector<16xf32>
      %add3A_176 = arith.addf %get3A_171, %get3A_175 : vector<16xf32>
      %get3A_177 = arith.index_cast %scan3A_104 : i32 to index
      %get3A_178 = arith.constant 48 : index
      %get3A_179 = tpu.vector_load %arg18[%get3A_177, %get3A_178] {strides = array<i32>} : memref<40x128xf32, #tpu.memory_space<vmem>>, vector<1x16xf32>,
      %get3A_180 = vector.shape_cast %get3A_179 : vector<1x16xf32> to vector<16xf32>
      %add3A_181 = arith.addf %add3A_176, %get3A_180 : vector<16xf32>
      %max3A_182 = arith.constant 0.000000e+00 : f32
      %max3A_183 = vector.broadcast %max3A_182 : f32 to vector<16xf32>
      %max3A_184 = arith.maximumf %add3A_181, %max3A_183 : vector<16xf32>
      %swap3A_185 = arith.index_cast %scan3A_104 : i32 to index
      %swap3A_186 = arith.constant 48 : index
      %swap3A_187 = tpu.vector_load %arg19[%swap3A_185, %swap3A_186] {strides = array<i32>} : memref<40x128xf32, #tpu.memory_space<vmem>>, vector<1x16xf32>,
      %swap3A_188 = vector.shape_cast %swap3A_187 : vector<1x16xf32> to vector<16xf32>
      %swap3A_189 = vector.shape_cast %max3A_184 : vector<16xf32> to vector<1x16xf32>
      tpu.vector_store %arg19[%swap3A_185, %swap3A_186], %swap3A_189 {strides = array<i32>} : memref<40x128xf32, #tpu.memory_space<vmem>>, vector<1x16xf32>,
      %get3A_190 = arith.index_cast %scan3A_104 : i32 to index
      %get3A_191 = arith.constant 64 : index
      %get3A_192 = tpu.vector_load %arg16[%get3A_190, %get3A_191] {strides = array<i32>} : memref<40x128xf32, #tpu.memory_space<vmem>>, vector<1x16xf32>,
      %get3A_193 = vector.shape_cast %get3A_192 : vector<1x16xf32> to vector<16xf32>
      %get3A_194 = arith.index_cast %scan3A_104 : i32 to index
      %get3A_195 = arith.constant 64 : index
      %get3A_196 = tpu.vector_load %arg17[%get3A_194, %get3A_195] {strides = array<i32>} : memref<40x128xf32, #tpu.memory_space<vmem>>, vector<1x16xf32>,
      %get3A_197 = vector.shape_cast %get3A_196 : vector<1x16xf32> to vector<16xf32>
      %add3A_198 = arith.addf %get3A_193, %get3A_197 : vector<16xf32>
      %get3A_199 = arith.index_cast %scan3A_104 : i32 to index
      %get3A_200 = arith.constant 64 : index
      %get3A_201 = tpu.vector_load %arg18[%get3A_199, %get3A_200] {strides = array<i32>} : memref<40x128xf32, #tpu.memory_space<vmem>>, vector<1x16xf32>,
      %get3A_202 = vector.shape_cast %get3A_201 : vector<1x16xf32> to vector<16xf32>
      %add3A_203 = arith.addf %add3A_198, %get3A_202 : vector<16xf32>
      %max3A_204 = arith.constant 0.000000e+00 : f32
      %max3A_205 = vector.broadcast %max3A_204 : f32 to vector<16xf32>
      %max3A_206 = arith.maximumf %add3A_203, %max3A_205 : vector<16xf32>
      %swap3A_207 = arith.index_cast %scan3A_104 : i32 to index
      %swap3A_208 = arith.constant 64 : index
      %swap3A_209 = tpu.vector_load %arg19[%swap3A_207, %swap3A_208] {strides = array<i32>} : memref<40x128xf32, #tpu.memory_space<vmem>>, vector<1x16xf32>,
      %swap3A_210 = vector.shape_cast %swap3A_209 : vector<1x16xf32> to vector<16xf32>
      %swap3A_211 = vector.shape_cast %max3A_206 : vector<16xf32> to vector<1x16xf32>
      tpu.vector_store %arg19[%swap3A_207, %swap3A_208], %swap3A_211 {strides = array<i32>} : memref<40x128xf32, #tpu.memory_space<vmem>>, vector<1x16xf32>,
      %get3A_212 = arith.index_cast %scan3A_104 : i32 to index
      %get3A_213 = arith.constant 80 : index
      %get3A_214 = tpu.vector_load %arg16[%get3A_212, %get3A_213] {strides = array<i32>} : memref<40x128xf32, #tpu.memory_space<vmem>>, vector<1x16xf32>,
      %get3A_215 = vector.shape_cast %get3A_214 : vector<1x16xf32> to vector<16xf32>
      %get3A_216 = arith.index_cast %scan3A_104 : i32 to index
      %get3A_217 = arith.constant 80 : index
      %get3A_218 = tpu.vector_load %arg17[%get3A_216, %get3A_217] {strides = array<i32>} : memref<40x128xf32, #tpu.memory_space<vmem>>, vector<1x16xf32>,
      %get3A_219 = vector.shape_cast %get3A_218 : vector<1x16xf32> to vector<16xf32>
      %add3A_220 = arith.addf %get3A_215, %get3A_219 : vector<16xf32>
      %get3A_221 = arith.index_cast %scan3A_104 : i32 to index
      %get3A_222 = arith.constant 80 : index
      %get3A_223 = tpu.vector_load %arg18[%get3A_221, %get3A_222] {strides = array<i32>} : memref<40x128xf32, #tpu.memory_space<vmem>>, vector<1x16xf32>,
      %get3A_224 = vector.shape_cast %get3A_223 : vector<1x16xf32> to vector<16xf32>
      %add3A_225 = arith.addf %add3A_220, %get3A_224 : vector<16xf32>
      %max3A_226 = arith.constant 0.000000e+00 : f32
      %max3A_227 = vector.broadcast %max3A_226 : f32 to vector<16xf32>
      %max3A_228 = arith.maximumf %add3A_225, %max3A_227 : vector<16xf32>
      %swap3A_229 = arith.index_cast %scan3A_104 : i32 to index
      %swap3A_230 = arith.constant 80 : index
      %swap3A_231 = tpu.vector_load %arg19[%swap3A_229, %swap3A_230] {strides = array<i32>} : memref<40x128xf32, #tpu.memory_space<vmem>>, vector<1x16xf32>,
      %swap3A_232 = vector.shape_cast %swap3A_231 : vector<1x16xf32> to vector<16xf32>
      %swap3A_233 = vector.shape_cast %max3A_228 : vector<16xf32> to vector<1x16xf32>
      tpu.vector_store %arg19[%swap3A_229, %swap3A_230], %swap3A_233 {strides = array<i32>} : memref<40x128xf32, #tpu.memory_space<vmem>>, vector<1x16xf32>,
      %get3A_234 = arith.index_cast %scan3A_104 : i32 to index
      %get3A_235 = arith.constant 96 : index
      %get3A_236 = tpu.vector_load %arg16[%get3A_234, %get3A_235] {strides = array<i32>} : memref<40x128xf32, #tpu.memory_space<vmem>>, vector<1x16xf32>,
      %get3A_237 = vector.shape_cast %get3A_236 : vector<1x16xf32> to vector<16xf32>
      %get3A_238 = arith.index_cast %scan3A_104 : i32 to index
      %get3A_239 = arith.constant 96 : index
      %get3A_240 = tpu.vector_load %arg17[%get3A_238, %get3A_239] {strides = array<i32>} : memref<40x128xf32, #tpu.memory_space<vmem>>, vector<1x16xf32>,
      %get3A_241 = vector.shape_cast %get3A_240 : vector<1x16xf32> to vector<16xf32>
      %add3A_242 = arith.addf %get3A_237, %get3A_241 : vector<16xf32>
      %get3A_243 = arith.index_cast %scan3A_104 : i32 to index
      %get3A_244 = arith.constant 96 : index
      %get3A_245 = tpu.vector_load %arg18[%get3A_243, %get3A_244] {strides = array<i32>} : memref<40x128xf32, #tpu.memory_space<vmem>>, vector<1x16xf32>,
      %get3A_246 = vector.shape_cast %get3A_245 : vector<1x16xf32> to vector<16xf32>
      %add3A_247 = arith.addf %add3A_242, %get3A_246 : vector<16xf32>
      %max3A_248 = arith.constant 0.000000e+00 : f32
      %max3A_249 = vector.broadcast %max3A_248 : f32 to vector<16xf32>
      %max3A_250 = arith.maximumf %add3A_247, %max3A_249 : vector<16xf32>
      %swap3A_251 = arith.index_cast %scan3A_104 : i32 to index
      %swap3A_252 = arith.constant 96 : index
      %swap3A_253 = tpu.vector_load %arg19[%swap3A_251, %swap3A_252] {strides = array<i32>} : memref<40x128xf32, #tpu.memory_space<vmem>>, vector<1x16xf32>,
      %swap3A_254 = vector.shape_cast %swap3A_253 : vector<1x16xf32> to vector<16xf32>
      %swap3A_255 = vector.shape_cast %max3A_250 : vector<16xf32> to vector<1x16xf32>
      tpu.vector_store %arg19[%swap3A_251, %swap3A_252], %swap3A_255 {strides = array<i32>} : memref<40x128xf32, #tpu.memory_space<vmem>>, vector<1x16xf32>,
      %get3A_256 = arith.index_cast %scan3A_104 : i32 to index
      %get3A_257 = arith.constant 112 : index
      %get3A_258 = tpu.vector_load %arg16[%get3A_256, %get3A_257] {strides = array<i32>} : memref<40x128xf32, #tpu.memory_space<vmem>>, vector<1x16xf32>,
      %get3A_259 = vector.shape_cast %get3A_258 : vector<1x16xf32> to vector<16xf32>
      %get3A_260 = arith.index_cast %scan3A_104 : i32 to index
      %get3A_261 = arith.constant 112 : index
      %get3A_262 = tpu.vector_load %arg17[%get3A_260, %get3A_261] {strides = array<i32>} : memref<40x128xf32, #tpu.memory_space<vmem>>, vector<1x16xf32>,
      %get3A_263 = vector.shape_cast %get3A_262 : vector<1x16xf32> to vector<16xf32>
      %add3A_264 = arith.addf %get3A_259, %get3A_263 : vector<16xf32>
      %get3A_265 = arith.index_cast %scan3A_104 : i32 to index
      %get3A_266 = arith.constant 112 : index
      %get3A_267 = tpu.vector_load %arg18[%get3A_265, %get3A_266] {strides = array<i32>} : memref<40x128xf32, #tpu.memory_space<vmem>>, vector<1x16xf32>,
      %get3A_268 = vector.shape_cast %get3A_267 : vector<1x16xf32> to vector<16xf32>
      %add3A_269 = arith.addf %add3A_264, %get3A_268 : vector<16xf32>
      %max3A_270 = arith.constant 0.000000e+00 : f32
      %max3A_271 = vector.broadcast %max3A_270 : f32 to vector<16xf32>
      %max3A_272 = arith.maximumf %add3A_269, %max3A_271 : vector<16xf32>
      %swap3A_273 = arith.index_cast %scan3A_104 : i32 to index
      %swap3A_274 = arith.constant 112 : index
      %swap3A_275 = tpu.vector_load %arg19[%swap3A_273, %swap3A_274] {strides = array<i32>} : memref<40x128xf32, #tpu.memory_space<vmem>>, vector<1x16xf32>,
      %swap3A_276 = vector.shape_cast %swap3A_275 : vector<1x16xf32> to vector<16xf32>
      %swap3A_277 = vector.shape_cast %max3A_272 : vector<16xf32> to vector<1x16xf32>
      tpu.vector_store %arg19[%swap3A_273, %swap3A_274], %swap3A_277 {strides = array<i32>} : memref<40x128xf32, #tpu.memory_space<vmem>>, vector<1x16xf32>,
    }
    %scan3A_97 = arith.constant 40 : i32
    "tpu.region"() ({
      %run_scoped3A = tpu.sem_alloc : memref<!tpu.dma_semaphore, #tpu.memory_space<semaphore_mem>>
      %dma_start3A_104 = arith.constant 0 : i32
      %dma_start3A_105 = arith.constant 0 : i32
      %dma_start3A_106 = tpu.memref_slice %arg20[%dma_start3A_104, %dma_start3A_105] : memref<10000x128xf32, #tpu.memory_space<vmem_shared>> -> memref<10000x128xf32, #tpu.memory_space<vmem_shared>>
      tpu.enqueue_indirect_dma source(%arg19 : memref<40x128xf32, #tpu.memory_space<vmem>>) target(%dma_start3A_106 : memref<10000x128xf32, #tpu.memory_space<vmem_shared>>) offsets(%arg10 : memref<40xi32, #tpu.memory_space<vmem>>) semaphore(%run_scoped3A : memref<!tpu.dma_semaphore, #tpu.memory_space<semaphore_mem>>) {add = true}
      %dma_wait3A_107 = arith.constant 0 : i32
      %dma_wait3A_108 = arith.constant 0 : i32
      %dma_wait3A_109 = tpu.memref_slice %arg20[%dma_wait3A_107, %dma_wait3A_108] : memref<10000x128xf32, #tpu.memory_space<vmem_shared>> -> memref<10000x128xf32, #tpu.memory_space<vmem_shared>>
      tpu.wait_indirect_dma semaphore(%run_scoped3A : memref<!tpu.dma_semaphore, #tpu.memory_space<semaphore_mem>>) src(%arg19 : memref<40x128xf32, #tpu.memory_space<vmem>>) dst(%dma_wait3A_109 : memref<10000x128xf32, #tpu.memory_space<vmem_shared>>)
      tpu.yield
    }) : () -> ()
    "tpu.region"() ({
      %run_scoped3A = tpu.sem_alloc : memref<!tpu.dma_semaphore, #tpu.memory_space<semaphore_mem>>
      %dma_start3A_104 = arith.constant 0 : i32
      %dma_start3A_105 = arith.constant 0 : i32
      %dma_start3A_106 = tpu.memref_slice %arg20[%dma_start3A_104, %dma_start3A_105] : memref<10000x128xf32, #tpu.memory_space<vmem_shared>> -> memref<10000x128xf32, #tpu.memory_space<vmem_shared>>
      tpu.enqueue_indirect_dma source(%arg19 : memref<40x128xf32, #tpu.memory_space<vmem>>) target(%dma_start3A_106 : memref<10000x128xf32, #tpu.memory_space<vmem_shared>>) offsets(%arg11 : memref<40xi32, #tpu.memory_space<vmem>>) semaphore(%run_scoped3A : memref<!tpu.dma_semaphore, #tpu.memory_space<semaphore_mem>>) {add = true}
      %dma_wait3A_107 = arith.constant 0 : i32
      %dma_wait3A_108 = arith.constant 0 : i32
      %dma_wait3A_109 = tpu.memref_slice %arg20[%dma_wait3A_107, %dma_wait3A_108] : memref<10000x128xf32, #tpu.memory_space<vmem_shared>> -> memref<10000x128xf32, #tpu.memory_space<vmem_shared>>
      tpu.wait_indirect_dma semaphore(%run_scoped3A : memref<!tpu.dma_semaphore, #tpu.memory_space<semaphore_mem>>) src(%arg19 : memref<40x128xf32, #tpu.memory_space<vmem>>) dst(%dma_wait3A_109 : memref<10000x128xf32, #tpu.memory_space<vmem_shared>>)
      tpu.yield
    }) : () -> ()
    %barrier3A_98 = arith.constant 0 : index
    tpu.barrier barrier_id(%barrier3A_98)
    "tpu.region"() ({
      %run_scoped3A = tpu.sem_alloc : memref<!tpu.dma_semaphore, #tpu.memory_space<semaphore_mem>>
      %dma_start3A_104 = arith.constant 0 : i32
      %dma_start3A_105 = tpu.memref_slice %arg7[%arg0, %mul3A_2, %dma_start3A_104] : memref<2x10000x128xf32, #tpu.memory_space<hbm>> -> memref<1x624x128xf32, #tpu.memory_space<hbm>>
      %dma_start3A_106 = tpu.memref_squeeze %dma_start3A_105 : memref<1x624x128xf32, #tpu.memory_space<hbm>> -> memref<624x128xf32, #tpu.memory_space<hbm>>
      %dma_start3A_107 = arith.constant 0 : i32
      %dma_start3A_108 = tpu.memref_slice %arg20[%mul3A_2, %dma_start3A_107] : memref<10000x128xf32, #tpu.memory_space<vmem_shared>> -> memref<624x128xf32, #tpu.memory_space<vmem_shared>>
      tpu.enqueue_dma source(%dma_start3A_108 : memref<624x128xf32, #tpu.memory_space<vmem_shared>>) target(%dma_start3A_106 : memref<624x128xf32, #tpu.memory_space<hbm>>) target_semaphore(%run_scoped3A : memref<!tpu.dma_semaphore, #tpu.memory_space<semaphore_mem>>)
      %dma_wait3A_109 = arith.constant 0 : i32
      %dma_wait3A_110 = tpu.memref_slice %arg7[%arg0, %mul3A_2, %dma_wait3A_109] : memref<2x10000x128xf32, #tpu.memory_space<hbm>> -> memref<1x624x128xf32, #tpu.memory_space<hbm>>
      %dma_wait3A_111 = tpu.memref_squeeze %dma_wait3A_110 : memref<1x624x128xf32, #tpu.memory_space<hbm>> -> memref<624x128xf32, #tpu.memory_space<hbm>>
      %dma_wait3A_112 = arith.constant 0 : i32
      %dma_wait3A_113 = tpu.memref_slice %arg20[%mul3A_2, %dma_wait3A_112] : memref<10000x128xf32, #tpu.memory_space<vmem_shared>> -> memref<624x128xf32, #tpu.memory_space<vmem_shared>>
      tpu.wait_dma2 semaphore(%run_scoped3A : memref<!tpu.dma_semaphore, #tpu.memory_space<semaphore_mem>>) src(%dma_wait3A_113 : memref<624x128xf32, #tpu.memory_space<vmem_shared>>) dst(%dma_wait3A_111 : memref<624x128xf32, #tpu.memory_space<hbm>>)
      tpu.yield
    }) : () -> ()
    %eq3A_99 = arith.constant 0 : i32
    %eq3A_100 = arith.cmpi eq, %arg1, %eq3A_99 : i32
    %convert_element_type3A_101 = arith.extui %eq3A_100 : i1 to i32
    %cond3A_102 = arith.constant 0 : i32
    %cond3A_103 = arith.cmpi ne, %convert_element_type3A_101, %cond3A_102 : i32
    scf.if %cond3A_103 {
      "tpu.region"() ({
        %run_scoped3A = tpu.sem_alloc : memref<!tpu.dma_semaphore, #tpu.memory_space<semaphore_mem>>
        %dma_start3A_104 = arith.constant 9984 : i32
        %dma_start3A_105 = arith.constant 0 : i32
        %dma_start3A_106 = tpu.memref_slice %arg7[%arg0, %dma_start3A_104, %dma_start3A_105] : memref<2x10000x128xf32, #tpu.memory_space<hbm>> -> memref<1x16x128xf32, #tpu.memory_space<hbm>>
        %dma_start3A_107 = tpu.memref_squeeze %dma_start3A_106 : memref<1x16x128xf32, #tpu.memory_space<hbm>> -> memref<16x128xf32, #tpu.memory_space<hbm>>
        %dma_start3A_108 = arith.constant 9984 : i32
        %dma_start3A_109 = arith.constant 0 : i32
        %dma_start3A_110 = tpu.memref_slice %arg20[%dma_start3A_108, %dma_start3A_109] : memref<10000x128xf32, #tpu.memory_space<vmem_shared>> -> memref<16x128xf32, #tpu.memory_space<vmem_shared>>
        tpu.enqueue_dma source(%dma_start3A_110 : memref<16x128xf32, #tpu.memory_space<vmem_shared>>) target(%dma_start3A_107 : memref<16x128xf32, #tpu.memory_space<hbm>>) target_semaphore(%run_scoped3A : memref<!tpu.dma_semaphore, #tpu.memory_space<semaphore_mem>>)
        %dma_wait3A_111 = arith.constant 9984 : i32
        %dma_wait3A_112 = arith.constant 0 : i32
        %dma_wait3A_113 = tpu.memref_slice %arg7[%arg0, %dma_wait3A_111, %dma_wait3A_112] : memref<2x10000x128xf32, #tpu.memory_space<hbm>> -> memref<1x16x128xf32, #tpu.memory_space<hbm>>
        %dma_wait3A_114 = tpu.memref_squeeze %dma_wait3A_113 : memref<1x16x128xf32, #tpu.memory_space<hbm>> -> memref<16x128xf32, #tpu.memory_space<hbm>>
        %dma_wait3A_115 = arith.constant 9984 : i32
        %dma_wait3A_116 = arith.constant 0 : i32
        %dma_wait3A_117 = tpu.memref_slice %arg20[%dma_wait3A_115, %dma_wait3A_116] : memref<10000x128xf32, #tpu.memory_space<vmem_shared>> -> memref<16x128xf32, #tpu.memory_space<vmem_shared>>
        tpu.wait_dma2 semaphore(%run_scoped3A : memref<!tpu.dma_semaphore, #tpu.memory_space<semaphore_mem>>) src(%dma_wait3A_117 : memref<16x128xf32, #tpu.memory_space<vmem_shared>>) dst(%dma_wait3A_114 : memref<16x128xf32, #tpu.memory_space<hbm>>)
        tpu.yield
      }) : () -> ()
    } else {
    }
    return
  }
}

#map = affine_map<(d0, d1) -> (0, 0)>
#map1 = affine_map<(d0, d1) -> (0)>
#map2 = affine_map<(d0, d1) -> (0, 0, 0)>
module attributes {stable_mosaic.version = 14 : i64} {
  func.func @_edge_body(%arg0: i32, %arg1: i32, %arg2: memref<10000x128xf32, #tpu.memory_space<hbm>>, %arg3: memref<320000x128xf32, #tpu.memory_space<hbm>>, %arg4: memref<320000xi32, #tpu.memory_space<hbm>>, %arg5: memref<320000xi32, #tpu.memory_space<hbm>>, %arg6: memref<10000x128xf32, #tpu.memory_space<hbm>>, %arg7: memref<2x10000x128xf32, #tpu.memory_space<hbm>>, %arg8: memref<40xi32, #tpu.memory_space<vmem>>, %arg9: memref<40xi32, #tpu.memory_space<vmem>>, %arg10: memref<40xi32, #tpu.memory_space<vmem>>, %arg11: memref<40xi32, #tpu.memory_space<vmem>>, %arg12: memref<40x128xf32, #tpu.memory_space<vmem>>, %arg13: memref<40x128xf32, #tpu.memory_space<vmem>>, %arg14: memref<40x128xf32, #tpu.memory_space<vmem>>, %arg15: memref<40x128xf32, #tpu.memory_space<vmem>>, %arg16: memref<40x128xf32, #tpu.memory_space<vmem>>, %arg17: memref<40x128xf32, #tpu.memory_space<vmem>>, %arg18: memref<40x128xf32, #tpu.memory_space<vmem>>, %arg19: memref<40x128xf32, #tpu.memory_space<vmem>>, %arg20: memref<10000x128xf32, #tpu.memory_space<vmem_shared>>, %arg21: memref<!tpu.dma_semaphore, #tpu.memory_space<semaphore_mem>>, %arg22: memref<!tpu.dma_semaphore, #tpu.memory_space<semaphore_mem>>, %arg23: memref<!tpu.dma_semaphore, #tpu.memory_space<semaphore_mem>>, %arg24: memref<!tpu.dma_semaphore, #tpu.memory_space<semaphore_mem>>) attributes {dimension_semantics = [#tpu.dimension_semantics<core_parallel>, #tpu.dimension_semantics<subcore_parallel>], iteration_bounds = array<i64: 2, 16>, scalar_prefetch = 0 : i64, scratch_operands = 17 : i64, tpu.core_type = #tpu.core_type<sc_vector_subcore>, window_params = [{transform_indices = #map}, {transform_indices = #map}, {transform_indices = #map1}, {transform_indices = #map1}, {transform_indices = #map}, {transform_indices = #map2}]} {
    %mul3A = arith.constant 2 : i32
    %mul3A_0 = arith.muli %arg1, %mul3A : i32
    %add3A = arith.addi %mul3A_0, %arg0 : i32
    %mul3A_1 = arith.constant 624 : i32
    %mul3A_2 = arith.muli %arg1, %mul3A_1 : i32
    "tpu.region"() ({
      %run_scoped3A = tpu.sem_alloc : memref<!tpu.dma_semaphore, #tpu.memory_space<semaphore_mem>>
      %dma_start3A_104 = arith.constant 0 : i32
      %dma_start3A_105 = tpu.memref_slice %arg20[%mul3A_2, %dma_start3A_104] : memref<10000x128xf32, #tpu.memory_space<vmem_shared>> -> memref<624x128xf32, #tpu.memory_space<vmem_shared>>
      %dma_start3A_106 = arith.constant 0 : i32
      %dma_start3A_107 = tpu.memref_slice %arg6[%mul3A_2, %dma_start3A_106] : memref<10000x128xf32, #tpu.memory_space<hbm>> -> memref<624x128xf32, #tpu.memory_space<hbm>>
      tpu.enqueue_dma source(%dma_start3A_107 : memref<624x128xf32, #tpu.memory_space<hbm>>) target(%dma_start3A_105 : memref<624x128xf32, #tpu.memory_space<vmem_shared>>) target_semaphore(%run_scoped3A : memref<!tpu.dma_semaphore, #tpu.memory_space<semaphore_mem>>)
      %dma_wait3A_108 = arith.constant 0 : i32
      %dma_wait3A_109 = tpu.memref_slice %arg20[%mul3A_2, %dma_wait3A_108] : memref<10000x128xf32, #tpu.memory_space<vmem_shared>> -> memref<624x128xf32, #tpu.memory_space<vmem_shared>>
      %dma_wait3A_110 = arith.constant 0 : i32
      %dma_wait3A_111 = tpu.memref_slice %arg6[%mul3A_2, %dma_wait3A_110] : memref<10000x128xf32, #tpu.memory_space<hbm>> -> memref<624x128xf32, #tpu.memory_space<hbm>>
      tpu.wait_dma2 semaphore(%run_scoped3A : memref<!tpu.dma_semaphore, #tpu.memory_space<semaphore_mem>>) src(%dma_wait3A_111 : memref<624x128xf32, #tpu.memory_space<hbm>>) dst(%dma_wait3A_109 : memref<624x128xf32, #tpu.memory_space<vmem_shared>>)
      tpu.yield
    }) : () -> ()
    %eq3A = arith.constant 0 : i32
    %eq3A_3 = arith.cmpi eq, %arg1, %eq3A : i32
    %convert_element_type3A = arith.extui %eq3A_3 : i1 to i32
    %cond3A = arith.constant 0 : i32
    %cond3A_4 = arith.cmpi ne, %convert_element_type3A, %cond3A : i32
    scf.if %cond3A_4 {
      "tpu.region"() ({
        %run_scoped3A = tpu.sem_alloc : memref<!tpu.dma_semaphore, #tpu.memory_space<semaphore_mem>>
        %dma_start3A_104 = arith.constant 9984 : i32
        %dma_start3A_105 = arith.constant 0 : i32
        %dma_start3A_106 = tpu.memref_slice %arg20[%dma_start3A_104, %dma_start3A_105] : memref<10000x128xf32, #tpu.memory_space<vmem_shared>> -> memref<16x128xf32, #tpu.memory_space<vmem_shared>>
        %dma_start3A_107 = arith.constant 9984 : i32
        %dma_start3A_108 = arith.constant 0 : i32
        %dma_start3A_109 = tpu.memref_slice %arg6[%dma_start3A_107, %dma_start3A_108] : memref<10000x128xf32, #tpu.memory_space<hbm>> -> memref<16x128xf32, #tpu.memory_space<hbm>>
        tpu.enqueue_dma source(%dma_start3A_109 : memref<16x128xf32, #tpu.memory_space<hbm>>) target(%dma_start3A_106 : memref<16x128xf32, #tpu.memory_space<vmem_shared>>) target_semaphore(%run_scoped3A : memref<!tpu.dma_semaphore, #tpu.memory_space<semaphore_mem>>)
        %dma_wait3A_110 = arith.constant 9984 : i32
        %dma_wait3A_111 = arith.constant 0 : i32
        %dma_wait3A_112 = tpu.memref_slice %arg20[%dma_wait3A_110, %dma_wait3A_111] : memref<10000x128xf32, #tpu.memory_space<vmem_shared>> -> memref<16x128xf32, #tpu.memory_space<vmem_shared>>
        %dma_wait3A_113 = arith.constant 9984 : i32
        %dma_wait3A_114 = arith.constant 0 : i32
        %dma_wait3A_115 = tpu.memref_slice %arg6[%dma_wait3A_113, %dma_wait3A_114] : memref<10000x128xf32, #tpu.memory_space<hbm>> -> memref<16x128xf32, #tpu.memory_space<hbm>>
        tpu.wait_dma2 semaphore(%run_scoped3A : memref<!tpu.dma_semaphore, #tpu.memory_space<semaphore_mem>>) src(%dma_wait3A_115 : memref<16x128xf32, #tpu.memory_space<hbm>>) dst(%dma_wait3A_112 : memref<16x128xf32, #tpu.memory_space<vmem_shared>>)
        tpu.yield
      }) : () -> ()
    } else {
    }
    %barrier3A = arith.constant 0 : index
    tpu.barrier barrier_id(%barrier3A)
    %mul3A_5 = arith.constant 10000 : i32
    %mul3A_6 = arith.muli %add3A, %mul3A_5 : i32
    %add3A_7 = arith.constant 0 : i32
    %add3A_8 = arith.addi %mul3A_6, %add3A_7 : i32
    %dma_start3A = tpu.memref_slice %arg4[%add3A_8] : memref<320000xi32, #tpu.memory_space<hbm>> -> memref<40xi32, #tpu.memory_space<hbm>>
    %dma_start3A_9 = tpu.memref_slice %arg4[%add3A_8] : memref<320000xi32, #tpu.memory_space<hbm>> -> memref<40xi32, #tpu.memory_space<hbm>>
    tpu.enqueue_dma source(%dma_start3A_9 : memref<40xi32, #tpu.memory_space<hbm>>) target(%arg8 : memref<40xi32, #tpu.memory_space<vmem>>) target_semaphore(%arg23 : memref<!tpu.dma_semaphore, #tpu.memory_space<semaphore_mem>>)
    %dma_start3A_10 = tpu.memref_slice %arg5[%add3A_8] : memref<320000xi32, #tpu.memory_space<hbm>> -> memref<40xi32, #tpu.memory_space<hbm>>
    %dma_start3A_11 = tpu.memref_slice %arg5[%add3A_8] : memref<320000xi32, #tpu.memory_space<hbm>> -> memref<40xi32, #tpu.memory_space<hbm>>
    tpu.enqueue_dma source(%dma_start3A_11 : memref<40xi32, #tpu.memory_space<hbm>>) target(%arg9 : memref<40xi32, #tpu.memory_space<vmem>>) target_semaphore(%arg23 : memref<!tpu.dma_semaphore, #tpu.memory_space<semaphore_mem>>)
    %dma_wait3A = arith.constant 0 : i32
    %dma_wait3A_12 = tpu.memref_slice %arg4[%dma_wait3A] : memref<320000xi32, #tpu.memory_space<hbm>> -> memref<40xi32, #tpu.memory_space<hbm>>
    %dma_wait3A_13 = arith.constant 0 : i32
    %dma_wait3A_14 = tpu.memref_slice %arg4[%dma_wait3A_13] : memref<320000xi32, #tpu.memory_space<hbm>> -> memref<40xi32, #tpu.memory_space<hbm>>
    tpu.wait_dma2 semaphore(%arg23 : memref<!tpu.dma_semaphore, #tpu.memory_space<semaphore_mem>>) src(%dma_wait3A_14 : memref<40xi32, #tpu.memory_space<hbm>>) dst(%arg8 : memref<40xi32, #tpu.memory_space<vmem>>)
    %dma_wait3A_15 = arith.constant 0 : i32
    %dma_wait3A_16 = tpu.memref_slice %arg5[%dma_wait3A_15] : memref<320000xi32, #tpu.memory_space<hbm>> -> memref<40xi32, #tpu.memory_space<hbm>>
    %dma_wait3A_17 = arith.constant 0 : i32
    %dma_wait3A_18 = tpu.memref_slice %arg5[%dma_wait3A_17] : memref<320000xi32, #tpu.memory_space<hbm>> -> memref<40xi32, #tpu.memory_space<hbm>>
    tpu.wait_dma2 semaphore(%arg23 : memref<!tpu.dma_semaphore, #tpu.memory_space<semaphore_mem>>) src(%dma_wait3A_18 : memref<40xi32, #tpu.memory_space<hbm>>) dst(%arg9 : memref<40xi32, #tpu.memory_space<vmem>>)
    %add3A_19 = arith.constant 0 : i32
    %add3A_20 = arith.addi %mul3A_6, %add3A_19 : i32
    %dma_start3A_21 = arith.constant 0 : i32
    %dma_start3A_22 = arith.constant 0 : i32
    %dma_start3A_23 = tpu.memref_slice %arg2[%dma_start3A_21, %dma_start3A_22] : memref<10000x128xf32, #tpu.memory_space<hbm>> -> memref<10000x128xf32, #tpu.memory_space<hbm>>
    tpu.enqueue_indirect_dma source(%dma_start3A_23 : memref<10000x128xf32, #tpu.memory_space<hbm>>) target(%arg12 : memref<40x128xf32, #tpu.memory_space<vmem>>) offsets(%arg8 : memref<40xi32, #tpu.memory_space<vmem>>) semaphore(%arg21 : memref<!tpu.dma_semaphore, #tpu.memory_space<semaphore_mem>>)
    %dma_start3A_24 = arith.constant 0 : i32
    %dma_start3A_25 = arith.constant 0 : i32
    %dma_start3A_26 = tpu.memref_slice %arg2[%dma_start3A_24, %dma_start3A_25] : memref<10000x128xf32, #tpu.memory_space<hbm>> -> memref<10000x128xf32, #tpu.memory_space<hbm>>
    tpu.enqueue_indirect_dma source(%dma_start3A_26 : memref<10000x128xf32, #tpu.memory_space<hbm>>) target(%arg13 : memref<40x128xf32, #tpu.memory_space<vmem>>) offsets(%arg9 : memref<40xi32, #tpu.memory_space<vmem>>) semaphore(%arg21 : memref<!tpu.dma_semaphore, #tpu.memory_space<semaphore_mem>>)
    %dma_start3A_27 = arith.constant 0 : i32
    %dma_start3A_28 = tpu.memref_slice %arg3[%add3A_20, %dma_start3A_27] : memref<320000x128xf32, #tpu.memory_space<hbm>> -> memref<40x128xf32, #tpu.memory_space<hbm>>
    %dma_start3A_29 = arith.constant 0 : i32
    %dma_start3A_30 = tpu.memref_slice %arg3[%add3A_20, %dma_start3A_29] : memref<320000x128xf32, #tpu.memory_space<hbm>> -> memref<40x128xf32, #tpu.memory_space<hbm>>
    tpu.enqueue_dma source(%dma_start3A_30 : memref<40x128xf32, #tpu.memory_space<hbm>>) target(%arg14 : memref<40x128xf32, #tpu.memory_space<vmem>>) target_semaphore(%arg21 : memref<!tpu.dma_semaphore, #tpu.memory_space<semaphore_mem>>)
    %add3A_31 = arith.constant 40 : i32
    %add3A_32 = arith.addi %mul3A_6, %add3A_31 : i32
    %dma_start3A_33 = tpu.memref_slice %arg4[%add3A_32] : memref<320000xi32, #tpu.memory_space<hbm>> -> memref<40xi32, #tpu.memory_space<hbm>>
    %dma_start3A_34 = tpu.memref_slice %arg4[%add3A_32] : memref<320000xi32, #tpu.memory_space<hbm>> -> memref<40xi32, #tpu.memory_space<hbm>>
    tpu.enqueue_dma source(%dma_start3A_34 : memref<40xi32, #tpu.memory_space<hbm>>) target(%arg10 : memref<40xi32, #tpu.memory_space<vmem>>) target_semaphore(%arg24 : memref<!tpu.dma_semaphore, #tpu.memory_space<semaphore_mem>>)
    %dma_start3A_35 = tpu.memref_slice %arg5[%add3A_32] : memref<320000xi32, #tpu.memory_space<hbm>> -> memref<40xi32, #tpu.memory_space<hbm>>
    %dma_start3A_36 = tpu.memref_slice %arg5[%add3A_32] : memref<320000xi32, #tpu.memory_space<hbm>> -> memref<40xi32, #tpu.memory_space<hbm>>
    tpu.enqueue_dma source(%dma_start3A_36 : memref<40xi32, #tpu.memory_space<hbm>>) target(%arg11 : memref<40xi32, #tpu.memory_space<vmem>>) target_semaphore(%arg24 : memref<!tpu.dma_semaphore, #tpu.memory_space<semaphore_mem>>)
    %scan3A = arith.constant 0 : i32
    %scan3A_37 = arith.constant 0 : i32
    %scan3A_38 = arith.constant 124 : i32
    %scan3A_39 = arith.addi %scan3A_37, %scan3A_38 : i32
    %scan3A_40 = arith.constant 1 : i32
    scf.for %scan3A_104 = %scan3A_37 to %scan3A_39 step %scan3A_40  : i32 {
      %mul3A_105 = arith.constant 2 : i32
      %mul3A_106 = arith.muli %mul3A_105, %scan3A_104 : i32
      %dma_wait3A_107 = arith.constant 0 : i32
      %dma_wait3A_108 = arith.constant 0 : i32
      %dma_wait3A_109 = tpu.memref_slice %arg2[%dma_wait3A_107, %dma_wait3A_108] : memref<10000x128xf32, #tpu.memory_space<hbm>> -> memref<10000x128xf32, #tpu.memory_space<hbm>>
      tpu.wait_indirect_dma semaphore(%arg21 : memref<!tpu.dma_semaphore, #tpu.memory_space<semaphore_mem>>) src(%dma_wait3A_109 : memref<10000x128xf32, #tpu.memory_space<hbm>>) dst(%arg12 : memref<40x128xf32, #tpu.memory_space<vmem>>)
      %dma_wait3A_110 = arith.constant 0 : i32
      %dma_wait3A_111 = arith.constant 0 : i32
      %dma_wait3A_112 = tpu.memref_slice %arg2[%dma_wait3A_110, %dma_wait3A_111] : memref<10000x128xf32, #tpu.memory_space<hbm>> -> memref<10000x128xf32, #tpu.memory_space<hbm>>
      tpu.wait_indirect_dma semaphore(%arg21 : memref<!tpu.dma_semaphore, #tpu.memory_space<semaphore_mem>>) src(%dma_wait3A_112 : memref<10000x128xf32, #tpu.memory_space<hbm>>) dst(%arg13 : memref<40x128xf32, #tpu.memory_space<vmem>>)
      %dma_wait3A_113 = arith.constant 0 : i32
      %dma_wait3A_114 = arith.constant 0 : i32
      %dma_wait3A_115 = tpu.memref_slice %arg3[%dma_wait3A_113, %dma_wait3A_114] : memref<320000x128xf32, #tpu.memory_space<hbm>> -> memref<40x128xf32, #tpu.memory_space<hbm>>
      %dma_wait3A_116 = arith.constant 0 : i32
      %dma_wait3A_117 = arith.constant 0 : i32
      %dma_wait3A_118 = tpu.memref_slice %arg3[%dma_wait3A_116, %dma_wait3A_117] : memref<320000x128xf32, #tpu.memory_space<hbm>> -> memref<40x128xf32, #tpu.memory_space<hbm>>
      tpu.wait_dma2 semaphore(%arg21 : memref<!tpu.dma_semaphore, #tpu.memory_space<semaphore_mem>>) src(%dma_wait3A_118 : memref<40x128xf32, #tpu.memory_space<hbm>>) dst(%arg14 : memref<40x128xf32, #tpu.memory_space<vmem>>)
      %dma_wait3A_119 = arith.constant 0 : i32
      %dma_wait3A_120 = tpu.memref_slice %arg4[%dma_wait3A_119] : memref<320000xi32, #tpu.memory_space<hbm>> -> memref<40xi32, #tpu.memory_space<hbm>>
      %dma_wait3A_121 = arith.constant 0 : i32
      %dma_wait3A_122 = tpu.memref_slice %arg4[%dma_wait3A_121] : memref<320000xi32, #tpu.memory_space<hbm>> -> memref<40xi32, #tpu.memory_space<hbm>>
      tpu.wait_dma2 semaphore(%arg24 : memref<!tpu.dma_semaphore, #tpu.memory_space<semaphore_mem>>) src(%dma_wait3A_122 : memref<40xi32, #tpu.memory_space<hbm>>) dst(%arg10 : memref<40xi32, #tpu.memory_space<vmem>>)
      %dma_wait3A_123 = arith.constant 0 : i32
      %dma_wait3A_124 = tpu.memref_slice %arg5[%dma_wait3A_123] : memref<320000xi32, #tpu.memory_space<hbm>> -> memref<40xi32, #tpu.memory_space<hbm>>
      %dma_wait3A_125 = arith.constant 0 : i32
      %dma_wait3A_126 = tpu.memref_slice %arg5[%dma_wait3A_125] : memref<320000xi32, #tpu.memory_space<hbm>> -> memref<40xi32, #tpu.memory_space<hbm>>
      tpu.wait_dma2 semaphore(%arg24 : memref<!tpu.dma_semaphore, #tpu.memory_space<semaphore_mem>>) src(%dma_wait3A_126 : memref<40xi32, #tpu.memory_space<hbm>>) dst(%arg11 : memref<40xi32, #tpu.memory_space<vmem>>)
      %add3A_127 = arith.constant 1 : i32
      %add3A_128 = arith.addi %mul3A_106, %add3A_127 : i32
      %mul3A_129 = arith.constant 40 : i32
      %mul3A_130 = arith.muli %add3A_128, %mul3A_129 : i32
      %add3A_131 = arith.addi %mul3A_6, %mul3A_130 : i32
      %dma_start3A_132 = arith.constant 0 : i32
      %dma_start3A_133 = arith.constant 0 : i32
      %dma_start3A_134 = tpu.memref_slice %arg2[%dma_start3A_132, %dma_start3A_133] : memref<10000x128xf32, #tpu.memory_space<hbm>> -> memref<10000x128xf32, #tpu.memory_space<hbm>>
      tpu.enqueue_indirect_dma source(%dma_start3A_134 : memref<10000x128xf32, #tpu.memory_space<hbm>>) target(%arg16 : memref<40x128xf32, #tpu.memory_space<vmem>>) offsets(%arg10 : memref<40xi32, #tpu.memory_space<vmem>>) semaphore(%arg22 : memref<!tpu.dma_semaphore, #tpu.memory_space<semaphore_mem>>)
      %dma_start3A_135 = arith.constant 0 : i32
      %dma_start3A_136 = arith.constant 0 : i32
      %dma_start3A_137 = tpu.memref_slice %arg2[%dma_start3A_135, %dma_start3A_136] : memref<10000x128xf32, #tpu.memory_space<hbm>> -> memref<10000x128xf32, #tpu.memory_space<hbm>>
      tpu.enqueue_indirect_dma source(%dma_start3A_137 : memref<10000x128xf32, #tpu.memory_space<hbm>>) target(%arg17 : memref<40x128xf32, #tpu.memory_space<vmem>>) offsets(%arg11 : memref<40xi32, #tpu.memory_space<vmem>>) semaphore(%arg22 : memref<!tpu.dma_semaphore, #tpu.memory_space<semaphore_mem>>)
      %dma_start3A_138 = arith.constant 0 : i32
      %dma_start3A_139 = tpu.memref_slice %arg3[%add3A_131, %dma_start3A_138] : memref<320000x128xf32, #tpu.memory_space<hbm>> -> memref<40x128xf32, #tpu.memory_space<hbm>>
      %dma_start3A_140 = arith.constant 0 : i32
      %dma_start3A_141 = tpu.memref_slice %arg3[%add3A_131, %dma_start3A_140] : memref<320000x128xf32, #tpu.memory_space<hbm>> -> memref<40x128xf32, #tpu.memory_space<hbm>>
      tpu.enqueue_dma source(%dma_start3A_141 : memref<40x128xf32, #tpu.memory_space<hbm>>) target(%arg18 : memref<40x128xf32, #tpu.memory_space<vmem>>) target_semaphore(%arg22 : memref<!tpu.dma_semaphore, #tpu.memory_space<semaphore_mem>>)
      %scan3A_142 = arith.constant 0 : i32
      %scan3A_143 = arith.constant 0 : i32
      %scan3A_144 = arith.constant 40 : i32
      %scan3A_145 = arith.addi %scan3A_143, %scan3A_144 : i32
      %scan3A_146 = arith.constant 1 : i32
      scf.for %scan3A_202 = %scan3A_143 to %scan3A_145 step %scan3A_146  : i32 {
        %get3A = arith.index_cast %scan3A_202 : i32 to index
        %get3A_203 = arith.constant 0 : index
        %get3A_204 = tpu.vector_load %arg12[%get3A, %get3A_203] {strides = array<i32>} : memref<40x128xf32, #tpu.memory_space<vmem>>, vector<1x16xf32>,
        %get3A_205 = vector.shape_cast %get3A_204 : vector<1x16xf32> to vector<16xf32>
        %get3A_206 = arith.index_cast %scan3A_202 : i32 to index
        %get3A_207 = arith.constant 0 : index
        %get3A_208 = tpu.vector_load %arg13[%get3A_206, %get3A_207] {strides = array<i32>} : memref<40x128xf32, #tpu.memory_space<vmem>>, vector<1x16xf32>,
        %get3A_209 = vector.shape_cast %get3A_208 : vector<1x16xf32> to vector<16xf32>
        %add3A_210 = arith.addf %get3A_205, %get3A_209 : vector<16xf32>
        %get3A_211 = arith.index_cast %scan3A_202 : i32 to index
        %get3A_212 = arith.constant 0 : index
        %get3A_213 = tpu.vector_load %arg14[%get3A_211, %get3A_212] {strides = array<i32>} : memref<40x128xf32, #tpu.memory_space<vmem>>, vector<1x16xf32>,
        %get3A_214 = vector.shape_cast %get3A_213 : vector<1x16xf32> to vector<16xf32>
        %add3A_215 = arith.addf %add3A_210, %get3A_214 : vector<16xf32>
        %max3A = arith.constant 0.000000e+00 : f32
        %max3A_216 = vector.broadcast %max3A : f32 to vector<16xf32>
        %max3A_217 = arith.maximumf %add3A_215, %max3A_216 : vector<16xf32>
        %swap3A = arith.index_cast %scan3A_202 : i32 to index
        %swap3A_218 = arith.constant 0 : index
        %swap3A_219 = tpu.vector_load %arg15[%swap3A, %swap3A_218] {strides = array<i32>} : memref<40x128xf32, #tpu.memory_space<vmem>>, vector<1x16xf32>,
        %swap3A_220 = vector.shape_cast %swap3A_219 : vector<1x16xf32> to vector<16xf32>
        %swap3A_221 = vector.shape_cast %max3A_217 : vector<16xf32> to vector<1x16xf32>
        tpu.vector_store %arg15[%swap3A, %swap3A_218], %swap3A_221 {strides = array<i32>} : memref<40x128xf32, #tpu.memory_space<vmem>>, vector<1x16xf32>,
        %get3A_222 = arith.index_cast %scan3A_202 : i32 to index
        %get3A_223 = arith.constant 16 : index
        %get3A_224 = tpu.vector_load %arg12[%get3A_222, %get3A_223] {strides = array<i32>} : memref<40x128xf32, #tpu.memory_space<vmem>>, vector<1x16xf32>,
        %get3A_225 = vector.shape_cast %get3A_224 : vector<1x16xf32> to vector<16xf32>
        %get3A_226 = arith.index_cast %scan3A_202 : i32 to index
        %get3A_227 = arith.constant 16 : index
        %get3A_228 = tpu.vector_load %arg13[%get3A_226, %get3A_227] {strides = array<i32>} : memref<40x128xf32, #tpu.memory_space<vmem>>, vector<1x16xf32>,
        %get3A_229 = vector.shape_cast %get3A_228 : vector<1x16xf32> to vector<16xf32>
        %add3A_230 = arith.addf %get3A_225, %get3A_229 : vector<16xf32>
        %get3A_231 = arith.index_cast %scan3A_202 : i32 to index
        %get3A_232 = arith.constant 16 : index
        %get3A_233 = tpu.vector_load %arg14[%get3A_231, %get3A_232] {strides = array<i32>} : memref<40x128xf32, #tpu.memory_space<vmem>>, vector<1x16xf32>,
        %get3A_234 = vector.shape_cast %get3A_233 : vector<1x16xf32> to vector<16xf32>
        %add3A_235 = arith.addf %add3A_230, %get3A_234 : vector<16xf32>
        %max3A_236 = arith.constant 0.000000e+00 : f32
        %max3A_237 = vector.broadcast %max3A_236 : f32 to vector<16xf32>
        %max3A_238 = arith.maximumf %add3A_235, %max3A_237 : vector<16xf32>
        %swap3A_239 = arith.index_cast %scan3A_202 : i32 to index
        %swap3A_240 = arith.constant 16 : index
        %swap3A_241 = tpu.vector_load %arg15[%swap3A_239, %swap3A_240] {strides = array<i32>} : memref<40x128xf32, #tpu.memory_space<vmem>>, vector<1x16xf32>,
        %swap3A_242 = vector.shape_cast %swap3A_241 : vector<1x16xf32> to vector<16xf32>
        %swap3A_243 = vector.shape_cast %max3A_238 : vector<16xf32> to vector<1x16xf32>
        tpu.vector_store %arg15[%swap3A_239, %swap3A_240], %swap3A_243 {strides = array<i32>} : memref<40x128xf32, #tpu.memory_space<vmem>>, vector<1x16xf32>,
        %get3A_244 = arith.index_cast %scan3A_202 : i32 to index
        %get3A_245 = arith.constant 32 : index
        %get3A_246 = tpu.vector_load %arg12[%get3A_244, %get3A_245] {strides = array<i32>} : memref<40x128xf32, #tpu.memory_space<vmem>>, vector<1x16xf32>,
        %get3A_247 = vector.shape_cast %get3A_246 : vector<1x16xf32> to vector<16xf32>
        %get3A_248 = arith.index_cast %scan3A_202 : i32 to index
        %get3A_249 = arith.constant 32 : index
        %get3A_250 = tpu.vector_load %arg13[%get3A_248, %get3A_249] {strides = array<i32>} : memref<40x128xf32, #tpu.memory_space<vmem>>, vector<1x16xf32>,
        %get3A_251 = vector.shape_cast %get3A_250 : vector<1x16xf32> to vector<16xf32>
        %add3A_252 = arith.addf %get3A_247, %get3A_251 : vector<16xf32>
        %get3A_253 = arith.index_cast %scan3A_202 : i32 to index
        %get3A_254 = arith.constant 32 : index
        %get3A_255 = tpu.vector_load %arg14[%get3A_253, %get3A_254] {strides = array<i32>} : memref<40x128xf32, #tpu.memory_space<vmem>>, vector<1x16xf32>,
        %get3A_256 = vector.shape_cast %get3A_255 : vector<1x16xf32> to vector<16xf32>
        %add3A_257 = arith.addf %add3A_252, %get3A_256 : vector<16xf32>
        %max3A_258 = arith.constant 0.000000e+00 : f32
        %max3A_259 = vector.broadcast %max3A_258 : f32 to vector<16xf32>
        %max3A_260 = arith.maximumf %add3A_257, %max3A_259 : vector<16xf32>
        %swap3A_261 = arith.index_cast %scan3A_202 : i32 to index
        %swap3A_262 = arith.constant 32 : index
        %swap3A_263 = tpu.vector_load %arg15[%swap3A_261, %swap3A_262] {strides = array<i32>} : memref<40x128xf32, #tpu.memory_space<vmem>>, vector<1x16xf32>,
        %swap3A_264 = vector.shape_cast %swap3A_263 : vector<1x16xf32> to vector<16xf32>
        %swap3A_265 = vector.shape_cast %max3A_260 : vector<16xf32> to vector<1x16xf32>
        tpu.vector_store %arg15[%swap3A_261, %swap3A_262], %swap3A_265 {strides = array<i32>} : memref<40x128xf32, #tpu.memory_space<vmem>>, vector<1x16xf32>,
        %get3A_266 = arith.index_cast %scan3A_202 : i32 to index
        %get3A_267 = arith.constant 48 : index
        %get3A_268 = tpu.vector_load %arg12[%get3A_266, %get3A_267] {strides = array<i32>} : memref<40x128xf32, #tpu.memory_space<vmem>>, vector<1x16xf32>,
        %get3A_269 = vector.shape_cast %get3A_268 : vector<1x16xf32> to vector<16xf32>
        %get3A_270 = arith.index_cast %scan3A_202 : i32 to index
        %get3A_271 = arith.constant 48 : index
        %get3A_272 = tpu.vector_load %arg13[%get3A_270, %get3A_271] {strides = array<i32>} : memref<40x128xf32, #tpu.memory_space<vmem>>, vector<1x16xf32>,
        %get3A_273 = vector.shape_cast %get3A_272 : vector<1x16xf32> to vector<16xf32>
        %add3A_274 = arith.addf %get3A_269, %get3A_273 : vector<16xf32>
        %get3A_275 = arith.index_cast %scan3A_202 : i32 to index
        %get3A_276 = arith.constant 48 : index
        %get3A_277 = tpu.vector_load %arg14[%get3A_275, %get3A_276] {strides = array<i32>} : memref<40x128xf32, #tpu.memory_space<vmem>>, vector<1x16xf32>,
        %get3A_278 = vector.shape_cast %get3A_277 : vector<1x16xf32> to vector<16xf32>
        %add3A_279 = arith.addf %add3A_274, %get3A_278 : vector<16xf32>
        %max3A_280 = arith.constant 0.000000e+00 : f32
        %max3A_281 = vector.broadcast %max3A_280 : f32 to vector<16xf32>
        %max3A_282 = arith.maximumf %add3A_279, %max3A_281 : vector<16xf32>
        %swap3A_283 = arith.index_cast %scan3A_202 : i32 to index
        %swap3A_284 = arith.constant 48 : index
        %swap3A_285 = tpu.vector_load %arg15[%swap3A_283, %swap3A_284] {strides = array<i32>} : memref<40x128xf32, #tpu.memory_space<vmem>>, vector<1x16xf32>,
        %swap3A_286 = vector.shape_cast %swap3A_285 : vector<1x16xf32> to vector<16xf32>
        %swap3A_287 = vector.shape_cast %max3A_282 : vector<16xf32> to vector<1x16xf32>
        tpu.vector_store %arg15[%swap3A_283, %swap3A_284], %swap3A_287 {strides = array<i32>} : memref<40x128xf32, #tpu.memory_space<vmem>>, vector<1x16xf32>,
        %get3A_288 = arith.index_cast %scan3A_202 : i32 to index
        %get3A_289 = arith.constant 64 : index
        %get3A_290 = tpu.vector_load %arg12[%get3A_288, %get3A_289] {strides = array<i32>} : memref<40x128xf32, #tpu.memory_space<vmem>>, vector<1x16xf32>,
        %get3A_291 = vector.shape_cast %get3A_290 : vector<1x16xf32> to vector<16xf32>
        %get3A_292 = arith.index_cast %scan3A_202 : i32 to index
        %get3A_293 = arith.constant 64 : index
        %get3A_294 = tpu.vector_load %arg13[%get3A_292, %get3A_293] {strides = array<i32>} : memref<40x128xf32, #tpu.memory_space<vmem>>, vector<1x16xf32>,
        %get3A_295 = vector.shape_cast %get3A_294 : vector<1x16xf32> to vector<16xf32>
        %add3A_296 = arith.addf %get3A_291, %get3A_295 : vector<16xf32>
        %get3A_297 = arith.index_cast %scan3A_202 : i32 to index
        %get3A_298 = arith.constant 64 : index
        %get3A_299 = tpu.vector_load %arg14[%get3A_297, %get3A_298] {strides = array<i32>} : memref<40x128xf32, #tpu.memory_space<vmem>>, vector<1x16xf32>,
        %get3A_300 = vector.shape_cast %get3A_299 : vector<1x16xf32> to vector<16xf32>
        %add3A_301 = arith.addf %add3A_296, %get3A_300 : vector<16xf32>
        %max3A_302 = arith.constant 0.000000e+00 : f32
        %max3A_303 = vector.broadcast %max3A_302 : f32 to vector<16xf32>
        %max3A_304 = arith.maximumf %add3A_301, %max3A_303 : vector<16xf32>
        %swap3A_305 = arith.index_cast %scan3A_202 : i32 to index
        %swap3A_306 = arith.constant 64 : index
        %swap3A_307 = tpu.vector_load %arg15[%swap3A_305, %swap3A_306] {strides = array<i32>} : memref<40x128xf32, #tpu.memory_space<vmem>>, vector<1x16xf32>,
        %swap3A_308 = vector.shape_cast %swap3A_307 : vector<1x16xf32> to vector<16xf32>
        %swap3A_309 = vector.shape_cast %max3A_304 : vector<16xf32> to vector<1x16xf32>
        tpu.vector_store %arg15[%swap3A_305, %swap3A_306], %swap3A_309 {strides = array<i32>} : memref<40x128xf32, #tpu.memory_space<vmem>>, vector<1x16xf32>,
        %get3A_310 = arith.index_cast %scan3A_202 : i32 to index
        %get3A_311 = arith.constant 80 : index
        %get3A_312 = tpu.vector_load %arg12[%get3A_310, %get3A_311] {strides = array<i32>} : memref<40x128xf32, #tpu.memory_space<vmem>>, vector<1x16xf32>,
        %get3A_313 = vector.shape_cast %get3A_312 : vector<1x16xf32> to vector<16xf32>
        %get3A_314 = arith.index_cast %scan3A_202 : i32 to index
        %get3A_315 = arith.constant 80 : index
        %get3A_316 = tpu.vector_load %arg13[%get3A_314, %get3A_315] {strides = array<i32>} : memref<40x128xf32, #tpu.memory_space<vmem>>, vector<1x16xf32>,
        %get3A_317 = vector.shape_cast %get3A_316 : vector<1x16xf32> to vector<16xf32>
        %add3A_318 = arith.addf %get3A_313, %get3A_317 : vector<16xf32>
        %get3A_319 = arith.index_cast %scan3A_202 : i32 to index
        %get3A_320 = arith.constant 80 : index
        %get3A_321 = tpu.vector_load %arg14[%get3A_319, %get3A_320] {strides = array<i32>} : memref<40x128xf32, #tpu.memory_space<vmem>>, vector<1x16xf32>,
        %get3A_322 = vector.shape_cast %get3A_321 : vector<1x16xf32> to vector<16xf32>
        %add3A_323 = arith.addf %add3A_318, %get3A_322 : vector<16xf32>
        %max3A_324 = arith.constant 0.000000e+00 : f32
        %max3A_325 = vector.broadcast %max3A_324 : f32 to vector<16xf32>
        %max3A_326 = arith.maximumf %add3A_323, %max3A_325 : vector<16xf32>
        %swap3A_327 = arith.index_cast %scan3A_202 : i32 to index
        %swap3A_328 = arith.constant 80 : index
        %swap3A_329 = tpu.vector_load %arg15[%swap3A_327, %swap3A_328] {strides = array<i32>} : memref<40x128xf32, #tpu.memory_space<vmem>>, vector<1x16xf32>,
        %swap3A_330 = vector.shape_cast %swap3A_329 : vector<1x16xf32> to vector<16xf32>
        %swap3A_331 = vector.shape_cast %max3A_326 : vector<16xf32> to vector<1x16xf32>
        tpu.vector_store %arg15[%swap3A_327, %swap3A_328], %swap3A_331 {strides = array<i32>} : memref<40x128xf32, #tpu.memory_space<vmem>>, vector<1x16xf32>,
        %get3A_332 = arith.index_cast %scan3A_202 : i32 to index
        %get3A_333 = arith.constant 96 : index
        %get3A_334 = tpu.vector_load %arg12[%get3A_332, %get3A_333] {strides = array<i32>} : memref<40x128xf32, #tpu.memory_space<vmem>>, vector<1x16xf32>,
        %get3A_335 = vector.shape_cast %get3A_334 : vector<1x16xf32> to vector<16xf32>
        %get3A_336 = arith.index_cast %scan3A_202 : i32 to index
        %get3A_337 = arith.constant 96 : index
        %get3A_338 = tpu.vector_load %arg13[%get3A_336, %get3A_337] {strides = array<i32>} : memref<40x128xf32, #tpu.memory_space<vmem>>, vector<1x16xf32>,
        %get3A_339 = vector.shape_cast %get3A_338 : vector<1x16xf32> to vector<16xf32>
        %add3A_340 = arith.addf %get3A_335, %get3A_339 : vector<16xf32>
        %get3A_341 = arith.index_cast %scan3A_202 : i32 to index
        %get3A_342 = arith.constant 96 : index
        %get3A_343 = tpu.vector_load %arg14[%get3A_341, %get3A_342] {strides = array<i32>} : memref<40x128xf32, #tpu.memory_space<vmem>>, vector<1x16xf32>,
        %get3A_344 = vector.shape_cast %get3A_343 : vector<1x16xf32> to vector<16xf32>
        %add3A_345 = arith.addf %add3A_340, %get3A_344 : vector<16xf32>
        %max3A_346 = arith.constant 0.000000e+00 : f32
        %max3A_347 = vector.broadcast %max3A_346 : f32 to vector<16xf32>
        %max3A_348 = arith.maximumf %add3A_345, %max3A_347 : vector<16xf32>
        %swap3A_349 = arith.index_cast %scan3A_202 : i32 to index
        %swap3A_350 = arith.constant 96 : index
        %swap3A_351 = tpu.vector_load %arg15[%swap3A_349, %swap3A_350] {strides = array<i32>} : memref<40x128xf32, #tpu.memory_space<vmem>>, vector<1x16xf32>,
        %swap3A_352 = vector.shape_cast %swap3A_351 : vector<1x16xf32> to vector<16xf32>
        %swap3A_353 = vector.shape_cast %max3A_348 : vector<16xf32> to vector<1x16xf32>
        tpu.vector_store %arg15[%swap3A_349, %swap3A_350], %swap3A_353 {strides = array<i32>} : memref<40x128xf32, #tpu.memory_space<vmem>>, vector<1x16xf32>,
        %get3A_354 = arith.index_cast %scan3A_202 : i32 to index
        %get3A_355 = arith.constant 112 : index
        %get3A_356 = tpu.vector_load %arg12[%get3A_354, %get3A_355] {strides = array<i32>} : memref<40x128xf32, #tpu.memory_space<vmem>>, vector<1x16xf32>,
        %get3A_357 = vector.shape_cast %get3A_356 : vector<1x16xf32> to vector<16xf32>
        %get3A_358 = arith.index_cast %scan3A_202 : i32 to index
        %get3A_359 = arith.constant 112 : index
        %get3A_360 = tpu.vector_load %arg13[%get3A_358, %get3A_359] {strides = array<i32>} : memref<40x128xf32, #tpu.memory_space<vmem>>, vector<1x16xf32>,
        %get3A_361 = vector.shape_cast %get3A_360 : vector<1x16xf32> to vector<16xf32>
        %add3A_362 = arith.addf %get3A_357, %get3A_361 : vector<16xf32>
        %get3A_363 = arith.index_cast %scan3A_202 : i32 to index
        %get3A_364 = arith.constant 112 : index
        %get3A_365 = tpu.vector_load %arg14[%get3A_363, %get3A_364] {strides = array<i32>} : memref<40x128xf32, #tpu.memory_space<vmem>>, vector<1x16xf32>,
        %get3A_366 = vector.shape_cast %get3A_365 : vector<1x16xf32> to vector<16xf32>
        %add3A_367 = arith.addf %add3A_362, %get3A_366 : vector<16xf32>
        %max3A_368 = arith.constant 0.000000e+00 : f32
        %max3A_369 = vector.broadcast %max3A_368 : f32 to vector<16xf32>
        %max3A_370 = arith.maximumf %add3A_367, %max3A_369 : vector<16xf32>
        %swap3A_371 = arith.index_cast %scan3A_202 : i32 to index
        %swap3A_372 = arith.constant 112 : index
        %swap3A_373 = tpu.vector_load %arg15[%swap3A_371, %swap3A_372] {strides = array<i32>} : memref<40x128xf32, #tpu.memory_space<vmem>>, vector<1x16xf32>,
        %swap3A_374 = vector.shape_cast %swap3A_373 : vector<1x16xf32> to vector<16xf32>
        %swap3A_375 = vector.shape_cast %max3A_370 : vector<16xf32> to vector<1x16xf32>
        tpu.vector_store %arg15[%swap3A_371, %swap3A_372], %swap3A_375 {strides = array<i32>} : memref<40x128xf32, #tpu.memory_space<vmem>>, vector<1x16xf32>,
      }
      %scan3A_147 = arith.constant 40 : i32
      "tpu.region"() ({
        %run_scoped3A = tpu.sem_alloc : memref<!tpu.dma_semaphore, #tpu.memory_space<semaphore_mem>>
        %dma_start3A_202 = arith.constant 0 : i32
        %dma_start3A_203 = arith.constant 0 : i32
        %dma_start3A_204 = tpu.memref_slice %arg20[%dma_start3A_202, %dma_start3A_203] : memref<10000x128xf32, #tpu.memory_space<vmem_shared>> -> memref<10000x128xf32, #tpu.memory_space<vmem_shared>>
        tpu.enqueue_indirect_dma source(%arg15 : memref<40x128xf32, #tpu.memory_space<vmem>>) target(%dma_start3A_204 : memref<10000x128xf32, #tpu.memory_space<vmem_shared>>) offsets(%arg8 : memref<40xi32, #tpu.memory_space<vmem>>) semaphore(%run_scoped3A : memref<!tpu.dma_semaphore, #tpu.memory_space<semaphore_mem>>) {add = true}
        %dma_wait3A_205 = arith.constant 0 : i32
        %dma_wait3A_206 = arith.constant 0 : i32
        %dma_wait3A_207 = tpu.memref_slice %arg20[%dma_wait3A_205, %dma_wait3A_206] : memref<10000x128xf32, #tpu.memory_space<vmem_shared>> -> memref<10000x128xf32, #tpu.memory_space<vmem_shared>>
        tpu.wait_indirect_dma semaphore(%run_scoped3A : memref<!tpu.dma_semaphore, #tpu.memory_space<semaphore_mem>>) src(%arg15 : memref<40x128xf32, #tpu.memory_space<vmem>>) dst(%dma_wait3A_207 : memref<10000x128xf32, #tpu.memory_space<vmem_shared>>)
        tpu.yield
      }) : () -> ()
      "tpu.region"() ({
        %run_scoped3A = tpu.sem_alloc : memref<!tpu.dma_semaphore, #tpu.memory_space<semaphore_mem>>
        %dma_start3A_202 = arith.constant 0 : i32
        %dma_start3A_203 = arith.constant 0 : i32
        %dma_start3A_204 = tpu.memref_slice %arg20[%dma_start3A_202, %dma_start3A_203] : memref<10000x128xf32, #tpu.memory_space<vmem_shared>> -> memref<10000x128xf32, #tpu.memory_space<vmem_shared>>
        tpu.enqueue_indirect_dma source(%arg15 : memref<40x128xf32, #tpu.memory_space<vmem>>) target(%dma_start3A_204 : memref<10000x128xf32, #tpu.memory_space<vmem_shared>>) offsets(%arg9 : memref<40xi32, #tpu.memory_space<vmem>>) semaphore(%run_scoped3A : memref<!tpu.dma_semaphore, #tpu.memory_space<semaphore_mem>>) {add = true}
        %dma_wait3A_205 = arith.constant 0 : i32
        %dma_wait3A_206 = arith.constant 0 : i32
        %dma_wait3A_207 = tpu.memref_slice %arg20[%dma_wait3A_205, %dma_wait3A_206] : memref<10000x128xf32, #tpu.memory_space<vmem_shared>> -> memref<10000x128xf32, #tpu.memory_space<vmem_shared>>
        tpu.wait_indirect_dma semaphore(%run_scoped3A : memref<!tpu.dma_semaphore, #tpu.memory_space<semaphore_mem>>) src(%arg15 : memref<40x128xf32, #tpu.memory_space<vmem>>) dst(%dma_wait3A_207 : memref<10000x128xf32, #tpu.memory_space<vmem_shared>>)
        tpu.yield
      }) : () -> ()
      %lt3A = arith.constant 248 : i32
      %lt3A_148 = arith.cmpi slt, %mul3A_106, %lt3A : i32
      %convert_element_type3A_149 = arith.extui %lt3A_148 : i1 to i32
      %cond3A_150 = arith.constant 0 : i32
      %cond3A_151 = arith.cmpi ne, %convert_element_type3A_149, %cond3A_150 : i32
      scf.if %cond3A_151 {
        %add3A_202 = arith.constant 2 : i32
        %add3A_203 = arith.addi %mul3A_106, %add3A_202 : i32
        %mul3A_204 = arith.constant 40 : i32
        %mul3A_205 = arith.muli %add3A_203, %mul3A_204 : i32
        %add3A_206 = arith.addi %mul3A_6, %mul3A_205 : i32
        %dma_start3A_207 = tpu.memref_slice %arg4[%add3A_206] : memref<320000xi32, #tpu.memory_space<hbm>> -> memref<40xi32, #tpu.memory_space<hbm>>
        %dma_start3A_208 = tpu.memref_slice %arg4[%add3A_206] : memref<320000xi32, #tpu.memory_space<hbm>> -> memref<40xi32, #tpu.memory_space<hbm>>
        tpu.enqueue_dma source(%dma_start3A_208 : memref<40xi32, #tpu.memory_space<hbm>>) target(%arg8 : memref<40xi32, #tpu.memory_space<vmem>>) target_semaphore(%arg23 : memref<!tpu.dma_semaphore, #tpu.memory_space<semaphore_mem>>)
        %dma_start3A_209 = tpu.memref_slice %arg5[%add3A_206] : memref<320000xi32, #tpu.memory_space<hbm>> -> memref<40xi32, #tpu.memory_space<hbm>>
        %dma_start3A_210 = tpu.memref_slice %arg5[%add3A_206] : memref<320000xi32, #tpu.memory_space<hbm>> -> memref<40xi32, #tpu.memory_space<hbm>>
        tpu.enqueue_dma source(%dma_start3A_210 : memref<40xi32, #tpu.memory_space<hbm>>) target(%arg9 : memref<40xi32, #tpu.memory_space<vmem>>) target_semaphore(%arg23 : memref<!tpu.dma_semaphore, #tpu.memory_space<semaphore_mem>>)
      } else {
      }
      %mul3A_152 = arith.constant 2 : i32
      %mul3A_153 = arith.muli %mul3A_152, %scan3A_104 : i32
      %add3A_154 = arith.constant 1 : i32
      %add3A_155 = arith.addi %mul3A_153, %add3A_154 : i32
      %dma_wait3A_156 = arith.constant 0 : i32
      %dma_wait3A_157 = arith.constant 0 : i32
      %dma_wait3A_158 = tpu.memref_slice %arg2[%dma_wait3A_156, %dma_wait3A_157] : memref<10000x128xf32, #tpu.memory_space<hbm>> -> memref<10000x128xf32, #tpu.memory_space<hbm>>
      tpu.wait_indirect_dma semaphore(%arg22 : memref<!tpu.dma_semaphore, #tpu.memory_space<semaphore_mem>>) src(%dma_wait3A_158 : memref<10000x128xf32, #tpu.memory_space<hbm>>) dst(%arg16 : memref<40x128xf32, #tpu.memory_space<vmem>>)
      %dma_wait3A_159 = arith.constant 0 : i32
      %dma_wait3A_160 = arith.constant 0 : i32
      %dma_wait3A_161 = tpu.memref_slice %arg2[%dma_wait3A_159, %dma_wait3A_160] : memref<10000x128xf32, #tpu.memory_space<hbm>> -> memref<10000x128xf32, #tpu.memory_space<hbm>>
      tpu.wait_indirect_dma semaphore(%arg22 : memref<!tpu.dma_semaphore, #tpu.memory_space<semaphore_mem>>) src(%dma_wait3A_161 : memref<10000x128xf32, #tpu.memory_space<hbm>>) dst(%arg17 : memref<40x128xf32, #tpu.memory_space<vmem>>)
      %dma_wait3A_162 = arith.constant 0 : i32
      %dma_wait3A_163 = arith.constant 0 : i32
      %dma_wait3A_164 = tpu.memref_slice %arg3[%dma_wait3A_162, %dma_wait3A_163] : memref<320000x128xf32, #tpu.memory_space<hbm>> -> memref<40x128xf32, #tpu.memory_space<hbm>>
      %dma_wait3A_165 = arith.constant 0 : i32
      %dma_wait3A_166 = arith.constant 0 : i32
      %dma_wait3A_167 = tpu.memref_slice %arg3[%dma_wait3A_165, %dma_wait3A_166] : memref<320000x128xf32, #tpu.memory_space<hbm>> -> memref<40x128xf32, #tpu.memory_space<hbm>>
      tpu.wait_dma2 semaphore(%arg22 : memref<!tpu.dma_semaphore, #tpu.memory_space<semaphore_mem>>) src(%dma_wait3A_167 : memref<40x128xf32, #tpu.memory_space<hbm>>) dst(%arg18 : memref<40x128xf32, #tpu.memory_space<vmem>>)
      %dma_wait3A_168 = arith.constant 0 : i32
      %dma_wait3A_169 = tpu.memref_slice %arg4[%dma_wait3A_168] : memref<320000xi32, #tpu.memory_space<hbm>> -> memref<40xi32, #tpu.memory_space<hbm>>
      %dma_wait3A_170 = arith.constant 0 : i32
      %dma_wait3A_171 = tpu.memref_slice %arg4[%dma_wait3A_170] : memref<320000xi32, #tpu.memory_space<hbm>> -> memref<40xi32, #tpu.memory_space<hbm>>
      tpu.wait_dma2 semaphore(%arg23 : memref<!tpu.dma_semaphore, #tpu.memory_space<semaphore_mem>>) src(%dma_wait3A_171 : memref<40xi32, #tpu.memory_space<hbm>>) dst(%arg8 : memref<40xi32, #tpu.memory_space<vmem>>)
      %dma_wait3A_172 = arith.constant 0 : i32
      %dma_wait3A_173 = tpu.memref_slice %arg5[%dma_wait3A_172] : memref<320000xi32, #tpu.memory_space<hbm>> -> memref<40xi32, #tpu.memory_space<hbm>>
      %dma_wait3A_174 = arith.constant 0 : i32
      %dma_wait3A_175 = tpu.memref_slice %arg5[%dma_wait3A_174] : memref<320000xi32, #tpu.memory_space<hbm>> -> memref<40xi32, #tpu.memory_space<hbm>>
      tpu.wait_dma2 semaphore(%arg23 : memref<!tpu.dma_semaphore, #tpu.memory_space<semaphore_mem>>) src(%dma_wait3A_175 : memref<40xi32, #tpu.memory_space<hbm>>) dst(%arg9 : memref<40xi32, #tpu.memory_space<vmem>>)
      %add3A_176 = arith.constant 1 : i32
      %add3A_177 = arith.addi %add3A_155, %add3A_176 : i32
      %mul3A_178 = arith.constant 40 : i32
      %mul3A_179 = arith.muli %add3A_177, %mul3A_178 : i32
      %add3A_180 = arith.addi %mul3A_6, %mul3A_179 : i32
      %dma_start3A_181 = arith.constant 0 : i32
      %dma_start3A_182 = arith.constant 0 : i32
      %dma_start3A_183 = tpu.memref_slice %arg2[%dma_start3A_181, %dma_start3A_182] : memref<10000x128xf32, #tpu.memory_space<hbm>> -> memref<10000x128xf32, #tpu.memory_space<hbm>>
      tpu.enqueue_indirect_dma source(%dma_start3A_183 : memref<10000x128xf32, #tpu.memory_space<hbm>>) target(%arg12 : memref<40x128xf32, #tpu.memory_space<vmem>>) offsets(%arg8 : memref<40xi32, #tpu.memory_space<vmem>>) semaphore(%arg21 : memref<!tpu.dma_semaphore, #tpu.memory_space<semaphore_mem>>)
      %dma_start3A_184 = arith.constant 0 : i32
      %dma_start3A_185 = arith.constant 0 : i32
      %dma_start3A_186 = tpu.memref_slice %arg2[%dma_start3A_184, %dma_start3A_185] : memref<10000x128xf32, #tpu.memory_space<hbm>> -> memref<10000x128xf32, #tpu.memory_space<hbm>>
      tpu.enqueue_indirect_dma source(%dma_start3A_186 : memref<10000x128xf32, #tpu.memory_space<hbm>>) target(%arg13 : memref<40x128xf32, #tpu.memory_space<vmem>>) offsets(%arg9 : memref<40xi32, #tpu.memory_space<vmem>>) semaphore(%arg21 : memref<!tpu.dma_semaphore, #tpu.memory_space<semaphore_mem>>)
      %dma_start3A_187 = arith.constant 0 : i32
      %dma_start3A_188 = tpu.memref_slice %arg3[%add3A_180, %dma_start3A_187] : memref<320000x128xf32, #tpu.memory_space<hbm>> -> memref<40x128xf32, #tpu.memory_space<hbm>>
      %dma_start3A_189 = arith.constant 0 : i32
      %dma_start3A_190 = tpu.memref_slice %arg3[%add3A_180, %dma_start3A_189] : memref<320000x128xf32, #tpu.memory_space<hbm>> -> memref<40x128xf32, #tpu.memory_space<hbm>>
      tpu.enqueue_dma source(%dma_start3A_190 : memref<40x128xf32, #tpu.memory_space<hbm>>) target(%arg14 : memref<40x128xf32, #tpu.memory_space<vmem>>) target_semaphore(%arg21 : memref<!tpu.dma_semaphore, #tpu.memory_space<semaphore_mem>>)
      %scan3A_191 = arith.constant 0 : i32
      %scan3A_192 = arith.constant 0 : i32
      %scan3A_193 = arith.constant 40 : i32
      %scan3A_194 = arith.addi %scan3A_192, %scan3A_193 : i32
      %scan3A_195 = arith.constant 1 : i32
      scf.for %scan3A_202 = %scan3A_192 to %scan3A_194 step %scan3A_195  : i32 {
        %get3A = arith.index_cast %scan3A_202 : i32 to index
        %get3A_203 = arith.constant 0 : index
        %get3A_204 = tpu.vector_load %arg16[%get3A, %get3A_203] {strides = array<i32>} : memref<40x128xf32, #tpu.memory_space<vmem>>, vector<1x16xf32>,
        %get3A_205 = vector.shape_cast %get3A_204 : vector<1x16xf32> to vector<16xf32>
        %get3A_206 = arith.index_cast %scan3A_202 : i32 to index
        %get3A_207 = arith.constant 0 : index
        %get3A_208 = tpu.vector_load %arg17[%get3A_206, %get3A_207] {strides = array<i32>} : memref<40x128xf32, #tpu.memory_space<vmem>>, vector<1x16xf32>,
        %get3A_209 = vector.shape_cast %get3A_208 : vector<1x16xf32> to vector<16xf32>
        %add3A_210 = arith.addf %get3A_205, %get3A_209 : vector<16xf32>
        %get3A_211 = arith.index_cast %scan3A_202 : i32 to index
        %get3A_212 = arith.constant 0 : index
        %get3A_213 = tpu.vector_load %arg18[%get3A_211, %get3A_212] {strides = array<i32>} : memref<40x128xf32, #tpu.memory_space<vmem>>, vector<1x16xf32>,
        %get3A_214 = vector.shape_cast %get3A_213 : vector<1x16xf32> to vector<16xf32>
        %add3A_215 = arith.addf %add3A_210, %get3A_214 : vector<16xf32>
        %max3A = arith.constant 0.000000e+00 : f32
        %max3A_216 = vector.broadcast %max3A : f32 to vector<16xf32>
        %max3A_217 = arith.maximumf %add3A_215, %max3A_216 : vector<16xf32>
        %swap3A = arith.index_cast %scan3A_202 : i32 to index
        %swap3A_218 = arith.constant 0 : index
        %swap3A_219 = tpu.vector_load %arg19[%swap3A, %swap3A_218] {strides = array<i32>} : memref<40x128xf32, #tpu.memory_space<vmem>>, vector<1x16xf32>,
        %swap3A_220 = vector.shape_cast %swap3A_219 : vector<1x16xf32> to vector<16xf32>
        %swap3A_221 = vector.shape_cast %max3A_217 : vector<16xf32> to vector<1x16xf32>
        tpu.vector_store %arg19[%swap3A, %swap3A_218], %swap3A_221 {strides = array<i32>} : memref<40x128xf32, #tpu.memory_space<vmem>>, vector<1x16xf32>,
        %get3A_222 = arith.index_cast %scan3A_202 : i32 to index
        %get3A_223 = arith.constant 16 : index
        %get3A_224 = tpu.vector_load %arg16[%get3A_222, %get3A_223] {strides = array<i32>} : memref<40x128xf32, #tpu.memory_space<vmem>>, vector<1x16xf32>,
        %get3A_225 = vector.shape_cast %get3A_224 : vector<1x16xf32> to vector<16xf32>
        %get3A_226 = arith.index_cast %scan3A_202 : i32 to index
        %get3A_227 = arith.constant 16 : index
        %get3A_228 = tpu.vector_load %arg17[%get3A_226, %get3A_227] {strides = array<i32>} : memref<40x128xf32, #tpu.memory_space<vmem>>, vector<1x16xf32>,
        %get3A_229 = vector.shape_cast %get3A_228 : vector<1x16xf32> to vector<16xf32>
        %add3A_230 = arith.addf %get3A_225, %get3A_229 : vector<16xf32>
        %get3A_231 = arith.index_cast %scan3A_202 : i32 to index
        %get3A_232 = arith.constant 16 : index
        %get3A_233 = tpu.vector_load %arg18[%get3A_231, %get3A_232] {strides = array<i32>} : memref<40x128xf32, #tpu.memory_space<vmem>>, vector<1x16xf32>,
        %get3A_234 = vector.shape_cast %get3A_233 : vector<1x16xf32> to vector<16xf32>
        %add3A_235 = arith.addf %add3A_230, %get3A_234 : vector<16xf32>
        %max3A_236 = arith.constant 0.000000e+00 : f32
        %max3A_237 = vector.broadcast %max3A_236 : f32 to vector<16xf32>
        %max3A_238 = arith.maximumf %add3A_235, %max3A_237 : vector<16xf32>
        %swap3A_239 = arith.index_cast %scan3A_202 : i32 to index
        %swap3A_240 = arith.constant 16 : index
        %swap3A_241 = tpu.vector_load %arg19[%swap3A_239, %swap3A_240] {strides = array<i32>} : memref<40x128xf32, #tpu.memory_space<vmem>>, vector<1x16xf32>,
        %swap3A_242 = vector.shape_cast %swap3A_241 : vector<1x16xf32> to vector<16xf32>
        %swap3A_243 = vector.shape_cast %max3A_238 : vector<16xf32> to vector<1x16xf32>
        tpu.vector_store %arg19[%swap3A_239, %swap3A_240], %swap3A_243 {strides = array<i32>} : memref<40x128xf32, #tpu.memory_space<vmem>>, vector<1x16xf32>,
        %get3A_244 = arith.index_cast %scan3A_202 : i32 to index
        %get3A_245 = arith.constant 32 : index
        %get3A_246 = tpu.vector_load %arg16[%get3A_244, %get3A_245] {strides = array<i32>} : memref<40x128xf32, #tpu.memory_space<vmem>>, vector<1x16xf32>,
        %get3A_247 = vector.shape_cast %get3A_246 : vector<1x16xf32> to vector<16xf32>
        %get3A_248 = arith.index_cast %scan3A_202 : i32 to index
        %get3A_249 = arith.constant 32 : index
        %get3A_250 = tpu.vector_load %arg17[%get3A_248, %get3A_249] {strides = array<i32>} : memref<40x128xf32, #tpu.memory_space<vmem>>, vector<1x16xf32>,
        %get3A_251 = vector.shape_cast %get3A_250 : vector<1x16xf32> to vector<16xf32>
        %add3A_252 = arith.addf %get3A_247, %get3A_251 : vector<16xf32>
        %get3A_253 = arith.index_cast %scan3A_202 : i32 to index
        %get3A_254 = arith.constant 32 : index
        %get3A_255 = tpu.vector_load %arg18[%get3A_253, %get3A_254] {strides = array<i32>} : memref<40x128xf32, #tpu.memory_space<vmem>>, vector<1x16xf32>,
        %get3A_256 = vector.shape_cast %get3A_255 : vector<1x16xf32> to vector<16xf32>
        %add3A_257 = arith.addf %add3A_252, %get3A_256 : vector<16xf32>
        %max3A_258 = arith.constant 0.000000e+00 : f32
        %max3A_259 = vector.broadcast %max3A_258 : f32 to vector<16xf32>
        %max3A_260 = arith.maximumf %add3A_257, %max3A_259 : vector<16xf32>
        %swap3A_261 = arith.index_cast %scan3A_202 : i32 to index
        %swap3A_262 = arith.constant 32 : index
        %swap3A_263 = tpu.vector_load %arg19[%swap3A_261, %swap3A_262] {strides = array<i32>} : memref<40x128xf32, #tpu.memory_space<vmem>>, vector<1x16xf32>,
        %swap3A_264 = vector.shape_cast %swap3A_263 : vector<1x16xf32> to vector<16xf32>
        %swap3A_265 = vector.shape_cast %max3A_260 : vector<16xf32> to vector<1x16xf32>
        tpu.vector_store %arg19[%swap3A_261, %swap3A_262], %swap3A_265 {strides = array<i32>} : memref<40x128xf32, #tpu.memory_space<vmem>>, vector<1x16xf32>,
        %get3A_266 = arith.index_cast %scan3A_202 : i32 to index
        %get3A_267 = arith.constant 48 : index
        %get3A_268 = tpu.vector_load %arg16[%get3A_266, %get3A_267] {strides = array<i32>} : memref<40x128xf32, #tpu.memory_space<vmem>>, vector<1x16xf32>,
        %get3A_269 = vector.shape_cast %get3A_268 : vector<1x16xf32> to vector<16xf32>
        %get3A_270 = arith.index_cast %scan3A_202 : i32 to index
        %get3A_271 = arith.constant 48 : index
        %get3A_272 = tpu.vector_load %arg17[%get3A_270, %get3A_271] {strides = array<i32>} : memref<40x128xf32, #tpu.memory_space<vmem>>, vector<1x16xf32>,
        %get3A_273 = vector.shape_cast %get3A_272 : vector<1x16xf32> to vector<16xf32>
        %add3A_274 = arith.addf %get3A_269, %get3A_273 : vector<16xf32>
        %get3A_275 = arith.index_cast %scan3A_202 : i32 to index
        %get3A_276 = arith.constant 48 : index
        %get3A_277 = tpu.vector_load %arg18[%get3A_275, %get3A_276] {strides = array<i32>} : memref<40x128xf32, #tpu.memory_space<vmem>>, vector<1x16xf32>,
        %get3A_278 = vector.shape_cast %get3A_277 : vector<1x16xf32> to vector<16xf32>
        %add3A_279 = arith.addf %add3A_274, %get3A_278 : vector<16xf32>
        %max3A_280 = arith.constant 0.000000e+00 : f32
        %max3A_281 = vector.broadcast %max3A_280 : f32 to vector<16xf32>
        %max3A_282 = arith.maximumf %add3A_279, %max3A_281 : vector<16xf32>
        %swap3A_283 = arith.index_cast %scan3A_202 : i32 to index
        %swap3A_284 = arith.constant 48 : index
        %swap3A_285 = tpu.vector_load %arg19[%swap3A_283, %swap3A_284] {strides = array<i32>} : memref<40x128xf32, #tpu.memory_space<vmem>>, vector<1x16xf32>,
        %swap3A_286 = vector.shape_cast %swap3A_285 : vector<1x16xf32> to vector<16xf32>
        %swap3A_287 = vector.shape_cast %max3A_282 : vector<16xf32> to vector<1x16xf32>
        tpu.vector_store %arg19[%swap3A_283, %swap3A_284], %swap3A_287 {strides = array<i32>} : memref<40x128xf32, #tpu.memory_space<vmem>>, vector<1x16xf32>,
        %get3A_288 = arith.index_cast %scan3A_202 : i32 to index
        %get3A_289 = arith.constant 64 : index
        %get3A_290 = tpu.vector_load %arg16[%get3A_288, %get3A_289] {strides = array<i32>} : memref<40x128xf32, #tpu.memory_space<vmem>>, vector<1x16xf32>,
        %get3A_291 = vector.shape_cast %get3A_290 : vector<1x16xf32> to vector<16xf32>
        %get3A_292 = arith.index_cast %scan3A_202 : i32 to index
        %get3A_293 = arith.constant 64 : index
        %get3A_294 = tpu.vector_load %arg17[%get3A_292, %get3A_293] {strides = array<i32>} : memref<40x128xf32, #tpu.memory_space<vmem>>, vector<1x16xf32>,
        %get3A_295 = vector.shape_cast %get3A_294 : vector<1x16xf32> to vector<16xf32>
        %add3A_296 = arith.addf %get3A_291, %get3A_295 : vector<16xf32>
        %get3A_297 = arith.index_cast %scan3A_202 : i32 to index
        %get3A_298 = arith.constant 64 : index
        %get3A_299 = tpu.vector_load %arg18[%get3A_297, %get3A_298] {strides = array<i32>} : memref<40x128xf32, #tpu.memory_space<vmem>>, vector<1x16xf32>,
        %get3A_300 = vector.shape_cast %get3A_299 : vector<1x16xf32> to vector<16xf32>
        %add3A_301 = arith.addf %add3A_296, %get3A_300 : vector<16xf32>
        %max3A_302 = arith.constant 0.000000e+00 : f32
        %max3A_303 = vector.broadcast %max3A_302 : f32 to vector<16xf32>
        %max3A_304 = arith.maximumf %add3A_301, %max3A_303 : vector<16xf32>
        %swap3A_305 = arith.index_cast %scan3A_202 : i32 to index
        %swap3A_306 = arith.constant 64 : index
        %swap3A_307 = tpu.vector_load %arg19[%swap3A_305, %swap3A_306] {strides = array<i32>} : memref<40x128xf32, #tpu.memory_space<vmem>>, vector<1x16xf32>,
        %swap3A_308 = vector.shape_cast %swap3A_307 : vector<1x16xf32> to vector<16xf32>
        %swap3A_309 = vector.shape_cast %max3A_304 : vector<16xf32> to vector<1x16xf32>
        tpu.vector_store %arg19[%swap3A_305, %swap3A_306], %swap3A_309 {strides = array<i32>} : memref<40x128xf32, #tpu.memory_space<vmem>>, vector<1x16xf32>,
        %get3A_310 = arith.index_cast %scan3A_202 : i32 to index
        %get3A_311 = arith.constant 80 : index
        %get3A_312 = tpu.vector_load %arg16[%get3A_310, %get3A_311] {strides = array<i32>} : memref<40x128xf32, #tpu.memory_space<vmem>>, vector<1x16xf32>,
        %get3A_313 = vector.shape_cast %get3A_312 : vector<1x16xf32> to vector<16xf32>
        %get3A_314 = arith.index_cast %scan3A_202 : i32 to index
        %get3A_315 = arith.constant 80 : index
        %get3A_316 = tpu.vector_load %arg17[%get3A_314, %get3A_315] {strides = array<i32>} : memref<40x128xf32, #tpu.memory_space<vmem>>, vector<1x16xf32>,
        %get3A_317 = vector.shape_cast %get3A_316 : vector<1x16xf32> to vector<16xf32>
        %add3A_318 = arith.addf %get3A_313, %get3A_317 : vector<16xf32>
        %get3A_319 = arith.index_cast %scan3A_202 : i32 to index
        %get3A_320 = arith.constant 80 : index
        %get3A_321 = tpu.vector_load %arg18[%get3A_319, %get3A_320] {strides = array<i32>} : memref<40x128xf32, #tpu.memory_space<vmem>>, vector<1x16xf32>,
        %get3A_322 = vector.shape_cast %get3A_321 : vector<1x16xf32> to vector<16xf32>
        %add3A_323 = arith.addf %add3A_318, %get3A_322 : vector<16xf32>
        %max3A_324 = arith.constant 0.000000e+00 : f32
        %max3A_325 = vector.broadcast %max3A_324 : f32 to vector<16xf32>
        %max3A_326 = arith.maximumf %add3A_323, %max3A_325 : vector<16xf32>
        %swap3A_327 = arith.index_cast %scan3A_202 : i32 to index
        %swap3A_328 = arith.constant 80 : index
        %swap3A_329 = tpu.vector_load %arg19[%swap3A_327, %swap3A_328] {strides = array<i32>} : memref<40x128xf32, #tpu.memory_space<vmem>>, vector<1x16xf32>,
        %swap3A_330 = vector.shape_cast %swap3A_329 : vector<1x16xf32> to vector<16xf32>
        %swap3A_331 = vector.shape_cast %max3A_326 : vector<16xf32> to vector<1x16xf32>
        tpu.vector_store %arg19[%swap3A_327, %swap3A_328], %swap3A_331 {strides = array<i32>} : memref<40x128xf32, #tpu.memory_space<vmem>>, vector<1x16xf32>,
        %get3A_332 = arith.index_cast %scan3A_202 : i32 to index
        %get3A_333 = arith.constant 96 : index
        %get3A_334 = tpu.vector_load %arg16[%get3A_332, %get3A_333] {strides = array<i32>} : memref<40x128xf32, #tpu.memory_space<vmem>>, vector<1x16xf32>,
        %get3A_335 = vector.shape_cast %get3A_334 : vector<1x16xf32> to vector<16xf32>
        %get3A_336 = arith.index_cast %scan3A_202 : i32 to index
        %get3A_337 = arith.constant 96 : index
        %get3A_338 = tpu.vector_load %arg17[%get3A_336, %get3A_337] {strides = array<i32>} : memref<40x128xf32, #tpu.memory_space<vmem>>, vector<1x16xf32>,
        %get3A_339 = vector.shape_cast %get3A_338 : vector<1x16xf32> to vector<16xf32>
        %add3A_340 = arith.addf %get3A_335, %get3A_339 : vector<16xf32>
        %get3A_341 = arith.index_cast %scan3A_202 : i32 to index
        %get3A_342 = arith.constant 96 : index
        %get3A_343 = tpu.vector_load %arg18[%get3A_341, %get3A_342] {strides = array<i32>} : memref<40x128xf32, #tpu.memory_space<vmem>>, vector<1x16xf32>,
        %get3A_344 = vector.shape_cast %get3A_343 : vector<1x16xf32> to vector<16xf32>
        %add3A_345 = arith.addf %add3A_340, %get3A_344 : vector<16xf32>
        %max3A_346 = arith.constant 0.000000e+00 : f32
        %max3A_347 = vector.broadcast %max3A_346 : f32 to vector<16xf32>
        %max3A_348 = arith.maximumf %add3A_345, %max3A_347 : vector<16xf32>
        %swap3A_349 = arith.index_cast %scan3A_202 : i32 to index
        %swap3A_350 = arith.constant 96 : index
        %swap3A_351 = tpu.vector_load %arg19[%swap3A_349, %swap3A_350] {strides = array<i32>} : memref<40x128xf32, #tpu.memory_space<vmem>>, vector<1x16xf32>,
        %swap3A_352 = vector.shape_cast %swap3A_351 : vector<1x16xf32> to vector<16xf32>
        %swap3A_353 = vector.shape_cast %max3A_348 : vector<16xf32> to vector<1x16xf32>
        tpu.vector_store %arg19[%swap3A_349, %swap3A_350], %swap3A_353 {strides = array<i32>} : memref<40x128xf32, #tpu.memory_space<vmem>>, vector<1x16xf32>,
        %get3A_354 = arith.index_cast %scan3A_202 : i32 to index
        %get3A_355 = arith.constant 112 : index
        %get3A_356 = tpu.vector_load %arg16[%get3A_354, %get3A_355] {strides = array<i32>} : memref<40x128xf32, #tpu.memory_space<vmem>>, vector<1x16xf32>,
        %get3A_357 = vector.shape_cast %get3A_356 : vector<1x16xf32> to vector<16xf32>
        %get3A_358 = arith.index_cast %scan3A_202 : i32 to index
        %get3A_359 = arith.constant 112 : index
        %get3A_360 = tpu.vector_load %arg17[%get3A_358, %get3A_359] {strides = array<i32>} : memref<40x128xf32, #tpu.memory_space<vmem>>, vector<1x16xf32>,
        %get3A_361 = vector.shape_cast %get3A_360 : vector<1x16xf32> to vector<16xf32>
        %add3A_362 = arith.addf %get3A_357, %get3A_361 : vector<16xf32>
        %get3A_363 = arith.index_cast %scan3A_202 : i32 to index
        %get3A_364 = arith.constant 112 : index
        %get3A_365 = tpu.vector_load %arg18[%get3A_363, %get3A_364] {strides = array<i32>} : memref<40x128xf32, #tpu.memory_space<vmem>>, vector<1x16xf32>,
        %get3A_366 = vector.shape_cast %get3A_365 : vector<1x16xf32> to vector<16xf32>
        %add3A_367 = arith.addf %add3A_362, %get3A_366 : vector<16xf32>
        %max3A_368 = arith.constant 0.000000e+00 : f32
        %max3A_369 = vector.broadcast %max3A_368 : f32 to vector<16xf32>
        %max3A_370 = arith.maximumf %add3A_367, %max3A_369 : vector<16xf32>
        %swap3A_371 = arith.index_cast %scan3A_202 : i32 to index
        %swap3A_372 = arith.constant 112 : index
        %swap3A_373 = tpu.vector_load %arg19[%swap3A_371, %swap3A_372] {strides = array<i32>} : memref<40x128xf32, #tpu.memory_space<vmem>>, vector<1x16xf32>,
        %swap3A_374 = vector.shape_cast %swap3A_373 : vector<1x16xf32> to vector<16xf32>
        %swap3A_375 = vector.shape_cast %max3A_370 : vector<16xf32> to vector<1x16xf32>
        tpu.vector_store %arg19[%swap3A_371, %swap3A_372], %swap3A_375 {strides = array<i32>} : memref<40x128xf32, #tpu.memory_space<vmem>>, vector<1x16xf32>,
      }
      %scan3A_196 = arith.constant 40 : i32
      "tpu.region"() ({
        %run_scoped3A = tpu.sem_alloc : memref<!tpu.dma_semaphore, #tpu.memory_space<semaphore_mem>>
        %dma_start3A_202 = arith.constant 0 : i32
        %dma_start3A_203 = arith.constant 0 : i32
        %dma_start3A_204 = tpu.memref_slice %arg20[%dma_start3A_202, %dma_start3A_203] : memref<10000x128xf32, #tpu.memory_space<vmem_shared>> -> memref<10000x128xf32, #tpu.memory_space<vmem_shared>>
        tpu.enqueue_indirect_dma source(%arg19 : memref<40x128xf32, #tpu.memory_space<vmem>>) target(%dma_start3A_204 : memref<10000x128xf32, #tpu.memory_space<vmem_shared>>) offsets(%arg10 : memref<40xi32, #tpu.memory_space<vmem>>) semaphore(%run_scoped3A : memref<!tpu.dma_semaphore, #tpu.memory_space<semaphore_mem>>) {add = true}
        %dma_wait3A_205 = arith.constant 0 : i32
        %dma_wait3A_206 = arith.constant 0 : i32
        %dma_wait3A_207 = tpu.memref_slice %arg20[%dma_wait3A_205, %dma_wait3A_206] : memref<10000x128xf32, #tpu.memory_space<vmem_shared>> -> memref<10000x128xf32, #tpu.memory_space<vmem_shared>>
        tpu.wait_indirect_dma semaphore(%run_scoped3A : memref<!tpu.dma_semaphore, #tpu.memory_space<semaphore_mem>>) src(%arg19 : memref<40x128xf32, #tpu.memory_space<vmem>>) dst(%dma_wait3A_207 : memref<10000x128xf32, #tpu.memory_space<vmem_shared>>)
        tpu.yield
      }) : () -> ()
      "tpu.region"() ({
        %run_scoped3A = tpu.sem_alloc : memref<!tpu.dma_semaphore, #tpu.memory_space<semaphore_mem>>
        %dma_start3A_202 = arith.constant 0 : i32
        %dma_start3A_203 = arith.constant 0 : i32
        %dma_start3A_204 = tpu.memref_slice %arg20[%dma_start3A_202, %dma_start3A_203] : memref<10000x128xf32, #tpu.memory_space<vmem_shared>> -> memref<10000x128xf32, #tpu.memory_space<vmem_shared>>
        tpu.enqueue_indirect_dma source(%arg19 : memref<40x128xf32, #tpu.memory_space<vmem>>) target(%dma_start3A_204 : memref<10000x128xf32, #tpu.memory_space<vmem_shared>>) offsets(%arg11 : memref<40xi32, #tpu.memory_space<vmem>>) semaphore(%run_scoped3A : memref<!tpu.dma_semaphore, #tpu.memory_space<semaphore_mem>>) {add = true}
        %dma_wait3A_205 = arith.constant 0 : i32
        %dma_wait3A_206 = arith.constant 0 : i32
        %dma_wait3A_207 = tpu.memref_slice %arg20[%dma_wait3A_205, %dma_wait3A_206] : memref<10000x128xf32, #tpu.memory_space<vmem_shared>> -> memref<10000x128xf32, #tpu.memory_space<vmem_shared>>
        tpu.wait_indirect_dma semaphore(%run_scoped3A : memref<!tpu.dma_semaphore, #tpu.memory_space<semaphore_mem>>) src(%arg19 : memref<40x128xf32, #tpu.memory_space<vmem>>) dst(%dma_wait3A_207 : memref<10000x128xf32, #tpu.memory_space<vmem_shared>>)
        tpu.yield
      }) : () -> ()
      %lt3A_197 = arith.constant 248 : i32
      %lt3A_198 = arith.cmpi slt, %add3A_155, %lt3A_197 : i32
      %convert_element_type3A_199 = arith.extui %lt3A_198 : i1 to i32
      %cond3A_200 = arith.constant 0 : i32
      %cond3A_201 = arith.cmpi ne, %convert_element_type3A_199, %cond3A_200 : i32
      scf.if %cond3A_201 {
        %add3A_202 = arith.constant 2 : i32
        %add3A_203 = arith.addi %add3A_155, %add3A_202 : i32
        %mul3A_204 = arith.constant 40 : i32
        %mul3A_205 = arith.muli %add3A_203, %mul3A_204 : i32
        %add3A_206 = arith.addi %mul3A_6, %mul3A_205 : i32
        %dma_start3A_207 = tpu.memref_slice %arg4[%add3A_206] : memref<320000xi32, #tpu.memory_space<hbm>> -> memref<40xi32, #tpu.memory_space<hbm>>
        %dma_start3A_208 = tpu.memref_slice %arg4[%add3A_206] : memref<320000xi32, #tpu.memory_space<hbm>> -> memref<40xi32, #tpu.memory_space<hbm>>
        tpu.enqueue_dma source(%dma_start3A_208 : memref<40xi32, #tpu.memory_space<hbm>>) target(%arg10 : memref<40xi32, #tpu.memory_space<vmem>>) target_semaphore(%arg24 : memref<!tpu.dma_semaphore, #tpu.memory_space<semaphore_mem>>)
        %dma_start3A_209 = tpu.memref_slice %arg5[%add3A_206] : memref<320000xi32, #tpu.memory_space<hbm>> -> memref<40xi32, #tpu.memory_space<hbm>>
        %dma_start3A_210 = tpu.memref_slice %arg5[%add3A_206] : memref<320000xi32, #tpu.memory_space<hbm>> -> memref<40xi32, #tpu.memory_space<hbm>>
        tpu.enqueue_dma source(%dma_start3A_210 : memref<40xi32, #tpu.memory_space<hbm>>) target(%arg11 : memref<40xi32, #tpu.memory_space<vmem>>) target_semaphore(%arg24 : memref<!tpu.dma_semaphore, #tpu.memory_space<semaphore_mem>>)
      } else {
      }
    }
    %scan3A_41 = arith.constant 124 : i32
    %dma_wait3A_42 = arith.constant 0 : i32
    %dma_wait3A_43 = arith.constant 0 : i32
    %dma_wait3A_44 = tpu.memref_slice %arg2[%dma_wait3A_42, %dma_wait3A_43] : memref<10000x128xf32, #tpu.memory_space<hbm>> -> memref<10000x128xf32, #tpu.memory_space<hbm>>
    tpu.wait_indirect_dma semaphore(%arg21 : memref<!tpu.dma_semaphore, #tpu.memory_space<semaphore_mem>>) src(%dma_wait3A_44 : memref<10000x128xf32, #tpu.memory_space<hbm>>) dst(%arg12 : memref<40x128xf32, #tpu.memory_space<vmem>>)
    %dma_wait3A_45 = arith.constant 0 : i32
    %dma_wait3A_46 = arith.constant 0 : i32
    %dma_wait3A_47 = tpu.memref_slice %arg2[%dma_wait3A_45, %dma_wait3A_46] : memref<10000x128xf32, #tpu.memory_space<hbm>> -> memref<10000x128xf32, #tpu.memory_space<hbm>>
    tpu.wait_indirect_dma semaphore(%arg21 : memref<!tpu.dma_semaphore, #tpu.memory_space<semaphore_mem>>) src(%dma_wait3A_47 : memref<10000x128xf32, #tpu.memory_space<hbm>>) dst(%arg13 : memref<40x128xf32, #tpu.memory_space<vmem>>)
    %dma_wait3A_48 = arith.constant 0 : i32
    %dma_wait3A_49 = arith.constant 0 : i32
    %dma_wait3A_50 = tpu.memref_slice %arg3[%dma_wait3A_48, %dma_wait3A_49] : memref<320000x128xf32, #tpu.memory_space<hbm>> -> memref<40x128xf32, #tpu.memory_space<hbm>>
    %dma_wait3A_51 = arith.constant 0 : i32
    %dma_wait3A_52 = arith.constant 0 : i32
    %dma_wait3A_53 = tpu.memref_slice %arg3[%dma_wait3A_51, %dma_wait3A_52] : memref<320000x128xf32, #tpu.memory_space<hbm>> -> memref<40x128xf32, #tpu.memory_space<hbm>>
    tpu.wait_dma2 semaphore(%arg21 : memref<!tpu.dma_semaphore, #tpu.memory_space<semaphore_mem>>) src(%dma_wait3A_53 : memref<40x128xf32, #tpu.memory_space<hbm>>) dst(%arg14 : memref<40x128xf32, #tpu.memory_space<vmem>>)
    %dma_wait3A_54 = arith.constant 0 : i32
    %dma_wait3A_55 = tpu.memref_slice %arg4[%dma_wait3A_54] : memref<320000xi32, #tpu.memory_space<hbm>> -> memref<40xi32, #tpu.memory_space<hbm>>
    %dma_wait3A_56 = arith.constant 0 : i32
    %dma_wait3A_57 = tpu.memref_slice %arg4[%dma_wait3A_56] : memref<320000xi32, #tpu.memory_space<hbm>> -> memref<40xi32, #tpu.memory_space<hbm>>
    tpu.wait_dma2 semaphore(%arg24 : memref<!tpu.dma_semaphore, #tpu.memory_space<semaphore_mem>>) src(%dma_wait3A_57 : memref<40xi32, #tpu.memory_space<hbm>>) dst(%arg10 : memref<40xi32, #tpu.memory_space<vmem>>)
    %dma_wait3A_58 = arith.constant 0 : i32
    %dma_wait3A_59 = tpu.memref_slice %arg5[%dma_wait3A_58] : memref<320000xi32, #tpu.memory_space<hbm>> -> memref<40xi32, #tpu.memory_space<hbm>>
    %dma_wait3A_60 = arith.constant 0 : i32
    %dma_wait3A_61 = tpu.memref_slice %arg5[%dma_wait3A_60] : memref<320000xi32, #tpu.memory_space<hbm>> -> memref<40xi32, #tpu.memory_space<hbm>>
    tpu.wait_dma2 semaphore(%arg24 : memref<!tpu.dma_semaphore, #tpu.memory_space<semaphore_mem>>) src(%dma_wait3A_61 : memref<40xi32, #tpu.memory_space<hbm>>) dst(%arg11 : memref<40xi32, #tpu.memory_space<vmem>>)
    %add3A_62 = arith.constant 9960 : i32
    %add3A_63 = arith.addi %mul3A_6, %add3A_62 : i32
    %dma_start3A_64 = arith.constant 0 : i32
    %dma_start3A_65 = arith.constant 0 : i32
    %dma_start3A_66 = tpu.memref_slice %arg2[%dma_start3A_64, %dma_start3A_65] : memref<10000x128xf32, #tpu.memory_space<hbm>> -> memref<10000x128xf32, #tpu.memory_space<hbm>>
    tpu.enqueue_indirect_dma source(%dma_start3A_66 : memref<10000x128xf32, #tpu.memory_space<hbm>>) target(%arg16 : memref<40x128xf32, #tpu.memory_space<vmem>>) offsets(%arg10 : memref<40xi32, #tpu.memory_space<vmem>>) semaphore(%arg22 : memref<!tpu.dma_semaphore, #tpu.memory_space<semaphore_mem>>)
    %dma_start3A_67 = arith.constant 0 : i32
    %dma_start3A_68 = arith.constant 0 : i32
    %dma_start3A_69 = tpu.memref_slice %arg2[%dma_start3A_67, %dma_start3A_68] : memref<10000x128xf32, #tpu.memory_space<hbm>> -> memref<10000x128xf32, #tpu.memory_space<hbm>>
    tpu.enqueue_indirect_dma source(%dma_start3A_69 : memref<10000x128xf32, #tpu.memory_space<hbm>>) target(%arg17 : memref<40x128xf32, #tpu.memory_space<vmem>>) offsets(%arg11 : memref<40xi32, #tpu.memory_space<vmem>>) semaphore(%arg22 : memref<!tpu.dma_semaphore, #tpu.memory_space<semaphore_mem>>)
    %dma_start3A_70 = arith.constant 0 : i32
    %dma_start3A_71 = tpu.memref_slice %arg3[%add3A_63, %dma_start3A_70] : memref<320000x128xf32, #tpu.memory_space<hbm>> -> memref<40x128xf32, #tpu.memory_space<hbm>>
    %dma_start3A_72 = arith.constant 0 : i32
    %dma_start3A_73 = tpu.memref_slice %arg3[%add3A_63, %dma_start3A_72] : memref<320000x128xf32, #tpu.memory_space<hbm>> -> memref<40x128xf32, #tpu.memory_space<hbm>>
    tpu.enqueue_dma source(%dma_start3A_73 : memref<40x128xf32, #tpu.memory_space<hbm>>) target(%arg18 : memref<40x128xf32, #tpu.memory_space<vmem>>) target_semaphore(%arg22 : memref<!tpu.dma_semaphore, #tpu.memory_space<semaphore_mem>>)
    %scan3A_74 = arith.constant 0 : i32
    %scan3A_75 = arith.constant 0 : i32
    %scan3A_76 = arith.constant 40 : i32
    %scan3A_77 = arith.addi %scan3A_75, %scan3A_76 : i32
    %scan3A_78 = arith.constant 1 : i32
    scf.for %scan3A_104 = %scan3A_75 to %scan3A_77 step %scan3A_78  : i32 {
      %get3A = arith.index_cast %scan3A_104 : i32 to index
      %get3A_105 = arith.constant 0 : index
      %get3A_106 = tpu.vector_load %arg12[%get3A, %get3A_105] {strides = array<i32>} : memref<40x128xf32, #tpu.memory_space<vmem>>, vector<1x16xf32>,
      %get3A_107 = vector.shape_cast %get3A_106 : vector<1x16xf32> to vector<16xf32>
      %get3A_108 = arith.index_cast %scan3A_104 : i32 to index
      %get3A_109 = arith.constant 0 : index
      %get3A_110 = tpu.vector_load %arg13[%get3A_108, %get3A_109] {strides = array<i32>} : memref<40x128xf32, #tpu.memory_space<vmem>>, vector<1x16xf32>,
      %get3A_111 = vector.shape_cast %get3A_110 : vector<1x16xf32> to vector<16xf32>
      %add3A_112 = arith.addf %get3A_107, %get3A_111 : vector<16xf32>
      %get3A_113 = arith.index_cast %scan3A_104 : i32 to index
      %get3A_114 = arith.constant 0 : index
      %get3A_115 = tpu.vector_load %arg14[%get3A_113, %get3A_114] {strides = array<i32>} : memref<40x128xf32, #tpu.memory_space<vmem>>, vector<1x16xf32>,
      %get3A_116 = vector.shape_cast %get3A_115 : vector<1x16xf32> to vector<16xf32>
      %add3A_117 = arith.addf %add3A_112, %get3A_116 : vector<16xf32>
      %max3A = arith.constant 0.000000e+00 : f32
      %max3A_118 = vector.broadcast %max3A : f32 to vector<16xf32>
      %max3A_119 = arith.maximumf %add3A_117, %max3A_118 : vector<16xf32>
      %swap3A = arith.index_cast %scan3A_104 : i32 to index
      %swap3A_120 = arith.constant 0 : index
      %swap3A_121 = tpu.vector_load %arg15[%swap3A, %swap3A_120] {strides = array<i32>} : memref<40x128xf32, #tpu.memory_space<vmem>>, vector<1x16xf32>,
      %swap3A_122 = vector.shape_cast %swap3A_121 : vector<1x16xf32> to vector<16xf32>
      %swap3A_123 = vector.shape_cast %max3A_119 : vector<16xf32> to vector<1x16xf32>
      tpu.vector_store %arg15[%swap3A, %swap3A_120], %swap3A_123 {strides = array<i32>} : memref<40x128xf32, #tpu.memory_space<vmem>>, vector<1x16xf32>,
      %get3A_124 = arith.index_cast %scan3A_104 : i32 to index
      %get3A_125 = arith.constant 16 : index
      %get3A_126 = tpu.vector_load %arg12[%get3A_124, %get3A_125] {strides = array<i32>} : memref<40x128xf32, #tpu.memory_space<vmem>>, vector<1x16xf32>,
      %get3A_127 = vector.shape_cast %get3A_126 : vector<1x16xf32> to vector<16xf32>
      %get3A_128 = arith.index_cast %scan3A_104 : i32 to index
      %get3A_129 = arith.constant 16 : index
      %get3A_130 = tpu.vector_load %arg13[%get3A_128, %get3A_129] {strides = array<i32>} : memref<40x128xf32, #tpu.memory_space<vmem>>, vector<1x16xf32>,
      %get3A_131 = vector.shape_cast %get3A_130 : vector<1x16xf32> to vector<16xf32>
      %add3A_132 = arith.addf %get3A_127, %get3A_131 : vector<16xf32>
      %get3A_133 = arith.index_cast %scan3A_104 : i32 to index
      %get3A_134 = arith.constant 16 : index
      %get3A_135 = tpu.vector_load %arg14[%get3A_133, %get3A_134] {strides = array<i32>} : memref<40x128xf32, #tpu.memory_space<vmem>>, vector<1x16xf32>,
      %get3A_136 = vector.shape_cast %get3A_135 : vector<1x16xf32> to vector<16xf32>
      %add3A_137 = arith.addf %add3A_132, %get3A_136 : vector<16xf32>
      %max3A_138 = arith.constant 0.000000e+00 : f32
      %max3A_139 = vector.broadcast %max3A_138 : f32 to vector<16xf32>
      %max3A_140 = arith.maximumf %add3A_137, %max3A_139 : vector<16xf32>
      %swap3A_141 = arith.index_cast %scan3A_104 : i32 to index
      %swap3A_142 = arith.constant 16 : index
      %swap3A_143 = tpu.vector_load %arg15[%swap3A_141, %swap3A_142] {strides = array<i32>} : memref<40x128xf32, #tpu.memory_space<vmem>>, vector<1x16xf32>,
      %swap3A_144 = vector.shape_cast %swap3A_143 : vector<1x16xf32> to vector<16xf32>
      %swap3A_145 = vector.shape_cast %max3A_140 : vector<16xf32> to vector<1x16xf32>
      tpu.vector_store %arg15[%swap3A_141, %swap3A_142], %swap3A_145 {strides = array<i32>} : memref<40x128xf32, #tpu.memory_space<vmem>>, vector<1x16xf32>,
      %get3A_146 = arith.index_cast %scan3A_104 : i32 to index
      %get3A_147 = arith.constant 32 : index
      %get3A_148 = tpu.vector_load %arg12[%get3A_146, %get3A_147] {strides = array<i32>} : memref<40x128xf32, #tpu.memory_space<vmem>>, vector<1x16xf32>,
      %get3A_149 = vector.shape_cast %get3A_148 : vector<1x16xf32> to vector<16xf32>
      %get3A_150 = arith.index_cast %scan3A_104 : i32 to index
      %get3A_151 = arith.constant 32 : index
      %get3A_152 = tpu.vector_load %arg13[%get3A_150, %get3A_151] {strides = array<i32>} : memref<40x128xf32, #tpu.memory_space<vmem>>, vector<1x16xf32>,
      %get3A_153 = vector.shape_cast %get3A_152 : vector<1x16xf32> to vector<16xf32>
      %add3A_154 = arith.addf %get3A_149, %get3A_153 : vector<16xf32>
      %get3A_155 = arith.index_cast %scan3A_104 : i32 to index
      %get3A_156 = arith.constant 32 : index
      %get3A_157 = tpu.vector_load %arg14[%get3A_155, %get3A_156] {strides = array<i32>} : memref<40x128xf32, #tpu.memory_space<vmem>>, vector<1x16xf32>,
      %get3A_158 = vector.shape_cast %get3A_157 : vector<1x16xf32> to vector<16xf32>
      %add3A_159 = arith.addf %add3A_154, %get3A_158 : vector<16xf32>
      %max3A_160 = arith.constant 0.000000e+00 : f32
      %max3A_161 = vector.broadcast %max3A_160 : f32 to vector<16xf32>
      %max3A_162 = arith.maximumf %add3A_159, %max3A_161 : vector<16xf32>
      %swap3A_163 = arith.index_cast %scan3A_104 : i32 to index
      %swap3A_164 = arith.constant 32 : index
      %swap3A_165 = tpu.vector_load %arg15[%swap3A_163, %swap3A_164] {strides = array<i32>} : memref<40x128xf32, #tpu.memory_space<vmem>>, vector<1x16xf32>,
      %swap3A_166 = vector.shape_cast %swap3A_165 : vector<1x16xf32> to vector<16xf32>
      %swap3A_167 = vector.shape_cast %max3A_162 : vector<16xf32> to vector<1x16xf32>
      tpu.vector_store %arg15[%swap3A_163, %swap3A_164], %swap3A_167 {strides = array<i32>} : memref<40x128xf32, #tpu.memory_space<vmem>>, vector<1x16xf32>,
      %get3A_168 = arith.index_cast %scan3A_104 : i32 to index
      %get3A_169 = arith.constant 48 : index
      %get3A_170 = tpu.vector_load %arg12[%get3A_168, %get3A_169] {strides = array<i32>} : memref<40x128xf32, #tpu.memory_space<vmem>>, vector<1x16xf32>,
      %get3A_171 = vector.shape_cast %get3A_170 : vector<1x16xf32> to vector<16xf32>
      %get3A_172 = arith.index_cast %scan3A_104 : i32 to index
      %get3A_173 = arith.constant 48 : index
      %get3A_174 = tpu.vector_load %arg13[%get3A_172, %get3A_173] {strides = array<i32>} : memref<40x128xf32, #tpu.memory_space<vmem>>, vector<1x16xf32>,
      %get3A_175 = vector.shape_cast %get3A_174 : vector<1x16xf32> to vector<16xf32>
      %add3A_176 = arith.addf %get3A_171, %get3A_175 : vector<16xf32>
      %get3A_177 = arith.index_cast %scan3A_104 : i32 to index
      %get3A_178 = arith.constant 48 : index
      %get3A_179 = tpu.vector_load %arg14[%get3A_177, %get3A_178] {strides = array<i32>} : memref<40x128xf32, #tpu.memory_space<vmem>>, vector<1x16xf32>,
      %get3A_180 = vector.shape_cast %get3A_179 : vector<1x16xf32> to vector<16xf32>
      %add3A_181 = arith.addf %add3A_176, %get3A_180 : vector<16xf32>
      %max3A_182 = arith.constant 0.000000e+00 : f32
      %max3A_183 = vector.broadcast %max3A_182 : f32 to vector<16xf32>
      %max3A_184 = arith.maximumf %add3A_181, %max3A_183 : vector<16xf32>
      %swap3A_185 = arith.index_cast %scan3A_104 : i32 to index
      %swap3A_186 = arith.constant 48 : index
      %swap3A_187 = tpu.vector_load %arg15[%swap3A_185, %swap3A_186] {strides = array<i32>} : memref<40x128xf32, #tpu.memory_space<vmem>>, vector<1x16xf32>,
      %swap3A_188 = vector.shape_cast %swap3A_187 : vector<1x16xf32> to vector<16xf32>
      %swap3A_189 = vector.shape_cast %max3A_184 : vector<16xf32> to vector<1x16xf32>
      tpu.vector_store %arg15[%swap3A_185, %swap3A_186], %swap3A_189 {strides = array<i32>} : memref<40x128xf32, #tpu.memory_space<vmem>>, vector<1x16xf32>,
      %get3A_190 = arith.index_cast %scan3A_104 : i32 to index
      %get3A_191 = arith.constant 64 : index
      %get3A_192 = tpu.vector_load %arg12[%get3A_190, %get3A_191] {strides = array<i32>} : memref<40x128xf32, #tpu.memory_space<vmem>>, vector<1x16xf32>,
      %get3A_193 = vector.shape_cast %get3A_192 : vector<1x16xf32> to vector<16xf32>
      %get3A_194 = arith.index_cast %scan3A_104 : i32 to index
      %get3A_195 = arith.constant 64 : index
      %get3A_196 = tpu.vector_load %arg13[%get3A_194, %get3A_195] {strides = array<i32>} : memref<40x128xf32, #tpu.memory_space<vmem>>, vector<1x16xf32>,
      %get3A_197 = vector.shape_cast %get3A_196 : vector<1x16xf32> to vector<16xf32>
      %add3A_198 = arith.addf %get3A_193, %get3A_197 : vector<16xf32>
      %get3A_199 = arith.index_cast %scan3A_104 : i32 to index
      %get3A_200 = arith.constant 64 : index
      %get3A_201 = tpu.vector_load %arg14[%get3A_199, %get3A_200] {strides = array<i32>} : memref<40x128xf32, #tpu.memory_space<vmem>>, vector<1x16xf32>,
      %get3A_202 = vector.shape_cast %get3A_201 : vector<1x16xf32> to vector<16xf32>
      %add3A_203 = arith.addf %add3A_198, %get3A_202 : vector<16xf32>
      %max3A_204 = arith.constant 0.000000e+00 : f32
      %max3A_205 = vector.broadcast %max3A_204 : f32 to vector<16xf32>
      %max3A_206 = arith.maximumf %add3A_203, %max3A_205 : vector<16xf32>
      %swap3A_207 = arith.index_cast %scan3A_104 : i32 to index
      %swap3A_208 = arith.constant 64 : index
      %swap3A_209 = tpu.vector_load %arg15[%swap3A_207, %swap3A_208] {strides = array<i32>} : memref<40x128xf32, #tpu.memory_space<vmem>>, vector<1x16xf32>,
      %swap3A_210 = vector.shape_cast %swap3A_209 : vector<1x16xf32> to vector<16xf32>
      %swap3A_211 = vector.shape_cast %max3A_206 : vector<16xf32> to vector<1x16xf32>
      tpu.vector_store %arg15[%swap3A_207, %swap3A_208], %swap3A_211 {strides = array<i32>} : memref<40x128xf32, #tpu.memory_space<vmem>>, vector<1x16xf32>,
      %get3A_212 = arith.index_cast %scan3A_104 : i32 to index
      %get3A_213 = arith.constant 80 : index
      %get3A_214 = tpu.vector_load %arg12[%get3A_212, %get3A_213] {strides = array<i32>} : memref<40x128xf32, #tpu.memory_space<vmem>>, vector<1x16xf32>,
      %get3A_215 = vector.shape_cast %get3A_214 : vector<1x16xf32> to vector<16xf32>
      %get3A_216 = arith.index_cast %scan3A_104 : i32 to index
      %get3A_217 = arith.constant 80 : index
      %get3A_218 = tpu.vector_load %arg13[%get3A_216, %get3A_217] {strides = array<i32>} : memref<40x128xf32, #tpu.memory_space<vmem>>, vector<1x16xf32>,
      %get3A_219 = vector.shape_cast %get3A_218 : vector<1x16xf32> to vector<16xf32>
      %add3A_220 = arith.addf %get3A_215, %get3A_219 : vector<16xf32>
      %get3A_221 = arith.index_cast %scan3A_104 : i32 to index
      %get3A_222 = arith.constant 80 : index
      %get3A_223 = tpu.vector_load %arg14[%get3A_221, %get3A_222] {strides = array<i32>} : memref<40x128xf32, #tpu.memory_space<vmem>>, vector<1x16xf32>,
      %get3A_224 = vector.shape_cast %get3A_223 : vector<1x16xf32> to vector<16xf32>
      %add3A_225 = arith.addf %add3A_220, %get3A_224 : vector<16xf32>
      %max3A_226 = arith.constant 0.000000e+00 : f32
      %max3A_227 = vector.broadcast %max3A_226 : f32 to vector<16xf32>
      %max3A_228 = arith.maximumf %add3A_225, %max3A_227 : vector<16xf32>
      %swap3A_229 = arith.index_cast %scan3A_104 : i32 to index
      %swap3A_230 = arith.constant 80 : index
      %swap3A_231 = tpu.vector_load %arg15[%swap3A_229, %swap3A_230] {strides = array<i32>} : memref<40x128xf32, #tpu.memory_space<vmem>>, vector<1x16xf32>,
      %swap3A_232 = vector.shape_cast %swap3A_231 : vector<1x16xf32> to vector<16xf32>
      %swap3A_233 = vector.shape_cast %max3A_228 : vector<16xf32> to vector<1x16xf32>
      tpu.vector_store %arg15[%swap3A_229, %swap3A_230], %swap3A_233 {strides = array<i32>} : memref<40x128xf32, #tpu.memory_space<vmem>>, vector<1x16xf32>,
      %get3A_234 = arith.index_cast %scan3A_104 : i32 to index
      %get3A_235 = arith.constant 96 : index
      %get3A_236 = tpu.vector_load %arg12[%get3A_234, %get3A_235] {strides = array<i32>} : memref<40x128xf32, #tpu.memory_space<vmem>>, vector<1x16xf32>,
      %get3A_237 = vector.shape_cast %get3A_236 : vector<1x16xf32> to vector<16xf32>
      %get3A_238 = arith.index_cast %scan3A_104 : i32 to index
      %get3A_239 = arith.constant 96 : index
      %get3A_240 = tpu.vector_load %arg13[%get3A_238, %get3A_239] {strides = array<i32>} : memref<40x128xf32, #tpu.memory_space<vmem>>, vector<1x16xf32>,
      %get3A_241 = vector.shape_cast %get3A_240 : vector<1x16xf32> to vector<16xf32>
      %add3A_242 = arith.addf %get3A_237, %get3A_241 : vector<16xf32>
      %get3A_243 = arith.index_cast %scan3A_104 : i32 to index
      %get3A_244 = arith.constant 96 : index
      %get3A_245 = tpu.vector_load %arg14[%get3A_243, %get3A_244] {strides = array<i32>} : memref<40x128xf32, #tpu.memory_space<vmem>>, vector<1x16xf32>,
      %get3A_246 = vector.shape_cast %get3A_245 : vector<1x16xf32> to vector<16xf32>
      %add3A_247 = arith.addf %add3A_242, %get3A_246 : vector<16xf32>
      %max3A_248 = arith.constant 0.000000e+00 : f32
      %max3A_249 = vector.broadcast %max3A_248 : f32 to vector<16xf32>
      %max3A_250 = arith.maximumf %add3A_247, %max3A_249 : vector<16xf32>
      %swap3A_251 = arith.index_cast %scan3A_104 : i32 to index
      %swap3A_252 = arith.constant 96 : index
      %swap3A_253 = tpu.vector_load %arg15[%swap3A_251, %swap3A_252] {strides = array<i32>} : memref<40x128xf32, #tpu.memory_space<vmem>>, vector<1x16xf32>,
      %swap3A_254 = vector.shape_cast %swap3A_253 : vector<1x16xf32> to vector<16xf32>
      %swap3A_255 = vector.shape_cast %max3A_250 : vector<16xf32> to vector<1x16xf32>
      tpu.vector_store %arg15[%swap3A_251, %swap3A_252], %swap3A_255 {strides = array<i32>} : memref<40x128xf32, #tpu.memory_space<vmem>>, vector<1x16xf32>,
      %get3A_256 = arith.index_cast %scan3A_104 : i32 to index
      %get3A_257 = arith.constant 112 : index
      %get3A_258 = tpu.vector_load %arg12[%get3A_256, %get3A_257] {strides = array<i32>} : memref<40x128xf32, #tpu.memory_space<vmem>>, vector<1x16xf32>,
      %get3A_259 = vector.shape_cast %get3A_258 : vector<1x16xf32> to vector<16xf32>
      %get3A_260 = arith.index_cast %scan3A_104 : i32 to index
      %get3A_261 = arith.constant 112 : index
      %get3A_262 = tpu.vector_load %arg13[%get3A_260, %get3A_261] {strides = array<i32>} : memref<40x128xf32, #tpu.memory_space<vmem>>, vector<1x16xf32>,
      %get3A_263 = vector.shape_cast %get3A_262 : vector<1x16xf32> to vector<16xf32>
      %add3A_264 = arith.addf %get3A_259, %get3A_263 : vector<16xf32>
      %get3A_265 = arith.index_cast %scan3A_104 : i32 to index
      %get3A_266 = arith.constant 112 : index
      %get3A_267 = tpu.vector_load %arg14[%get3A_265, %get3A_266] {strides = array<i32>} : memref<40x128xf32, #tpu.memory_space<vmem>>, vector<1x16xf32>,
      %get3A_268 = vector.shape_cast %get3A_267 : vector<1x16xf32> to vector<16xf32>
      %add3A_269 = arith.addf %add3A_264, %get3A_268 : vector<16xf32>
      %max3A_270 = arith.constant 0.000000e+00 : f32
      %max3A_271 = vector.broadcast %max3A_270 : f32 to vector<16xf32>
      %max3A_272 = arith.maximumf %add3A_269, %max3A_271 : vector<16xf32>
      %swap3A_273 = arith.index_cast %scan3A_104 : i32 to index
      %swap3A_274 = arith.constant 112 : index
      %swap3A_275 = tpu.vector_load %arg15[%swap3A_273, %swap3A_274] {strides = array<i32>} : memref<40x128xf32, #tpu.memory_space<vmem>>, vector<1x16xf32>,
      %swap3A_276 = vector.shape_cast %swap3A_275 : vector<1x16xf32> to vector<16xf32>
      %swap3A_277 = vector.shape_cast %max3A_272 : vector<16xf32> to vector<1x16xf32>
      tpu.vector_store %arg15[%swap3A_273, %swap3A_274], %swap3A_277 {strides = array<i32>} : memref<40x128xf32, #tpu.memory_space<vmem>>, vector<1x16xf32>,
    }
    %scan3A_79 = arith.constant 40 : i32
    "tpu.region"() ({
      %run_scoped3A = tpu.sem_alloc : memref<!tpu.dma_semaphore, #tpu.memory_space<semaphore_mem>>
      %dma_start3A_104 = arith.constant 0 : i32
      %dma_start3A_105 = arith.constant 0 : i32
      %dma_start3A_106 = tpu.memref_slice %arg20[%dma_start3A_104, %dma_start3A_105] : memref<10000x128xf32, #tpu.memory_space<vmem_shared>> -> memref<10000x128xf32, #tpu.memory_space<vmem_shared>>
      tpu.enqueue_indirect_dma source(%arg15 : memref<40x128xf32, #tpu.memory_space<vmem>>) target(%dma_start3A_106 : memref<10000x128xf32, #tpu.memory_space<vmem_shared>>) offsets(%arg8 : memref<40xi32, #tpu.memory_space<vmem>>) semaphore(%run_scoped3A : memref<!tpu.dma_semaphore, #tpu.memory_space<semaphore_mem>>) {add = true}
      %dma_wait3A_107 = arith.constant 0 : i32
      %dma_wait3A_108 = arith.constant 0 : i32
      %dma_wait3A_109 = tpu.memref_slice %arg20[%dma_wait3A_107, %dma_wait3A_108] : memref<10000x128xf32, #tpu.memory_space<vmem_shared>> -> memref<10000x128xf32, #tpu.memory_space<vmem_shared>>
      tpu.wait_indirect_dma semaphore(%run_scoped3A : memref<!tpu.dma_semaphore, #tpu.memory_space<semaphore_mem>>) src(%arg15 : memref<40x128xf32, #tpu.memory_space<vmem>>) dst(%dma_wait3A_109 : memref<10000x128xf32, #tpu.memory_space<vmem_shared>>)
      tpu.yield
    }) : () -> ()
    "tpu.region"() ({
      %run_scoped3A = tpu.sem_alloc : memref<!tpu.dma_semaphore, #tpu.memory_space<semaphore_mem>>
      %dma_start3A_104 = arith.constant 0 : i32
      %dma_start3A_105 = arith.constant 0 : i32
      %dma_start3A_106 = tpu.memref_slice %arg20[%dma_start3A_104, %dma_start3A_105] : memref<10000x128xf32, #tpu.memory_space<vmem_shared>> -> memref<10000x128xf32, #tpu.memory_space<vmem_shared>>
      tpu.enqueue_indirect_dma source(%arg15 : memref<40x128xf32, #tpu.memory_space<vmem>>) target(%dma_start3A_106 : memref<10000x128xf32, #tpu.memory_space<vmem_shared>>) offsets(%arg9 : memref<40xi32, #tpu.memory_space<vmem>>) semaphore(%run_scoped3A : memref<!tpu.dma_semaphore, #tpu.memory_space<semaphore_mem>>) {add = true}
      %dma_wait3A_107 = arith.constant 0 : i32
      %dma_wait3A_108 = arith.constant 0 : i32
      %dma_wait3A_109 = tpu.memref_slice %arg20[%dma_wait3A_107, %dma_wait3A_108] : memref<10000x128xf32, #tpu.memory_space<vmem_shared>> -> memref<10000x128xf32, #tpu.memory_space<vmem_shared>>
      tpu.wait_indirect_dma semaphore(%run_scoped3A : memref<!tpu.dma_semaphore, #tpu.memory_space<semaphore_mem>>) src(%arg15 : memref<40x128xf32, #tpu.memory_space<vmem>>) dst(%dma_wait3A_109 : memref<10000x128xf32, #tpu.memory_space<vmem_shared>>)
      tpu.yield
    }) : () -> ()
    %dma_wait3A_80 = arith.constant 0 : i32
    %dma_wait3A_81 = arith.constant 0 : i32
    %dma_wait3A_82 = tpu.memref_slice %arg2[%dma_wait3A_80, %dma_wait3A_81] : memref<10000x128xf32, #tpu.memory_space<hbm>> -> memref<10000x128xf32, #tpu.memory_space<hbm>>
    tpu.wait_indirect_dma semaphore(%arg22 : memref<!tpu.dma_semaphore, #tpu.memory_space<semaphore_mem>>) src(%dma_wait3A_82 : memref<10000x128xf32, #tpu.memory_space<hbm>>) dst(%arg16 : memref<40x128xf32, #tpu.memory_space<vmem>>)
    %dma_wait3A_83 = arith.constant 0 : i32
    %dma_wait3A_84 = arith.constant 0 : i32
    %dma_wait3A_85 = tpu.memref_slice %arg2[%dma_wait3A_83, %dma_wait3A_84] : memref<10000x128xf32, #tpu.memory_space<hbm>> -> memref<10000x128xf32, #tpu.memory_space<hbm>>
    tpu.wait_indirect_dma semaphore(%arg22 : memref<!tpu.dma_semaphore, #tpu.memory_space<semaphore_mem>>) src(%dma_wait3A_85 : memref<10000x128xf32, #tpu.memory_space<hbm>>) dst(%arg17 : memref<40x128xf32, #tpu.memory_space<vmem>>)
    %dma_wait3A_86 = arith.constant 0 : i32
    %dma_wait3A_87 = arith.constant 0 : i32
    %dma_wait3A_88 = tpu.memref_slice %arg3[%dma_wait3A_86, %dma_wait3A_87] : memref<320000x128xf32, #tpu.memory_space<hbm>> -> memref<40x128xf32, #tpu.memory_space<hbm>>
    %dma_wait3A_89 = arith.constant 0 : i32
    %dma_wait3A_90 = arith.constant 0 : i32
    %dma_wait3A_91 = tpu.memref_slice %arg3[%dma_wait3A_89, %dma_wait3A_90] : memref<320000x128xf32, #tpu.memory_space<hbm>> -> memref<40x128xf32, #tpu.memory_space<hbm>>
    tpu.wait_dma2 semaphore(%arg22 : memref<!tpu.dma_semaphore, #tpu.memory_space<semaphore_mem>>) src(%dma_wait3A_91 : memref<40x128xf32, #tpu.memory_space<hbm>>) dst(%arg18 : memref<40x128xf32, #tpu.memory_space<vmem>>)
    %scan3A_92 = arith.constant 0 : i32
    %scan3A_93 = arith.constant 0 : i32
    %scan3A_94 = arith.constant 40 : i32
    %scan3A_95 = arith.addi %scan3A_93, %scan3A_94 : i32
    %scan3A_96 = arith.constant 1 : i32
    scf.for %scan3A_104 = %scan3A_93 to %scan3A_95 step %scan3A_96  : i32 {
      %get3A = arith.index_cast %scan3A_104 : i32 to index
      %get3A_105 = arith.constant 0 : index
      %get3A_106 = tpu.vector_load %arg16[%get3A, %get3A_105] {strides = array<i32>} : memref<40x128xf32, #tpu.memory_space<vmem>>, vector<1x16xf32>,
      %get3A_107 = vector.shape_cast %get3A_106 : vector<1x16xf32> to vector<16xf32>
      %get3A_108 = arith.index_cast %scan3A_104 : i32 to index
      %get3A_109 = arith.constant 0 : index
      %get3A_110 = tpu.vector_load %arg17[%get3A_108, %get3A_109] {strides = array<i32>} : memref<40x128xf32, #tpu.memory_space<vmem>>, vector<1x16xf32>,
      %get3A_111 = vector.shape_cast %get3A_110 : vector<1x16xf32> to vector<16xf32>
      %add3A_112 = arith.addf %get3A_107, %get3A_111 : vector<16xf32>
      %get3A_113 = arith.index_cast %scan3A_104 : i32 to index
      %get3A_114 = arith.constant 0 : index
      %get3A_115 = tpu.vector_load %arg18[%get3A_113, %get3A_114] {strides = array<i32>} : memref<40x128xf32, #tpu.memory_space<vmem>>, vector<1x16xf32>,
      %get3A_116 = vector.shape_cast %get3A_115 : vector<1x16xf32> to vector<16xf32>
      %add3A_117 = arith.addf %add3A_112, %get3A_116 : vector<16xf32>
      %max3A = arith.constant 0.000000e+00 : f32
      %max3A_118 = vector.broadcast %max3A : f32 to vector<16xf32>
      %max3A_119 = arith.maximumf %add3A_117, %max3A_118 : vector<16xf32>
      %swap3A = arith.index_cast %scan3A_104 : i32 to index
      %swap3A_120 = arith.constant 0 : index
      %swap3A_121 = tpu.vector_load %arg19[%swap3A, %swap3A_120] {strides = array<i32>} : memref<40x128xf32, #tpu.memory_space<vmem>>, vector<1x16xf32>,
      %swap3A_122 = vector.shape_cast %swap3A_121 : vector<1x16xf32> to vector<16xf32>
      %swap3A_123 = vector.shape_cast %max3A_119 : vector<16xf32> to vector<1x16xf32>
      tpu.vector_store %arg19[%swap3A, %swap3A_120], %swap3A_123 {strides = array<i32>} : memref<40x128xf32, #tpu.memory_space<vmem>>, vector<1x16xf32>,
      %get3A_124 = arith.index_cast %scan3A_104 : i32 to index
      %get3A_125 = arith.constant 16 : index
      %get3A_126 = tpu.vector_load %arg16[%get3A_124, %get3A_125] {strides = array<i32>} : memref<40x128xf32, #tpu.memory_space<vmem>>, vector<1x16xf32>,
      %get3A_127 = vector.shape_cast %get3A_126 : vector<1x16xf32> to vector<16xf32>
      %get3A_128 = arith.index_cast %scan3A_104 : i32 to index
      %get3A_129 = arith.constant 16 : index
      %get3A_130 = tpu.vector_load %arg17[%get3A_128, %get3A_129] {strides = array<i32>} : memref<40x128xf32, #tpu.memory_space<vmem>>, vector<1x16xf32>,
      %get3A_131 = vector.shape_cast %get3A_130 : vector<1x16xf32> to vector<16xf32>
      %add3A_132 = arith.addf %get3A_127, %get3A_131 : vector<16xf32>
      %get3A_133 = arith.index_cast %scan3A_104 : i32 to index
      %get3A_134 = arith.constant 16 : index
      %get3A_135 = tpu.vector_load %arg18[%get3A_133, %get3A_134] {strides = array<i32>} : memref<40x128xf32, #tpu.memory_space<vmem>>, vector<1x16xf32>,
      %get3A_136 = vector.shape_cast %get3A_135 : vector<1x16xf32> to vector<16xf32>
      %add3A_137 = arith.addf %add3A_132, %get3A_136 : vector<16xf32>
      %max3A_138 = arith.constant 0.000000e+00 : f32
      %max3A_139 = vector.broadcast %max3A_138 : f32 to vector<16xf32>
      %max3A_140 = arith.maximumf %add3A_137, %max3A_139 : vector<16xf32>
      %swap3A_141 = arith.index_cast %scan3A_104 : i32 to index
      %swap3A_142 = arith.constant 16 : index
      %swap3A_143 = tpu.vector_load %arg19[%swap3A_141, %swap3A_142] {strides = array<i32>} : memref<40x128xf32, #tpu.memory_space<vmem>>, vector<1x16xf32>,
      %swap3A_144 = vector.shape_cast %swap3A_143 : vector<1x16xf32> to vector<16xf32>
      %swap3A_145 = vector.shape_cast %max3A_140 : vector<16xf32> to vector<1x16xf32>
      tpu.vector_store %arg19[%swap3A_141, %swap3A_142], %swap3A_145 {strides = array<i32>} : memref<40x128xf32, #tpu.memory_space<vmem>>, vector<1x16xf32>,
      %get3A_146 = arith.index_cast %scan3A_104 : i32 to index
      %get3A_147 = arith.constant 32 : index
      %get3A_148 = tpu.vector_load %arg16[%get3A_146, %get3A_147] {strides = array<i32>} : memref<40x128xf32, #tpu.memory_space<vmem>>, vector<1x16xf32>,
      %get3A_149 = vector.shape_cast %get3A_148 : vector<1x16xf32> to vector<16xf32>
      %get3A_150 = arith.index_cast %scan3A_104 : i32 to index
      %get3A_151 = arith.constant 32 : index
      %get3A_152 = tpu.vector_load %arg17[%get3A_150, %get3A_151] {strides = array<i32>} : memref<40x128xf32, #tpu.memory_space<vmem>>, vector<1x16xf32>,
      %get3A_153 = vector.shape_cast %get3A_152 : vector<1x16xf32> to vector<16xf32>
      %add3A_154 = arith.addf %get3A_149, %get3A_153 : vector<16xf32>
      %get3A_155 = arith.index_cast %scan3A_104 : i32 to index
      %get3A_156 = arith.constant 32 : index
      %get3A_157 = tpu.vector_load %arg18[%get3A_155, %get3A_156] {strides = array<i32>} : memref<40x128xf32, #tpu.memory_space<vmem>>, vector<1x16xf32>,
      %get3A_158 = vector.shape_cast %get3A_157 : vector<1x16xf32> to vector<16xf32>
      %add3A_159 = arith.addf %add3A_154, %get3A_158 : vector<16xf32>
      %max3A_160 = arith.constant 0.000000e+00 : f32
      %max3A_161 = vector.broadcast %max3A_160 : f32 to vector<16xf32>
      %max3A_162 = arith.maximumf %add3A_159, %max3A_161 : vector<16xf32>
      %swap3A_163 = arith.index_cast %scan3A_104 : i32 to index
      %swap3A_164 = arith.constant 32 : index
      %swap3A_165 = tpu.vector_load %arg19[%swap3A_163, %swap3A_164] {strides = array<i32>} : memref<40x128xf32, #tpu.memory_space<vmem>>, vector<1x16xf32>,
      %swap3A_166 = vector.shape_cast %swap3A_165 : vector<1x16xf32> to vector<16xf32>
      %swap3A_167 = vector.shape_cast %max3A_162 : vector<16xf32> to vector<1x16xf32>
      tpu.vector_store %arg19[%swap3A_163, %swap3A_164], %swap3A_167 {strides = array<i32>} : memref<40x128xf32, #tpu.memory_space<vmem>>, vector<1x16xf32>,
      %get3A_168 = arith.index_cast %scan3A_104 : i32 to index
      %get3A_169 = arith.constant 48 : index
      %get3A_170 = tpu.vector_load %arg16[%get3A_168, %get3A_169] {strides = array<i32>} : memref<40x128xf32, #tpu.memory_space<vmem>>, vector<1x16xf32>,
      %get3A_171 = vector.shape_cast %get3A_170 : vector<1x16xf32> to vector<16xf32>
      %get3A_172 = arith.index_cast %scan3A_104 : i32 to index
      %get3A_173 = arith.constant 48 : index
      %get3A_174 = tpu.vector_load %arg17[%get3A_172, %get3A_173] {strides = array<i32>} : memref<40x128xf32, #tpu.memory_space<vmem>>, vector<1x16xf32>,
      %get3A_175 = vector.shape_cast %get3A_174 : vector<1x16xf32> to vector<16xf32>
      %add3A_176 = arith.addf %get3A_171, %get3A_175 : vector<16xf32>
      %get3A_177 = arith.index_cast %scan3A_104 : i32 to index
      %get3A_178 = arith.constant 48 : index
      %get3A_179 = tpu.vector_load %arg18[%get3A_177, %get3A_178] {strides = array<i32>} : memref<40x128xf32, #tpu.memory_space<vmem>>, vector<1x16xf32>,
      %get3A_180 = vector.shape_cast %get3A_179 : vector<1x16xf32> to vector<16xf32>
      %add3A_181 = arith.addf %add3A_176, %get3A_180 : vector<16xf32>
      %max3A_182 = arith.constant 0.000000e+00 : f32
      %max3A_183 = vector.broadcast %max3A_182 : f32 to vector<16xf32>
      %max3A_184 = arith.maximumf %add3A_181, %max3A_183 : vector<16xf32>
      %swap3A_185 = arith.index_cast %scan3A_104 : i32 to index
      %swap3A_186 = arith.constant 48 : index
      %swap3A_187 = tpu.vector_load %arg19[%swap3A_185, %swap3A_186] {strides = array<i32>} : memref<40x128xf32, #tpu.memory_space<vmem>>, vector<1x16xf32>,
      %swap3A_188 = vector.shape_cast %swap3A_187 : vector<1x16xf32> to vector<16xf32>
      %swap3A_189 = vector.shape_cast %max3A_184 : vector<16xf32> to vector<1x16xf32>
      tpu.vector_store %arg19[%swap3A_185, %swap3A_186], %swap3A_189 {strides = array<i32>} : memref<40x128xf32, #tpu.memory_space<vmem>>, vector<1x16xf32>,
      %get3A_190 = arith.index_cast %scan3A_104 : i32 to index
      %get3A_191 = arith.constant 64 : index
      %get3A_192 = tpu.vector_load %arg16[%get3A_190, %get3A_191] {strides = array<i32>} : memref<40x128xf32, #tpu.memory_space<vmem>>, vector<1x16xf32>,
      %get3A_193 = vector.shape_cast %get3A_192 : vector<1x16xf32> to vector<16xf32>
      %get3A_194 = arith.index_cast %scan3A_104 : i32 to index
      %get3A_195 = arith.constant 64 : index
      %get3A_196 = tpu.vector_load %arg17[%get3A_194, %get3A_195] {strides = array<i32>} : memref<40x128xf32, #tpu.memory_space<vmem>>, vector<1x16xf32>,
      %get3A_197 = vector.shape_cast %get3A_196 : vector<1x16xf32> to vector<16xf32>
      %add3A_198 = arith.addf %get3A_193, %get3A_197 : vector<16xf32>
      %get3A_199 = arith.index_cast %scan3A_104 : i32 to index
      %get3A_200 = arith.constant 64 : index
      %get3A_201 = tpu.vector_load %arg18[%get3A_199, %get3A_200] {strides = array<i32>} : memref<40x128xf32, #tpu.memory_space<vmem>>, vector<1x16xf32>,
      %get3A_202 = vector.shape_cast %get3A_201 : vector<1x16xf32> to vector<16xf32>
      %add3A_203 = arith.addf %add3A_198, %get3A_202 : vector<16xf32>
      %max3A_204 = arith.constant 0.000000e+00 : f32
      %max3A_205 = vector.broadcast %max3A_204 : f32 to vector<16xf32>
      %max3A_206 = arith.maximumf %add3A_203, %max3A_205 : vector<16xf32>
      %swap3A_207 = arith.index_cast %scan3A_104 : i32 to index
      %swap3A_208 = arith.constant 64 : index
      %swap3A_209 = tpu.vector_load %arg19[%swap3A_207, %swap3A_208] {strides = array<i32>} : memref<40x128xf32, #tpu.memory_space<vmem>>, vector<1x16xf32>,
      %swap3A_210 = vector.shape_cast %swap3A_209 : vector<1x16xf32> to vector<16xf32>
      %swap3A_211 = vector.shape_cast %max3A_206 : vector<16xf32> to vector<1x16xf32>
      tpu.vector_store %arg19[%swap3A_207, %swap3A_208], %swap3A_211 {strides = array<i32>} : memref<40x128xf32, #tpu.memory_space<vmem>>, vector<1x16xf32>,
      %get3A_212 = arith.index_cast %scan3A_104 : i32 to index
      %get3A_213 = arith.constant 80 : index
      %get3A_214 = tpu.vector_load %arg16[%get3A_212, %get3A_213] {strides = array<i32>} : memref<40x128xf32, #tpu.memory_space<vmem>>, vector<1x16xf32>,
      %get3A_215 = vector.shape_cast %get3A_214 : vector<1x16xf32> to vector<16xf32>
      %get3A_216 = arith.index_cast %scan3A_104 : i32 to index
      %get3A_217 = arith.constant 80 : index
      %get3A_218 = tpu.vector_load %arg17[%get3A_216, %get3A_217] {strides = array<i32>} : memref<40x128xf32, #tpu.memory_space<vmem>>, vector<1x16xf32>,
      %get3A_219 = vector.shape_cast %get3A_218 : vector<1x16xf32> to vector<16xf32>
      %add3A_220 = arith.addf %get3A_215, %get3A_219 : vector<16xf32>
      %get3A_221 = arith.index_cast %scan3A_104 : i32 to index
      %get3A_222 = arith.constant 80 : index
      %get3A_223 = tpu.vector_load %arg18[%get3A_221, %get3A_222] {strides = array<i32>} : memref<40x128xf32, #tpu.memory_space<vmem>>, vector<1x16xf32>,
      %get3A_224 = vector.shape_cast %get3A_223 : vector<1x16xf32> to vector<16xf32>
      %add3A_225 = arith.addf %add3A_220, %get3A_224 : vector<16xf32>
      %max3A_226 = arith.constant 0.000000e+00 : f32
      %max3A_227 = vector.broadcast %max3A_226 : f32 to vector<16xf32>
      %max3A_228 = arith.maximumf %add3A_225, %max3A_227 : vector<16xf32>
      %swap3A_229 = arith.index_cast %scan3A_104 : i32 to index
      %swap3A_230 = arith.constant 80 : index
      %swap3A_231 = tpu.vector_load %arg19[%swap3A_229, %swap3A_230] {strides = array<i32>} : memref<40x128xf32, #tpu.memory_space<vmem>>, vector<1x16xf32>,
      %swap3A_232 = vector.shape_cast %swap3A_231 : vector<1x16xf32> to vector<16xf32>
      %swap3A_233 = vector.shape_cast %max3A_228 : vector<16xf32> to vector<1x16xf32>
      tpu.vector_store %arg19[%swap3A_229, %swap3A_230], %swap3A_233 {strides = array<i32>} : memref<40x128xf32, #tpu.memory_space<vmem>>, vector<1x16xf32>,
      %get3A_234 = arith.index_cast %scan3A_104 : i32 to index
      %get3A_235 = arith.constant 96 : index
      %get3A_236 = tpu.vector_load %arg16[%get3A_234, %get3A_235] {strides = array<i32>} : memref<40x128xf32, #tpu.memory_space<vmem>>, vector<1x16xf32>,
      %get3A_237 = vector.shape_cast %get3A_236 : vector<1x16xf32> to vector<16xf32>
      %get3A_238 = arith.index_cast %scan3A_104 : i32 to index
      %get3A_239 = arith.constant 96 : index
      %get3A_240 = tpu.vector_load %arg17[%get3A_238, %get3A_239] {strides = array<i32>} : memref<40x128xf32, #tpu.memory_space<vmem>>, vector<1x16xf32>,
      %get3A_241 = vector.shape_cast %get3A_240 : vector<1x16xf32> to vector<16xf32>
      %add3A_242 = arith.addf %get3A_237, %get3A_241 : vector<16xf32>
      %get3A_243 = arith.index_cast %scan3A_104 : i32 to index
      %get3A_244 = arith.constant 96 : index
      %get3A_245 = tpu.vector_load %arg18[%get3A_243, %get3A_244] {strides = array<i32>} : memref<40x128xf32, #tpu.memory_space<vmem>>, vector<1x16xf32>,
      %get3A_246 = vector.shape_cast %get3A_245 : vector<1x16xf32> to vector<16xf32>
      %add3A_247 = arith.addf %add3A_242, %get3A_246 : vector<16xf32>
      %max3A_248 = arith.constant 0.000000e+00 : f32
      %max3A_249 = vector.broadcast %max3A_248 : f32 to vector<16xf32>
      %max3A_250 = arith.maximumf %add3A_247, %max3A_249 : vector<16xf32>
      %swap3A_251 = arith.index_cast %scan3A_104 : i32 to index
      %swap3A_252 = arith.constant 96 : index
      %swap3A_253 = tpu.vector_load %arg19[%swap3A_251, %swap3A_252] {strides = array<i32>} : memref<40x128xf32, #tpu.memory_space<vmem>>, vector<1x16xf32>,
      %swap3A_254 = vector.shape_cast %swap3A_253 : vector<1x16xf32> to vector<16xf32>
      %swap3A_255 = vector.shape_cast %max3A_250 : vector<16xf32> to vector<1x16xf32>
      tpu.vector_store %arg19[%swap3A_251, %swap3A_252], %swap3A_255 {strides = array<i32>} : memref<40x128xf32, #tpu.memory_space<vmem>>, vector<1x16xf32>,
      %get3A_256 = arith.index_cast %scan3A_104 : i32 to index
      %get3A_257 = arith.constant 112 : index
      %get3A_258 = tpu.vector_load %arg16[%get3A_256, %get3A_257] {strides = array<i32>} : memref<40x128xf32, #tpu.memory_space<vmem>>, vector<1x16xf32>,
      %get3A_259 = vector.shape_cast %get3A_258 : vector<1x16xf32> to vector<16xf32>
      %get3A_260 = arith.index_cast %scan3A_104 : i32 to index
      %get3A_261 = arith.constant 112 : index
      %get3A_262 = tpu.vector_load %arg17[%get3A_260, %get3A_261] {strides = array<i32>} : memref<40x128xf32, #tpu.memory_space<vmem>>, vector<1x16xf32>,
      %get3A_263 = vector.shape_cast %get3A_262 : vector<1x16xf32> to vector<16xf32>
      %add3A_264 = arith.addf %get3A_259, %get3A_263 : vector<16xf32>
      %get3A_265 = arith.index_cast %scan3A_104 : i32 to index
      %get3A_266 = arith.constant 112 : index
      %get3A_267 = tpu.vector_load %arg18[%get3A_265, %get3A_266] {strides = array<i32>} : memref<40x128xf32, #tpu.memory_space<vmem>>, vector<1x16xf32>,
      %get3A_268 = vector.shape_cast %get3A_267 : vector<1x16xf32> to vector<16xf32>
      %add3A_269 = arith.addf %add3A_264, %get3A_268 : vector<16xf32>
      %max3A_270 = arith.constant 0.000000e+00 : f32
      %max3A_271 = vector.broadcast %max3A_270 : f32 to vector<16xf32>
      %max3A_272 = arith.maximumf %add3A_269, %max3A_271 : vector<16xf32>
      %swap3A_273 = arith.index_cast %scan3A_104 : i32 to index
      %swap3A_274 = arith.constant 112 : index
      %swap3A_275 = tpu.vector_load %arg19[%swap3A_273, %swap3A_274] {strides = array<i32>} : memref<40x128xf32, #tpu.memory_space<vmem>>, vector<1x16xf32>,
      %swap3A_276 = vector.shape_cast %swap3A_275 : vector<1x16xf32> to vector<16xf32>
      %swap3A_277 = vector.shape_cast %max3A_272 : vector<16xf32> to vector<1x16xf32>
      tpu.vector_store %arg19[%swap3A_273, %swap3A_274], %swap3A_277 {strides = array<i32>} : memref<40x128xf32, #tpu.memory_space<vmem>>, vector<1x16xf32>,
    }
    %scan3A_97 = arith.constant 40 : i32
    "tpu.region"() ({
      %run_scoped3A = tpu.sem_alloc : memref<!tpu.dma_semaphore, #tpu.memory_space<semaphore_mem>>
      %dma_start3A_104 = arith.constant 0 : i32
      %dma_start3A_105 = arith.constant 0 : i32
      %dma_start3A_106 = tpu.memref_slice %arg20[%dma_start3A_104, %dma_start3A_105] : memref<10000x128xf32, #tpu.memory_space<vmem_shared>> -> memref<10000x128xf32, #tpu.memory_space<vmem_shared>>
      tpu.enqueue_indirect_dma source(%arg19 : memref<40x128xf32, #tpu.memory_space<vmem>>) target(%dma_start3A_106 : memref<10000x128xf32, #tpu.memory_space<vmem_shared>>) offsets(%arg10 : memref<40xi32, #tpu.memory_space<vmem>>) semaphore(%run_scoped3A : memref<!tpu.dma_semaphore, #tpu.memory_space<semaphore_mem>>) {add = true}
      %dma_wait3A_107 = arith.constant 0 : i32
      %dma_wait3A_108 = arith.constant 0 : i32
      %dma_wait3A_109 = tpu.memref_slice %arg20[%dma_wait3A_107, %dma_wait3A_108] : memref<10000x128xf32, #tpu.memory_space<vmem_shared>> -> memref<10000x128xf32, #tpu.memory_space<vmem_shared>>
      tpu.wait_indirect_dma semaphore(%run_scoped3A : memref<!tpu.dma_semaphore, #tpu.memory_space<semaphore_mem>>) src(%arg19 : memref<40x128xf32, #tpu.memory_space<vmem>>) dst(%dma_wait3A_109 : memref<10000x128xf32, #tpu.memory_space<vmem_shared>>)
      tpu.yield
    }) : () -> ()
    "tpu.region"() ({
      %run_scoped3A = tpu.sem_alloc : memref<!tpu.dma_semaphore, #tpu.memory_space<semaphore_mem>>
      %dma_start3A_104 = arith.constant 0 : i32
      %dma_start3A_105 = arith.constant 0 : i32
      %dma_start3A_106 = tpu.memref_slice %arg20[%dma_start3A_104, %dma_start3A_105] : memref<10000x128xf32, #tpu.memory_space<vmem_shared>> -> memref<10000x128xf32, #tpu.memory_space<vmem_shared>>
      tpu.enqueue_indirect_dma source(%arg19 : memref<40x128xf32, #tpu.memory_space<vmem>>) target(%dma_start3A_106 : memref<10000x128xf32, #tpu.memory_space<vmem_shared>>) offsets(%arg11 : memref<40xi32, #tpu.memory_space<vmem>>) semaphore(%run_scoped3A : memref<!tpu.dma_semaphore, #tpu.memory_space<semaphore_mem>>) {add = true}
      %dma_wait3A_107 = arith.constant 0 : i32
      %dma_wait3A_108 = arith.constant 0 : i32
      %dma_wait3A_109 = tpu.memref_slice %arg20[%dma_wait3A_107, %dma_wait3A_108] : memref<10000x128xf32, #tpu.memory_space<vmem_shared>> -> memref<10000x128xf32, #tpu.memory_space<vmem_shared>>
      tpu.wait_indirect_dma semaphore(%run_scoped3A : memref<!tpu.dma_semaphore, #tpu.memory_space<semaphore_mem>>) src(%arg19 : memref<40x128xf32, #tpu.memory_space<vmem>>) dst(%dma_wait3A_109 : memref<10000x128xf32, #tpu.memory_space<vmem_shared>>)
      tpu.yield
    }) : () -> ()
    %barrier3A_98 = arith.constant 0 : index
    tpu.barrier barrier_id(%barrier3A_98)
    "tpu.region"() ({
      %run_scoped3A = tpu.sem_alloc : memref<!tpu.dma_semaphore, #tpu.memory_space<semaphore_mem>>
      %dma_start3A_104 = arith.constant 0 : i32
      %dma_start3A_105 = tpu.memref_slice %arg7[%arg0, %mul3A_2, %dma_start3A_104] : memref<2x10000x128xf32, #tpu.memory_space<hbm>> -> memref<1x624x128xf32, #tpu.memory_space<hbm>>
      %dma_start3A_106 = tpu.memref_squeeze %dma_start3A_105 : memref<1x624x128xf32, #tpu.memory_space<hbm>> -> memref<624x128xf32, #tpu.memory_space<hbm>>
      %dma_start3A_107 = arith.constant 0 : i32
      %dma_start3A_108 = tpu.memref_slice %arg20[%mul3A_2, %dma_start3A_107] : memref<10000x128xf32, #tpu.memory_space<vmem_shared>> -> memref<624x128xf32, #tpu.memory_space<vmem_shared>>
      tpu.enqueue_dma source(%dma_start3A_108 : memref<624x128xf32, #tpu.memory_space<vmem_shared>>) target(%dma_start3A_106 : memref<624x128xf32, #tpu.memory_space<hbm>>) target_semaphore(%run_scoped3A : memref<!tpu.dma_semaphore, #tpu.memory_space<semaphore_mem>>)
      %dma_wait3A_109 = arith.constant 0 : i32
      %dma_wait3A_110 = tpu.memref_slice %arg7[%arg0, %mul3A_2, %dma_wait3A_109] : memref<2x10000x128xf32, #tpu.memory_space<hbm>> -> memref<1x624x128xf32, #tpu.memory_space<hbm>>
      %dma_wait3A_111 = tpu.memref_squeeze %dma_wait3A_110 : memref<1x624x128xf32, #tpu.memory_space<hbm>> -> memref<624x128xf32, #tpu.memory_space<hbm>>
      %dma_wait3A_112 = arith.constant 0 : i32
      %dma_wait3A_113 = tpu.memref_slice %arg20[%mul3A_2, %dma_wait3A_112] : memref<10000x128xf32, #tpu.memory_space<vmem_shared>> -> memref<624x128xf32, #tpu.memory_space<vmem_shared>>
      tpu.wait_dma2 semaphore(%run_scoped3A : memref<!tpu.dma_semaphore, #tpu.memory_space<semaphore_mem>>) src(%dma_wait3A_113 : memref<624x128xf32, #tpu.memory_space<vmem_shared>>) dst(%dma_wait3A_111 : memref<624x128xf32, #tpu.memory_space<hbm>>)
      tpu.yield
    }) : () -> ()
    %eq3A_99 = arith.constant 0 : i32
    %eq3A_100 = arith.cmpi eq, %arg1, %eq3A_99 : i32
    %convert_element_type3A_101 = arith.extui %eq3A_100 : i1 to i32
    %cond3A_102 = arith.constant 0 : i32
    %cond3A_103 = arith.cmpi ne, %convert_element_type3A_101, %cond3A_102 : i32
    scf.if %cond3A_103 {
      "tpu.region"() ({
        %run_scoped3A = tpu.sem_alloc : memref<!tpu.dma_semaphore, #tpu.memory_space<semaphore_mem>>
        %dma_start3A_104 = arith.constant 9984 : i32
        %dma_start3A_105 = arith.constant 0 : i32
        %dma_start3A_106 = tpu.memref_slice %arg7[%arg0, %dma_start3A_104, %dma_start3A_105] : memref<2x10000x128xf32, #tpu.memory_space<hbm>> -> memref<1x16x128xf32, #tpu.memory_space<hbm>>
        %dma_start3A_107 = tpu.memref_squeeze %dma_start3A_106 : memref<1x16x128xf32, #tpu.memory_space<hbm>> -> memref<16x128xf32, #tpu.memory_space<hbm>>
        %dma_start3A_108 = arith.constant 9984 : i32
        %dma_start3A_109 = arith.constant 0 : i32
        %dma_start3A_110 = tpu.memref_slice %arg20[%dma_start3A_108, %dma_start3A_109] : memref<10000x128xf32, #tpu.memory_space<vmem_shared>> -> memref<16x128xf32, #tpu.memory_space<vmem_shared>>
        tpu.enqueue_dma source(%dma_start3A_110 : memref<16x128xf32, #tpu.memory_space<vmem_shared>>) target(%dma_start3A_107 : memref<16x128xf32, #tpu.memory_space<hbm>>) target_semaphore(%run_scoped3A : memref<!tpu.dma_semaphore, #tpu.memory_space<semaphore_mem>>)
        %dma_wait3A_111 = arith.constant 9984 : i32
        %dma_wait3A_112 = arith.constant 0 : i32
        %dma_wait3A_113 = tpu.memref_slice %arg7[%arg0, %dma_wait3A_111, %dma_wait3A_112] : memref<2x10000x128xf32, #tpu.memory_space<hbm>> -> memref<1x16x128xf32, #tpu.memory_space<hbm>>
        %dma_wait3A_114 = tpu.memref_squeeze %dma_wait3A_113 : memref<1x16x128xf32, #tpu.memory_space<hbm>> -> memref<16x128xf32, #tpu.memory_space<hbm>>
        %dma_wait3A_115 = arith.constant 9984 : i32
        %dma_wait3A_116 = arith.constant 0 : i32
        %dma_wait3A_117 = tpu.memref_slice %arg20[%dma_wait3A_115, %dma_wait3A_116] : memref<10000x128xf32, #tpu.memory_space<vmem_shared>> -> memref<16x128xf32, #tpu.memory_space<vmem_shared>>
        tpu.wait_dma2 semaphore(%run_scoped3A : memref<!tpu.dma_semaphore, #tpu.memory_space<semaphore_mem>>) src(%dma_wait3A_117 : memref<16x128xf32, #tpu.memory_space<vmem_shared>>) dst(%dma_wait3A_114 : memref<16x128xf32, #tpu.memory_space<hbm>>)
        tpu.yield
      }) : () -> ()
    } else {
    }
    return
  }
}

module attributes {stable_mosaic.version = 14 : i64} {
  func.func @_dense_pre_body(%arg0: memref<10000x128xf32, #tpu.memory_space<vmem>>, %arg1: memref<128x128xf32, #tpu.memory_space<vmem>>, %arg2: memref<128x128xf32, #tpu.memory_space<vmem>>, %arg3: memref<10000x128xf32, #tpu.memory_space<vmem>>, %arg4: memref<10000x128xf32, #tpu.memory_space<vmem>>) attributes {dimension_semantics = [], scalar_prefetch = 0 : i64, scratch_operands = 0 : i64, tpu.core_type = #tpu.core_type<tc>} {
    %get3A = arith.constant 0 : index
    %get3A_0 = arith.constant 0 : index
    %get3A_1 = vector.load %arg0[%get3A, %get3A_0] : memref<10000x128xf32, #tpu.memory_space<vmem>>, vector<10000x128xf32>
    %get3A_2 = arith.constant 0 : index
    %get3A_3 = arith.constant 0 : index
    %get3A_4 = vector.load %arg1[%get3A_2, %get3A_3] : memref<128x128xf32, #tpu.memory_space<vmem>>, vector<128x128xf32>
    %dot_general3A = arith.constant dense<0.000000e+00> : vector<10000x128xf32>
    %dot_general3A_5 = tpu.matmul %get3A_1, %get3A_4, %dot_general3A {dimension_numbers = #tpu.dot_dimension_numbers<[1], [0], [0], [1], [0, 0, 1, 1], [], []>, transpose_lhs_hint = false} : vector<10000x128xf32>, vector<128x128xf32>, vector<10000x128xf32> -> vector<10000x128xf32>
    %swap3A = arith.constant 0 : index
    %swap3A_6 = arith.constant 0 : index
    %swap3A_7 = vector.load %arg3[%swap3A, %swap3A_6] : memref<10000x128xf32, #tpu.memory_space<vmem>>, vector<10000x128xf32>
    tpu.vector_store %arg3[%swap3A, %swap3A_6], %dot_general3A_5 {strides = array<i32>} : memref<10000x128xf32, #tpu.memory_space<vmem>>, vector<10000x128xf32>,
    %get3A_8 = arith.constant 0 : index
    %get3A_9 = arith.constant 0 : index
    %get3A_10 = vector.load %arg2[%get3A_8, %get3A_9] : memref<128x128xf32, #tpu.memory_space<vmem>>, vector<128x128xf32>
    %dot_general3A_11 = arith.constant dense<0.000000e+00> : vector<10000x128xf32>
    %dot_general3A_12 = tpu.matmul %get3A_1, %get3A_10, %dot_general3A_11 {dimension_numbers = #tpu.dot_dimension_numbers<[1], [0], [0], [1], [0, 0, 1, 1], [], []>, transpose_lhs_hint = false} : vector<10000x128xf32>, vector<128x128xf32>, vector<10000x128xf32> -> vector<10000x128xf32>
    %swap3A_13 = arith.constant 0 : index
    %swap3A_14 = arith.constant 0 : index
    %swap3A_15 = vector.load %arg4[%swap3A_13, %swap3A_14] : memref<10000x128xf32, #tpu.memory_space<vmem>>, vector<10000x128xf32>
    tpu.vector_store %arg4[%swap3A_13, %swap3A_14], %dot_general3A_12 {strides = array<i32>} : memref<10000x128xf32, #tpu.memory_space<vmem>>, vector<10000x128xf32>,
    return
  }
}

module attributes {stable_mosaic.version = 14 : i64} {
  func.func @_q_body(%arg0: i32, %arg1: memref<8000x16xf32, #tpu.memory_space<vmem>>, %arg2: memref<16x128xf32, #tpu.memory_space<vmem>>, %arg3: memref<1x128xf32, #tpu.memory_space<vmem>>, %arg4: memref<8000x128xf32, #tpu.memory_space<vmem>>) attributes {dimension_semantics = [#tpu.dimension_semantics<arbitrary>], iteration_bounds = array<i64: 40>, scalar_prefetch = 0 : i64, scratch_operands = 0 : i64, tpu.core_type = #tpu.core_type<tc>, window_params = [{transform_indices = @transform_0, window_bounds = array<i64: 8000, 16>}, {pipeline_mode = #tpu.pipeline_mode<synchronous>, transform_indices = @transform_1, window_bounds = array<i64: 16, 128>}, {pipeline_mode = #tpu.pipeline_mode<synchronous>, transform_indices = @transform_2, window_bounds = array<i64: 1, 128>}, {transform_indices = @transform_3, window_bounds = array<i64: 8000, 128>}]} {
    %get3A = arith.constant 0 : index
    %get3A_0 = arith.constant 0 : index
    %get3A_1 = vector.load %arg1[%get3A, %get3A_0] : memref<8000x16xf32, #tpu.memory_space<vmem>>, vector<8000x16xf32>
    %get3A_2 = arith.constant 0 : index
    %get3A_3 = arith.constant 0 : index
    %get3A_4 = vector.load %arg2[%get3A_2, %get3A_3] : memref<16x128xf32, #tpu.memory_space<vmem>>, vector<16x128xf32>
    %dot_general3A = arith.constant dense<0.000000e+00> : vector<8000x128xf32>
    %dot_general3A_5 = tpu.matmul %get3A_1, %get3A_4, %dot_general3A {dimension_numbers = #tpu.dot_dimension_numbers<[1], [0], [0], [1], [0, 0, 1, 1], [], []>, transpose_lhs_hint = false} : vector<8000x16xf32>, vector<16x128xf32>, vector<8000x128xf32> -> vector<8000x128xf32>
    %get3A_6 = arith.constant 0 : index
    %get3A_7 = arith.constant 0 : index
    %get3A_8 = vector.load %arg3[%get3A_6, %get3A_7] : memref<1x128xf32, #tpu.memory_space<vmem>>, vector<1x128xf32>
    %add3A = vector.broadcast %get3A_8 : vector<1x128xf32> to vector<8000x128xf32>
    %add3A_9 = arith.addf %dot_general3A_5, %add3A : vector<8000x128xf32>
    %swap3A = arith.constant 0 : index
    %swap3A_10 = arith.constant 0 : index
    %swap3A_11 = vector.load %arg4[%swap3A, %swap3A_10] : memref<8000x128xf32, #tpu.memory_space<vmem>>, vector<8000x128xf32>
    tpu.vector_store %arg4[%swap3A, %swap3A_10], %add3A_9 {strides = array<i32>} : memref<8000x128xf32, #tpu.memory_space<vmem>>, vector<8000x128xf32>,
    return
  }
  func.func @transform_0(%arg0: i32) -> (i32, i32) {
    %c0_i32 = arith.constant 0 : i32
    %c0_i32_0 = arith.constant 0 : i32
    return %arg0, %c0_i32 : i32, i32
  }
  func.func @transform_1(%arg0: i32) -> (i32, i32) {
    %c0_i32 = arith.constant 0 : i32
    %c0_i32_0 = arith.constant 0 : i32
    %c0_i32_1 = arith.constant 0 : i32
    return %c0_i32, %c0_i32_0 : i32, i32
  }
  func.func @transform_2(%arg0: i32) -> (i32, i32) {
    %c0_i32 = arith.constant 0 : i32
    %c0_i32_0 = arith.constant 0 : i32
    %c0_i32_1 = arith.constant 0 : i32
    return %c0_i32, %c0_i32_0 : i32, i32
  }
  func.func @transform_3(%arg0: i32) -> (i32, i32) {
    %c0_i32 = arith.constant 0 : i32
    %c0_i32_0 = arith.constant 0 : i32
    return %arg0, %c0_i32 : i32, i32
  }
}

module attributes {stable_mosaic.version = 14 : i64} {
  func.func @_post_body(%arg0: memref<10000x128xf32, #tpu.memory_space<vmem>>, %arg1: memref<2x10000x128xf32, #tpu.memory_space<vmem>>, %arg2: memref<128x128xf32, #tpu.memory_space<vmem>>, %arg3: memref<1x128xf32, #tpu.memory_space<vmem>>, %arg4: memref<10000x128xf32, #tpu.memory_space<vmem>>) attributes {dimension_semantics = [], scalar_prefetch = 0 : i64, scratch_operands = 0 : i64, tpu.core_type = #tpu.core_type<tc>} {
    %get3A = arith.constant 0 : index
    %get3A_0 = arith.constant 0 : index
    %get3A_1 = arith.constant 0 : index
    %get3A_2 = vector.load %arg1[%get3A, %get3A_0, %get3A_1] : memref<2x10000x128xf32, #tpu.memory_space<vmem>>, vector<1x10000x128xf32>
    %get3A_3 = vector.shape_cast %get3A_2 : vector<1x10000x128xf32> to vector<10000x128xf32>
    %get3A_4 = arith.constant 1 : index
    %get3A_5 = arith.constant 0 : index
    %get3A_6 = arith.constant 0 : index
    %get3A_7 = vector.load %arg1[%get3A_4, %get3A_5, %get3A_6] : memref<2x10000x128xf32, #tpu.memory_space<vmem>>, vector<1x10000x128xf32>
    %get3A_8 = vector.shape_cast %get3A_7 : vector<1x10000x128xf32> to vector<10000x128xf32>
    %add3A = arith.addf %get3A_3, %get3A_8 : vector<10000x128xf32>
    %get3A_9 = arith.constant 0 : index
    %get3A_10 = arith.constant 0 : index
    %get3A_11 = vector.load %arg2[%get3A_9, %get3A_10] : memref<128x128xf32, #tpu.memory_space<vmem>>, vector<128x128xf32>
    %dot_general3A = arith.constant dense<0.000000e+00> : vector<10000x128xf32>
    %dot_general3A_12 = tpu.matmul %add3A, %get3A_11, %dot_general3A {dimension_numbers = #tpu.dot_dimension_numbers<[1], [0], [0], [1], [0, 0, 1, 1], [], []>, transpose_lhs_hint = false} : vector<10000x128xf32>, vector<128x128xf32>, vector<10000x128xf32> -> vector<10000x128xf32>
    %get3A_13 = arith.constant 0 : index
    %get3A_14 = arith.constant 0 : index
    %get3A_15 = vector.load %arg0[%get3A_13, %get3A_14] : memref<10000x128xf32, #tpu.memory_space<vmem>>, vector<10000x128xf32>
    %add3A_16 = arith.addf %dot_general3A_12, %get3A_15 : vector<10000x128xf32>
    %get3A_17 = arith.constant 0 : index
    %get3A_18 = arith.constant 0 : index
    %get3A_19 = vector.load %arg3[%get3A_17, %get3A_18] : memref<1x128xf32, #tpu.memory_space<vmem>>, vector<1x128xf32>
    %add3A_20 = vector.broadcast %get3A_19 : vector<1x128xf32> to vector<10000x128xf32>
    %add3A_21 = arith.addf %add3A_16, %add3A_20 : vector<10000x128xf32>
    %max3A = arith.constant 0.000000e+00 : f32
    %max3A_22 = vector.broadcast %max3A : f32 to vector<10000x128xf32>
    %max3A_23 = arith.maximumf %add3A_21, %max3A_22 : vector<10000x128xf32>
    %swap3A = arith.constant 0 : index
    %swap3A_24 = arith.constant 0 : index
    %swap3A_25 = vector.load %arg4[%swap3A, %swap3A_24] : memref<10000x128xf32, #tpu.memory_space<vmem>>, vector<10000x128xf32>
    tpu.vector_store %arg4[%swap3A, %swap3A_24], %max3A_23 {strides = array<i32>} : memref<10000x128xf32, #tpu.memory_space<vmem>>, vector<10000x128xf32>,
    return
  }
}

module attributes {stable_mosaic.version = 14 : i64} {
  func.func @_readout_body(%arg0: memref<10000x128xf32, #tpu.memory_space<vmem>>, %arg1: memref<1x10000xi32, #tpu.memory_space<vmem>>, %arg2: memref<128x128xf32, #tpu.memory_space<vmem>>, %arg3: memref<1x128xf32, #tpu.memory_space<vmem>>, %arg4: memref<128x128xf32, #tpu.memory_space<vmem>>, %arg5: memref<1x128xf32, #tpu.memory_space<vmem>>, %arg6: memref<64x128xf32, #tpu.memory_space<vmem>>) attributes {dimension_semantics = [], scalar_prefetch = 0 : i64, scratch_operands = 0 : i64, tpu.core_type = #tpu.core_type<tc>} {
    %iota3A = tpu.iota {dimensions = array<i32: 0>} : vector<64x10000xi32>
    %get3A = arith.constant 0 : index
    %get3A_0 = arith.constant 0 : index
    %get3A_1 = vector.load %arg1[%get3A, %get3A_0] : memref<1x10000xi32, #tpu.memory_space<vmem>>, vector<1x10000xi32>
    %eq3A = vector.broadcast %get3A_1 : vector<1x10000xi32> to vector<64x10000xi32>
    %eq3A_2 = arith.cmpi eq, %iota3A, %eq3A : vector<64x10000xi32>
    %convert_element_type3A = arith.extui %eq3A_2 : vector<64x10000xi1> to vector<64x10000xi32>
    %convert_element_type3A_3 = arith.sitofp %convert_element_type3A : vector<64x10000xi32> to vector<64x10000xf32>
    %reduce_sum3A = arith.constant dense<0.000000e+00> : vector<64xf32>
    %reduce_sum3A_4 = vector.multi_reduction <add>, %convert_element_type3A_3, %reduce_sum3A [1] : vector<64x10000xf32> to vector<64xf32>
    %broadcast_in_dim3A = vector.shape_cast %reduce_sum3A_4 : vector<64xf32> to vector<64x1xf32>
    %get3A_5 = arith.constant 0 : index
    %get3A_6 = arith.constant 0 : index
    %get3A_7 = vector.load %arg0[%get3A_5, %get3A_6] : memref<10000x128xf32, #tpu.memory_space<vmem>>, vector<10000x128xf32>
    %dot_general3A = arith.constant dense<0.000000e+00> : vector<64x128xf32>
    %dot_general3A_8 = tpu.matmul %convert_element_type3A_3, %get3A_7, %dot_general3A {dimension_numbers = #tpu.dot_dimension_numbers<[1], [0], [0], [1], [0, 0, 1, 1], [], []>, transpose_lhs_hint = false} : vector<64x10000xf32>, vector<10000x128xf32>, vector<64x128xf32> -> vector<64x128xf32>
    %max3A = arith.constant 1.000000e+00 : f32
    %max3A_9 = vector.broadcast %max3A : f32 to vector<64x1xf32>
    %max3A_10 = arith.maximumf %broadcast_in_dim3A, %max3A_9 : vector<64x1xf32>
    %div3A = vector.broadcast %max3A_10 : vector<64x1xf32> to vector<64x128xf32>
    %div3A_11 = arith.divf %dot_general3A_8, %div3A : vector<64x128xf32>
    %get3A_12 = arith.constant 0 : index
    %get3A_13 = arith.constant 0 : index
    %get3A_14 = vector.load %arg2[%get3A_12, %get3A_13] : memref<128x128xf32, #tpu.memory_space<vmem>>, vector<128x128xf32>
    %dot_general3A_15 = arith.constant dense<0.000000e+00> : vector<64x128xf32>
    %dot_general3A_16 = tpu.matmul %div3A_11, %get3A_14, %dot_general3A_15 {dimension_numbers = #tpu.dot_dimension_numbers<[1], [0], [0], [1], [0, 0, 1, 1], [], []>, transpose_lhs_hint = false} : vector<64x128xf32>, vector<128x128xf32>, vector<64x128xf32> -> vector<64x128xf32>
    %get3A_17 = arith.constant 0 : index
    %get3A_18 = arith.constant 0 : index
    %get3A_19 = vector.load %arg3[%get3A_17, %get3A_18] : memref<1x128xf32, #tpu.memory_space<vmem>>, vector<1x128xf32>
    %add3A = vector.broadcast %get3A_19 : vector<1x128xf32> to vector<64x128xf32>
    %add3A_20 = arith.addf %dot_general3A_16, %add3A : vector<64x128xf32>
    %max3A_21 = arith.constant 0.000000e+00 : f32
    %max3A_22 = vector.broadcast %max3A_21 : f32 to vector<64x128xf32>
    %max3A_23 = arith.maximumf %add3A_20, %max3A_22 : vector<64x128xf32>
    %get3A_24 = arith.constant 0 : index
    %get3A_25 = arith.constant 0 : index
    %get3A_26 = vector.load %arg4[%get3A_24, %get3A_25] : memref<128x128xf32, #tpu.memory_space<vmem>>, vector<128x128xf32>
    %dot_general3A_27 = arith.constant dense<0.000000e+00> : vector<64x128xf32>
    %dot_general3A_28 = tpu.matmul %max3A_23, %get3A_26, %dot_general3A_27 {dimension_numbers = #tpu.dot_dimension_numbers<[1], [0], [0], [1], [0, 0, 1, 1], [], []>, transpose_lhs_hint = false} : vector<64x128xf32>, vector<128x128xf32>, vector<64x128xf32> -> vector<64x128xf32>
    %get3A_29 = arith.constant 0 : index
    %get3A_30 = arith.constant 0 : index
    %get3A_31 = vector.load %arg5[%get3A_29, %get3A_30] : memref<1x128xf32, #tpu.memory_space<vmem>>, vector<1x128xf32>
    %add3A_32 = vector.broadcast %get3A_31 : vector<1x128xf32> to vector<64x128xf32>
    %add3A_33 = arith.addf %dot_general3A_28, %add3A_32 : vector<64x128xf32>
    %swap3A = arith.constant 0 : index
    %swap3A_34 = arith.constant 0 : index
    %swap3A_35 = vector.load %arg6[%swap3A, %swap3A_34] : memref<64x128xf32, #tpu.memory_space<vmem>>, vector<64x128xf32>
    tpu.vector_store %arg6[%swap3A, %swap3A_34], %add3A_33 {strides = array<i32>} : memref<64x128xf32, #tpu.memory_space<vmem>>, vector<64x128xf32>,
    return
  }
}

</mosaic_0001>

<sc_bundles>
// kernel: kernel.15.cloned.1.call-start
scs
__scs_entry_jumppad:
0x0: {  	(pc) =	sbr.rel $0x88, $3  }
0x1: {  	(tag) =	ssettag $0x0;
	lr =	simm.s32 $0x1  }
0x2: {  	[smem:$0x3F93] =	sst lr;
	_ =	strace $0xD0000000  }
0x3: {  	_ = 	snop  }
0x4: {  	_ = 	snop  }
0x5: {  	_ = 	snop  }
0x6: {  	_ = 	snop  }
0x7: {  	_ = 	snop  }
__scs_overlays_trampoline_lowered:
0x8: {  	[smem:$0x3FA2] =	sst s0  }
0x9: {  	[smem:$0x3FA3] =	sst s1  }
0xa: {  	[smem:$0x3FA4] =	sst s2  }
0xb: {  	[smem:$0x3FA5] =	sst s3  }
0xc: {  	[smem:$0x3FA6] =	sst s4  }
0xd: {  	[smem:$0x3FA7] =	sst s5  }
0xe: {  	[smem:$0x3FA8] =	sst s6  }
0xf: {  	[smem:$0x3FA9] =	sst s7  }
0x10: {  	[smem:$0x3FAA] =	sst s8  }
0x11: {  	[smem:$0x3FAB] =	sst s9;
	s0 =	simm.s32 @!p0 $0x0  }
0x12: {  	s1 =	sld [smem:$0x3F91];
	s0 =	simm.s32 @p0 $0x1  }
0x13: {  	[smem:$0x3FAC] =	sst s0;
	s0 =	simm.s32 @!p1 $0x0  }
0x14: {  	s2 =	sld [smem:$0x3F90];
	s0 =	simm.s32 @p1 $0x1  }
0x15: {  	[smem:$0x3FAD] =	sst s0;
	s0 =	simm.s32 @!p2 $0x0  }
0x16: {  	s3 =	sld [smem:$0x3FDB];
	s0 =	simm.s32 @p2 $0x1  }
0x17: {  	s4 =	simm.s32 $0x1BF5;
	[smem:$0x3FAF] =	sst s0  }
0x18: {  	s0 =	sld [smem:$0x3F92];
	_ =	swait.ge [sflag:s4], $0x0  }
0x19: {  	s7 =	sld [smem:$0x3F93]  }
0x1a: {  	s8 =	sadd.s32 $0xFFFFE003, lr  }
0x1b: {  	s9 =	sadd.s32 $0xFFFFFEF7, lr;
	s5 =	simm.s32 $0xFFFFFFFF;
	p2 =	slt.u32 s8, $0xFFFFF086  }
0x1c: {  	p1 =	slt.u32 s9, $0xF7A;
	s5 =	simm.s32 @!p2 $0x0  }
0x1d: {  	s5 =	simm.s32 @p1 $0x1;
	p0 =	seq.s32 s7, s2  }
0x1e: {  	s7 =	smul.u32 @!p0 $0xF7A, s2;
	p2 =	seq.s32 @!p0 s5, $0x0  }
0x1f: {  	s9 =	smul.u32 $0xF7A, s1;
	s8 =	simm.s32 @!p0 $0x1BF5;
	p2 =	por !p2, p0  }
0x20: {  	[sflag:s8] =	ssyncset.s32 @!p0 $0xFFFFF086;
	s6 =	sadd.s32 @!p0 s3, s7;
	s7 =	simm.s32 @!p0 $0x108  }
0x21: {  	s3 =	sadd.s32 s3, s9;
	s6 =	sadd.s32 @!p0 $0x88, s6;
	s7 =	simm.s32 @p2 $0x1082  }
0x22: {  	[simem:s7], [sflag:s8] =	dma.local @!p0 [hbm:s6], $0xF7A  }
0x23: {  	s9 =	sor.u32 $0xD0000000, s2;
	s6 =	simm.s32 $0x108;
	_ =	swait.ge @!p0 [sflag:s8], $0x0  }
0x24: {  	s3 =	sadd.s32 $0x88, s3;
	s6 =	simm.s32 @!p1 $0x1082;
	[sflag:s4] =	ssyncset.s32 $0xFFFFF086  }
0x25: {  	[simem:s6], [sflag:s4] =	dma.local [hbm:s3], $0xF7A  }
0x26: {  	[smem:$0x3F93] =	sst s1;
	(tag) =	ssettag s2;
	_ =	strace s9  }
0x27: {  	s1 =	sld [smem:$0x3FA3]  }
0x28: {  	s2 =	sld [smem:$0x3FA4]  }
0x29: {  	s4 =	sld [smem:$0x3FA6]  }
0x2a: {  	p0 =	seq.s32 s5, $0x0;
	s5 =	sld [smem:$0x3FA7]  }
0x2b: {  	s6 =	sld [smem:$0x3FA8]  }
0x2c: {  	s7 =	sld [smem:$0x3FA9]  }
0x2d: {  	s3 =	simm.s32 $0x108;
	s8 =	sld [smem:$0x3FAA]  }
0x2e: {  	s3 =	simm.s32 @!p0 $0x1082;
	s9 =	sld [smem:$0x3FAB]  }
0x2f: {  	lr =	sadd.s32 s0, s3;
	s0 =	sld [smem:$0x3FA2]  }
0x30: {  	s3 =	sld [smem:$0x3FA5]  }
0x31: {  	[smem:$0x3FAE] =	sst s10  }
0x32: {  	s10 =	sld [smem:$0x3FAC];
	_ =	sdelay $0x3  }
0x33: {  	p0 =	seq.s32 s10, $0x1;
	s10 =	sld [smem:$0x3FAE];
	_ =	sdelay $0x3  }
0x34: {  	[smem:$0x3FAE] =	sst s10  }
0x35: {  	s10 =	sld [smem:$0x3FAD];
	_ =	sdelay $0x3  }
0x36: {  	p1 =	seq.s32 s10, $0x1;
	s10 =	sld [smem:$0x3FAE];
	_ =	sdelay $0x3  }
0x37: {  	[smem:$0x3FAE] =	sst s10  }
0x38: {  	s10 =	sld [smem:$0x3FAF]  }
0x39: {  	_ = 	snop;
	(pc) =	sbr.ind lr, $3  }
0x3a: {  	_ = 	snop  }
0x3b: {  	_ = 	snop  }
0x3c: {  	p2 =	seq.s32 s10, $0x1;
	s10 =	sld [smem:$0x3FAE]  }
0x3d: {  	_ =	shalt  }
0x3e: {  	_ =	shalt  }
0x3f: {  	_ =	shalt  }
0x40: {  	_ =	shalt  }
0x41: {  	_ =	shalt  }
0x42: {  	_ =	shalt  }
0x43: {  	_ =	shalt  }
0x44: {  	_ =	shalt  }
0x45: {  	_ =	shalt  }
0x46: {  	_ =	shalt  }
0x47: {  	_ =	shalt  }
0x48: {  	_ =	shalt  }
0x49: {  	_ =	shalt  }
0x4a: {  	_ =	shalt  }
0x4b: {  	_ =	shalt  }
0x4c: {  	_ =	shalt  }
0x4d: {  	_ =	shalt  }
0x4e: {  	_ =	shalt  }
0x4f: {  	_ =	shalt  }
0x50: {  	_ =	shalt  }
0x51: {  	_ =	shalt  }
0x52: {  	_ =	shalt  }
0x53: {  	_ =	shalt  }
0x54: {  	_ =	shalt  }
0x55: {  	_ =	shalt  }
0x56: {  	_ =	shalt  }
0x57: {  	_ =	shalt  }
0x58: {  	_ =	shalt  }
0x59: {  	_ =	shalt  }
0x5a: {  	_ =	shalt  }
0x5b: {  	_ =	shalt  }
0x5c: {  	_ =	shalt  }
0x5d: {  	_ =	shalt  }
0x5e: {  	_ =	shalt  }
0x5f: {  	_ =	shalt  }
0x60: {  	_ =	shalt  }
0x61: {  	_ =	shalt  }
0x62: {  	_ =	shalt  }
0x63: {  	_ =	shalt  }
0x64: {  	_ =	shalt  }
0x65: {  	_ =	shalt  }
0x66: {  	_ =	shalt  }
0x67: {  	_ =	shalt  }
0x68: {  	_ =	shalt  }
0x69: {  	_ =	shalt  }
0x6a: {  	_ =	shalt  }
0x6b: {  	_ =	shalt  }
0x6c: {  	_ =	shalt  }
0x6d: {  	_ =	shalt  }
0x6e: {  	_ =	shalt  }
0x6f: {  	_ =	shalt  }
0x70: {  	_ =	shalt  }
0x71: {  	_ =	shalt  }
0x72: {  	_ =	shalt  }
0x73: {  	_ =	shalt  }
0x74: {  	_ =	shalt  }
0x75: {  	_ =	shalt  }
0x76: {  	_ =	shalt  }
0x77: {  	_ =	shalt  }
0x78: {  	_ =	shalt  }
0x79: {  	_ =	shalt  }
0x7a: {  	_ =	shalt  }
0x7b: {  	_ =	shalt  }
0x7c: {  	_ =	shalt  }
0x7d: {  	_ =	shalt  }
0x7e: {  	_ =	shalt  }
0x7f: {  	_ =	shalt  }
0x80: {  	_ =	shalt  }
0x81: {  	_ =	shalt  }
0x82: {  	_ =	shalt  }
0x83: {  	_ =	shalt  }
0x84: {  	_ =	shalt  }
0x85: {  	_ =	shalt  }
0x86: {  	_ =	shalt  }
0x87: {  	_ =	shalt  }
.Lfunc_end0:
.L_simem_size_0:
called_computation_lowered:
.L_overlay_start_0:
0x88: {  	s2 =	sld [smem:$0x3FD9]  }
0x89: {  	s3 =	sld [smem:$0x3FFE];
	_ =	sdelay $0x1  }
0x8a: {  	s1 =	srdreg.scid  }
0x8b: {  	s0 =	sand.u32 $0x1, s1  }
0x8c: {  	s16 =	sshll.u32 s0, $0xA;
	s2 =	sadd.s32 s3, s2  }
0x8d: {  	s2 =	sadd.s32 s2, s16  }
0x8e: {  	[smem:$0x3FBA] =	sst s2  }
0x8f: {  	_ = 	snop  }
0x90: {  	(tm) =	ssettm $0x1  }
0x91: {  	s17 =	sld [smem:$0x3FFB];
	_ =	sdelay $0x3  }
0x92: {  	_ =	strace s17  }
0x93: {  	s2 =	sld [smem:$0x3FFC];
	_ =	sdelay $0x3  }
0x94: {  	_ =	strace s2  }
0x95: {  	s2 =	sld [smem:$0x3FFD];
	_ =	sdelay $0x3  }
0x96: {  	_ =	strace s2  }
0x97: {  	_ =	strace $0x8FFFFFFF  }
0x98: {  	s18 =	sld [smem:$0x3FDB];
	_ =	sdelay $0x1  }
0x99: {  	s19 =	simm.s32 $_scs_section_size  }
0x9a: {  	s4 =	simm.s32 $_size__tile_overlayer_lowered;
	s5 =	simm.s32 $_tile_overlayer_lowered  }
0x9b: {  	s22 =	simm.s32 $0x1BFF;
	s21 =	sshll.u32 s5, $0x1;
	s2 =	sadd.s32 s19, s18  }
0x9c: {  	s6 =	simm.s32 $0x0;
	s20 =	sshll.u32 s4, $0x1;
	s4 =	sadd.s32 s21, s2  }
0x9d: {  	[timem:s6], [sflag:s22] =	dma.local [hbm:s4], s20  }
0x9e: {  	_ =	swait.ge [sflag:s22], s20  }
0x9f: {  	s3 =	ssub.s32 $0x0, s20;
	[sflag:s22] =	ssyncset.done $0x0  }
0xa0: {  	[sflag:s22] =	ssyncadd.s32 s3;
	_ =	sdelay $0x1  }
0xa1: {  	s23 =	simm.s32 $0x1B8B  }
0xa2: {  	_ =	swait.ge [sflag:s23], $0x1  }
0xa3: {  	[sflag:s23] =	ssyncset.done $0x0  }
0xa4: {  	s25 =	simm.s32 $0x1B8E;
	s24 =	sld [smem:$0x3FFE];
	[sflag:s23] =	ssyncadd.s32 $0xFFFFFFFF  }
0xa5: {  	s26 =	simm.s32 $execute0_lowered;
	[smem:$0x3FD2] =	sst s25  }
0xa6: {  	s4 =	sshll.u32 s26, $0x1;
	_ =	strace $0x80000046;
	[dreg:$0x1] =	wrdreg $0xFFFFFFFF  }
0xa7: {  	s28 =	simm.s32 $_size_execute0_lowered;
	s2 =	sadd.s32 s2, s4;
	[dreg:$0x0] =	wrdreg $0x0  }
0xa8: {  	s4 =	sshll.u32 s28, $0x1;
	[dreg:$0x2] =	wrdreg s2  }
0xa9: {  	[dreg:$0x3] =	wrdreg s4  }
0xaa: {  	[dreg:$0x4] =	wrdreg $0xC0  }
0xab: {  	_ =	task [dreg:s6], $0x5FFFF  }
0xac: {  	[dreg:$0x1] =	wrdreg $0xFFFFFFFF  }
0xad: {  	[dreg:$0x0] =	wrdreg $0x60  }
0xae: {  	[dreg:$0x2] =	wrdreg s24  }
0xaf: {  	[dreg:$0x3] =	wrdreg $0xA2000  }
0xb0: {  	[dreg:$0x4] =	wrdreg $0x9  }
0xb1: {  	_ =	task.clear_ibuf [dreg:s6], $0x5FFFF;
	_ =	strace $0x90000046  }
0xb2: {  	s29 =	simm.s32 $0x9;
	_ =	strace $0x80000048  }
0xb3: {  	_ =	swait.ge [sflag:s29], $0x1  }
0xb4: {  	[sflag:s29] =	ssyncadd.s32 $0xFFFFFFFF  }
0xb5: {  	_ =	strace $0x90000048  }
0xb6: {  	_ =	sfence  }
0xb7: {  	s30 =	sld [smem:$0x0];
	_ =	sdelay $0x2  }
0xb8: {  	s31 =	sshll.u32 s1, $0xD;
	s1 =	sshrl.u32 s1, $0x2  }
0xb9: {  	s3 =	sand.u32 $0x4000, s31;
	s1 =	sadd.s32 s1, s30  }
0xba: {  	s0 =	sor.u32 s3, s0;
	s1 =	sshll.u32 s1, $0x11  }
0xbb: {  	s0 =	sor.u32 s1, s0  }
0xbc: {  	s0 =	sadd.s32 $0x8F2B, s0  }
0xbd: {  	[sflag:s0] =	ssyncadd.remote.s32 $0x1  }
0xbe: {  	_ =	sfence.sel $0xFFFF  }
0xbf: {  	[dreg:$0x0] =	wrdreg $0xFFFFFFFF;
	(pc) =	sbr.abs _section_cstart, $3  }
0xc0: {  	[dreg:$0x1] =	wrdreg $0xFFFFFFFF  }
0xc1: {  	_ =	task.clear_ibuf [dreg:s6], $0x2FFFF;
	_ =	strace $0x9FFFFFFF  }
0xc2: {  	(tm) =	ssettm $0x7FFFFFFF  }
0xc3: {  	_ =	shalt  }
tec
execute0_lowered:
.L_overlay_start_1:
0x0: {  	(tag) =	ssettag $0x1  }
0x1: {  	s0 =	rddreg [dreg:$0x0]  }
0x2: {  	s1 =	rddreg [dreg:$0x1];
	s2 =	simm.s32 $0x0;
	s7 =	stileid.u32  }
0x3: {  	s10 =	srdreg.scid;
	s28 =	simm.s32 $0x28;
	s30 =	simm.s32 $0x1600  }
0x4: {  	s31 =	simm.s32 $0x2A00;
	[smem:$0x7FF] =	sst s2;
	s3 =	sadd.s32 $0x4FDE00, s0  }
0x5: {  	s8 =	smul.u32 $0x13800, s7;
	s4 =	sadd.s32 $0x54C200, s0;
	s5 =	sadd.s32 $0x4F2000, s0  }
0x6: {  	s6 =	sadd.s32 $0x4E8200, s0;
	s10 =	sand.u32 $0x1, s10;
	s12 =	sshll.u32 s7, $0x1  }
0x7: {  	s13 =	smul.u32 $0x4E000, s7;
	s15 =	sadd.s32 $0xA55400, s0;
	s24 =	sshll.u32 s7, $0x6  }
0x8: {  	s25 =	sadd.s32 $0x138000, s1;
	p0 =	sne.s32 s7, $0x0;
	s7 =	simm.s32 $0x180  }
0x9: {  	_ =	strace $0x80000047;
	s11 =	ssub.s32 $0x2, s10;
	s12 =	sor.u32 s10, s12  }
0xa: {  	s20 =	sor.u32 $0x1C05, s24;
	[dreg:$0x6] =	wrdreg s25;
	s10 =	smul.u32 $0x138800, s10  }
0xb: {  	s9 =	sshrl.u32 s8, $0x3;
	s14 =	sshrl.u32 s11, $0x1;
	s16 =	smul.u32 $0x2710, s12  }
0xc: {  	s13 =	sshrl.u32 s13, $0x2;
	s17 =	smul.u32 $0x138800, s12;
	[dreg:$0x5] =	wrdreg s20  }
0xd: {  	s9 =	sadd.s32 s9, s0;
	s11 =	ssub.s32 s11, s14;
	s13 =	sadd.s32 s13, s1  }
0xe: {  	s0 =	sadd.s32 $0xA55200, s0;
	s8 =	sadd.s32 s8, s10;
	s24 =	sshrl.u32 s10, $0x3  }
0xf: {  	s10 =	simm.s32 $0x4;
	[dreg:$0x3] =	wrdreg s13;
	s9 =	sadd.s32 $0xA2E200, s9  }
0x10: {  	s26 =	sshrl.u32 s16, $0x3;
	[dreg:$0x7] =	wrdreg s0;
	s13 =	smul.u32 $0x27100, s12  }
0x11: {  	s14 =	sadd.s32 $0x28, s16;
	s18 =	sadd.s32 $0x50, s16;
	s19 =	sadd.s32 $0x78, s16  }
0x12: {  	s23 =	sshrl.u32 s17, $0x3;
	s8 =	sshrl.u32 s8, $0x3;
	s12 =	simm.s32 $0x6600  }
0x13: {  	s16 =	simm.s32 $0x2;
	s17 =	simm.s32 $0x8E00;
	[dreg:$0x4] =	wrdreg s9  }
0x14: {  	s29 =	sadd.s32 s5, s26;
	s9 =	sadd.s32 s6, s26;
	s21 =	sshrl.u32 s14, $0x3  }
0x15: {  	s25 =	sadd.s32 s15, s8;
	s26 =	sadd.s32 s15, s24;
	[dreg:$0x8] =	wrdreg s29  }
0x16: {  	s24 =	simm.s32 $0x5;
	s8 =	simm.s32 $0x1;
	[dreg:$0x9] =	wrdreg s9  }
0x17: {  	s15 =	simm.s32 $0x3E00;
	s0 =	sadd.s32 s4, s13;
	[dreg:$0xe] =	wrdreg s25  }
0x18: {  	s22 =	sadd.s32 s5, s21;
	s29 =	smax.u32 s11, $0x1;
	[dreg:$0xa] =	wrdreg s0  }
0x19: {  	s25 =	simm.s32 $0x80;
	[dreg:$0xb] =	wrdreg s22;
	s0 =	sadd.s32 s6, s21  }
0x1a: {  	s11 =	simm.s32 $0x5200;
	[dreg:$0xc] =	wrdreg s0;
	s0 =	sadd.s32 s4, s23  }
0x1b: {  	s13 =	simm.s32 $0x7A00;
	[dreg:$0x10] =	wrdreg s29;
	s0 =	sadd.s32 $0x26E80, s0  }
0x1c: {  	s22 =	simm.s32 $0x0;
	[dreg:$0xd] =	wrdreg s0;
	s0 =	sadd.s32 $0x27000, s26  }
0x1d: {  	s26 =	simm.s32 $0x3;
	[dreg:$0xf] =	wrdreg s0;
	s0 =	simm.s32 $0x100  }
.LBB2_1:
0x1e: {  	[dreg:$0x11] =	wrdreg s22  }
0x1f: {  	s9 =	rddreg [dreg:$0x3]  }
0x20: {  	s23 =	rddreg [dreg:$0x4];
	s21 =	sshrl.u32 s9, $0x3  }
0x21: {  	[dreg:$0x12] =	wrdreg s21  }
0x22: {  	[spmem:s21], [sflag:s20] =	dma.local [hbm:s23], $0x2700  }
0x23: {  	_ =	swait.ge [sflag:s24], $0x2700  }
0x24: {  	s9 =	rddreg [dreg:$0x6]  }
0x25: {  	[sflag:s24] =	ssyncset.done $0x0;
	s21 =	sshrl.u32 @!p0 s9, $0x3;
	s9 =	rddreg [dreg:$0x7]  }
0x26: {  	[sflag:s24] =	ssyncadd.s32 $0xFFFFD900;
	[dreg:$0x13] =	wrdreg s21  }
0x27: {  	[spmem:s21], [sflag:s20] =	dma.local @!p0 [hbm:s9], $0x100  }
0x28: {  	s9 =	simm.s32 @!p0 $0x5  }
0x29: {  	_ =	swait.ge @!p0 [sflag:s9], $0x100  }
0x2a: {  	[sflag:s9] =	ssyncset.done @!p0 $0x0  }
0x2b: {  	[sflag:s9] =	ssyncadd.s32 @!p0 $0xFFFFFF00  }
0x2c: {  	[bflag:$0x0] =	sbarrier.arrive $0xFFFF  }
0x2d: {  	s29 =	rddreg [dreg:$0x8]  }
0x2e: {  	[tilespmem:s2], [sflag:$0x3] =	stream.linear.gather [hbm4b:s29+s2], $0x28, $0x38;
	[tilespmem:$0x1DA80] =	vst v63  }
0x2f: {  	s20 =	rddreg [dreg:$0x9]  }
0x30: {  	[tilespmem:s25], [sflag:$0x3] =	stream.linear.gather [hbm4b:s20+s2], $0x28, $0x38;
	[tilespmem:$0x1DA80] =	vst v63  }
0x31: {  	_ =	swait.ge [sflag:s26], $0x28  }
0x32: {  	[sflag:s26] =	ssyncset.done $0x0  }
0x33: {  	[sflag:s26] =	ssyncadd.s32 $0xFFFFFFD8  }
0x34: {  	_ =	swait.ge [sflag:s26], $0x28  }
0x35: {  	[sflag:s26] =	ssyncset.done $0x0  }
0x36: {  	s21 =	simm.s32 $0x200;
	[sflag:s26] =	ssyncadd.s32 $0xFFFFFFD8  }
0x37: {  	[tilespmem:s21], [sflag:$0x1] =	stream.indirect.gather [hbm4b:s3+s28], $0x80, s2, s28, $0xb8;
	[tilespmem:$0x1DA80] =	vst v63  }
0x38: {  	_ = 	snop  }
0x39: {  	[tilespmem:s30], [sflag:$0x1] =	stream.indirect.gather [hbm4b:s3+s28], $0x80, s25, s28, $0xb8;
	[tilespmem:$0x1DA80] =	vst v63  }
0x3a: {  	s22 =	rddreg [dreg:$0xa]  }
0x3b: {  	[tilespmem:s31], [sflag:$0x1] =	stream.linear.gather [hbm4b:s22+s2], $0x1400, $0x38;
	[tilespmem:$0x1DA80] =	vst v63  }
0x3c: {  	s23 =	rddreg [dreg:$0xb]  }
0x3d: {  	[tilespmem:s0], [sflag:$0x4] =	stream.linear.gather [hbm4b:s23+s2], $0x28, $0x38;
	[tilespmem:$0x1DA80] =	vst v63  }
0x3e: {  	s29 =	rddreg [dreg:$0xc];
	s23 =	simm.s32 $0x0  }
0x3f: {  	[tilespmem:s7], [sflag:$0x4] =	stream.linear.gather [hbm4b:s29+s2], $0x28, $0x38;
	[tilespmem:$0x1DA80] =	vst v63  }
.LBB2_2:
0x40: {  	_ =	swait.ge [sflag:s8], $0x1400  }
0x41: {  	[sflag:s8] =	ssyncset.done $0x0  }
0x42: {  	[sflag:s8] =	ssyncadd.s32 $0xFFFFEC00  }
0x43: {  	_ =	swait.ge [sflag:s8], $0x1400  }
0x44: {  	[sflag:s8] =	ssyncset.done $0x0  }
0x45: {  	[sflag:s8] =	ssyncadd.s32 $0xFFFFEC00  }
0x46: {  	_ =	swait.ge [sflag:s8], $0x1400  }
0x47: {  	[sflag:s8] =	ssyncset.done $0x0  }
0x48: {  	[sflag:s8] =	ssyncadd.s32 $0xFFFFEC00  }
0x49: {  	_ =	swait.ge [sflag:s10], $0x28  }
0x4a: {  	[sflag:s10] =	ssyncset.done $0x0  }
0x4b: {  	[sflag:s10] =	ssyncadd.s32 $0xFFFFFFD8  }
0x4c: {  	s21 =	smul.u32 $0x50, s23;
	_ =	swait.ge [sflag:s10], $0x28  }
0x4d: {  	[sflag:s10] =	ssyncset.done $0x0  }
0x4e: {  	s9 =	sadd.s32 s21, s14;
	[sflag:s10] =	ssyncadd.s32 $0xFFFFFFD8  }
0x4f: {  	[tilespmem:s11], [sflag:$0x2] =	stream.indirect.gather [hbm4b:s3+s28], $0x80, s0, s28, $0xb8;
	[tilespmem:$0x1DA80] =	vst v63  }
0x50: {  	s9 =	sshll.u32 s9, $0x4  }
0x51: {  	[tilespmem:s12], [sflag:$0x2] =	stream.indirect.gather [hbm4b:s3+s28], $0x80, s7, s28, $0xb8;
	[tilespmem:$0x1DA80] =	vst v63  }
0x52: {  	s20 =	simm.s32 $0x0;
	s22 =	simm.s32 $0x0;
	s9 =	sadd.s32 s4, s9  }
0x53: {  	[tilespmem:s13], [sflag:$0x2] =	stream.linear.gather [hbm4b:s9+s20], $0x1400, $0x38;
	[tilespmem:$0x1DA80] =	vst v63  }
0x54: {  	v0 =	vld [tilespmem:s22+$0x270]  }
0x55: {  	v1 =	vld [tilespmem:s22+$0x1670]  }
0x56: {  	v2 =	vld [tilespmem:s22+$0x200]  }
0x57: {  	v3 =	vld [tilespmem:s22+$0x2A70]  }
0x58: {  	v4 =	vld [tilespmem:s22+$0x1600]  }
0x59: {  	v5 =	vld [tilespmem:s22+$0x210]  }
0x5a: {  	v6 =	vld [tilespmem:s22+$0x1610]  }
0x5b: {  	v7 =	vld [tilespmem:s22+$0x1620]  }
0x5c: {  	v9 =	vld [tilespmem:s22+$0x1630]  }
0x5d: {  	v10 =	vld [tilespmem:s22+$0x240]  }
0x5e: {  	v11 =	vld [tilespmem:s22+$0x250]  }
0x5f: {  	v12 =	vld [tilespmem:s22+$0x1650]  }
0x60: {  	v13 =	vld [tilespmem:s22+$0x260];
	v0 =	vadd.f32 v1, v0  }
0x61: {  	v14 =	vld [tilespmem:s22+$0x1660]  }
0x62: {  	v15 =	vld [tilespmem:s22+$0x2A00];
	v0 =	vadd.f32 v3, v0  }
0x63: {  	v1 =	vld [tilespmem:s22+$0x220]  }
0x64: {  	v3 =	vld [tilespmem:s22+$0x230];
	v0 =	vmax.f32 v0, $0.0e+00  }
0x65: {  	[tilespmem:s22+$0x3E70] =	vst v0;
	v0 =	vld [tilespmem:s22+$0x1640]  }
0x66: {  	v16 =	vld [tilespmem:s22+$0x2A10]  }
0x67: {  	v17 =	vld [tilespmem:s22+$0x2A20]  }
0x68: {  	v8 =	vld [tilespmem:s22+$0x2A30];
	v2 =	vadd.f32 v4, v2;
	v18 =	vadd.f32 v6, v5  }
0x69: {  	v19 =	vadd.f32 v7, v1;
	v7 =	vld [tilespmem:s22+$0x2A40];
	v4 =	vadd.f32 v9, v3  }
0x6a: {  	v6 =	vld [tilespmem:s22+$0x2A50];
	v3 =	vadd.f32 v0, v10;
	v10 =	vadd.f32 v15, v2  }
0x6b: {  	s9 =	simm.s32 $0x80;
	v5 =	vld [tilespmem:s22+$0x2A60];
	v9 =	vadd.f32 v16, v18;
	v2 =	vadd.f32 v12, v11  }
0x6c: {  	s20 =	simm.s32 $0x400;
	v1 =	vld [tilespmem:s9+$0x270];
	v0 =	vadd.f32 v14, v13;
	v11 =	vmax.f32 v10, $0.0e+00;
	v10 =	vadd.f32 v17, v19  }
.LBB2_3:
0x6d: {  	p1 =	sne.s32 s20, $0x4E00;
	v12 =	vld [tilespmem:s9+$0x1670];
	[tilespmem:s22+$0x3E00] =	vst v11;
	v9 =	vmax.f32 v9, $0.0e+00;
	v4 =	vadd.f32 v8, v4  }
0x6e: {  	v8 =	vld [tilespmem:s9+$0x200];
	[tilespmem:s22+$0x3E10] =	vst v9;
	v9 =	vmax.f32 v10, $0.0e+00;
	v3 =	vadd.f32 v7, v3  }
0x6f: {  	v7 =	vld [tilespmem:s9+$0x2A70];
	[tilespmem:s22+$0x3E20] =	vst v9;
	v4 =	vmax.f32 v4, $0.0e+00;
	v2 =	vadd.f32 v6, v2  }
0x70: {  	v6 =	vld [tilespmem:s9+$0x1600];
	[tilespmem:s22+$0x3E30] =	vst v4;
	v3 =	vmax.f32 v3, $0.0e+00;
	v0 =	vadd.f32 v5, v0  }
0x71: {  	v4 =	vld [tilespmem:s9+$0x210];
	[tilespmem:s22+$0x3E40] =	vst v3;
	v2 =	vmax.f32 v2, $0.0e+00  }
0x72: {  	v3 =	vld [tilespmem:s9+$0x1610];
	v1 =	vadd.f32 v12, v1;
	[tilespmem:s22+$0x3E50] =	vst v2;
	v0 =	vmax.f32 v0, $0.0e+00  }
0x73: {  	v2 =	vld [tilespmem:s9+$0x220];
	[tilespmem:s22+$0x3E60] =	vst v0;
	s22 =	smov.u32 s9  }
0x74: {  	v0 =	vld [tilespmem:s22+$0x1620];
	v1 =	vadd.f32 v7, v1  }
0x75: {  	v5 =	vadd.f32 v6, v8;
	v6 =	vld [tilespmem:s22+$0x230]  }
0x76: {  	v7 =	vld [tilespmem:s22+$0x1630];
	v1 =	vmax.f32 v1, $0.0e+00  }
0x77: {  	v9 =	vadd.f32 v3, v4;
	v3 =	vld [tilespmem:s22+$0x240];
	[tilespmem:s22+$0x3E70] =	vst v1  }
0x78: {  	v1 =	vld [tilespmem:s22+$0x1640]  }
0x79: {  	v10 =	vadd.f32 v0, v2;
	v0 =	vld [tilespmem:s22+$0x250]  }
0x7a: {  	v2 =	vld [tilespmem:s22+$0x1650]  }
0x7b: {  	v4 =	vadd.f32 v7, v6;
	v6 =	vld [tilespmem:s22+$0x260]  }
0x7c: {  	v11 =	vld [tilespmem:s22+$0x1660]  }
0x7d: {  	v12 =	vld [tilespmem:s22+$0x2A00];
	v3 =	vadd.f32 v1, v3  }
0x7e: {  	v1 =	vld [tilespmem:s22+$0x2A10]  }
0x7f: {  	v13 =	vld [tilespmem:s22+$0x2A20];
	v2 =	vadd.f32 v2, v0  }
.Ltmp0:
0x80: {  	v8 =	vld [tilespmem:s22+$0x2A30];
	(pc) =	sbr.rel @p1 .LBB2_3-.Ltmp0, $4  }
0x81: {  	v7 =	vld [tilespmem:s22+$0x2A40];
	v0 =	vadd.f32 v11, v6  }
0x82: {  	v11 =	vadd.f32 v12, v5;
	v6 =	vld [tilespmem:s22+$0x2A50]  }
0x83: {  	s9 =	sshra.s32 s20, $0x2;
	v9 =	vadd.f32 v1, v9;
	v5 =	vld [tilespmem:s22+$0x2A60]  }
0x84: {  	s20 =	sadd.s32 $0x200, s20;
	v1 =	vld [tilespmem:s9+$0x270];
	v11 =	vmax.f32 v11, $0.0e+00;
	v10 =	vadd.f32 v13, v10  }
0x85: {  	v12 =	vld [tilespmem:s9+$0x1670];
	[tilespmem:s22+$0x3E00] =	vst v11;
	v9 =	vmax.f32 v9, $0.0e+00;
	v4 =	vadd.f32 v8, v4  }
0x86: {  	v11 =	vld [tilespmem:s9+$0x200];
	[tilespmem:s22+$0x3E10] =	vst v9;
	v8 =	vmax.f32 v10, $0.0e+00;
	v3 =	vadd.f32 v7, v3  }
0x87: {  	v9 =	vld [tilespmem:s9+$0x2A70];
	[tilespmem:s22+$0x3E20] =	vst v8;
	v4 =	vmax.f32 v4, $0.0e+00;
	v2 =	vadd.f32 v6, v2  }
0x88: {  	v7 =	vld [tilespmem:s9+$0x1600];
	[tilespmem:s22+$0x3E30] =	vst v4;
	v3 =	vmax.f32 v3, $0.0e+00;
	v0 =	vadd.f32 v5, v0  }
0x89: {  	v4 =	vld [tilespmem:s9+$0x210];
	[tilespmem:s22+$0x3E40] =	vst v3;
	v2 =	vmax.f32 v2, $0.0e+00  }
0x8a: {  	v3 =	vld [tilespmem:s9+$0x1610];
	[tilespmem:s22+$0x3E50] =	vst v2;
	v0 =	vmax.f32 v0, $0.0e+00  }
0x8b: {  	v2 =	vld [tilespmem:s9+$0x220];
	[tilespmem:s22+$0x3E60] =	vst v0  }
0x8c: {  	v0 =	vld [tilespmem:s9+$0x1620]  }
0x8d: {  	v5 =	vld [tilespmem:s9+$0x230]  }
0x8e: {  	v1 =	vadd.f32 v12, v1;
	v6 =	vld [tilespmem:s9+$0x1630]  }
0x8f: {  	v8 =	vld [tilespmem:s9+$0x240]  }
0x90: {  	v1 =	vadd.f32 v9, v1;
	v9 =	vld [tilespmem:s9+$0x250]  }
0x91: {  	v10 =	vld [tilespmem:s9+$0x1650]  }
0x92: {  	v58 =	vld [tilespmem:s9+$0x260]  }
0x93: {  	v13 =	vld [tilespmem:s9+$0x1660]  }
0x94: {  	v14 =	vld [tilespmem:s9+$0x2A00]  }
0x95: {  	v15 =	vld [tilespmem:s9+$0x2A10]  }
0x96: {  	v16 =	vld [tilespmem:s9+$0x2A20];
	v1 =	vmax.f32 v1, $0.0e+00  }
0x97: {  	[tilespmem:s9+$0x3E70] =	vst v1;
	v1 =	vld [tilespmem:s9+$0x1640]  }
0x98: {  	v7 =	vadd.f32 v7, v11;
	v11 =	vld [tilespmem:s9+$0x2A30]  }
0x99: {  	v3 =	vadd.f32 v3, v4;
	v4 =	vld [tilespmem:s9+$0x2A40]  }
0x9a: {  	v0 =	vadd.f32 v0, v2;
	v2 =	vadd.f32 v14, v7;
	v7 =	vld [tilespmem:s9+$0x2A50]  }
0x9b: {  	v5 =	vadd.f32 v6, v5;
	v3 =	vadd.f32 v15, v3;
	v6 =	vld [tilespmem:s9+$0x2A60]  }
0x9c: {  	v2 =	vmax.f32 v2, $0.0e+00;
	v0 =	vadd.f32 v16, v0;
	v1 =	vadd.f32 v1, v8  }
0x9d: {  	v8 =	vadd.f32 v10, v9;
	[tilespmem:s9+$0x3E00] =	vst v2;
	v2 =	vmax.f32 v3, $0.0e+00;
	v3 =	vadd.f32 v11, v5  }
0x9e: {  	v5 =	vadd.f32 v13, v58;
	[tilespmem:s9+$0x3E10] =	vst v2;
	v0 =	vmax.f32 v0, $0.0e+00;
	v1 =	vadd.f32 v4, v1  }
0x9f: {  	[tilespmem:s9+$0x3E20] =	vst v0;
	v0 =	vmax.f32 v3, $0.0e+00;
	v2 =	vadd.f32 v7, v8  }
0xa0: {  	[tilespmem:s9+$0x3E30] =	vst v0;
	v0 =	vmax.f32 v1, $0.0e+00;
	v1 =	vadd.f32 v6, v5  }
0xa1: {  	[tilespmem:s9+$0x3E40] =	vst v0;
	v0 =	vmax.f32 v2, $0.0e+00  }
0xa2: {  	[tilespmem:s9+$0x3E50] =	vst v0;
	v0 =	vmax.f32 v1, $0.0e+00  }
0xa3: {  	[tilespmem:s9+$0x3E60] =	vst v0;
	s9 =	simm.s32 $0x0  }
0xa4: {  	[spmem:s1] =	stream.indirect.scatter.add.f32 [tilespmem:s15], [sflag:$0x5], $0x80, s9, s28, $0xb8;
	[tilespmem:$0x1DA80] =	vst v63  }
0xa5: {  	_ =	swait.ge [sflag:s24], $0x1400  }
0xa6: {  	[sflag:s24] =	ssyncset.done $0x0  }
0xa7: {  	[sflag:s24] =	ssyncadd.s32 $0xFFFFEC00  }
0xa8: {  	[spmem:s1] =	stream.indirect.scatter.add.f32 [tilespmem:s15], [sflag:$0x5], $0x80, s25, s28, $0xb8;
	[tilespmem:$0x1DA80] =	vst v63  }
0xa9: {  	s20 =	sadd.s32 s21, s18;
	_ =	swait.ge [sflag:s24], $0x1400  }
0xaa: {  	s22 =	sshrl.u32 s20, $0x3;
	[sflag:s24] =	ssyncset.done $0x0  }
0xab: {  	s29 =	sadd.s32 s5, s22;
	[sflag:s24] =	ssyncadd.s32 $0xFFFFEC00  }
0xac: {  	[tilespmem:s9], [sflag:$0x3] =	stream.linear.gather [hbm4b:s29+s9], $0x28, $0x38;
	[tilespmem:$0x1DA80] =	vst v63  }
0xad: {  	s22 =	sadd.s32 s6, s22  }
0xae: {  	[tilespmem:s25], [sflag:$0x3] =	stream.linear.gather [hbm4b:s22+s9], $0x28, $0x38;
	[tilespmem:$0x1DA80] =	vst v63  }
0xaf: {  	_ =	swait.ge [sflag:s16], $0x1400  }
0xb0: {  	[sflag:s16] =	ssyncset.done $0x0  }
0xb1: {  	[sflag:s16] =	ssyncadd.s32 $0xFFFFEC00  }
0xb2: {  	_ =	swait.ge [sflag:s16], $0x1400  }
0xb3: {  	[sflag:s16] =	ssyncset.done $0x0  }
0xb4: {  	[sflag:s16] =	ssyncadd.s32 $0xFFFFEC00  }
0xb5: {  	_ =	swait.ge [sflag:s16], $0x1400  }
0xb6: {  	[sflag:s16] =	ssyncset.done $0x0  }
0xb7: {  	[sflag:s16] =	ssyncadd.s32 $0xFFFFEC00  }
0xb8: {  	_ =	swait.ge [sflag:s26], $0x28  }
0xb9: {  	[sflag:s26] =	ssyncset.done $0x0  }
0xba: {  	[sflag:s26] =	ssyncadd.s32 $0xFFFFFFD8  }
0xbb: {  	_ =	swait.ge [sflag:s26], $0x28  }
0xbc: {  	[sflag:s26] =	ssyncset.done $0x0  }
0xbd: {  	s29 =	simm.s32 $0x200;
	[sflag:s26] =	ssyncadd.s32 $0xFFFFFFD8  }
0xbe: {  	[tilespmem:s29], [sflag:$0x1] =	stream.indirect.gather [hbm4b:s3+s28], $0x80, s9, s28, $0xb8;
	[tilespmem:$0x1DA80] =	vst v63  }
0xbf: {  	s20 =	sshll.u32 s20, $0x4  }
0xc0: {  	[tilespmem:s30], [sflag:$0x1] =	stream.indirect.gather [hbm4b:s3+s28], $0x80, s25, s28, $0xb8;
	[tilespmem:$0x1DA80] =	vst v63  }
0xc1: {  	s20 =	sadd.s32 s4, s20;
	s22 =	simm.s32 $0x0  }
0xc2: {  	[tilespmem:s31], [sflag:$0x1] =	stream.linear.gather [hbm4b:s20+s9], $0x1400, $0x38;
	[tilespmem:$0x1DA80] =	vst v63  }
0xc3: {  	v0 =	vld [tilespmem:s22+$0x5270]  }
0xc4: {  	v1 =	vld [tilespmem:s22+$0x6670]  }
0xc5: {  	v2 =	vld [tilespmem:s22+$0x5200]  }
0xc6: {  	v3 =	vld [tilespmem:s22+$0x7A70]  }
0xc7: {  	v4 =	vld [tilespmem:s22+$0x6600]  }
0xc8: {  	v5 =	vld [tilespmem:s22+$0x5210]  }
0xc9: {  	v6 =	vld [tilespmem:s22+$0x6610]  }
0xca: {  	v7 =	vld [tilespmem:s22+$0x6620]  }
0xcb: {  	v9 =	vld [tilespmem:s22+$0x6630]  }
0xcc: {  	v10 =	vld [tilespmem:s22+$0x5240]  }
0xcd: {  	v11 =	vld [tilespmem:s22+$0x5250]  }
0xce: {  	v59 =	vld [tilespmem:s22+$0x6650]  }
0xcf: {  	v60 =	vld [tilespmem:s22+$0x5260];
	v0 =	vadd.f32 v1, v0  }
0xd0: {  	v61 =	vld [tilespmem:s22+$0x6660]  }
0xd1: {  	v62 =	vld [tilespmem:s22+$0x7A00];
	v0 =	vadd.f32 v3, v0  }
0xd2: {  	v1 =	vld [tilespmem:s22+$0x5220]  }
0xd3: {  	v3 =	vld [tilespmem:s22+$0x5230];
	v0 =	vmax.f32 v0, $0.0e+00  }
0xd4: {  	[tilespmem:s22+$0x8E70] =	vst v0;
	v0 =	vld [tilespmem:s22+$0x6640]  }
0xd5: {  	v63 =	vld [tilespmem:s22+$0x7A10]  }
0xd6: {  	v17 =	vld [tilespmem:s22+$0x7A20]  }
0xd7: {  	v8 =	vld [tilespmem:s22+$0x7A30];
	v2 =	vadd.f32 v4, v2;
	v18 =	vadd.f32 v6, v5  }
0xd8: {  	v19 =	vadd.f32 v7, v1;
	v7 =	vld [tilespmem:s22+$0x7A40];
	v4 =	vadd.f32 v9, v3  }
0xd9: {  	v6 =	vld [tilespmem:s22+$0x7A50];
	v3 =	vadd.f32 v0, v10;
	v10 =	vadd.f32 v62, v2  }
0xda: {  	s9 =	simm.s32 $0x80;
	v5 =	vld [tilespmem:s22+$0x7A60];
	v9 =	vadd.f32 v63, v18;
	v2 =	vadd.f32 v59, v11  }
0xdb: {  	s20 =	simm.s32 $0x400;
	v1 =	vld [tilespmem:s9+$0x5270];
	v0 =	vadd.f32 v61, v60;
	v11 =	vmax.f32 v10, $0.0e+00;
	v10 =	vadd.f32 v17, v19  }
.LBB2_5:
0xdc: {  	p1 =	sne.s32 s20, $0x4E00;
	v12 =	vld [tilespmem:s9+$0x6670];
	[tilespmem:s22+$0x8E00] =	vst v11;
	v9 =	vmax.f32 v9, $0.0e+00;
	v4 =	vadd.f32 v8, v4  }
0xdd: {  	v8 =	vld [tilespmem:s9+$0x5200];
	[tilespmem:s22+$0x8E10] =	vst v9;
	v9 =	vmax.f32 v10, $0.0e+00;
	v3 =	vadd.f32 v7, v3  }
0xde: {  	v7 =	vld [tilespmem:s9+$0x7A70];
	[tilespmem:s22+$0x8E20] =	vst v9;
	v4 =	vmax.f32 v4, $0.0e+00;
	v2 =	vadd.f32 v6, v2  }
0xdf: {  	v6 =	vld [tilespmem:s9+$0x6600];
	[tilespmem:s22+$0x8E30] =	vst v4;
	v3 =	vmax.f32 v3, $0.0e+00;
	v0 =	vadd.f32 v5, v0  }
0xe0: {  	v4 =	vld [tilespmem:s9+$0x5210];
	[tilespmem:s22+$0x8E40] =	vst v3;
	v2 =	vmax.f32 v2, $0.0e+00  }
0xe1: {  	v3 =	vld [tilespmem:s9+$0x6610];
	v1 =	vadd.f32 v12, v1;
	[tilespmem:s22+$0x8E50] =	vst v2;
	v0 =	vmax.f32 v0, $0.0e+00  }
0xe2: {  	v2 =	vld [tilespmem:s9+$0x5220];
	[tilespmem:s22+$0x8E60] =	vst v0;
	s22 =	smov.u32 s9  }
0xe3: {  	v0 =	vld [tilespmem:s22+$0x6620];
	v1 =	vadd.f32 v7, v1  }
0xe4: {  	v5 =	vadd.f32 v6, v8;
	v6 =	vld [tilespmem:s22+$0x5230]  }
0xe5: {  	v7 =	vld [tilespmem:s22+$0x6630];
	v1 =	vmax.f32 v1, $0.0e+00  }
0xe6: {  	v9 =	vadd.f32 v3, v4;
	v3 =	vld [tilespmem:s22+$0x5240];
	[tilespmem:s22+$0x8E70] =	vst v1  }
0xe7: {  	v1 =	vld [tilespmem:s22+$0x6640]  }
0xe8: {  	v10 =	vadd.f32 v0, v2;
	v0 =	vld [tilespmem:s22+$0x5250]  }
0xe9: {  	v2 =	vld [tilespmem:s22+$0x6650]  }
0xea: {  	v4 =	vadd.f32 v7, v6;
	v6 =	vld [tilespmem:s22+$0x5260]  }
0xeb: {  	v11 =	vld [tilespmem:s22+$0x6660]  }
0xec: {  	v12 =	vld [tilespmem:s22+$0x7A00];
	v3 =	vadd.f32 v1, v3  }
0xed: {  	v1 =	vld [tilespmem:s22+$0x7A10]  }
0xee: {  	v13 =	vld [tilespmem:s22+$0x7A20];
	v2 =	vadd.f32 v2, v0  }
.Ltmp1:
0xef: {  	v8 =	vld [tilespmem:s22+$0x7A30];
	(pc) =	sbr.rel @p1 .LBB2_5-.Ltmp1, $4  }
0xf0: {  	v7 =	vld [tilespmem:s22+$0x7A40];
	v0 =	vadd.f32 v11, v6  }
0xf1: {  	v11 =	vadd.f32 v12, v5;
	v6 =	vld [tilespmem:s22+$0x7A50]  }
0xf2: {  	s9 =	sshra.s32 s20, $0x2;
	v9 =	vadd.f32 v1, v9;
	v5 =	vld [tilespmem:s22+$0x7A60]  }
0xf3: {  	s20 =	sadd.s32 $0x200, s20;
	v1 =	vld [tilespmem:s9+$0x5270];
	v11 =	vmax.f32 v11, $0.0e+00;
	v10 =	vadd.f32 v13, v10  }
0xf4: {  	v12 =	vld [tilespmem:s9+$0x6670];
	[tilespmem:s22+$0x8E00] =	vst v11;
	v9 =	vmax.f32 v9, $0.0e+00;
	v4 =	vadd.f32 v8, v4  }
0xf5: {  	v11 =	vld [tilespmem:s9+$0x5200];
	[tilespmem:s22+$0x8E10] =	vst v9;
	v41 =	vmax.f32 v10, $0.0e+00;
	v3 =	vadd.f32 v7, v3  }
0xf6: {  	v9 =	vld [tilespmem:s9+$0x7A70];
	[tilespmem:s22+$0x8E20] =	vst v41;
	v4 =	vmax.f32 v4, $0.0e+00;
	v2 =	vadd.f32 v6, v2  }
0xf7: {  	v42 =	vld [tilespmem:s9+$0x6600];
	[tilespmem:s22+$0x8E30] =	vst v4;
	v3 =	vmax.f32 v3, $0.0e+00;
	v0 =	vadd.f32 v5, v0  }
0xf8: {  	v4 =	vld [tilespmem:s9+$0x5210];
	[tilespmem:s22+$0x8E40] =	vst v3;
	v2 =	vmax.f32 v2, $0.0e+00  }
0xf9: {  	v3 =	vld [tilespmem:s9+$0x6610];
	[tilespmem:s22+$0x8E50] =	vst v2;
	v0 =	vmax.f32 v0, $0.0e+00  }
0xfa: {  	v2 =	vld [tilespmem:s9+$0x5220];
	[tilespmem:s22+$0x8E60] =	vst v0  }
0xfb: {  	v0 =	vld [tilespmem:s9+$0x6620]  }
0xfc: {  	v43 =	vld [tilespmem:s9+$0x5230]  }
0xfd: {  	v44 =	vld [tilespmem:s9+$0x6630]  }
0xfe: {  	v8 =	vld [tilespmem:s9+$0x5240]  }
0xff: {  	v45 =	vld [tilespmem:s9+$0x6640]  }
0x100: {  	v46 =	vld [tilespmem:s9+$0x5250]  }
0x101: {  	v47 =	vld [tilespmem:s9+$0x6650]  }
0x102: {  	v48 =	vld [tilespmem:s9+$0x5260]  }
0x103: {  	v13 =	vld [tilespmem:s9+$0x6660]  }
0x104: {  	v14 =	vld [tilespmem:s9+$0x7A00]  }
0x105: {  	v15 =	vld [tilespmem:s9+$0x7A10]  }
0x106: {  	v1 =	vadd.f32 v12, v1;
	v16 =	vld [tilespmem:s9+$0x7A20]  }
0x107: {  	v49 =	vld [tilespmem:s9+$0x7A30];
	v7 =	vadd.f32 v42, v11  }
0x108: {  	v1 =	vadd.f32 v9, v1;
	v50 =	vld [tilespmem:s9+$0x7A40];
	v3 =	vadd.f32 v3, v4  }
0x109: {  	v52 =	vld [tilespmem:s9+$0x7A50];
	v0 =	vadd.f32 v0, v2;
	v51 =	vadd.f32 v14, v7  }
0x10a: {  	v53 =	vld [tilespmem:s9+$0x7A60];
	v1 =	vmax.f32 v1, $0.0e+00;
	v5 =	vadd.f32 v44, v43;
	v3 =	vadd.f32 v15, v3  }
0x10b: {  	[tilespmem:s9+$0x8E70] =	vst v1;
	v1 =	vadd.f32 v45, v8;
	v0 =	vadd.f32 v16, v0;
	v2 =	vmax.f32 v51, $0.0e+00  }
0x10c: {  	v54 =	vadd.f32 v47, v46;
	v55 =	vmax.f32 v3, $0.0e+00;
	v56 =	vadd.f32 v49, v5;
	[tilespmem:s9+$0x8E00] =	vst v2  }
0x10d: {  	v57 =	vadd.f32 v13, v48;
	v1 =	vadd.f32 v50, v1;
	[tilespmem:s9+$0x8E10] =	vst v55;
	v0 =	vmax.f32 v0, $0.0e+00  }
0x10e: {  	v59 =	vadd.f32 v52, v54;
	v58 =	vmax.f32 v56, $0.0e+00;
	[tilespmem:s9+$0x8E20] =	vst v0  }
0x10f: {  	v61 =	vadd.f32 v53, v57;
	v60 =	vmax.f32 v1, $0.0e+00;
	[tilespmem:s9+$0x8E30] =	vst v58  }
0x110: {  	v62 =	vmax.f32 v59, $0.0e+00;
	[tilespmem:s9+$0x8E40] =	vst v60  }
0x111: {  	v63 =	vmax.f32 v61, $0.0e+00;
	[tilespmem:s9+$0x8E50] =	vst v62  }
0x112: {  	[tilespmem:s9+$0x8E60] =	vst v63  }
0x113: {  	[spmem:s1] =	stream.indirect.scatter.add.f32 [tilespmem:s17], [sflag:$0x5], $0x80, s0, s28, $0xb8;
	[tilespmem:$0x1DA80] =	vst v63  }
0x114: {  	_ =	swait.ge [sflag:s24], $0x1400  }
0x115: {  	[sflag:s24] =	ssyncset.done $0x0  }
0x116: {  	s23 =	sadd.s32 $0x1, s23;
	[sflag:s24] =	ssyncadd.s32 $0xFFFFEC00  }
0x117: {  	[spmem:s1] =	stream.indirect.scatter.add.f32 [tilespmem:s17], [sflag:$0x5], $0x80, s7, s28, $0xb8;
	[tilespmem:$0x1DA80] =	vst v63  }
0x118: {  	s29 =	sadd.s32 s21, s19;
	p1 =	sne.s32 s23, $0x7C;
	_ =	swait.ge [sflag:s24], $0x1400  }
.Ltmp2:
0x119: {  	s9 =	sshrl.u32 s29, $0x3;
	[sflag:s24] =	ssyncset.done $0x0;
	(pc) =	sbr.rel @p1 .LBB2_2-.Ltmp2, $4  }
0x11a: {  	s20 =	sadd.s32 s5, s9;
	[sflag:s24] =	ssyncadd.s32 $0xFFFFEC00  }
0x11b: {  	[tilespmem:s0], [sflag:$0x4] =	stream.linear.gather [hbm4b:s20+s2], $0x28, $0x38;
	[tilespmem:$0x1DA80] =	vst v63  }
0x11c: {  	s9 =	sadd.s32 s6, s9  }
0x11d: {  	[tilespmem:s7], [sflag:$0x4] =	stream.linear.gather [hbm4b:s9+s2], $0x28, $0x38;
	[tilespmem:$0x1DA80] =	vst v63  }
0x11e: {  	_ =	swait.ge [sflag:s8], $0x1400  }
0x11f: {  	[sflag:s8] =	ssyncset.done $0x0  }
0x120: {  	[sflag:s8] =	ssyncadd.s32 $0xFFFFEC00  }
0x121: {  	_ =	swait.ge [sflag:s8], $0x1400  }
0x122: {  	[sflag:s8] =	ssyncset.done $0x0  }
0x123: {  	[sflag:s8] =	ssyncadd.s32 $0xFFFFEC00  }
0x124: {  	_ =	swait.ge [sflag:s8], $0x1400  }
0x125: {  	[sflag:s8] =	ssyncset.done $0x0  }
0x126: {  	[sflag:s8] =	ssyncadd.s32 $0xFFFFEC00  }
0x127: {  	_ =	swait.ge [sflag:s10], $0x28  }
0x128: {  	[sflag:s10] =	ssyncset.done $0x0  }
0x129: {  	[sflag:s10] =	ssyncadd.s32 $0xFFFFFFD8  }
0x12a: {  	_ =	swait.ge [sflag:s10], $0x28  }
0x12b: {  	[sflag:s10] =	ssyncset.done $0x0  }
0x12c: {  	[sflag:s10] =	ssyncadd.s32 $0xFFFFFFD8  }
0x12d: {  	[tilespmem:s11], [sflag:$0x2] =	stream.indirect.gather [hbm4b:s3+s28], $0x80, s0, s28, $0xb8;
	[tilespmem:$0x1DA80] =	vst v63  }
0x12e: {  	_ = 	snop  }
0x12f: {  	[tilespmem:s12], [sflag:$0x2] =	stream.indirect.gather [hbm4b:s3+s28], $0x80, s7, s28, $0xb8;
	[tilespmem:$0x1DA80] =	vst v63  }
0x130: {  	s9 =	simm.s32 $0x0;
	s21 =	simm.s32 $0x0;
	s20 =	rddreg [dreg:$0xd]  }
0x131: {  	[tilespmem:s13], [sflag:$0x2] =	stream.linear.gather [hbm4b:s20+s9], $0x1400, $0x38;
	[tilespmem:$0x1DA80] =	vst v63  }
0x132: {  	v0 =	vld [tilespmem:s21+$0x270]  }
0x133: {  	v1 =	vld [tilespmem:s21+$0x1670]  }
0x134: {  	v2 =	vld [tilespmem:s21+$0x200]  }
0x135: {  	v3 =	vld [tilespmem:s21+$0x2A70]  }
0x136: {  	v4 =	vld [tilespmem:s21+$0x1600]  }
0x137: {  	v5 =	vld [tilespmem:s21+$0x210]  }
0x138: {  	v6 =	vld [tilespmem:s21+$0x1610]  }
0x139: {  	v7 =	vld [tilespmem:s21+$0x1620]  }
0x13a: {  	v9 =	vld [tilespmem:s21+$0x1630]  }
0x13b: {  	v10 =	vld [tilespmem:s21+$0x240]  }
0x13c: {  	v11 =	vld [tilespmem:s21+$0x250]  }
0x13d: {  	v12 =	vld [tilespmem:s21+$0x1650]  }
0x13e: {  	v13 =	vld [tilespmem:s21+$0x260];
	v0 =	vadd.f32 v1, v0  }
0x13f: {  	v14 =	vld [tilespmem:s21+$0x1660]  }
0x140: {  	v15 =	vld [tilespmem:s21+$0x2A00];
	v0 =	vadd.f32 v3, v0  }
0x141: {  	v1 =	vld [tilespmem:s21+$0x220]  }
0x142: {  	v3 =	vld [tilespmem:s21+$0x230];
	v0 =	vmax.f32 v0, $0.0e+00  }
0x143: {  	[tilespmem:s21+$0x3E70] =	vst v0;
	v0 =	vld [tilespmem:s21+$0x1640]  }
0x144: {  	v16 =	vld [tilespmem:s21+$0x2A10]  }
0x145: {  	v17 =	vld [tilespmem:s21+$0x2A20]  }
0x146: {  	v8 =	vld [tilespmem:s21+$0x2A30];
	v2 =	vadd.f32 v4, v2;
	v18 =	vadd.f32 v6, v5  }
0x147: {  	v19 =	vadd.f32 v7, v1;
	v7 =	vld [tilespmem:s21+$0x2A40];
	v4 =	vadd.f32 v9, v3  }
0x148: {  	v6 =	vld [tilespmem:s21+$0x2A50];
	v3 =	vadd.f32 v0, v10;
	v10 =	vadd.f32 v15, v2  }
0x149: {  	s9 =	simm.s32 $0x80;
	v5 =	vld [tilespmem:s21+$0x2A60];
	v9 =	vadd.f32 v16, v18;
	v2 =	vadd.f32 v12, v11  }
0x14a: {  	s20 =	simm.s32 $0x400;
	v1 =	vld [tilespmem:s9+$0x270];
	v0 =	vadd.f32 v14, v13;
	v11 =	vmax.f32 v10, $0.0e+00;
	v10 =	vadd.f32 v17, v19  }
.LBB2_8:
0x14b: {  	p1 =	sne.s32 s20, $0x4E00;
	v12 =	vld [tilespmem:s9+$0x1670];
	[tilespmem:s21+$0x3E00] =	vst v11;
	v9 =	vmax.f32 v9, $0.0e+00;
	v4 =	vadd.f32 v8, v4  }
0x14c: {  	v8 =	vld [tilespmem:s9+$0x200];
	[tilespmem:s21+$0x3E10] =	vst v9;
	v9 =	vmax.f32 v10, $0.0e+00;
	v3 =	vadd.f32 v7, v3  }
0x14d: {  	v7 =	vld [tilespmem:s9+$0x2A70];
	[tilespmem:s21+$0x3E20] =	vst v9;
	v4 =	vmax.f32 v4, $0.0e+00;
	v2 =	vadd.f32 v6, v2  }
0x14e: {  	v6 =	vld [tilespmem:s9+$0x1600];
	[tilespmem:s21+$0x3E30] =	vst v4;
	v3 =	vmax.f32 v3, $0.0e+00;
	v0 =	vadd.f32 v5, v0  }
0x14f: {  	v4 =	vld [tilespmem:s9+$0x210];
	[tilespmem:s21+$0x3E40] =	vst v3;
	v2 =	vmax.f32 v2, $0.0e+00  }
0x150: {  	v3 =	vld [tilespmem:s9+$0x1610];
	v1 =	vadd.f32 v12, v1;
	[tilespmem:s21+$0x3E50] =	vst v2;
	v0 =	vmax.f32 v0, $0.0e+00  }
0x151: {  	v2 =	vld [tilespmem:s9+$0x220];
	[tilespmem:s21+$0x3E60] =	vst v0;
	s21 =	smov.u32 s9  }
0x152: {  	v0 =	vld [tilespmem:s21+$0x1620];
	v1 =	vadd.f32 v7, v1  }
0x153: {  	v5 =	vadd.f32 v6, v8;
	v6 =	vld [tilespmem:s21+$0x230]  }
0x154: {  	v7 =	vld [tilespmem:s21+$0x1630];
	v1 =	vmax.f32 v1, $0.0e+00  }
0x155: {  	v9 =	vadd.f32 v3, v4;
	v3 =	vld [tilespmem:s21+$0x240];
	[tilespmem:s21+$0x3E70] =	vst v1  }
0x156: {  	v1 =	vld [tilespmem:s21+$0x1640]  }
0x157: {  	v10 =	vadd.f32 v0, v2;
	v0 =	vld [tilespmem:s21+$0x250]  }
0x158: {  	v2 =	vld [tilespmem:s21+$0x1650]  }
0x159: {  	v4 =	vadd.f32 v7, v6;
	v6 =	vld [tilespmem:s21+$0x260]  }
0x15a: {  	v11 =	vld [tilespmem:s21+$0x1660]  }
0x15b: {  	v12 =	vld [tilespmem:s21+$0x2A00];
	v3 =	vadd.f32 v1, v3  }
0x15c: {  	v1 =	vld [tilespmem:s21+$0x2A10]  }
0x15d: {  	v13 =	vld [tilespmem:s21+$0x2A20];
	v2 =	vadd.f32 v2, v0  }
.Ltmp3:
0x15e: {  	v8 =	vld [tilespmem:s21+$0x2A30];
	(pc) =	sbr.rel @p1 .LBB2_8-.Ltmp3, $4  }
0x15f: {  	v7 =	vld [tilespmem:s21+$0x2A40];
	v0 =	vadd.f32 v11, v6  }
0x160: {  	v11 =	vadd.f32 v12, v5;
	v6 =	vld [tilespmem:s21+$0x2A50]  }
0x161: {  	s9 =	sshra.s32 s20, $0x2;
	v9 =	vadd.f32 v1, v9;
	v5 =	vld [tilespmem:s21+$0x2A60]  }
0x162: {  	s20 =	sadd.s32 $0x200, s20;
	v1 =	vld [tilespmem:s9+$0x270];
	v11 =	vmax.f32 v11, $0.0e+00;
	v10 =	vadd.f32 v13, v10  }
0x163: {  	v12 =	vld [tilespmem:s9+$0x1670];
	[tilespmem:s21+$0x3E00] =	vst v11;
	v9 =	vmax.f32 v9, $0.0e+00;
	v4 =	vadd.f32 v8, v4  }
0x164: {  	v11 =	vld [tilespmem:s9+$0x200];
	[tilespmem:s21+$0x3E10] =	vst v9;
	v8 =	vmax.f32 v10, $0.0e+00;
	v3 =	vadd.f32 v7, v3  }
0x165: {  	v9 =	vld [tilespmem:s9+$0x2A70];
	[tilespmem:s21+$0x3E20] =	vst v8;
	v4 =	vmax.f32 v4, $0.0e+00;
	v2 =	vadd.f32 v6, v2  }
0x166: {  	v7 =	vld [tilespmem:s9+$0x1600];
	[tilespmem:s21+$0x3E30] =	vst v4;
	v3 =	vmax.f32 v3, $0.0e+00;
	v0 =	vadd.f32 v5, v0  }
0x167: {  	v4 =	vld [tilespmem:s9+$0x210];
	[tilespmem:s21+$0x3E40] =	vst v3;
	v2 =	vmax.f32 v2, $0.0e+00  }
0x168: {  	v3 =	vld [tilespmem:s9+$0x1610];
	[tilespmem:s21+$0x3E50] =	vst v2;
	v0 =	vmax.f32 v0, $0.0e+00  }
0x169: {  	v2 =	vld [tilespmem:s9+$0x220];
	[tilespmem:s21+$0x3E60] =	vst v0  }
0x16a: {  	v0 =	vld [tilespmem:s9+$0x1620]  }
0x16b: {  	v5 =	vld [tilespmem:s9+$0x230]  }
0x16c: {  	v1 =	vadd.f32 v12, v1;
	v6 =	vld [tilespmem:s9+$0x1630]  }
0x16d: {  	v8 =	vld [tilespmem:s9+$0x240]  }
0x16e: {  	v1 =	vadd.f32 v9, v1;
	v9 =	vld [tilespmem:s9+$0x250]  }
0x16f: {  	v10 =	vld [tilespmem:s9+$0x1650]  }
0x170: {  	v58 =	vld [tilespmem:s9+$0x260]  }
0x171: {  	v13 =	vld [tilespmem:s9+$0x1660]  }
0x172: {  	v14 =	vld [tilespmem:s9+$0x2A00]  }
0x173: {  	v15 =	vld [tilespmem:s9+$0x2A10]  }
0x174: {  	v16 =	vld [tilespmem:s9+$0x2A20];
	v1 =	vmax.f32 v1, $0.0e+00  }
0x175: {  	[tilespmem:s9+$0x3E70] =	vst v1;
	v1 =	vld [tilespmem:s9+$0x1640]  }
0x176: {  	v7 =	vadd.f32 v7, v11;
	v11 =	vld [tilespmem:s9+$0x2A30]  }
0x177: {  	v3 =	vadd.f32 v3, v4;
	v4 =	vld [tilespmem:s9+$0x2A40]  }
0x178: {  	v0 =	vadd.f32 v0, v2;
	v2 =	vadd.f32 v14, v7;
	v7 =	vld [tilespmem:s9+$0x2A50]  }
0x179: {  	v5 =	vadd.f32 v6, v5;
	v3 =	vadd.f32 v15, v3;
	v6 =	vld [tilespmem:s9+$0x2A60]  }
0x17a: {  	v2 =	vmax.f32 v2, $0.0e+00;
	v0 =	vadd.f32 v16, v0;
	v1 =	vadd.f32 v1, v8  }
0x17b: {  	v8 =	vadd.f32 v10, v9;
	[tilespmem:s9+$0x3E00] =	vst v2;
	v2 =	vmax.f32 v3, $0.0e+00;
	v3 =	vadd.f32 v11, v5  }
0x17c: {  	v5 =	vadd.f32 v13, v58;
	[tilespmem:s9+$0x3E10] =	vst v2;
	v0 =	vmax.f32 v0, $0.0e+00;
	v1 =	vadd.f32 v4, v1  }
0x17d: {  	[tilespmem:s9+$0x3E20] =	vst v0;
	v0 =	vmax.f32 v3, $0.0e+00;
	v2 =	vadd.f32 v7, v8  }
0x17e: {  	[tilespmem:s9+$0x3E30] =	vst v0;
	v0 =	vmax.f32 v1, $0.0e+00;
	v1 =	vadd.f32 v6, v5  }
0x17f: {  	[tilespmem:s9+$0x3E40] =	vst v0;
	v0 =	vmax.f32 v2, $0.0e+00  }
0x180: {  	[tilespmem:s9+$0x3E50] =	vst v0;
	v0 =	vmax.f32 v1, $0.0e+00  }
0x181: {  	s29 =	simm.s32 $0x0;
	[tilespmem:s9+$0x3E60] =	vst v0  }
0x182: {  	[spmem:s1] =	stream.indirect.scatter.add.f32 [tilespmem:s15], [sflag:$0x5], $0x80, s29, s28, $0xb8;
	[tilespmem:$0x1DA80] =	vst v63  }
0x183: {  	_ =	swait.ge [sflag:s24], $0x1400  }
0x184: {  	[sflag:s24] =	ssyncset.done $0x0  }
0x185: {  	[sflag:s24] =	ssyncadd.s32 $0xFFFFEC00  }
0x186: {  	[spmem:s1] =	stream.indirect.scatter.add.f32 [tilespmem:s15], [sflag:$0x5], $0x80, s25, s28, $0xb8;
	[tilespmem:$0x1DA80] =	vst v63  }
0x187: {  	_ =	swait.ge [sflag:s24], $0x1400  }
0x188: {  	[sflag:s24] =	ssyncset.done $0x0  }
0x189: {  	[sflag:s24] =	ssyncadd.s32 $0xFFFFEC00  }
0x18a: {  	_ =	swait.ge [sflag:s16], $0x1400  }
0x18b: {  	[sflag:s16] =	ssyncset.done $0x0  }
0x18c: {  	[sflag:s16] =	ssyncadd.s32 $0xFFFFEC00  }
0x18d: {  	_ =	swait.ge [sflag:s16], $0x1400  }
0x18e: {  	[sflag:s16] =	ssyncset.done $0x0  }
0x18f: {  	[sflag:s16] =	ssyncadd.s32 $0xFFFFEC00  }
0x190: {  	_ =	swait.ge [sflag:s16], $0x1400  }
0x191: {  	[sflag:s16] =	ssyncset.done $0x0  }
0x192: {  	s21 =	simm.s32 $0x0;
	[sflag:s16] =	ssyncadd.s32 $0xFFFFEC00  }
0x193: {  	v0 =	vld [tilespmem:s21+$0x5270]  }
0x194: {  	v1 =	vld [tilespmem:s21+$0x6670]  }
0x195: {  	v2 =	vld [tilespmem:s21+$0x5200]  }
0x196: {  	v3 =	vld [tilespmem:s21+$0x7A70]  }
0x197: {  	v4 =	vld [tilespmem:s21+$0x6600]  }
0x198: {  	v5 =	vld [tilespmem:s21+$0x5210]  }
0x199: {  	v6 =	vld [tilespmem:s21+$0x6610]  }
0x19a: {  	v7 =	vld [tilespmem:s21+$0x6620]  }
0x19b: {  	v9 =	vld [tilespmem:s21+$0x6630]  }
0x19c: {  	v10 =	vld [tilespmem:s21+$0x5240]  }
0x19d: {  	v11 =	vld [tilespmem:s21+$0x5250]  }
0x19e: {  	v59 =	vld [tilespmem:s21+$0x6650]  }
0x19f: {  	v60 =	vld [tilespmem:s21+$0x5260];
	v0 =	vadd.f32 v1, v0  }
0x1a0: {  	v61 =	vld [tilespmem:s21+$0x6660]  }
0x1a1: {  	v62 =	vld [tilespmem:s21+$0x7A00];
	v0 =	vadd.f32 v3, v0  }
0x1a2: {  	v1 =	vld [tilespmem:s21+$0x5220]  }
0x1a3: {  	v3 =	vld [tilespmem:s21+$0x5230];
	v0 =	vmax.f32 v0, $0.0e+00  }
0x1a4: {  	[tilespmem:s21+$0x8E70] =	vst v0;
	v0 =	vld [tilespmem:s21+$0x6640]  }
0x1a5: {  	v63 =	vld [tilespmem:s21+$0x7A10]  }
0x1a6: {  	v17 =	vld [tilespmem:s21+$0x7A20]  }
0x1a7: {  	v8 =	vld [tilespmem:s21+$0x7A30];
	v2 =	vadd.f32 v4, v2;
	v18 =	vadd.f32 v6, v5  }
0x1a8: {  	v19 =	vadd.f32 v7, v1;
	v7 =	vld [tilespmem:s21+$0x7A40];
	v4 =	vadd.f32 v9, v3  }
0x1a9: {  	v6 =	vld [tilespmem:s21+$0x7A50];
	v3 =	vadd.f32 v0, v10;
	v10 =	vadd.f32 v62, v2  }
0x1aa: {  	s9 =	simm.s32 $0x80;
	v5 =	vld [tilespmem:s21+$0x7A60];
	v9 =	vadd.f32 v63, v18;
	v2 =	vadd.f32 v59, v11  }
0x1ab: {  	s20 =	simm.s32 $0x400;
	s22 =	rddreg [dreg:$0x11];
	v1 =	vld [tilespmem:s9+$0x5270];
	v0 =	vadd.f32 v61, v60;
	v11 =	vmax.f32 v10, $0.0e+00;
	v10 =	vadd.f32 v17, v19  }
.LBB2_10:
0x1ac: {  	p1 =	sne.s32 s20, $0x4E00;
	v12 =	vld [tilespmem:s9+$0x6670];
	[tilespmem:s21+$0x8E00] =	vst v11;
	v9 =	vmax.f32 v9, $0.0e+00;
	v4 =	vadd.f32 v8, v4  }
0x1ad: {  	v8 =	vld [tilespmem:s9+$0x5200];
	[tilespmem:s21+$0x8E10] =	vst v9;
	v9 =	vmax.f32 v10, $0.0e+00;
	v3 =	vadd.f32 v7, v3  }
0x1ae: {  	v7 =	vld [tilespmem:s9+$0x7A70];
	[tilespmem:s21+$0x8E20] =	vst v9;
	v4 =	vmax.f32 v4, $0.0e+00;
	v2 =	vadd.f32 v6, v2  }
0x1af: {  	v6 =	vld [tilespmem:s9+$0x6600];
	[tilespmem:s21+$0x8E30] =	vst v4;
	v3 =	vmax.f32 v3, $0.0e+00;
	v0 =	vadd.f32 v5, v0  }
0x1b0: {  	v4 =	vld [tilespmem:s9+$0x5210];
	[tilespmem:s21+$0x8E40] =	vst v3;
	v2 =	vmax.f32 v2, $0.0e+00  }
0x1b1: {  	v3 =	vld [tilespmem:s9+$0x6610];
	v1 =	vadd.f32 v12, v1;
	[tilespmem:s21+$0x8E50] =	vst v2;
	v0 =	vmax.f32 v0, $0.0e+00  }
0x1b2: {  	v2 =	vld [tilespmem:s9+$0x5220];
	[tilespmem:s21+$0x8E60] =	vst v0;
	s21 =	smov.u32 s9  }
0x1b3: {  	v0 =	vld [tilespmem:s21+$0x6620];
	v1 =	vadd.f32 v7, v1  }
0x1b4: {  	v5 =	vadd.f32 v6, v8;
	v6 =	vld [tilespmem:s21+$0x5230]  }
0x1b5: {  	v7 =	vld [tilespmem:s21+$0x6630];
	v1 =	vmax.f32 v1, $0.0e+00  }
0x1b6: {  	v9 =	vadd.f32 v3, v4;
	v3 =	vld [tilespmem:s21+$0x5240];
	[tilespmem:s21+$0x8E70] =	vst v1  }
0x1b7: {  	v1 =	vld [tilespmem:s21+$0x6640]  }
0x1b8: {  	v10 =	vadd.f32 v0, v2;
	v0 =	vld [tilespmem:s21+$0x5250]  }
0x1b9: {  	v2 =	vld [tilespmem:s21+$0x6650]  }
0x1ba: {  	v4 =	vadd.f32 v7, v6;
	v6 =	vld [tilespmem:s21+$0x5260]  }
0x1bb: {  	v11 =	vld [tilespmem:s21+$0x6660]  }
0x1bc: {  	v12 =	vld [tilespmem:s21+$0x7A00];
	v3 =	vadd.f32 v1, v3  }
0x1bd: {  	v1 =	vld [tilespmem:s21+$0x7A10]  }
0x1be: {  	v13 =	vld [tilespmem:s21+$0x7A20];
	v2 =	vadd.f32 v2, v0  }
.Ltmp4:
0x1bf: {  	v8 =	vld [tilespmem:s21+$0x7A30];
	(pc) =	sbr.rel @p1 .LBB2_10-.Ltmp4, $4  }
0x1c0: {  	v7 =	vld [tilespmem:s21+$0x7A40];
	v0 =	vadd.f32 v11, v6  }
0x1c1: {  	v11 =	vadd.f32 v12, v5;
	v6 =	vld [tilespmem:s21+$0x7A50]  }
0x1c2: {  	s9 =	sshra.s32 s20, $0x2;
	v9 =	vadd.f32 v1, v9;
	v5 =	vld [tilespmem:s21+$0x7A60]  }
0x1c3: {  	s20 =	sadd.s32 $0x200, s20;
	v1 =	vld [tilespmem:s9+$0x5270];
	v11 =	vmax.f32 v11, $0.0e+00;
	v10 =	vadd.f32 v13, v10  }
0x1c4: {  	v12 =	vld [tilespmem:s9+$0x6670];
	[tilespmem:s21+$0x8E00] =	vst v11;
	v9 =	vmax.f32 v9, $0.0e+00;
	v4 =	vadd.f32 v8, v4  }
0x1c5: {  	v11 =	vld [tilespmem:s9+$0x5200];
	[tilespmem:s21+$0x8E10] =	vst v9;
	v41 =	vmax.f32 v10, $0.0e+00;
	v3 =	vadd.f32 v7, v3  }
0x1c6: {  	v9 =	vld [tilespmem:s9+$0x7A70];
	[tilespmem:s21+$0x8E20] =	vst v41;
	v4 =	vmax.f32 v4, $0.0e+00;
	v2 =	vadd.f32 v6, v2  }
0x1c7: {  	v42 =	vld [tilespmem:s9+$0x6600];
	[tilespmem:s21+$0x8E30] =	vst v4;
	v3 =	vmax.f32 v3, $0.0e+00;
	v0 =	vadd.f32 v5, v0  }
0x1c8: {  	v4 =	vld [tilespmem:s9+$0x5210];
	[tilespmem:s21+$0x8E40] =	vst v3;
	v2 =	vmax.f32 v2, $0.0e+00  }
0x1c9: {  	v3 =	vld [tilespmem:s9+$0x6610];
	[tilespmem:s21+$0x8E50] =	vst v2;
	v0 =	vmax.f32 v0, $0.0e+00  }
0x1ca: {  	v2 =	vld [tilespmem:s9+$0x5220];
	[tilespmem:s21+$0x8E60] =	vst v0  }
0x1cb: {  	v0 =	vld [tilespmem:s9+$0x6620]  }
0x1cc: {  	v43 =	vld [tilespmem:s9+$0x5230]  }
0x1cd: {  	v44 =	vld [tilespmem:s9+$0x6630]  }
0x1ce: {  	v8 =	vld [tilespmem:s9+$0x5240]  }
0x1cf: {  	v45 =	vld [tilespmem:s9+$0x6640]  }
0x1d0: {  	v46 =	vld [tilespmem:s9+$0x5250]  }
0x1d1: {  	v47 =	vld [tilespmem:s9+$0x6650]  }
0x1d2: {  	v48 =	vld [tilespmem:s9+$0x5260]  }
0x1d3: {  	v13 =	vld [tilespmem:s9+$0x6660]  }
0x1d4: {  	v14 =	vld [tilespmem:s9+$0x7A00]  }
0x1d5: {  	v15 =	vld [tilespmem:s9+$0x7A10]  }
0x1d6: {  	v1 =	vadd.f32 v12, v1;
	v16 =	vld [tilespmem:s9+$0x7A20]  }
0x1d7: {  	v49 =	vld [tilespmem:s9+$0x7A30];
	v7 =	vadd.f32 v42, v11  }
0x1d8: {  	v1 =	vadd.f32 v9, v1;
	v50 =	vld [tilespmem:s9+$0x7A40];
	v3 =	vadd.f32 v3, v4  }
0x1d9: {  	v52 =	vld [tilespmem:s9+$0x7A50];
	v0 =	vadd.f32 v0, v2;
	v51 =	vadd.f32 v14, v7  }
0x1da: {  	v53 =	vld [tilespmem:s9+$0x7A60];
	v1 =	vmax.f32 v1, $0.0e+00;
	v5 =	vadd.f32 v44, v43;
	v3 =	vadd.f32 v15, v3  }
0x1db: {  	[tilespmem:s9+$0x8E70] =	vst v1;
	v1 =	vadd.f32 v45, v8;
	v0 =	vadd.f32 v16, v0;
	v2 =	vmax.f32 v51, $0.0e+00  }
0x1dc: {  	v54 =	vadd.f32 v47, v46;
	v55 =	vmax.f32 v3, $0.0e+00;
	v56 =	vadd.f32 v49, v5;
	[tilespmem:s9+$0x8E00] =	vst v2  }
0x1dd: {  	v57 =	vadd.f32 v13, v48;
	v1 =	vadd.f32 v50, v1;
	[tilespmem:s9+$0x8E10] =	vst v55;
	v0 =	vmax.f32 v0, $0.0e+00  }
0x1de: {  	v59 =	vadd.f32 v52, v54;
	v58 =	vmax.f32 v56, $0.0e+00;
	[tilespmem:s9+$0x8E20] =	vst v0  }
0x1df: {  	v61 =	vadd.f32 v53, v57;
	v60 =	vmax.f32 v1, $0.0e+00;
	[tilespmem:s9+$0x8E30] =	vst v58  }
0x1e0: {  	v62 =	vmax.f32 v59, $0.0e+00;
	[tilespmem:s9+$0x8E40] =	vst v60  }
0x1e1: {  	v63 =	vmax.f32 v61, $0.0e+00;
	[tilespmem:s9+$0x8E50] =	vst v62  }
0x1e2: {  	[tilespmem:s9+$0x8E60] =	vst v63  }
0x1e3: {  	[spmem:s1] =	stream.indirect.scatter.add.f32 [tilespmem:s17], [sflag:$0x5], $0x80, s0, s28, $0xb8;
	[tilespmem:$0x1DA80] =	vst v63  }
0x1e4: {  	_ =	swait.ge [sflag:s24], $0x1400  }
0x1e5: {  	[sflag:s24] =	ssyncset.done $0x0  }
0x1e6: {  	[sflag:s24] =	ssyncadd.s32 $0xFFFFEC00  }
0x1e7: {  	[spmem:s1] =	stream.indirect.scatter.add.f32 [tilespmem:s17], [sflag:$0x5], $0x80, s7, s28, $0xb8;
	[tilespmem:$0x1DA80] =	vst v63  }
0x1e8: {  	_ =	swait.ge [sflag:s24], $0x1400  }
0x1e9: {  	[sflag:s24] =	ssyncset.done $0x0  }
0x1ea: {  	[sflag:s24] =	ssyncadd.s32 $0xFFFFEC00  }
0x1eb: {  	[bflag:$0x0] =	sbarrier.arrive $0xFFFF  }
0x1ec: {  	s20 =	rddreg [dreg:$0x5]  }
0x1ed: {  	s21 =	rddreg [dreg:$0xe]  }
0x1ee: {  	s23 =	rddreg [dreg:$0x12]  }
0x1ef: {  	[hbm:s21], [sflag:s20] =	dma.local [spmem:s23], $0x2700  }
0x1f0: {  	_ =	swait.ge [sflag:s24], $0x2700  }
0x1f1: {  	[sflag:s24] =	ssyncset.done $0x0;
	s9 =	rddreg [dreg:$0xf]  }
0x1f2: {  	s21 =	rddreg [dreg:$0x13];
	[sflag:s24] =	ssyncadd.s32 $0xFFFFD900  }
0x1f3: {  	[hbm:s9], [sflag:s20] =	dma.local @!p0 [spmem:s21], $0x100  }
0x1f4: {  	s9 =	simm.s32 @!p0 $0x5  }
0x1f5: {  	_ =	swait.ge @!p0 [sflag:s9], $0x100  }
0x1f6: {  	s22 =	sadd.s32 $0x1, s22;
	s29 =	rddreg [dreg:$0x10]  }
0x1f7: {  	p1 =	sne.s32 s22, s29  }
.Ltmp5:
0x1f8: {  	_ = 	snop;
	(pc) =	sbr.rel @p1 .LBB2_1-.Ltmp5, $3  }
0x1f9: {  	_ =	sdelay $0x1  }
0x1fa: {  	[sflag:s9] =	ssyncset.done @!p0 $0x0  }
0x1fb: {  	[sflag:s9] =	ssyncadd.s32 @!p0 $0xFFFFFF00  }
0x1fc: {  	_ =	sfence.sel $0x180000  }
0x1fd: {  	[bflag:$0x0] =	sbarrier.arrive $0xFFFF  }
0x1fe: {  	_ =	strace $0x90000047  }
0x1ff: {  	[bflag:$0x2] =	sbarrier.arrive $0xFFFF  }
0x200: {  	s0 =	rddreg [dreg:$0x2]  }
0x201: {  	s0 =	sadd.s32 @!p0 $0x100000, s0  }
0x202: {  	[sflag:s0] =	ssyncadd.tile.s32 @!p0 $0x1;
	_ =	shalt  }
.Lfunc_end2:
_tile_overlayer_lowered:
.L_overlay_start_2:
0x203: {  	(tag) =	ssettag $0x2  }
0x204: {  	s0 =	rddreg [dreg:$0x0];
	s2 =	stileid.u32  }
0x205: {  	s1 =	rddreg [dreg:$0x1];
	p0 =	sne.s32 s2, $0x0  }
0x206: {  	s3 =	rddreg [dreg:$0x2];
	[bflag:$0x3] =	sbarrier.arrive $0xFFFF;
	s2 =	simm.s32 @!p0 $0x1C05  }
0x207: {  	[timem:s3], [sflag:s2] =	dma.local @!p0 [hbm:s0], s1  }
0x208: {  	s0 =	simm.s32 @!p0 $0x5  }
0x209: {  	_ =	swait.ge @!p0 [sflag:s0], s1  }
0x20a: {  	s1 =	ssub.s32 @!p0 $0x0, s1;
	[sflag:s0] =	ssyncset.done @!p0 $0x0  }
0x20b: {  	[sflag:s0] =	ssyncadd.s32 @!p0 s1  }
0x20c: {  	[bflag:$0x3] =	sbarrier.arrive $0xFFFF  }
0x20d: {  	_ =	shalt  }

// kernel: kernel.18.cloned.1.call-start
scs
__scs_entry_jumppad:
0x0: {  	(pc) =	sbr.rel $0x88, $3  }
0x1: {  	(tag) =	ssettag $0x0;
	lr =	simm.s32 $0x1  }
0x2: {  	[smem:$0x3F93] =	sst lr;
	_ =	strace $0xD0000000  }
0x3: {  	_ = 	snop  }
0x4: {  	_ = 	snop  }
0x5: {  	_ = 	snop  }
0x6: {  	_ = 	snop  }
0x7: {  	_ = 	snop  }
__scs_overlays_trampoline_lowered:
0x8: {  	[smem:$0x3FA2] =	sst s0  }
0x9: {  	[smem:$0x3FA3] =	sst s1  }
0xa: {  	[smem:$0x3FA4] =	sst s2  }
0xb: {  	[smem:$0x3FA5] =	sst s3  }
0xc: {  	[smem:$0x3FA6] =	sst s4  }
0xd: {  	[smem:$0x3FA7] =	sst s5  }
0xe: {  	[smem:$0x3FA8] =	sst s6  }
0xf: {  	[smem:$0x3FA9] =	sst s7  }
0x10: {  	[smem:$0x3FAA] =	sst s8  }
0x11: {  	[smem:$0x3FAB] =	sst s9;
	s0 =	simm.s32 @!p0 $0x0  }
0x12: {  	s1 =	sld [smem:$0x3F91];
	s0 =	simm.s32 @p0 $0x1  }
0x13: {  	[smem:$0x3FAC] =	sst s0;
	s0 =	simm.s32 @!p1 $0x0  }
0x14: {  	s2 =	sld [smem:$0x3F90];
	s0 =	simm.s32 @p1 $0x1  }
0x15: {  	[smem:$0x3FAD] =	sst s0;
	s0 =	simm.s32 @!p2 $0x0  }
0x16: {  	s3 =	sld [smem:$0x3FDB];
	s0 =	simm.s32 @p2 $0x1  }
0x17: {  	s4 =	simm.s32 $0x1BF5;
	[smem:$0x3FAF] =	sst s0  }
0x18: {  	s0 =	sld [smem:$0x3F92];
	_ =	swait.ge [sflag:s4], $0x0  }
0x19: {  	s7 =	sld [smem:$0x3F93]  }
0x1a: {  	s8 =	sadd.s32 $0xFFFFE003, lr  }
0x1b: {  	s9 =	sadd.s32 $0xFFFFFEF7, lr;
	s5 =	simm.s32 $0xFFFFFFFF;
	p2 =	slt.u32 s8, $0xFFFFF086  }
0x1c: {  	p1 =	slt.u32 s9, $0xF7A;
	s5 =	simm.s32 @!p2 $0x0  }
0x1d: {  	s5 =	simm.s32 @p1 $0x1;
	p0 =	seq.s32 s7, s2  }
0x1e: {  	s7 =	smul.u32 @!p0 $0xF7A, s2;
	p2 =	seq.s32 @!p0 s5, $0x0  }
0x1f: {  	s9 =	smul.u32 $0xF7A, s1;
	s8 =	simm.s32 @!p0 $0x1BF5;
	p2 =	por !p2, p0  }
0x20: {  	[sflag:s8] =	ssyncset.s32 @!p0 $0xFFFFF086;
	s6 =	sadd.s32 @!p0 s3, s7;
	s7 =	simm.s32 @!p0 $0x108  }
0x21: {  	s3 =	sadd.s32 s3, s9;
	s6 =	sadd.s32 @!p0 $0x88, s6;
	s7 =	simm.s32 @p2 $0x1082  }
0x22: {  	[simem:s7], [sflag:s8] =	dma.local @!p0 [hbm:s6], $0xF7A  }
0x23: {  	s9 =	sor.u32 $0xD0000000, s2;
	s6 =	simm.s32 $0x108;
	_ =	swait.ge @!p0 [sflag:s8], $0x0  }
0x24: {  	s3 =	sadd.s32 $0x88, s3;
	s6 =	simm.s32 @!p1 $0x1082;
	[sflag:s4] =	ssyncset.s32 $0xFFFFF086  }
0x25: {  	[simem:s6], [sflag:s4] =	dma.local [hbm:s3], $0xF7A  }
0x26: {  	[smem:$0x3F93] =	sst s1;
	(tag) =	ssettag s2;
	_ =	strace s9  }
0x27: {  	s1 =	sld [smem:$0x3FA3]  }
0x28: {  	s2 =	sld [smem:$0x3FA4]  }
0x29: {  	s4 =	sld [smem:$0x3FA6]  }
0x2a: {  	p0 =	seq.s32 s5, $0x0;
	s5 =	sld [smem:$0x3FA7]  }
0x2b: {  	s6 =	sld [smem:$0x3FA8]  }
0x2c: {  	s7 =	sld [smem:$0x3FA9]  }
0x2d: {  	s3 =	simm.s32 $0x108;
	s8 =	sld [smem:$0x3FAA]  }
0x2e: {  	s3 =	simm.s32 @!p0 $0x1082;
	s9 =	sld [smem:$0x3FAB]  }
0x2f: {  	lr =	sadd.s32 s0, s3;
	s0 =	sld [smem:$0x3FA2]  }
0x30: {  	s3 =	sld [smem:$0x3FA5]  }
0x31: {  	[smem:$0x3FAE] =	sst s10  }
0x32: {  	s10 =	sld [smem:$0x3FAC];
	_ =	sdelay $0x3  }
0x33: {  	p0 =	seq.s32 s10, $0x1;
	s10 =	sld [smem:$0x3FAE];
	_ =	sdelay $0x3  }
0x34: {  	[smem:$0x3FAE] =	sst s10  }
0x35: {  	s10 =	sld [smem:$0x3FAD];
	_ =	sdelay $0x3  }
0x36: {  	p1 =	seq.s32 s10, $0x1;
	s10 =	sld [smem:$0x3FAE];
	_ =	sdelay $0x3  }
0x37: {  	[smem:$0x3FAE] =	sst s10  }
0x38: {  	s10 =	sld [smem:$0x3FAF]  }
0x39: {  	_ = 	snop;
	(pc) =	sbr.ind lr, $3  }
0x3a: {  	_ = 	snop  }
0x3b: {  	_ = 	snop  }
0x3c: {  	p2 =	seq.s32 s10, $0x1;
	s10 =	sld [smem:$0x3FAE]  }
0x3d: {  	_ =	shalt  }
0x3e: {  	_ =	shalt  }
0x3f: {  	_ =	shalt  }
0x40: {  	_ =	shalt  }
0x41: {  	_ =	shalt  }
0x42: {  	_ =	shalt  }
0x43: {  	_ =	shalt  }
0x44: {  	_ =	shalt  }
0x45: {  	_ =	shalt  }
0x46: {  	_ =	shalt  }
0x47: {  	_ =	shalt  }
0x48: {  	_ =	shalt  }
0x49: {  	_ =	shalt  }
0x4a: {  	_ =	shalt  }
0x4b: {  	_ =	shalt  }
0x4c: {  	_ =	shalt  }
0x4d: {  	_ =	shalt  }
0x4e: {  	_ =	shalt  }
0x4f: {  	_ =	shalt  }
0x50: {  	_ =	shalt  }
0x51: {  	_ =	shalt  }
0x52: {  	_ =	shalt  }
0x53: {  	_ =	shalt  }
0x54: {  	_ =	shalt  }
0x55: {  	_ =	shalt  }
0x56: {  	_ =	shalt  }
0x57: {  	_ =	shalt  }
0x58: {  	_ =	shalt  }
0x59: {  	_ =	shalt  }
0x5a: {  	_ =	shalt  }
0x5b: {  	_ =	shalt  }
0x5c: {  	_ =	shalt  }
0x5d: {  	_ =	shalt  }
0x5e: {  	_ =	shalt  }
0x5f: {  	_ =	shalt  }
0x60: {  	_ =	shalt  }
0x61: {  	_ =	shalt  }
0x62: {  	_ =	shalt  }
0x63: {  	_ =	shalt  }
0x64: {  	_ =	shalt  }
0x65: {  	_ =	shalt  }
0x66: {  	_ =	shalt  }
0x67: {  	_ =	shalt  }
0x68: {  	_ =	shalt  }
0x69: {  	_ =	shalt  }
0x6a: {  	_ =	shalt  }
0x6b: {  	_ =	shalt  }
0x6c: {  	_ =	shalt  }
0x6d: {  	_ =	shalt  }
0x6e: {  	_ =	shalt  }
0x6f: {  	_ =	shalt  }
0x70: {  	_ =	shalt  }
0x71: {  	_ =	shalt  }
0x72: {  	_ =	shalt  }
0x73: {  	_ =	shalt  }
0x74: {  	_ =	shalt  }
0x75: {  	_ =	shalt  }
0x76: {  	_ =	shalt  }
0x77: {  	_ =	shalt  }
0x78: {  	_ =	shalt  }
0x79: {  	_ =	shalt  }
0x7a: {  	_ =	shalt  }
0x7b: {  	_ =	shalt  }
0x7c: {  	_ =	shalt  }
0x7d: {  	_ =	shalt  }
0x7e: {  	_ =	shalt  }
0x7f: {  	_ =	shalt  }
0x80: {  	_ =	shalt  }
0x81: {  	_ =	shalt  }
0x82: {  	_ =	shalt  }
0x83: {  	_ =	shalt  }
0x84: {  	_ =	shalt  }
0x85: {  	_ =	shalt  }
0x86: {  	_ =	shalt  }
0x87: {  	_ =	shalt  }
.Lfunc_end0:
.L_simem_size_0:
called_computation.1_lowered:
.L_overlay_start_0:
0x88: {  	s2 =	sld [smem:$0x3FD9]  }
0x89: {  	s3 =	sld [smem:$0x3FFE];
	_ =	sdelay $0x1  }
0x8a: {  	s1 =	srdreg.scid  }
0x8b: {  	s0 =	sand.u32 $0x1, s1  }
0x8c: {  	s16 =	sshll.u32 s0, $0xA;
	s2 =	sadd.s32 s3, s2  }
0x8d: {  	s2 =	sadd.s32 s2, s16  }
0x8e: {  	[smem:$0x3FBA] =	sst s2  }
0x8f: {  	_ = 	snop  }
0x90: {  	(tm) =	ssettm $0x1  }
0x91: {  	s17 =	sld [smem:$0x3FFB];
	_ =	sdelay $0x3  }
0x92: {  	_ =	strace s17  }
0x93: {  	s2 =	sld [smem:$0x3FFC];
	_ =	sdelay $0x3  }
0x94: {  	_ =	strace s2  }
0x95: {  	s2 =	sld [smem:$0x3FFD];
	_ =	sdelay $0x3  }
0x96: {  	_ =	strace s2  }
0x97: {  	_ =	strace $0x8FFFFFFF  }
0x98: {  	s18 =	sld [smem:$0x3FDB];
	_ =	sdelay $0x1  }
0x99: {  	s19 =	simm.s32 $_scs_section_size  }
0x9a: {  	s4 =	simm.s32 $_size__tile_overlayer_lowered;
	s5 =	simm.s32 $_tile_overlayer_lowered  }
0x9b: {  	s22 =	simm.s32 $0x1BFF;
	s21 =	sshll.u32 s5, $0x1;
	s2 =	sadd.s32 s19, s18  }
0x9c: {  	s6 =	simm.s32 $0x0;
	s20 =	sshll.u32 s4, $0x1;
	s4 =	sadd.s32 s21, s2  }
0x9d: {  	[timem:s6], [sflag:s22] =	dma.local [hbm:s4], s20  }
0x9e: {  	_ =	swait.ge [sflag:s22], s20  }
0x9f: {  	s3 =	ssub.s32 $0x0, s20;
	[sflag:s22] =	ssyncset.done $0x0  }
0xa0: {  	[sflag:s22] =	ssyncadd.s32 s3;
	_ =	sdelay $0x1  }
0xa1: {  	s23 =	simm.s32 $0x1B8B  }
0xa2: {  	_ =	swait.ge [sflag:s23], $0x1  }
0xa3: {  	[sflag:s23] =	ssyncset.done $0x0  }
0xa4: {  	s25 =	simm.s32 $0x1B8E;
	s24 =	sld [smem:$0x3FFE];
	[sflag:s23] =	ssyncadd.s32 $0xFFFFFFFF  }
0xa5: {  	s26 =	simm.s32 $execute0_lowered;
	[smem:$0x3FD2] =	sst s25  }
0xa6: {  	s4 =	sshll.u32 s26, $0x1;
	_ =	strace $0x80000049;
	[dreg:$0x1] =	wrdreg $0xFFFFFFFF  }
0xa7: {  	s28 =	simm.s32 $_size_execute0_lowered;
	s2 =	sadd.s32 s2, s4;
	[dreg:$0x0] =	wrdreg $0x0  }
0xa8: {  	s4 =	sshll.u32 s28, $0x1;
	[dreg:$0x2] =	wrdreg s2  }
0xa9: {  	[dreg:$0x3] =	wrdreg s4  }
0xaa: {  	[dreg:$0x4] =	wrdreg $0xC0  }
0xab: {  	_ =	task [dreg:s6], $0x5FFFF  }
0xac: {  	[dreg:$0x1] =	wrdreg $0xFFFFFFFF  }
0xad: {  	[dreg:$0x0] =	wrdreg $0x60  }
0xae: {  	[dreg:$0x2] =	wrdreg s24  }
0xaf: {  	[dreg:$0x3] =	wrdreg $0xA2000  }
0xb0: {  	[dreg:$0x4] =	wrdreg $0x9  }
0xb1: {  	_ =	task.clear_ibuf [dreg:s6], $0x5FFFF;
	_ =	strace $0x90000049  }
0xb2: {  	s29 =	simm.s32 $0x9;
	_ =	strace $0x8000004B  }
0xb3: {  	_ =	swait.ge [sflag:s29], $0x1  }
0xb4: {  	[sflag:s29] =	ssyncadd.s32 $0xFFFFFFFF  }
0xb5: {  	_ =	strace $0x9000004B  }
0xb6: {  	_ =	sfence  }
0xb7: {  	s30 =	sld [smem:$0x0];
	_ =	sdelay $0x2  }
0xb8: {  	s31 =	sshll.u32 s1, $0xD;
	s1 =	sshrl.u32 s1, $0x2  }
0xb9: {  	s3 =	sand.u32 $0x4000, s31;
	s1 =	sadd.s32 s1, s30  }
0xba: {  	s0 =	sor.u32 s3, s0;
	s1 =	sshll.u32 s1, $0x11  }
0xbb: {  	s0 =	sor.u32 s1, s0  }
0xbc: {  	s0 =	sadd.s32 $0x8F2B, s0  }
0xbd: {  	[sflag:s0] =	ssyncadd.remote.s32 $0x1  }
0xbe: {  	_ =	sfence.sel $0xFFFF  }
0xbf: {  	[dreg:$0x0] =	wrdreg $0xFFFFFFFF;
	(pc) =	sbr.abs _section_cstart, $3  }
0xc0: {  	[dreg:$0x1] =	wrdreg $0xFFFFFFFF  }
0xc1: {  	_ =	task.clear_ibuf [dreg:s6], $0x2FFFF;
	_ =	strace $0x9FFFFFFF  }
0xc2: {  	(tm) =	ssettm $0x7FFFFFFF  }
0xc3: {  	_ =	shalt  }
tec
execute0_lowered:
.L_overlay_start_1:
0x0: {  	(tag) =	ssettag $0x1  }
0x1: {  	s0 =	rddreg [dreg:$0x0]  }
0x2: {  	s1 =	rddreg [dreg:$0x1];
	s2 =	simm.s32 $0x0;
	s7 =	stileid.u32  }
0x3: {  	s10 =	srdreg.scid;
	s28 =	simm.s32 $0x28;
	s30 =	simm.s32 $0x1600  }
0x4: {  	s31 =	simm.s32 $0x2A00;
	[smem:$0x7FF] =	sst s2;
	s3 =	sadd.s32 $0xA55400, s0  }
0x5: {  	s8 =	smul.u32 $0x13800, s7;
	s4 =	sadd.s32 $0xAA3800, s0;
	s5 =	sadd.s32 $0x4F2000, s0  }
0x6: {  	s6 =	sadd.s32 $0x4E8200, s0;
	s10 =	sand.u32 $0x1, s10;
	s12 =	sshll.u32 s7, $0x1  }
0x7: {  	s13 =	smul.u32 $0x4E000, s7;
	s15 =	sadd.s32 $0x525000, s0;
	s24 =	sshll.u32 s7, $0x6  }
0x8: {  	s25 =	sadd.s32 $0x138000, s1;
	p0 =	sne.s32 s7, $0x0;
	s7 =	simm.s32 $0x180  }
0x9: {  	_ =	strace $0x8000004A;
	s11 =	ssub.s32 $0x2, s10;
	s12 =	sor.u32 s10, s12  }
0xa: {  	s20 =	sor.u32 $0x1C05, s24;
	[dreg:$0x6] =	wrdreg s25;
	s10 =	smul.u32 $0x138800, s10  }
0xb: {  	s9 =	sshrl.u32 s8, $0x3;
	s14 =	sshrl.u32 s11, $0x1;
	s16 =	smul.u32 $0x2710, s12  }
0xc: {  	s13 =	sshrl.u32 s13, $0x2;
	s17 =	smul.u32 $0x138800, s12;
	[dreg:$0x5] =	wrdreg s20  }
0xd: {  	s9 =	sadd.s32 s9, s0;
	s11 =	ssub.s32 s11, s14;
	s13 =	sadd.s32 s13, s1  }
0xe: {  	s0 =	sadd.s32 $0xA55200, s0;
	s8 =	sadd.s32 s8, s10;
	s24 =	sshrl.u32 s10, $0x3  }
0xf: {  	s10 =	simm.s32 $0x4;
	[dreg:$0x3] =	wrdreg s13;
	s9 =	sadd.s32 $0xA2E200, s9  }
0x10: {  	s26 =	sshrl.u32 s16, $0x3;
	[dreg:$0x7] =	wrdreg s0;
	s13 =	smul.u32 $0x27100, s12  }
0x11: {  	s14 =	sadd.s32 $0x28, s16;
	s18 =	sadd.s32 $0x50, s16;
	s19 =	sadd.s32 $0x78, s16  }
0x12: {  	s23 =	sshrl.u32 s17, $0x3;
	s8 =	sshrl.u32 s8, $0x3;
	s12 =	simm.s32 $0x6600  }
0x13: {  	s16 =	simm.s32 $0x2;
	s17 =	simm.s32 $0x8E00;
	[dreg:$0x4] =	wrdreg s9  }
0x14: {  	s29 =	sadd.s32 s5, s26;
	s9 =	sadd.s32 s6, s26;
	s21 =	sshrl.u32 s14, $0x3  }
0x15: {  	s25 =	sadd.s32 s15, s8;
	s26 =	sadd.s32 s15, s24;
	[dreg:$0x8] =	wrdreg s29  }
0x16: {  	s24 =	simm.s32 $0x5;
	s8 =	simm.s32 $0x1;
	[dreg:$0x9] =	wrdreg s9  }
0x17: {  	s15 =	simm.s32 $0x3E00;
	s0 =	sadd.s32 s4, s13;
	[dreg:$0xe] =	wrdreg s25  }
0x18: {  	s22 =	sadd.s32 s5, s21;
	s29 =	smax.u32 s11, $0x1;
	[dreg:$0xa] =	wrdreg s0  }
0x19: {  	s25 =	simm.s32 $0x80;
	[dreg:$0xb] =	wrdreg s22;
	s0 =	sadd.s32 s6, s21  }
0x1a: {  	s11 =	simm.s32 $0x5200;
	[dreg:$0xc] =	wrdreg s0;
	s0 =	sadd.s32 s4, s23  }
0x1b: {  	s13 =	simm.s32 $0x7A00;
	[dreg:$0x10] =	wrdreg s29;
	s0 =	sadd.s32 $0x26E80, s0  }
0x1c: {  	s22 =	simm.s32 $0x0;
	[dreg:$0xd] =	wrdreg s0;
	s0 =	sadd.s32 $0x27000, s26  }
0x1d: {  	s26 =	simm.s32 $0x3;
	[dreg:$0xf] =	wrdreg s0;
	s0 =	simm.s32 $0x100  }
.LBB2_1:
0x1e: {  	[dreg:$0x11] =	wrdreg s22  }
0x1f: {  	s9 =	rddreg [dreg:$0x3]  }
0x20: {  	s23 =	rddreg [dreg:$0x4];
	s21 =	sshrl.u32 s9, $0x3  }
0x21: {  	[dreg:$0x12] =	wrdreg s21  }
0x22: {  	[spmem:s21], [sflag:s20] =	dma.local [hbm:s23], $0x2700  }
0x23: {  	_ =	swait.ge [sflag:s24], $0x2700  }
0x24: {  	s9 =	rddreg [dreg:$0x6]  }
0x25: {  	[sflag:s24] =	ssyncset.done $0x0;
	s21 =	sshrl.u32 @!p0 s9, $0x3;
	s9 =	rddreg [dreg:$0x7]  }
0x26: {  	[sflag:s24] =	ssyncadd.s32 $0xFFFFD900;
	[dreg:$0x13] =	wrdreg s21  }
0x27: {  	[spmem:s21], [sflag:s20] =	dma.local @!p0 [hbm:s9], $0x100  }
0x28: {  	s9 =	simm.s32 @!p0 $0x5  }
0x29: {  	_ =	swait.ge @!p0 [sflag:s9], $0x100  }
0x2a: {  	[sflag:s9] =	ssyncset.done @!p0 $0x0  }
0x2b: {  	[sflag:s9] =	ssyncadd.s32 @!p0 $0xFFFFFF00  }
0x2c: {  	[bflag:$0x0] =	sbarrier.arrive $0xFFFF  }
0x2d: {  	s29 =	rddreg [dreg:$0x8]  }
0x2e: {  	[tilespmem:s2], [sflag:$0x3] =	stream.linear.gather [hbm4b:s29+s2], $0x28, $0x38;
	[tilespmem:$0x1DA80] =	vst v63  }
0x2f: {  	s20 =	rddreg [dreg:$0x9]  }
0x30: {  	[tilespmem:s25], [sflag:$0x3] =	stream.linear.gather [hbm4b:s20+s2], $0x28, $0x38;
	[tilespmem:$0x1DA80] =	vst v63  }
0x31: {  	_ =	swait.ge [sflag:s26], $0x28  }
0x32: {  	[sflag:s26] =	ssyncset.done $0x0  }
0x33: {  	[sflag:s26] =	ssyncadd.s32 $0xFFFFFFD8  }
0x34: {  	_ =	swait.ge [sflag:s26], $0x28  }
0x35: {  	[sflag:s26] =	ssyncset.done $0x0  }
0x36: {  	s21 =	simm.s32 $0x200;
	[sflag:s26] =	ssyncadd.s32 $0xFFFFFFD8  }
0x37: {  	[tilespmem:s21], [sflag:$0x1] =	stream.indirect.gather [hbm4b:s3+s28], $0x80, s2, s28, $0xb8;
	[tilespmem:$0x1DA80] =	vst v63  }
0x38: {  	_ = 	snop  }
0x39: {  	[tilespmem:s30], [sflag:$0x1] =	stream.indirect.gather [hbm4b:s3+s28], $0x80, s25, s28, $0xb8;
	[tilespmem:$0x1DA80] =	vst v63  }
0x3a: {  	s22 =	rddreg [dreg:$0xa]  }
0x3b: {  	[tilespmem:s31], [sflag:$0x1] =	stream.linear.gather [hbm4b:s22+s2], $0x1400, $0x38;
	[tilespmem:$0x1DA80] =	vst v63  }
0x3c: {  	s23 =	rddreg [dreg:$0xb]  }
0x3d: {  	[tilespmem:s0], [sflag:$0x4] =	stream.linear.gather [hbm4b:s23+s2], $0x28, $0x38;
	[tilespmem:$0x1DA80] =	vst v63  }
0x3e: {  	s29 =	rddreg [dreg:$0xc];
	s23 =	simm.s32 $0x0  }
0x3f: {  	[tilespmem:s7], [sflag:$0x4] =	stream.linear.gather [hbm4b:s29+s2], $0x28, $0x38;
	[tilespmem:$0x1DA80] =	vst v63  }
.LBB2_2:
0x40: {  	_ =	swait.ge [sflag:s8], $0x1400  }
0x41: {  	[sflag:s8] =	ssyncset.done $0x0  }
0x42: {  	[sflag:s8] =	ssyncadd.s32 $0xFFFFEC00  }
0x43: {  	_ =	swait.ge [sflag:s8], $0x1400  }
0x44: {  	[sflag:s8] =	ssyncset.done $0x0  }
0x45: {  	[sflag:s8] =	ssyncadd.s32 $0xFFFFEC00  }
0x46: {  	_ =	swait.ge [sflag:s8], $0x1400  }
0x47: {  	[sflag:s8] =	ssyncset.done $0x0  }
0x48: {  	[sflag:s8] =	ssyncadd.s32 $0xFFFFEC00  }
0x49: {  	_ =	swait.ge [sflag:s10], $0x28  }
0x4a: {  	[sflag:s10] =	ssyncset.done $0x0  }
0x4b: {  	[sflag:s10] =	ssyncadd.s32 $0xFFFFFFD8  }
0x4c: {  	s21 =	smul.u32 $0x50, s23;
	_ =	swait.ge [sflag:s10], $0x28  }
0x4d: {  	[sflag:s10] =	ssyncset.done $0x0  }
0x4e: {  	s9 =	sadd.s32 s21, s14;
	[sflag:s10] =	ssyncadd.s32 $0xFFFFFFD8  }
0x4f: {  	[tilespmem:s11], [sflag:$0x2] =	stream.indirect.gather [hbm4b:s3+s28], $0x80, s0, s28, $0xb8;
	[tilespmem:$0x1DA80] =	vst v63  }
0x50: {  	s9 =	sshll.u32 s9, $0x4  }
0x51: {  	[tilespmem:s12], [sflag:$0x2] =	stream.indirect.gather [hbm4b:s3+s28], $0x80, s7, s28, $0xb8;
	[tilespmem:$0x1DA80] =	vst v63  }
0x52: {  	s20 =	simm.s32 $0x0;
	s22 =	simm.s32 $0x0;
	s9 =	sadd.s32 s4, s9  }
0x53: {  	[tilespmem:s13], [sflag:$0x2] =	stream.linear.gather [hbm4b:s9+s20], $0x1400, $0x38;
	[tilespmem:$0x1DA80] =	vst v63  }
0x54: {  	v0 =	vld [tilespmem:s22+$0x270]  }
0x55: {  	v1 =	vld [tilespmem:s22+$0x1670]  }
0x56: {  	v2 =	vld [tilespmem:s22+$0x200]  }
0x57: {  	v3 =	vld [tilespmem:s22+$0x2A70]  }
0x58: {  	v4 =	vld [tilespmem:s22+$0x1600]  }
0x59: {  	v5 =	vld [tilespmem:s22+$0x210]  }
0x5a: {  	v6 =	vld [tilespmem:s22+$0x1610]  }
0x5b: {  	v7 =	vld [tilespmem:s22+$0x1620]  }
0x5c: {  	v9 =	vld [tilespmem:s22+$0x1630]  }
0x5d: {  	v10 =	vld [tilespmem:s22+$0x240]  }
0x5e: {  	v11 =	vld [tilespmem:s22+$0x250]  }
0x5f: {  	v12 =	vld [tilespmem:s22+$0x1650]  }
0x60: {  	v13 =	vld [tilespmem:s22+$0x260];
	v0 =	vadd.f32 v1, v0  }
0x61: {  	v14 =	vld [tilespmem:s22+$0x1660]  }
0x62: {  	v15 =	vld [tilespmem:s22+$0x2A00];
	v0 =	vadd.f32 v3, v0  }
0x63: {  	v1 =	vld [tilespmem:s22+$0x220]  }
0x64: {  	v3 =	vld [tilespmem:s22+$0x230];
	v0 =	vmax.f32 v0, $0.0e+00  }
0x65: {  	[tilespmem:s22+$0x3E70] =	vst v0;
	v0 =	vld [tilespmem:s22+$0x1640]  }
0x66: {  	v16 =	vld [tilespmem:s22+$0x2A10]  }
0x67: {  	v17 =	vld [tilespmem:s22+$0x2A20]  }
0x68: {  	v8 =	vld [tilespmem:s22+$0x2A30];
	v2 =	vadd.f32 v4, v2;
	v18 =	vadd.f32 v6, v5  }
0x69: {  	v19 =	vadd.f32 v7, v1;
	v7 =	vld [tilespmem:s22+$0x2A40];
	v4 =	vadd.f32 v9, v3  }
0x6a: {  	v6 =	vld [tilespmem:s22+$0x2A50];
	v3 =	vadd.f32 v0, v10;
	v10 =	vadd.f32 v15, v2  }
0x6b: {  	s9 =	simm.s32 $0x80;
	v5 =	vld [tilespmem:s22+$0x2A60];
	v9 =	vadd.f32 v16, v18;
	v2 =	vadd.f32 v12, v11  }
0x6c: {  	s20 =	simm.s32 $0x400;
	v1 =	vld [tilespmem:s9+$0x270];
	v0 =	vadd.f32 v14, v13;
	v11 =	vmax.f32 v10, $0.0e+00;
	v10 =	vadd.f32 v17, v19  }
.LBB2_3:
0x6d: {  	p1 =	sne.s32 s20, $0x4E00;
	v12 =	vld [tilespmem:s9+$0x1670];
	[tilespmem:s22+$0x3E00] =	vst v11;
	v9 =	vmax.f32 v9, $0.0e+00;
	v4 =	vadd.f32 v8, v4  }
0x6e: {  	v8 =	vld [tilespmem:s9+$0x200];
	[tilespmem:s22+$0x3E10] =	vst v9;
	v9 =	vmax.f32 v10, $0.0e+00;
	v3 =	vadd.f32 v7, v3  }
0x6f: {  	v7 =	vld [tilespmem:s9+$0x2A70];
	[tilespmem:s22+$0x3E20] =	vst v9;
	v4 =	vmax.f32 v4, $0.0e+00;
	v2 =	vadd.f32 v6, v2  }
0x70: {  	v6 =	vld [tilespmem:s9+$0x1600];
	[tilespmem:s22+$0x3E30] =	vst v4;
	v3 =	vmax.f32 v3, $0.0e+00;
	v0 =	vadd.f32 v5, v0  }
0x71: {  	v4 =	vld [tilespmem:s9+$0x210];
	[tilespmem:s22+$0x3E40] =	vst v3;
	v2 =	vmax.f32 v2, $0.0e+00  }
0x72: {  	v3 =	vld [tilespmem:s9+$0x1610];
	v1 =	vadd.f32 v12, v1;
	[tilespmem:s22+$0x3E50] =	vst v2;
	v0 =	vmax.f32 v0, $0.0e+00  }
0x73: {  	v2 =	vld [tilespmem:s9+$0x220];
	[tilespmem:s22+$0x3E60] =	vst v0;
	s22 =	smov.u32 s9  }
0x74: {  	v0 =	vld [tilespmem:s22+$0x1620];
	v1 =	vadd.f32 v7, v1  }
0x75: {  	v5 =	vadd.f32 v6, v8;
	v6 =	vld [tilespmem:s22+$0x230]  }
0x76: {  	v7 =	vld [tilespmem:s22+$0x1630];
	v1 =	vmax.f32 v1, $0.0e+00  }
0x77: {  	v9 =	vadd.f32 v3, v4;
	v3 =	vld [tilespmem:s22+$0x240];
	[tilespmem:s22+$0x3E70] =	vst v1  }
0x78: {  	v1 =	vld [tilespmem:s22+$0x1640]  }
0x79: {  	v10 =	vadd.f32 v0, v2;
	v0 =	vld [tilespmem:s22+$0x250]  }
0x7a: {  	v2 =	vld [tilespmem:s22+$0x1650]  }
0x7b: {  	v4 =	vadd.f32 v7, v6;
	v6 =	vld [tilespmem:s22+$0x260]  }
0x7c: {  	v11 =	vld [tilespmem:s22+$0x1660]  }
0x7d: {  	v12 =	vld [tilespmem:s22+$0x2A00];
	v3 =	vadd.f32 v1, v3  }
0x7e: {  	v1 =	vld [tilespmem:s22+$0x2A10]  }
0x7f: {  	v13 =	vld [tilespmem:s22+$0x2A20];
	v2 =	vadd.f32 v2, v0  }
.Ltmp0:
0x80: {  	v8 =	vld [tilespmem:s22+$0x2A30];
	(pc) =	sbr.rel @p1 .LBB2_3-.Ltmp0, $4  }
0x81: {  	v7 =	vld [tilespmem:s22+$0x2A40];
	v0 =	vadd.f32 v11, v6  }
0x82: {  	v11 =	vadd.f32 v12, v5;
	v6 =	vld [tilespmem:s22+$0x2A50]  }
0x83: {  	s9 =	sshra.s32 s20, $0x2;
	v9 =	vadd.f32 v1, v9;
	v5 =	vld [tilespmem:s22+$0x2A60]  }
0x84: {  	s20 =	sadd.s32 $0x200, s20;
	v1 =	vld [tilespmem:s9+$0x270];
	v11 =	vmax.f32 v11, $0.0e+00;
	v10 =	vadd.f32 v13, v10  }
0x85: {  	v12 =	vld [tilespmem:s9+$0x1670];
	[tilespmem:s22+$0x3E00] =	vst v11;
	v9 =	vmax.f32 v9, $0.0e+00;
	v4 =	vadd.f32 v8, v4  }
0x86: {  	v11 =	vld [tilespmem:s9+$0x200];
	[tilespmem:s22+$0x3E10] =	vst v9;
	v8 =	vmax.f32 v10, $0.0e+00;
	v3 =	vadd.f32 v7, v3  }
0x87: {  	v9 =	vld [tilespmem:s9+$0x2A70];
	[tilespmem:s22+$0x3E20] =	vst v8;
	v4 =	vmax.f32 v4, $0.0e+00;
	v2 =	vadd.f32 v6, v2  }
0x88: {  	v7 =	vld [tilespmem:s9+$0x1600];
	[tilespmem:s22+$0x3E30] =	vst v4;
	v3 =	vmax.f32 v3, $0.0e+00;
	v0 =	vadd.f32 v5, v0  }
0x89: {  	v4 =	vld [tilespmem:s9+$0x210];
	[tilespmem:s22+$0x3E40] =	vst v3;
	v2 =	vmax.f32 v2, $0.0e+00  }
0x8a: {  	v3 =	vld [tilespmem:s9+$0x1610];
	[tilespmem:s22+$0x3E50] =	vst v2;
	v0 =	vmax.f32 v0, $0.0e+00  }
0x8b: {  	v2 =	vld [tilespmem:s9+$0x220];
	[tilespmem:s22+$0x3E60] =	vst v0  }
0x8c: {  	v0 =	vld [tilespmem:s9+$0x1620]  }
0x8d: {  	v5 =	vld [tilespmem:s9+$0x230]  }
0x8e: {  	v1 =	vadd.f32 v12, v1;
	v6 =	vld [tilespmem:s9+$0x1630]  }
0x8f: {  	v8 =	vld [tilespmem:s9+$0x240]  }
0x90: {  	v1 =	vadd.f32 v9, v1;
	v9 =	vld [tilespmem:s9+$0x250]  }
0x91: {  	v10 =	vld [tilespmem:s9+$0x1650]  }
0x92: {  	v58 =	vld [tilespmem:s9+$0x260]  }
0x93: {  	v13 =	vld [tilespmem:s9+$0x1660]  }
0x94: {  	v14 =	vld [tilespmem:s9+$0x2A00]  }
0x95: {  	v15 =	vld [tilespmem:s9+$0x2A10]  }
0x96: {  	v16 =	vld [tilespmem:s9+$0x2A20];
	v1 =	vmax.f32 v1, $0.0e+00  }
0x97: {  	[tilespmem:s9+$0x3E70] =	vst v1;
	v1 =	vld [tilespmem:s9+$0x1640]  }
0x98: {  	v7 =	vadd.f32 v7, v11;
	v11 =	vld [tilespmem:s9+$0x2A30]  }
0x99: {  	v3 =	vadd.f32 v3, v4;
	v4 =	vld [tilespmem:s9+$0x2A40]  }
0x9a: {  	v0 =	vadd.f32 v0, v2;
	v2 =	vadd.f32 v14, v7;
	v7 =	vld [tilespmem:s9+$0x2A50]  }
0x9b: {  	v5 =	vadd.f32 v6, v5;
	v3 =	vadd.f32 v15, v3;
	v6 =	vld [tilespmem:s9+$0x2A60]  }
0x9c: {  	v2 =	vmax.f32 v2, $0.0e+00;
	v0 =	vadd.f32 v16, v0;
	v1 =	vadd.f32 v1, v8  }
0x9d: {  	v8 =	vadd.f32 v10, v9;
	[tilespmem:s9+$0x3E00] =	vst v2;
	v2 =	vmax.f32 v3, $0.0e+00;
	v3 =	vadd.f32 v11, v5  }
0x9e: {  	v5 =	vadd.f32 v13, v58;
	[tilespmem:s9+$0x3E10] =	vst v2;
	v0 =	vmax.f32 v0, $0.0e+00;
	v1 =	vadd.f32 v4, v1  }
0x9f: {  	[tilespmem:s9+$0x3E20] =	vst v0;
	v0 =	vmax.f32 v3, $0.0e+00;
	v2 =	vadd.f32 v7, v8  }
0xa0: {  	[tilespmem:s9+$0x3E30] =	vst v0;
	v0 =	vmax.f32 v1, $0.0e+00;
	v1 =	vadd.f32 v6, v5  }
0xa1: {  	[tilespmem:s9+$0x3E40] =	vst v0;
	v0 =	vmax.f32 v2, $0.0e+00  }
0xa2: {  	[tilespmem:s9+$0x3E50] =	vst v0;
	v0 =	vmax.f32 v1, $0.0e+00  }
0xa3: {  	[tilespmem:s9+$0x3E60] =	vst v0;
	s9 =	simm.s32 $0x0  }
0xa4: {  	[spmem:s1] =	stream.indirect.scatter.add.f32 [tilespmem:s15], [sflag:$0x5], $0x80, s9, s28, $0xb8;
	[tilespmem:$0x1DA80] =	vst v63  }
0xa5: {  	_ =	swait.ge [sflag:s24], $0x1400  }
0xa6: {  	[sflag:s24] =	ssyncset.done $0x0  }
0xa7: {  	[sflag:s24] =	ssyncadd.s32 $0xFFFFEC00  }
0xa8: {  	[spmem:s1] =	stream.indirect.scatter.add.f32 [tilespmem:s15], [sflag:$0x5], $0x80, s25, s28, $0xb8;
	[tilespmem:$0x1DA80] =	vst v63  }
0xa9: {  	s20 =	sadd.s32 s21, s18;
	_ =	swait.ge [sflag:s24], $0x1400  }
0xaa: {  	s22 =	sshrl.u32 s20, $0x3;
	[sflag:s24] =	ssyncset.done $0x0  }
0xab: {  	s29 =	sadd.s32 s5, s22;
	[sflag:s24] =	ssyncadd.s32 $0xFFFFEC00  }
0xac: {  	[tilespmem:s9], [sflag:$0x3] =	stream.linear.gather [hbm4b:s29+s9], $0x28, $0x38;
	[tilespmem:$0x1DA80] =	vst v63  }
0xad: {  	s22 =	sadd.s32 s6, s22  }
0xae: {  	[tilespmem:s25], [sflag:$0x3] =	stream.linear.gather [hbm4b:s22+s9], $0x28, $0x38;
	[tilespmem:$0x1DA80] =	vst v63  }
0xaf: {  	_ =	swait.ge [sflag:s16], $0x1400  }
0xb0: {  	[sflag:s16] =	ssyncset.done $0x0  }
0xb1: {  	[sflag:s16] =	ssyncadd.s32 $0xFFFFEC00  }
0xb2: {  	_ =	swait.ge [sflag:s16], $0x1400  }
0xb3: {  	[sflag:s16] =	ssyncset.done $0x0  }
0xb4: {  	[sflag:s16] =	ssyncadd.s32 $0xFFFFEC00  }
0xb5: {  	_ =	swait.ge [sflag:s16], $0x1400  }
0xb6: {  	[sflag:s16] =	ssyncset.done $0x0  }
0xb7: {  	[sflag:s16] =	ssyncadd.s32 $0xFFFFEC00  }
0xb8: {  	_ =	swait.ge [sflag:s26], $0x28  }
0xb9: {  	[sflag:s26] =	ssyncset.done $0x0  }
0xba: {  	[sflag:s26] =	ssyncadd.s32 $0xFFFFFFD8  }
0xbb: {  	_ =	swait.ge [sflag:s26], $0x28  }
0xbc: {  	[sflag:s26] =	ssyncset.done $0x0  }
0xbd: {  	s29 =	simm.s32 $0x200;
	[sflag:s26] =	ssyncadd.s32 $0xFFFFFFD8  }
0xbe: {  	[tilespmem:s29], [sflag:$0x1] =	stream.indirect.gather [hbm4b:s3+s28], $0x80, s9, s28, $0xb8;
	[tilespmem:$0x1DA80] =	vst v63  }
0xbf: {  	s20 =	sshll.u32 s20, $0x4  }
0xc0: {  	[tilespmem:s30], [sflag:$0x1] =	stream.indirect.gather [hbm4b:s3+s28], $0x80, s25, s28, $0xb8;
	[tilespmem:$0x1DA80] =	vst v63  }
0xc1: {  	s20 =	sadd.s32 s4, s20;
	s22 =	simm.s32 $0x0  }
0xc2: {  	[tilespmem:s31], [sflag:$0x1] =	stream.linear.gather [hbm4b:s20+s9], $0x1400, $0x38;
	[tilespmem:$0x1DA80] =	vst v63  }
0xc3: {  	v0 =	vld [tilespmem:s22+$0x5270]  }
0xc4: {  	v1 =	vld [tilespmem:s22+$0x6670]  }
0xc5: {  	v2 =	vld [tilespmem:s22+$0x5200]  }
0xc6: {  	v3 =	vld [tilespmem:s22+$0x7A70]  }
0xc7: {  	v4 =	vld [tilespmem:s22+$0x6600]  }
0xc8: {  	v5 =	vld [tilespmem:s22+$0x5210]  }
0xc9: {  	v6 =	vld [tilespmem:s22+$0x6610]  }
0xca: {  	v7 =	vld [tilespmem:s22+$0x6620]  }
0xcb: {  	v9 =	vld [tilespmem:s22+$0x6630]  }
0xcc: {  	v10 =	vld [tilespmem:s22+$0x5240]  }
0xcd: {  	v11 =	vld [tilespmem:s22+$0x5250]  }
0xce: {  	v59 =	vld [tilespmem:s22+$0x6650]  }
0xcf: {  	v60 =	vld [tilespmem:s22+$0x5260];
	v0 =	vadd.f32 v1, v0  }
0xd0: {  	v61 =	vld [tilespmem:s22+$0x6660]  }
0xd1: {  	v62 =	vld [tilespmem:s22+$0x7A00];
	v0 =	vadd.f32 v3, v0  }
0xd2: {  	v1 =	vld [tilespmem:s22+$0x5220]  }
0xd3: {  	v3 =	vld [tilespmem:s22+$0x5230];
	v0 =	vmax.f32 v0, $0.0e+00  }
0xd4: {  	[tilespmem:s22+$0x8E70] =	vst v0;
	v0 =	vld [tilespmem:s22+$0x6640]  }
0xd5: {  	v63 =	vld [tilespmem:s22+$0x7A10]  }
0xd6: {  	v17 =	vld [tilespmem:s22+$0x7A20]  }
0xd7: {  	v8 =	vld [tilespmem:s22+$0x7A30];
	v2 =	vadd.f32 v4, v2;
	v18 =	vadd.f32 v6, v5  }
0xd8: {  	v19 =	vadd.f32 v7, v1;
	v7 =	vld [tilespmem:s22+$0x7A40];
	v4 =	vadd.f32 v9, v3  }
0xd9: {  	v6 =	vld [tilespmem:s22+$0x7A50];
	v3 =	vadd.f32 v0, v10;
	v10 =	vadd.f32 v62, v2  }
0xda: {  	s9 =	simm.s32 $0x80;
	v5 =	vld [tilespmem:s22+$0x7A60];
	v9 =	vadd.f32 v63, v18;
	v2 =	vadd.f32 v59, v11  }
0xdb: {  	s20 =	simm.s32 $0x400;
	v1 =	vld [tilespmem:s9+$0x5270];
	v0 =	vadd.f32 v61, v60;
	v11 =	vmax.f32 v10, $0.0e+00;
	v10 =	vadd.f32 v17, v19  }
.LBB2_5:
0xdc: {  	p1 =	sne.s32 s20, $0x4E00;
	v12 =	vld [tilespmem:s9+$0x6670];
	[tilespmem:s22+$0x8E00] =	vst v11;
	v9 =	vmax.f32 v9, $0.0e+00;
	v4 =	vadd.f32 v8, v4  }
0xdd: {  	v8 =	vld [tilespmem:s9+$0x5200];
	[tilespmem:s22+$0x8E10] =	vst v9;
	v9 =	vmax.f32 v10, $0.0e+00;
	v3 =	vadd.f32 v7, v3  }
0xde: {  	v7 =	vld [tilespmem:s9+$0x7A70];
	[tilespmem:s22+$0x8E20] =	vst v9;
	v4 =	vmax.f32 v4, $0.0e+00;
	v2 =	vadd.f32 v6, v2  }
0xdf: {  	v6 =	vld [tilespmem:s9+$0x6600];
	[tilespmem:s22+$0x8E30] =	vst v4;
	v3 =	vmax.f32 v3, $0.0e+00;
	v0 =	vadd.f32 v5, v0  }
0xe0: {  	v4 =	vld [tilespmem:s9+$0x5210];
	[tilespmem:s22+$0x8E40] =	vst v3;
	v2 =	vmax.f32 v2, $0.0e+00  }
0xe1: {  	v3 =	vld [tilespmem:s9+$0x6610];
	v1 =	vadd.f32 v12, v1;
	[tilespmem:s22+$0x8E50] =	vst v2;
	v0 =	vmax.f32 v0, $0.0e+00  }
0xe2: {  	v2 =	vld [tilespmem:s9+$0x5220];
	[tilespmem:s22+$0x8E60] =	vst v0;
	s22 =	smov.u32 s9  }
0xe3: {  	v0 =	vld [tilespmem:s22+$0x6620];
	v1 =	vadd.f32 v7, v1  }
0xe4: {  	v5 =	vadd.f32 v6, v8;
	v6 =	vld [tilespmem:s22+$0x5230]  }
0xe5: {  	v7 =	vld [tilespmem:s22+$0x6630];
	v1 =	vmax.f32 v1, $0.0e+00  }
0xe6: {  	v9 =	vadd.f32 v3, v4;
	v3 =	vld [tilespmem:s22+$0x5240];
	[tilespmem:s22+$0x8E70] =	vst v1  }
0xe7: {  	v1 =	vld [tilespmem:s22+$0x6640]  }
0xe8: {  	v10 =	vadd.f32 v0, v2;
	v0 =	vld [tilespmem:s22+$0x5250]  }
0xe9: {  	v2 =	vld [tilespmem:s22+$0x6650]  }
0xea: {  	v4 =	vadd.f32 v7, v6;
	v6 =	vld [tilespmem:s22+$0x5260]  }
0xeb: {  	v11 =	vld [tilespmem:s22+$0x6660]  }
0xec: {  	v12 =	vld [tilespmem:s22+$0x7A00];
	v3 =	vadd.f32 v1, v3  }
0xed: {  	v1 =	vld [tilespmem:s22+$0x7A10]  }
0xee: {  	v13 =	vld [tilespmem:s22+$0x7A20];
	v2 =	vadd.f32 v2, v0  }
.Ltmp1:
0xef: {  	v8 =	vld [tilespmem:s22+$0x7A30];
	(pc) =	sbr.rel @p1 .LBB2_5-.Ltmp1, $4  }
0xf0: {  	v7 =	vld [tilespmem:s22+$0x7A40];
	v0 =	vadd.f32 v11, v6  }
0xf1: {  	v11 =	vadd.f32 v12, v5;
	v6 =	vld [tilespmem:s22+$0x7A50]  }
0xf2: {  	s9 =	sshra.s32 s20, $0x2;
	v9 =	vadd.f32 v1, v9;
	v5 =	vld [tilespmem:s22+$0x7A60]  }
0xf3: {  	s20 =	sadd.s32 $0x200, s20;
	v1 =	vld [tilespmem:s9+$0x5270];
	v11 =	vmax.f32 v11, $0.0e+00;
	v10 =	vadd.f32 v13, v10  }
0xf4: {  	v12 =	vld [tilespmem:s9+$0x6670];
	[tilespmem:s22+$0x8E00] =	vst v11;
	v9 =	vmax.f32 v9, $0.0e+00;
	v4 =	vadd.f32 v8, v4  }
0xf5: {  	v11 =	vld [tilespmem:s9+$0x5200];
	[tilespmem:s22+$0x8E10] =	vst v9;
	v41 =	vmax.f32 v10, $0.0e+00;
	v3 =	vadd.f32 v7, v3  }
0xf6: {  	v9 =	vld [tilespmem:s9+$0x7A70];
	[tilespmem:s22+$0x8E20] =	vst v41;
	v4 =	vmax.f32 v4, $0.0e+00;
	v2 =	vadd.f32 v6, v2  }
0xf7: {  	v42 =	vld [tilespmem:s9+$0x6600];
	[tilespmem:s22+$0x8E30] =	vst v4;
	v3 =	vmax.f32 v3, $0.0e+00;
	v0 =	vadd.f32 v5, v0  }
0xf8: {  	v4 =	vld [tilespmem:s9+$0x5210];
	[tilespmem:s22+$0x8E40] =	vst v3;
	v2 =	vmax.f32 v2, $0.0e+00  }
0xf9: {  	v3 =	vld [tilespmem:s9+$0x6610];
	[tilespmem:s22+$0x8E50] =	vst v2;
	v0 =	vmax.f32 v0, $0.0e+00  }
0xfa: {  	v2 =	vld [tilespmem:s9+$0x5220];
	[tilespmem:s22+$0x8E60] =	vst v0  }
0xfb: {  	v0 =	vld [tilespmem:s9+$0x6620]  }
0xfc: {  	v43 =	vld [tilespmem:s9+$0x5230]  }
0xfd: {  	v44 =	vld [tilespmem:s9+$0x6630]  }
0xfe: {  	v8 =	vld [tilespmem:s9+$0x5240]  }
0xff: {  	v45 =	vld [tilespmem:s9+$0x6640]  }
0x100: {  	v46 =	vld [tilespmem:s9+$0x5250]  }
0x101: {  	v47 =	vld [tilespmem:s9+$0x6650]  }
0x102: {  	v48 =	vld [tilespmem:s9+$0x5260]  }
0x103: {  	v13 =	vld [tilespmem:s9+$0x6660]  }
0x104: {  	v14 =	vld [tilespmem:s9+$0x7A00]  }
0x105: {  	v15 =	vld [tilespmem:s9+$0x7A10]  }
0x106: {  	v1 =	vadd.f32 v12, v1;
	v16 =	vld [tilespmem:s9+$0x7A20]  }
0x107: {  	v49 =	vld [tilespmem:s9+$0x7A30];
	v7 =	vadd.f32 v42, v11  }
0x108: {  	v1 =	vadd.f32 v9, v1;
	v50 =	vld [tilespmem:s9+$0x7A40];
	v3 =	vadd.f32 v3, v4  }
0x109: {  	v52 =	vld [tilespmem:s9+$0x7A50];
	v0 =	vadd.f32 v0, v2;
	v51 =	vadd.f32 v14, v7  }
0x10a: {  	v53 =	vld [tilespmem:s9+$0x7A60];
	v1 =	vmax.f32 v1, $0.0e+00;
	v5 =	vadd.f32 v44, v43;
	v3 =	vadd.f32 v15, v3  }
0x10b: {  	[tilespmem:s9+$0x8E70] =	vst v1;
	v1 =	vadd.f32 v45, v8;
	v0 =	vadd.f32 v16, v0;
	v2 =	vmax.f32 v51, $0.0e+00  }
0x10c: {  	v54 =	vadd.f32 v47, v46;
	v55 =	vmax.f32 v3, $0.0e+00;
	v56 =	vadd.f32 v49, v5;
	[tilespmem:s9+$0x8E00] =	vst v2  }
0x10d: {  	v57 =	vadd.f32 v13, v48;
	v1 =	vadd.f32 v50, v1;
	[tilespmem:s9+$0x8E10] =	vst v55;
	v0 =	vmax.f32 v0, $0.0e+00  }
0x10e: {  	v59 =	vadd.f32 v52, v54;
	v58 =	vmax.f32 v56, $0.0e+00;
	[tilespmem:s9+$0x8E20] =	vst v0  }
0x10f: {  	v61 =	vadd.f32 v53, v57;
	v60 =	vmax.f32 v1, $0.0e+00;
	[tilespmem:s9+$0x8E30] =	vst v58  }
0x110: {  	v62 =	vmax.f32 v59, $0.0e+00;
	[tilespmem:s9+$0x8E40] =	vst v60  }
0x111: {  	v63 =	vmax.f32 v61, $0.0e+00;
	[tilespmem:s9+$0x8E50] =	vst v62  }
0x112: {  	[tilespmem:s9+$0x8E60] =	vst v63  }
0x113: {  	[spmem:s1] =	stream.indirect.scatter.add.f32 [tilespmem:s17], [sflag:$0x5], $0x80, s0, s28, $0xb8;
	[tilespmem:$0x1DA80] =	vst v63  }
0x114: {  	_ =	swait.ge [sflag:s24], $0x1400  }
0x115: {  	[sflag:s24] =	ssyncset.done $0x0  }
0x116: {  	s23 =	sadd.s32 $0x1, s23;
	[sflag:s24] =	ssyncadd.s32 $0xFFFFEC00  }
0x117: {  	[spmem:s1] =	stream.indirect.scatter.add.f32 [tilespmem:s17], [sflag:$0x5], $0x80, s7, s28, $0xb8;
	[tilespmem:$0x1DA80] =	vst v63  }
0x118: {  	s29 =	sadd.s32 s21, s19;
	p1 =	sne.s32 s23, $0x7C;
	_ =	swait.ge [sflag:s24], $0x1400  }
.Ltmp2:
0x119: {  	s9 =	sshrl.u32 s29, $0x3;
	[sflag:s24] =	ssyncset.done $0x0;
	(pc) =	sbr.rel @p1 .LBB2_2-.Ltmp2, $4  }
0x11a: {  	s20 =	sadd.s32 s5, s9;
	[sflag:s24] =	ssyncadd.s32 $0xFFFFEC00  }
0x11b: {  	[tilespmem:s0], [sflag:$0x4] =	stream.linear.gather [hbm4b:s20+s2], $0x28, $0x38;
	[tilespmem:$0x1DA80] =	vst v63  }
0x11c: {  	s9 =	sadd.s32 s6, s9  }
0x11d: {  	[tilespmem:s7], [sflag:$0x4] =	stream.linear.gather [hbm4b:s9+s2], $0x28, $0x38;
	[tilespmem:$0x1DA80] =	vst v63  }
0x11e: {  	_ =	swait.ge [sflag:s8], $0x1400  }
0x11f: {  	[sflag:s8] =	ssyncset.done $0x0  }
0x120: {  	[sflag:s8] =	ssyncadd.s32 $0xFFFFEC00  }
0x121: {  	_ =	swait.ge [sflag:s8], $0x1400  }
0x122: {  	[sflag:s8] =	ssyncset.done $0x0  }
0x123: {  	[sflag:s8] =	ssyncadd.s32 $0xFFFFEC00  }
0x124: {  	_ =	swait.ge [sflag:s8], $0x1400  }
0x125: {  	[sflag:s8] =	ssyncset.done $0x0  }
0x126: {  	[sflag:s8] =	ssyncadd.s32 $0xFFFFEC00  }
0x127: {  	_ =	swait.ge [sflag:s10], $0x28  }
0x128: {  	[sflag:s10] =	ssyncset.done $0x0  }
0x129: {  	[sflag:s10] =	ssyncadd.s32 $0xFFFFFFD8  }
0x12a: {  	_ =	swait.ge [sflag:s10], $0x28  }
0x12b: {  	[sflag:s10] =	ssyncset.done $0x0  }
0x12c: {  	[sflag:s10] =	ssyncadd.s32 $0xFFFFFFD8  }
0x12d: {  	[tilespmem:s11], [sflag:$0x2] =	stream.indirect.gather [hbm4b:s3+s28], $0x80, s0, s28, $0xb8;
	[tilespmem:$0x1DA80] =	vst v63  }
0x12e: {  	_ = 	snop  }
0x12f: {  	[tilespmem:s12], [sflag:$0x2] =	stream.indirect.gather [hbm4b:s3+s28], $0x80, s7, s28, $0xb8;
	[tilespmem:$0x1DA80] =	vst v63  }
0x130: {  	s9 =	simm.s32 $0x0;
	s21 =	simm.s32 $0x0;
	s20 =	rddreg [dreg:$0xd]  }
0x131: {  	[tilespmem:s13], [sflag:$0x2] =	stream.linear.gather [hbm4b:s20+s9], $0x1400, $0x38;
	[tilespmem:$0x1DA80] =	vst v63  }
0x132: {  	v0 =	vld [tilespmem:s21+$0x270]  }
0x133: {  	v1 =	vld [tilespmem:s21+$0x1670]  }
0x134: {  	v2 =	vld [tilespmem:s21+$0x200]  }
0x135: {  	v3 =	vld [tilespmem:s21+$0x2A70]  }
0x136: {  	v4 =	vld [tilespmem:s21+$0x1600]  }
0x137: {  	v5 =	vld [tilespmem:s21+$0x210]  }
0x138: {  	v6 =	vld [tilespmem:s21+$0x1610]  }
0x139: {  	v7 =	vld [tilespmem:s21+$0x1620]  }
0x13a: {  	v9 =	vld [tilespmem:s21+$0x1630]  }
0x13b: {  	v10 =	vld [tilespmem:s21+$0x240]  }
0x13c: {  	v11 =	vld [tilespmem:s21+$0x250]  }
0x13d: {  	v12 =	vld [tilespmem:s21+$0x1650]  }
0x13e: {  	v13 =	vld [tilespmem:s21+$0x260];
	v0 =	vadd.f32 v1, v0  }
0x13f: {  	v14 =	vld [tilespmem:s21+$0x1660]  }
0x140: {  	v15 =	vld [tilespmem:s21+$0x2A00];
	v0 =	vadd.f32 v3, v0  }
0x141: {  	v1 =	vld [tilespmem:s21+$0x220]  }
0x142: {  	v3 =	vld [tilespmem:s21+$0x230];
	v0 =	vmax.f32 v0, $0.0e+00  }
0x143: {  	[tilespmem:s21+$0x3E70] =	vst v0;
	v0 =	vld [tilespmem:s21+$0x1640]  }
0x144: {  	v16 =	vld [tilespmem:s21+$0x2A10]  }
0x145: {  	v17 =	vld [tilespmem:s21+$0x2A20]  }
0x146: {  	v8 =	vld [tilespmem:s21+$0x2A30];
	v2 =	vadd.f32 v4, v2;
	v18 =	vadd.f32 v6, v5  }
0x147: {  	v19 =	vadd.f32 v7, v1;
	v7 =	vld [tilespmem:s21+$0x2A40];
	v4 =	vadd.f32 v9, v3  }
0x148: {  	v6 =	vld [tilespmem:s21+$0x2A50];
	v3 =	vadd.f32 v0, v10;
	v10 =	vadd.f32 v15, v2  }
0x149: {  	s9 =	simm.s32 $0x80;
	v5 =	vld [tilespmem:s21+$0x2A60];
	v9 =	vadd.f32 v16, v18;
	v2 =	vadd.f32 v12, v11  }
0x14a: {  	s20 =	simm.s32 $0x400;
	v1 =	vld [tilespmem:s9+$0x270];
	v0 =	vadd.f32 v14, v13;
	v11 =	vmax.f32 v10, $0.0e+00;
	v10 =	vadd.f32 v17, v19  }
.LBB2_8:
0x14b: {  	p1 =	sne.s32 s20, $0x4E00;
	v12 =	vld [tilespmem:s9+$0x1670];
	[tilespmem:s21+$0x3E00] =	vst v11;
	v9 =	vmax.f32 v9, $0.0e+00;
	v4 =	vadd.f32 v8, v4  }
0x14c: {  	v8 =	vld [tilespmem:s9+$0x200];
	[tilespmem:s21+$0x3E10] =	vst v9;
	v9 =	vmax.f32 v10, $0.0e+00;
	v3 =	vadd.f32 v7, v3  }
0x14d: {  	v7 =	vld [tilespmem:s9+$0x2A70];
	[tilespmem:s21+$0x3E20] =	vst v9;
	v4 =	vmax.f32 v4, $0.0e+00;
	v2 =	vadd.f32 v6, v2  }
0x14e: {  	v6 =	vld [tilespmem:s9+$0x1600];
	[tilespmem:s21+$0x3E30] =	vst v4;
	v3 =	vmax.f32 v3, $0.0e+00;
	v0 =	vadd.f32 v5, v0  }
0x14f: {  	v4 =	vld [tilespmem:s9+$0x210];
	[tilespmem:s21+$0x3E40] =	vst v3;
	v2 =	vmax.f32 v2, $0.0e+00  }
0x150: {  	v3 =	vld [tilespmem:s9+$0x1610];
	v1 =	vadd.f32 v12, v1;
	[tilespmem:s21+$0x3E50] =	vst v2;
	v0 =	vmax.f32 v0, $0.0e+00  }
0x151: {  	v2 =	vld [tilespmem:s9+$0x220];
	[tilespmem:s21+$0x3E60] =	vst v0;
	s21 =	smov.u32 s9  }
0x152: {  	v0 =	vld [tilespmem:s21+$0x1620];
	v1 =	vadd.f32 v7, v1  }
0x153: {  	v5 =	vadd.f32 v6, v8;
	v6 =	vld [tilespmem:s21+$0x230]  }
0x154: {  	v7 =	vld [tilespmem:s21+$0x1630];
	v1 =	vmax.f32 v1, $0.0e+00  }
0x155: {  	v9 =	vadd.f32 v3, v4;
	v3 =	vld [tilespmem:s21+$0x240];
	[tilespmem:s21+$0x3E70] =	vst v1  }
0x156: {  	v1 =	vld [tilespmem:s21+$0x1640]  }
0x157: {  	v10 =	vadd.f32 v0, v2;
	v0 =	vld [tilespmem:s21+$0x250]  }
0x158: {  	v2 =	vld [tilespmem:s21+$0x1650]  }
0x159: {  	v4 =	vadd.f32 v7, v6;
	v6 =	vld [tilespmem:s21+$0x260]  }
0x15a: {  	v11 =	vld [tilespmem:s21+$0x1660]  }
0x15b: {  	v12 =	vld [tilespmem:s21+$0x2A00];
	v3 =	vadd.f32 v1, v3  }
0x15c: {  	v1 =	vld [tilespmem:s21+$0x2A10]  }
0x15d: {  	v13 =	vld [tilespmem:s21+$0x2A20];
	v2 =	vadd.f32 v2, v0  }
.Ltmp3:
0x15e: {  	v8 =	vld [tilespmem:s21+$0x2A30];
	(pc) =	sbr.rel @p1 .LBB2_8-.Ltmp3, $4  }
0x15f: {  	v7 =	vld [tilespmem:s21+$0x2A40];
	v0 =	vadd.f32 v11, v6  }
0x160: {  	v11 =	vadd.f32 v12, v5;
	v6 =	vld [tilespmem:s21+$0x2A50]  }
0x161: {  	s9 =	sshra.s32 s20, $0x2;
	v9 =	vadd.f32 v1, v9;
	v5 =	vld [tilespmem:s21+$0x2A60]  }
0x162: {  	s20 =	sadd.s32 $0x200, s20;
	v1 =	vld [tilespmem:s9+$0x270];
	v11 =	vmax.f32 v11, $0.0e+00;
	v10 =	vadd.f32 v13, v10  }
0x163: {  	v12 =	vld [tilespmem:s9+$0x1670];
	[tilespmem:s21+$0x3E00] =	vst v11;
	v9 =	vmax.f32 v9, $0.0e+00;
	v4 =	vadd.f32 v8, v4  }
0x164: {  	v11 =	vld [tilespmem:s9+$0x200];
	[tilespmem:s21+$0x3E10] =	vst v9;
	v8 =	vmax.f32 v10, $0.0e+00;
	v3 =	vadd.f32 v7, v3  }
0x165: {  	v9 =	vld [tilespmem:s9+$0x2A70];
	[tilespmem:s21+$0x3E20] =	vst v8;
	v4 =	vmax.f32 v4, $0.0e+00;
	v2 =	vadd.f32 v6, v2  }
0x166: {  	v7 =	vld [tilespmem:s9+$0x1600];
	[tilespmem:s21+$0x3E30] =	vst v4;
	v3 =	vmax.f32 v3, $0.0e+00;
	v0 =	vadd.f32 v5, v0  }
0x167: {  	v4 =	vld [tilespmem:s9+$0x210];
	[tilespmem:s21+$0x3E40] =	vst v3;
	v2 =	vmax.f32 v2, $0.0e+00  }
0x168: {  	v3 =	vld [tilespmem:s9+$0x1610];
	[tilespmem:s21+$0x3E50] =	vst v2;
	v0 =	vmax.f32 v0, $0.0e+00  }
0x169: {  	v2 =	vld [tilespmem:s9+$0x220];
	[tilespmem:s21+$0x3E60] =	vst v0  }
0x16a: {  	v0 =	vld [tilespmem:s9+$0x1620]  }
0x16b: {  	v5 =	vld [tilespmem:s9+$0x230]  }
0x16c: {  	v1 =	vadd.f32 v12, v1;
	v6 =	vld [tilespmem:s9+$0x1630]  }
0x16d: {  	v8 =	vld [tilespmem:s9+$0x240]  }
0x16e: {  	v1 =	vadd.f32 v9, v1;
	v9 =	vld [tilespmem:s9+$0x250]  }
0x16f: {  	v10 =	vld [tilespmem:s9+$0x1650]  }
0x170: {  	v58 =	vld [tilespmem:s9+$0x260]  }
0x171: {  	v13 =	vld [tilespmem:s9+$0x1660]  }
0x172: {  	v14 =	vld [tilespmem:s9+$0x2A00]  }
0x173: {  	v15 =	vld [tilespmem:s9+$0x2A10]  }
0x174: {  	v16 =	vld [tilespmem:s9+$0x2A20];
	v1 =	vmax.f32 v1, $0.0e+00  }
0x175: {  	[tilespmem:s9+$0x3E70] =	vst v1;
	v1 =	vld [tilespmem:s9+$0x1640]  }
0x176: {  	v7 =	vadd.f32 v7, v11;
	v11 =	vld [tilespmem:s9+$0x2A30]  }
0x177: {  	v3 =	vadd.f32 v3, v4;
	v4 =	vld [tilespmem:s9+$0x2A40]  }
0x178: {  	v0 =	vadd.f32 v0, v2;
	v2 =	vadd.f32 v14, v7;
	v7 =	vld [tilespmem:s9+$0x2A50]  }
0x179: {  	v5 =	vadd.f32 v6, v5;
	v3 =	vadd.f32 v15, v3;
	v6 =	vld [tilespmem:s9+$0x2A60]  }
0x17a: {  	v2 =	vmax.f32 v2, $0.0e+00;
	v0 =	vadd.f32 v16, v0;
	v1 =	vadd.f32 v1, v8  }
0x17b: {  	v8 =	vadd.f32 v10, v9;
	[tilespmem:s9+$0x3E00] =	vst v2;
	v2 =	vmax.f32 v3, $0.0e+00;
	v3 =	vadd.f32 v11, v5  }
0x17c: {  	v5 =	vadd.f32 v13, v58;
	[tilespmem:s9+$0x3E10] =	vst v2;
	v0 =	vmax.f32 v0, $0.0e+00;
	v1 =	vadd.f32 v4, v1  }
0x17d: {  	[tilespmem:s9+$0x3E20] =	vst v0;
	v0 =	vmax.f32 v3, $0.0e+00;
	v2 =	vadd.f32 v7, v8  }
0x17e: {  	[tilespmem:s9+$0x3E30] =	vst v0;
	v0 =	vmax.f32 v1, $0.0e+00;
	v1 =	vadd.f32 v6, v5  }
0x17f: {  	[tilespmem:s9+$0x3E40] =	vst v0;
	v0 =	vmax.f32 v2, $0.0e+00  }
0x180: {  	[tilespmem:s9+$0x3E50] =	vst v0;
	v0 =	vmax.f32 v1, $0.0e+00  }
0x181: {  	s29 =	simm.s32 $0x0;
	[tilespmem:s9+$0x3E60] =	vst v0  }
0x182: {  	[spmem:s1] =	stream.indirect.scatter.add.f32 [tilespmem:s15], [sflag:$0x5], $0x80, s29, s28, $0xb8;
	[tilespmem:$0x1DA80] =	vst v63  }
0x183: {  	_ =	swait.ge [sflag:s24], $0x1400  }
0x184: {  	[sflag:s24] =	ssyncset.done $0x0  }
0x185: {  	[sflag:s24] =	ssyncadd.s32 $0xFFFFEC00  }
0x186: {  	[spmem:s1] =	stream.indirect.scatter.add.f32 [tilespmem:s15], [sflag:$0x5], $0x80, s25, s28, $0xb8;
	[tilespmem:$0x1DA80] =	vst v63  }
0x187: {  	_ =	swait.ge [sflag:s24], $0x1400  }
0x188: {  	[sflag:s24] =	ssyncset.done $0x0  }
0x189: {  	[sflag:s24] =	ssyncadd.s32 $0xFFFFEC00  }
0x18a: {  	_ =	swait.ge [sflag:s16], $0x1400  }
0x18b: {  	[sflag:s16] =	ssyncset.done $0x0  }
0x18c: {  	[sflag:s16] =	ssyncadd.s32 $0xFFFFEC00  }
0x18d: {  	_ =	swait.ge [sflag:s16], $0x1400  }
0x18e: {  	[sflag:s16] =	ssyncset.done $0x0  }
0x18f: {  	[sflag:s16] =	ssyncadd.s32 $0xFFFFEC00  }
0x190: {  	_ =	swait.ge [sflag:s16], $0x1400  }
0x191: {  	[sflag:s16] =	ssyncset.done $0x0  }
0x192: {  	s21 =	simm.s32 $0x0;
	[sflag:s16] =	ssyncadd.s32 $0xFFFFEC00  }
0x193: {  	v0 =	vld [tilespmem:s21+$0x5270]  }
0x194: {  	v1 =	vld [tilespmem:s21+$0x6670]  }
0x195: {  	v2 =	vld [tilespmem:s21+$0x5200]  }
0x196: {  	v3 =	vld [tilespmem:s21+$0x7A70]  }
0x197: {  	v4 =	vld [tilespmem:s21+$0x6600]  }
0x198: {  	v5 =	vld [tilespmem:s21+$0x5210]  }
0x199: {  	v6 =	vld [tilespmem:s21+$0x6610]  }
0x19a: {  	v7 =	vld [tilespmem:s21+$0x6620]  }
0x19b: {  	v9 =	vld [tilespmem:s21+$0x6630]  }
0x19c: {  	v10 =	vld [tilespmem:s21+$0x5240]  }
0x19d: {  	v11 =	vld [tilespmem:s21+$0x5250]  }
0x19e: {  	v59 =	vld [tilespmem:s21+$0x6650]  }
0x19f: {  	v60 =	vld [tilespmem:s21+$0x5260];
	v0 =	vadd.f32 v1, v0  }
0x1a0: {  	v61 =	vld [tilespmem:s21+$0x6660]  }
0x1a1: {  	v62 =	vld [tilespmem:s21+$0x7A00];
	v0 =	vadd.f32 v3, v0  }
0x1a2: {  	v1 =	vld [tilespmem:s21+$0x5220]  }
0x1a3: {  	v3 =	vld [tilespmem:s21+$0x5230];
	v0 =	vmax.f32 v0, $0.0e+00  }
0x1a4: {  	[tilespmem:s21+$0x8E70] =	vst v0;
	v0 =	vld [tilespmem:s21+$0x6640]  }
0x1a5: {  	v63 =	vld [tilespmem:s21+$0x7A10]  }
0x1a6: {  	v17 =	vld [tilespmem:s21+$0x7A20]  }
0x1a7: {  	v8 =	vld [tilespmem:s21+$0x7A30];
	v2 =	vadd.f32 v4, v2;
	v18 =	vadd.f32 v6, v5  }
0x1a8: {  	v19 =	vadd.f32 v7, v1;
	v7 =	vld [tilespmem:s21+$0x7A40];
	v4 =	vadd.f32 v9, v3  }
0x1a9: {  	v6 =	vld [tilespmem:s21+$0x7A50];
	v3 =	vadd.f32 v0, v10;
	v10 =	vadd.f32 v62, v2  }
0x1aa: {  	s9 =	simm.s32 $0x80;
	v5 =	vld [tilespmem:s21+$0x7A60];
	v9 =	vadd.f32 v63, v18;
	v2 =	vadd.f32 v59, v11  }
0x1ab: {  	s20 =	simm.s32 $0x400;
	s22 =	rddreg [dreg:$0x11];
	v1 =	vld [tilespmem:s9+$0x5270];
	v0 =	vadd.f32 v61, v60;
	v11 =	vmax.f32 v10, $0.0e+00;
	v10 =	vadd.f32 v17, v19  }
.LBB2_10:
0x1ac: {  	p1 =	sne.s32 s20, $0x4E00;
	v12 =	vld [tilespmem:s9+$0x6670];
	[tilespmem:s21+$0x8E00] =	vst v11;
	v9 =	vmax.f32 v9, $0.0e+00;
	v4 =	vadd.f32 v8, v4  }
0x1ad: {  	v8 =	vld [tilespmem:s9+$0x5200];
	[tilespmem:s21+$0x8E10] =	vst v9;
	v9 =	vmax.f32 v10, $0.0e+00;
	v3 =	vadd.f32 v7, v3  }
0x1ae: {  	v7 =	vld [tilespmem:s9+$0x7A70];
	[tilespmem:s21+$0x8E20] =	vst v9;
	v4 =	vmax.f32 v4, $0.0e+00;
	v2 =	vadd.f32 v6, v2  }
0x1af: {  	v6 =	vld [tilespmem:s9+$0x6600];
	[tilespmem:s21+$0x8E30] =	vst v4;
	v3 =	vmax.f32 v3, $0.0e+00;
	v0 =	vadd.f32 v5, v0  }
0x1b0: {  	v4 =	vld [tilespmem:s9+$0x5210];
	[tilespmem:s21+$0x8E40] =	vst v3;
	v2 =	vmax.f32 v2, $0.0e+00  }
0x1b1: {  	v3 =	vld [tilespmem:s9+$0x6610];
	v1 =	vadd.f32 v12, v1;
	[tilespmem:s21+$0x8E50] =	vst v2;
	v0 =	vmax.f32 v0, $0.0e+00  }
0x1b2: {  	v2 =	vld [tilespmem:s9+$0x5220];
	[tilespmem:s21+$0x8E60] =	vst v0;
	s21 =	smov.u32 s9  }
0x1b3: {  	v0 =	vld [tilespmem:s21+$0x6620];
	v1 =	vadd.f32 v7, v1  }
0x1b4: {  	v5 =	vadd.f32 v6, v8;
	v6 =	vld [tilespmem:s21+$0x5230]  }
0x1b5: {  	v7 =	vld [tilespmem:s21+$0x6630];
	v1 =	vmax.f32 v1, $0.0e+00  }
0x1b6: {  	v9 =	vadd.f32 v3, v4;
	v3 =	vld [tilespmem:s21+$0x5240];
	[tilespmem:s21+$0x8E70] =	vst v1  }
0x1b7: {  	v1 =	vld [tilespmem:s21+$0x6640]  }
0x1b8: {  	v10 =	vadd.f32 v0, v2;
	v0 =	vld [tilespmem:s21+$0x5250]  }
0x1b9: {  	v2 =	vld [tilespmem:s21+$0x6650]  }
0x1ba: {  	v4 =	vadd.f32 v7, v6;
	v6 =	vld [tilespmem:s21+$0x5260]  }
0x1bb: {  	v11 =	vld [tilespmem:s21+$0x6660]  }
0x1bc: {  	v12 =	vld [tilespmem:s21+$0x7A00];
	v3 =	vadd.f32 v1, v3  }
0x1bd: {  	v1 =	vld [tilespmem:s21+$0x7A10]  }
0x1be: {  	v13 =	vld [tilespmem:s21+$0x7A20];
	v2 =	vadd.f32 v2, v0  }
.Ltmp4:
0x1bf: {  	v8 =	vld [tilespmem:s21+$0x7A30];
	(pc) =	sbr.rel @p1 .LBB2_10-.Ltmp4, $4  }
0x1c0: {  	v7 =	vld [tilespmem:s21+$0x7A40];
	v0 =	vadd.f32 v11, v6  }
0x1c1: {  	v11 =	vadd.f32 v12, v5;
	v6 =	vld [tilespmem:s21+$0x7A50]  }
0x1c2: {  	s9 =	sshra.s32 s20, $0x2;
	v9 =	vadd.f32 v1, v9;
	v5 =	vld [tilespmem:s21+$0x7A60]  }
0x1c3: {  	s20 =	sadd.s32 $0x200, s20;
	v1 =	vld [tilespmem:s9+$0x5270];
	v11 =	vmax.f32 v11, $0.0e+00;
	v10 =	vadd.f32 v13, v10  }
0x1c4: {  	v12 =	vld [tilespmem:s9+$0x6670];
	[tilespmem:s21+$0x8E00] =	vst v11;
	v9 =	vmax.f32 v9, $0.0e+00;
	v4 =	vadd.f32 v8, v4  }
0x1c5: {  	v11 =	vld [tilespmem:s9+$0x5200];
	[tilespmem:s21+$0x8E10] =	vst v9;
	v41 =	vmax.f32 v10, $0.0e+00;
	v3 =	vadd.f32 v7, v3  }
0x1c6: {  	v9 =	vld [tilespmem:s9+$0x7A70];
	[tilespmem:s21+$0x8E20] =	vst v41;
	v4 =	vmax.f32 v4, $0.0e+00;
	v2 =	vadd.f32 v6, v2  }
0x1c7: {  	v42 =	vld [tilespmem:s9+$0x6600];
	[tilespmem:s21+$0x8E30] =	vst v4;
	v3 =	vmax.f32 v3, $0.0e+00;
	v0 =	vadd.f32 v5, v0  }
0x1c8: {  	v4 =	vld [tilespmem:s9+$0x5210];
	[tilespmem:s21+$0x8E40] =	vst v3;
	v2 =	vmax.f32 v2, $0.0e+00  }
0x1c9: {  	v3 =	vld [tilespmem:s9+$0x6610];
	[tilespmem:s21+$0x8E50] =	vst v2;
	v0 =	vmax.f32 v0, $0.0e+00  }
0x1ca: {  	v2 =	vld [tilespmem:s9+$0x5220];
	[tilespmem:s21+$0x8E60] =	vst v0  }
0x1cb: {  	v0 =	vld [tilespmem:s9+$0x6620]  }
0x1cc: {  	v43 =	vld [tilespmem:s9+$0x5230]  }
0x1cd: {  	v44 =	vld [tilespmem:s9+$0x6630]  }
0x1ce: {  	v8 =	vld [tilespmem:s9+$0x5240]  }
0x1cf: {  	v45 =	vld [tilespmem:s9+$0x6640]  }
0x1d0: {  	v46 =	vld [tilespmem:s9+$0x5250]  }
0x1d1: {  	v47 =	vld [tilespmem:s9+$0x6650]  }
0x1d2: {  	v48 =	vld [tilespmem:s9+$0x5260]  }
0x1d3: {  	v13 =	vld [tilespmem:s9+$0x6660]  }
0x1d4: {  	v14 =	vld [tilespmem:s9+$0x7A00]  }
0x1d5: {  	v15 =	vld [tilespmem:s9+$0x7A10]  }
0x1d6: {  	v1 =	vadd.f32 v12, v1;
	v16 =	vld [tilespmem:s9+$0x7A20]  }
0x1d7: {  	v49 =	vld [tilespmem:s9+$0x7A30];
	v7 =	vadd.f32 v42, v11  }
0x1d8: {  	v1 =	vadd.f32 v9, v1;
	v50 =	vld [tilespmem:s9+$0x7A40];
	v3 =	vadd.f32 v3, v4  }
0x1d9: {  	v52 =	vld [tilespmem:s9+$0x7A50];
	v0 =	vadd.f32 v0, v2;
	v51 =	vadd.f32 v14, v7  }
0x1da: {  	v53 =	vld [tilespmem:s9+$0x7A60];
	v1 =	vmax.f32 v1, $0.0e+00;
	v5 =	vadd.f32 v44, v43;
	v3 =	vadd.f32 v15, v3  }
0x1db: {  	[tilespmem:s9+$0x8E70] =	vst v1;
	v1 =	vadd.f32 v45, v8;
	v0 =	vadd.f32 v16, v0;
	v2 =	vmax.f32 v51, $0.0e+00  }
0x1dc: {  	v54 =	vadd.f32 v47, v46;
	v55 =	vmax.f32 v3, $0.0e+00;
	v56 =	vadd.f32 v49, v5;
	[tilespmem:s9+$0x8E00] =	vst v2  }
0x1dd: {  	v57 =	vadd.f32 v13, v48;
	v1 =	vadd.f32 v50, v1;
	[tilespmem:s9+$0x8E10] =	vst v55;
	v0 =	vmax.f32 v0, $0.0e+00  }
0x1de: {  	v59 =	vadd.f32 v52, v54;
	v58 =	vmax.f32 v56, $0.0e+00;
	[tilespmem:s9+$0x8E20] =	vst v0  }
0x1df: {  	v61 =	vadd.f32 v53, v57;
	v60 =	vmax.f32 v1, $0.0e+00;
	[tilespmem:s9+$0x8E30] =	vst v58  }
0x1e0: {  	v62 =	vmax.f32 v59, $0.0e+00;
	[tilespmem:s9+$0x8E40] =	vst v60  }
0x1e1: {  	v63 =	vmax.f32 v61, $0.0e+00;
	[tilespmem:s9+$0x8E50] =	vst v62  }
0x1e2: {  	[tilespmem:s9+$0x8E60] =	vst v63  }
0x1e3: {  	[spmem:s1] =	stream.indirect.scatter.add.f32 [tilespmem:s17], [sflag:$0x5], $0x80, s0, s28, $0xb8;
	[tilespmem:$0x1DA80] =	vst v63  }
0x1e4: {  	_ =	swait.ge [sflag:s24], $0x1400  }
0x1e5: {  	[sflag:s24] =	ssyncset.done $0x0  }
0x1e6: {  	[sflag:s24] =	ssyncadd.s32 $0xFFFFEC00  }
0x1e7: {  	[spmem:s1] =	stream.indirect.scatter.add.f32 [tilespmem:s17], [sflag:$0x5], $0x80, s7, s28, $0xb8;
	[tilespmem:$0x1DA80] =	vst v63  }
0x1e8: {  	_ =	swait.ge [sflag:s24], $0x1400  }
0x1e9: {  	[sflag:s24] =	ssyncset.done $0x0  }
0x1ea: {  	[sflag:s24] =	ssyncadd.s32 $0xFFFFEC00  }
0x1eb: {  	[bflag:$0x0] =	sbarrier.arrive $0xFFFF  }
0x1ec: {  	s20 =	rddreg [dreg:$0x5]  }
0x1ed: {  	s21 =	rddreg [dreg:$0xe]  }
0x1ee: {  	s23 =	rddreg [dreg:$0x12]  }
0x1ef: {  	[hbm:s21], [sflag:s20] =	dma.local [spmem:s23], $0x2700  }
0x1f0: {  	_ =	swait.ge [sflag:s24], $0x2700  }
0x1f1: {  	[sflag:s24] =	ssyncset.done $0x0;
	s9 =	rddreg [dreg:$0xf]  }
0x1f2: {  	s21 =	rddreg [dreg:$0x13];
	[sflag:s24] =	ssyncadd.s32 $0xFFFFD900  }
0x1f3: {  	[hbm:s9], [sflag:s20] =	dma.local @!p0 [spmem:s21], $0x100  }
0x1f4: {  	s9 =	simm.s32 @!p0 $0x5  }
0x1f5: {  	_ =	swait.ge @!p0 [sflag:s9], $0x100  }
0x1f6: {  	s22 =	sadd.s32 $0x1, s22;
	s29 =	rddreg [dreg:$0x10]  }
0x1f7: {  	p1 =	sne.s32 s22, s29  }
.Ltmp5:
0x1f8: {  	_ = 	snop;
	(pc) =	sbr.rel @p1 .LBB2_1-.Ltmp5, $3  }
0x1f9: {  	_ =	sdelay $0x1  }
0x1fa: {  	[sflag:s9] =	ssyncset.done @!p0 $0x0  }
0x1fb: {  	[sflag:s9] =	ssyncadd.s32 @!p0 $0xFFFFFF00  }
0x1fc: {  	_ =	sfence.sel $0x180000  }
0x1fd: {  	[bflag:$0x0] =	sbarrier.arrive $0xFFFF  }
0x1fe: {  	_ =	strace $0x9000004A  }
0x1ff: {  	[bflag:$0x2] =	sbarrier.arrive $0xFFFF  }
0x200: {  	s0 =	rddreg [dreg:$0x2]  }
0x201: {  	s0 =	sadd.s32 @!p0 $0x100000, s0  }
0x202: {  	[sflag:s0] =	ssyncadd.tile.s32 @!p0 $0x1;
	_ =	shalt  }
.Lfunc_end2:
_tile_overlayer_lowered:
.L_overlay_start_2:
0x203: {  	(tag) =	ssettag $0x2  }
0x204: {  	s0 =	rddreg [dreg:$0x0];
	s2 =	stileid.u32  }
0x205: {  	s1 =	rddreg [dreg:$0x1];
	p0 =	sne.s32 s2, $0x0  }
0x206: {  	s3 =	rddreg [dreg:$0x2];
	[bflag:$0x3] =	sbarrier.arrive $0xFFFF;
	s2 =	simm.s32 @!p0 $0x1C05  }
0x207: {  	[timem:s3], [sflag:s2] =	dma.local @!p0 [hbm:s0], s1  }
0x208: {  	s0 =	simm.s32 @!p0 $0x5  }
0x209: {  	_ =	swait.ge @!p0 [sflag:s0], s1  }
0x20a: {  	s1 =	ssub.s32 @!p0 $0x0, s1;
	[sflag:s0] =	ssyncset.done @!p0 $0x0  }
0x20b: {  	[sflag:s0] =	ssyncadd.s32 @!p0 s1  }
0x20c: {  	[bflag:$0x3] =	sbarrier.arrive $0xFFFF  }
0x20d: {  	_ =	shalt  }

// kernel: kernel.21.cloned.1.call-start
scs
__scs_entry_jumppad:
0x0: {  	(pc) =	sbr.rel $0x88, $3  }
0x1: {  	(tag) =	ssettag $0x0;
	lr =	simm.s32 $0x1  }
0x2: {  	[smem:$0x3F93] =	sst lr;
	_ =	strace $0xD0000000  }
0x3: {  	_ = 	snop  }
0x4: {  	_ = 	snop  }
0x5: {  	_ = 	snop  }
0x6: {  	_ = 	snop  }
0x7: {  	_ = 	snop  }
__scs_overlays_trampoline_lowered:
0x8: {  	[smem:$0x3FA2] =	sst s0  }
0x9: {  	[smem:$0x3FA3] =	sst s1  }
0xa: {  	[smem:$0x3FA4] =	sst s2  }
0xb: {  	[smem:$0x3FA5] =	sst s3  }
0xc: {  	[smem:$0x3FA6] =	sst s4  }
0xd: {  	[smem:$0x3FA7] =	sst s5  }
0xe: {  	[smem:$0x3FA8] =	sst s6  }
0xf: {  	[smem:$0x3FA9] =	sst s7  }
0x10: {  	[smem:$0x3FAA] =	sst s8  }
0x11: {  	[smem:$0x3FAB] =	sst s9;
	s0 =	simm.s32 @!p0 $0x0  }
0x12: {  	s1 =	sld [smem:$0x3F91];
	s0 =	simm.s32 @p0 $0x1  }
0x13: {  	[smem:$0x3FAC] =	sst s0;
	s0 =	simm.s32 @!p1 $0x0  }
0x14: {  	s2 =	sld [smem:$0x3F90];
	s0 =	simm.s32 @p1 $0x1  }
0x15: {  	[smem:$0x3FAD] =	sst s0;
	s0 =	simm.s32 @!p2 $0x0  }
0x16: {  	s3 =	sld [smem:$0x3FDB];
	s0 =	simm.s32 @p2 $0x1  }
0x17: {  	s4 =	simm.s32 $0x1BF5;
	[smem:$0x3FAF] =	sst s0  }
0x18: {  	s0 =	sld [smem:$0x3F92];
	_ =	swait.ge [sflag:s4], $0x0  }
0x19: {  	s7 =	sld [smem:$0x3F93]  }
0x1a: {  	s8 =	sadd.s32 $0xFFFFE003, lr  }
0x1b: {  	s9 =	sadd.s32 $0xFFFFFEF7, lr;
	s5 =	simm.s32 $0xFFFFFFFF;
	p2 =	slt.u32 s8, $0xFFFFF086  }
0x1c: {  	p1 =	slt.u32 s9, $0xF7A;
	s5 =	simm.s32 @!p2 $0x0  }
0x1d: {  	s5 =	simm.s32 @p1 $0x1;
	p0 =	seq.s32 s7, s2  }
0x1e: {  	s7 =	smul.u32 @!p0 $0xF7A, s2;
	p2 =	seq.s32 @!p0 s5, $0x0  }
0x1f: {  	s9 =	smul.u32 $0xF7A, s1;
	s8 =	simm.s32 @!p0 $0x1BF5;
	p2 =	por !p2, p0  }
0x20: {  	[sflag:s8] =	ssyncset.s32 @!p0 $0xFFFFF086;
	s6 =	sadd.s32 @!p0 s3, s7;
	s7 =	simm.s32 @!p0 $0x108  }
0x21: {  	s3 =	sadd.s32 s3, s9;
	s6 =	sadd.s32 @!p0 $0x88, s6;
	s7 =	simm.s32 @p2 $0x1082  }
0x22: {  	[simem:s7], [sflag:s8] =	dma.local @!p0 [hbm:s6], $0xF7A  }
0x23: {  	s9 =	sor.u32 $0xD0000000, s2;
	s6 =	simm.s32 $0x108;
	_ =	swait.ge @!p0 [sflag:s8], $0x0  }
0x24: {  	s3 =	sadd.s32 $0x88, s3;
	s6 =	simm.s32 @!p1 $0x1082;
	[sflag:s4] =	ssyncset.s32 $0xFFFFF086  }
0x25: {  	[simem:s6], [sflag:s4] =	dma.local [hbm:s3], $0xF7A  }
0x26: {  	[smem:$0x3F93] =	sst s1;
	(tag) =	ssettag s2;
	_ =	strace s9  }
0x27: {  	s1 =	sld [smem:$0x3FA3]  }
0x28: {  	s2 =	sld [smem:$0x3FA4]  }
0x29: {  	s4 =	sld [smem:$0x3FA6]  }
0x2a: {  	p0 =	seq.s32 s5, $0x0;
	s5 =	sld [smem:$0x3FA7]  }
0x2b: {  	s6 =	sld [smem:$0x3FA8]  }
0x2c: {  	s7 =	sld [smem:$0x3FA9]  }
0x2d: {  	s3 =	simm.s32 $0x108;
	s8 =	sld [smem:$0x3FAA]  }
0x2e: {  	s3 =	simm.s32 @!p0 $0x1082;
	s9 =	sld [smem:$0x3FAB]  }
0x2f: {  	lr =	sadd.s32 s0, s3;
	s0 =	sld [smem:$0x3FA2]  }
0x30: {  	s3 =	sld [smem:$0x3FA5]  }
0x31: {  	[smem:$0x3FAE] =	sst s10  }
0x32: {  	s10 =	sld [smem:$0x3FAC];
	_ =	sdelay $0x3  }
0x33: {  	p0 =	seq.s32 s10, $0x1;
	s10 =	sld [smem:$0x3FAE];
	_ =	sdelay $0x3  }
0x34: {  	[smem:$0x3FAE] =	sst s10  }
0x35: {  	s10 =	sld [smem:$0x3FAD];
	_ =	sdelay $0x3  }
0x36: {  	p1 =	seq.s32 s10, $0x1;
	s10 =	sld [smem:$0x3FAE];
	_ =	sdelay $0x3  }
0x37: {  	[smem:$0x3FAE] =	sst s10  }
0x38: {  	s10 =	sld [smem:$0x3FAF]  }
0x39: {  	_ = 	snop;
	(pc) =	sbr.ind lr, $3  }
0x3a: {  	_ = 	snop  }
0x3b: {  	_ = 	snop  }
0x3c: {  	p2 =	seq.s32 s10, $0x1;
	s10 =	sld [smem:$0x3FAE]  }
0x3d: {  	_ =	shalt  }
0x3e: {  	_ =	shalt  }
0x3f: {  	_ =	shalt  }
0x40: {  	_ =	shalt  }
0x41: {  	_ =	shalt  }
0x42: {  	_ =	shalt  }
0x43: {  	_ =	shalt  }
0x44: {  	_ =	shalt  }
0x45: {  	_ =	shalt  }
0x46: {  	_ =	shalt  }
0x47: {  	_ =	shalt  }
0x48: {  	_ =	shalt  }
0x49: {  	_ =	shalt  }
0x4a: {  	_ =	shalt  }
0x4b: {  	_ =	shalt  }
0x4c: {  	_ =	shalt  }
0x4d: {  	_ =	shalt  }
0x4e: {  	_ =	shalt  }
0x4f: {  	_ =	shalt  }
0x50: {  	_ =	shalt  }
0x51: {  	_ =	shalt  }
0x52: {  	_ =	shalt  }
0x53: {  	_ =	shalt  }
0x54: {  	_ =	shalt  }
0x55: {  	_ =	shalt  }
0x56: {  	_ =	shalt  }
0x57: {  	_ =	shalt  }
0x58: {  	_ =	shalt  }
0x59: {  	_ =	shalt  }
0x5a: {  	_ =	shalt  }
0x5b: {  	_ =	shalt  }
0x5c: {  	_ =	shalt  }
0x5d: {  	_ =	shalt  }
0x5e: {  	_ =	shalt  }
0x5f: {  	_ =	shalt  }
0x60: {  	_ =	shalt  }
0x61: {  	_ =	shalt  }
0x62: {  	_ =	shalt  }
0x63: {  	_ =	shalt  }
0x64: {  	_ =	shalt  }
0x65: {  	_ =	shalt  }
0x66: {  	_ =	shalt  }
0x67: {  	_ =	shalt  }
0x68: {  	_ =	shalt  }
0x69: {  	_ =	shalt  }
0x6a: {  	_ =	shalt  }
0x6b: {  	_ =	shalt  }
0x6c: {  	_ =	shalt  }
0x6d: {  	_ =	shalt  }
0x6e: {  	_ =	shalt  }
0x6f: {  	_ =	shalt  }
0x70: {  	_ =	shalt  }
0x71: {  	_ =	shalt  }
0x72: {  	_ =	shalt  }
0x73: {  	_ =	shalt  }
0x74: {  	_ =	shalt  }
0x75: {  	_ =	shalt  }
0x76: {  	_ =	shalt  }
0x77: {  	_ =	shalt  }
0x78: {  	_ =	shalt  }
0x79: {  	_ =	shalt  }
0x7a: {  	_ =	shalt  }
0x7b: {  	_ =	shalt  }
0x7c: {  	_ =	shalt  }
0x7d: {  	_ =	shalt  }
0x7e: {  	_ =	shalt  }
0x7f: {  	_ =	shalt  }
0x80: {  	_ =	shalt  }
0x81: {  	_ =	shalt  }
0x82: {  	_ =	shalt  }
0x83: {  	_ =	shalt  }
0x84: {  	_ =	shalt  }
0x85: {  	_ =	shalt  }
0x86: {  	_ =	shalt  }
0x87: {  	_ =	shalt  }
.Lfunc_end0:
.L_simem_size_0:
called_computation.2_lowered:
.L_overlay_start_0:
0x88: {  	s2 =	sld [smem:$0x3FD9]  }
0x89: {  	s3 =	sld [smem:$0x3FFE];
	_ =	sdelay $0x1  }
0x8a: {  	s1 =	srdreg.scid  }
0x8b: {  	s0 =	sand.u32 $0x1, s1  }
0x8c: {  	s16 =	sshll.u32 s0, $0xA;
	s2 =	sadd.s32 s3, s2  }
0x8d: {  	s2 =	sadd.s32 s2, s16  }
0x8e: {  	[smem:$0x3FBA] =	sst s2  }
0x8f: {  	_ = 	snop  }
0x90: {  	(tm) =	ssettm $0x1  }
0x91: {  	s17 =	sld [smem:$0x3FFB];
	_ =	sdelay $0x3  }
0x92: {  	_ =	strace s17  }
0x93: {  	s2 =	sld [smem:$0x3FFC];
	_ =	sdelay $0x3  }
0x94: {  	_ =	strace s2  }
0x95: {  	s2 =	sld [smem:$0x3FFD];
	_ =	sdelay $0x3  }
0x96: {  	_ =	strace s2  }
0x97: {  	_ =	strace $0x8FFFFFFF  }
0x98: {  	s18 =	sld [smem:$0x3FDB];
	_ =	sdelay $0x1  }
0x99: {  	s19 =	simm.s32 $_scs_section_size  }
0x9a: {  	s4 =	simm.s32 $_size__tile_overlayer_lowered;
	s5 =	simm.s32 $_tile_overlayer_lowered  }
0x9b: {  	s22 =	simm.s32 $0x1BFF;
	s21 =	sshll.u32 s5, $0x1;
	s2 =	sadd.s32 s19, s18  }
0x9c: {  	s6 =	simm.s32 $0x0;
	s20 =	sshll.u32 s4, $0x1;
	s4 =	sadd.s32 s21, s2  }
0x9d: {  	[timem:s6], [sflag:s22] =	dma.local [hbm:s4], s20  }
0x9e: {  	_ =	swait.ge [sflag:s22], s20  }
0x9f: {  	s3 =	ssub.s32 $0x0, s20;
	[sflag:s22] =	ssyncset.done $0x0  }
0xa0: {  	[sflag:s22] =	ssyncadd.s32 s3;
	_ =	sdelay $0x1  }
0xa1: {  	s23 =	simm.s32 $0x1B8B  }
0xa2: {  	_ =	swait.ge [sflag:s23], $0x1  }
0xa3: {  	[sflag:s23] =	ssyncset.done $0x0  }
0xa4: {  	s25 =	simm.s32 $0x1B8E;
	s24 =	sld [smem:$0x3FFE];
	[sflag:s23] =	ssyncadd.s32 $0xFFFFFFFF  }
0xa5: {  	s26 =	simm.s32 $execute0_lowered;
	[smem:$0x3FD2] =	sst s25  }
0xa6: {  	s4 =	sshll.u32 s26, $0x1;
	_ =	strace $0x8000004C;
	[dreg:$0x1] =	wrdreg $0xFFFFFFFF  }
0xa7: {  	s28 =	simm.s32 $_size_execute0_lowered;
	s2 =	sadd.s32 s2, s4;
	[dreg:$0x0] =	wrdreg $0x0  }
0xa8: {  	s4 =	sshll.u32 s28, $0x1;
	[dreg:$0x2] =	wrdreg s2  }
0xa9: {  	[dreg:$0x3] =	wrdreg s4  }
0xaa: {  	[dreg:$0x4] =	wrdreg $0xC0  }
0xab: {  	_ =	task [dreg:s6], $0x5FFFF  }
0xac: {  	[dreg:$0x1] =	wrdreg $0xFFFFFFFF  }
0xad: {  	[dreg:$0x0] =	wrdreg $0x60  }
0xae: {  	[dreg:$0x2] =	wrdreg s24  }
0xaf: {  	[dreg:$0x3] =	wrdreg $0xA2000  }
0xb0: {  	[dreg:$0x4] =	wrdreg $0x9  }
0xb1: {  	_ =	task.clear_ibuf [dreg:s6], $0x5FFFF;
	_ =	strace $0x9000004C  }
0xb2: {  	s29 =	simm.s32 $0x9;
	_ =	strace $0x8000004E  }
0xb3: {  	_ =	swait.ge [sflag:s29], $0x1  }
0xb4: {  	[sflag:s29] =	ssyncadd.s32 $0xFFFFFFFF  }
0xb5: {  	_ =	strace $0x9000004E  }
0xb6: {  	_ =	sfence  }
0xb7: {  	s30 =	sld [smem:$0x0];
	_ =	sdelay $0x2  }
0xb8: {  	s31 =	sshll.u32 s1, $0xD;
	s1 =	sshrl.u32 s1, $0x2  }
0xb9: {  	s3 =	sand.u32 $0x4000, s31;
	s1 =	sadd.s32 s1, s30  }
0xba: {  	s0 =	sor.u32 s3, s0;
	s1 =	sshll.u32 s1, $0x11  }
0xbb: {  	s0 =	sor.u32 s1, s0  }
0xbc: {  	s0 =	sadd.s32 $0x8F2B, s0  }
0xbd: {  	[sflag:s0] =	ssyncadd.remote.s32 $0x1  }
0xbe: {  	_ =	sfence.sel $0xFFFF  }
0xbf: {  	[dreg:$0x0] =	wrdreg $0xFFFFFFFF;
	(pc) =	sbr.abs _section_cstart, $3  }
0xc0: {  	[dreg:$0x1] =	wrdreg $0xFFFFFFFF  }
0xc1: {  	_ =	task.clear_ibuf [dreg:s6], $0x2FFFF;
	_ =	strace $0x9FFFFFFF  }
0xc2: {  	(tm) =	ssettm $0x7FFFFFFF  }
0xc3: {  	_ =	shalt  }
tec
execute0_lowered:
.L_overlay_start_1:
0x0: {  	(tag) =	ssettag $0x1  }
0x1: {  	s0 =	rddreg [dreg:$0x0]  }
0x2: {  	s1 =	rddreg [dreg:$0x1];
	s2 =	simm.s32 $0x0;
	s7 =	stileid.u32  }
0x3: {  	s10 =	srdreg.scid;
	s28 =	simm.s32 $0x28;
	s30 =	simm.s32 $0x1600  }
0x4: {  	s31 =	simm.s32 $0x2A00;
	[smem:$0x7FF] =	sst s2;
	s8 =	smul.u32 $0x13800, s7  }
0x5: {  	s3 =	sadd.s32 $0x6000, s0;
	s4 =	sadd.s32 $0xF86800, s0;
	s5 =	sadd.s32 $0x4F2000, s0  }
0x6: {  	s6 =	sadd.s32 $0x4E8200, s0;
	s10 =	sand.u32 $0x1, s10;
	s12 =	sshll.u32 s7, $0x1  }
0x7: {  	s13 =	smul.u32 $0x4E000, s7;
	s15 =	sadd.s32 $0x54400, s0;
	s24 =	sshll.u32 s7, $0x6  }
0x8: {  	s25 =	sadd.s32 $0x138000, s1;
	p0 =	sne.s32 s7, $0x0;
	s7 =	simm.s32 $0x180  }
0x9: {  	_ =	strace $0x8000004D;
	s11 =	ssub.s32 $0x2, s10;
	s12 =	sor.u32 s10, s12  }
0xa: {  	s20 =	sor.u32 $0x1C05, s24;
	[dreg:$0x6] =	wrdreg s25;
	s10 =	smul.u32 $0x138800, s10  }
0xb: {  	s9 =	sshrl.u32 s8, $0x3;
	s14 =	sshrl.u32 s11, $0x1;
	s16 =	smul.u32 $0x2710, s12  }
0xc: {  	s13 =	sshrl.u32 s13, $0x2;
	s17 =	smul.u32 $0x138800, s12;
	[dreg:$0x5] =	wrdreg s20  }
0xd: {  	s9 =	sadd.s32 s9, s0;
	s11 =	ssub.s32 s11, s14;
	s13 =	sadd.s32 s13, s1  }
0xe: {  	s0 =	sadd.s32 $0xA55200, s0;
	s8 =	sadd.s32 s8, s10;
	s24 =	sshrl.u32 s10, $0x3  }
0xf: {  	s10 =	simm.s32 $0x4;
	[dreg:$0x3] =	wrdreg s13;
	s9 =	sadd.s32 $0xA2E200, s9  }
0x10: {  	s26 =	sshrl.u32 s16, $0x3;
	[dreg:$0x7] =	wrdreg s0;
	s13 =	smul.u32 $0x27100, s12  }
0x11: {  	s14 =	sadd.s32 $0x28, s16;
	s18 =	sadd.s32 $0x50, s16;
	s19 =	sadd.s32 $0x78, s16  }
0x12: {  	s23 =	sshrl.u32 s17, $0x3;
	s8 =	sshrl.u32 s8, $0x3;
	s12 =	simm.s32 $0x6600  }
0x13: {  	s16 =	simm.s32 $0x2;
	s17 =	simm.s32 $0x8E00;
	[dreg:$0x4] =	wrdreg s9  }
0x14: {  	s29 =	sadd.s32 s5, s26;
	s9 =	sadd.s32 s6, s26;
	s21 =	sshrl.u32 s14, $0x3  }
0x15: {  	s25 =	sadd.s32 s15, s8;
	s26 =	sadd.s32 s15, s24;
	[dreg:$0x8] =	wrdreg s29  }
0x16: {  	s24 =	simm.s32 $0x5;
	s8 =	simm.s32 $0x1;
	[dreg:$0x9] =	wrdreg s9  }
0x17: {  	s15 =	simm.s32 $0x3E00;
	s0 =	sadd.s32 s4, s13;
	[dreg:$0xe] =	wrdreg s25  }
0x18: {  	s22 =	sadd.s32 s5, s21;
	s29 =	smax.u32 s11, $0x1;
	[dreg:$0xa] =	wrdreg s0  }
0x19: {  	s25 =	simm.s32 $0x80;
	[dreg:$0xb] =	wrdreg s22;
	s0 =	sadd.s32 s6, s21  }
0x1a: {  	s11 =	simm.s32 $0x5200;
	[dreg:$0xc] =	wrdreg s0;
	s0 =	sadd.s32 s4, s23  }
0x1b: {  	s13 =	simm.s32 $0x7A00;
	[dreg:$0x10] =	wrdreg s29;
	s0 =	sadd.s32 $0x26E80, s0  }
0x1c: {  	s22 =	simm.s32 $0x0;
	[dreg:$0xd] =	wrdreg s0;
	s0 =	sadd.s32 $0x27000, s26  }
0x1d: {  	s26 =	simm.s32 $0x3;
	[dreg:$0xf] =	wrdreg s0;
	s0 =	simm.s32 $0x100  }
.LBB2_1:
0x1e: {  	[dreg:$0x11] =	wrdreg s22  }
0x1f: {  	s9 =	rddreg [dreg:$0x3]  }
0x20: {  	s23 =	rddreg [dreg:$0x4];
	s21 =	sshrl.u32 s9, $0x3  }
0x21: {  	[dreg:$0x12] =	wrdreg s21  }
0x22: {  	[spmem:s21], [sflag:s20] =	dma.local [hbm:s23], $0x2700  }
0x23: {  	_ =	swait.ge [sflag:s24], $0x2700  }
0x24: {  	s9 =	rddreg [dreg:$0x6]  }
0x25: {  	[sflag:s24] =	ssyncset.done $0x0;
	s21 =	sshrl.u32 @!p0 s9, $0x3;
	s9 =	rddreg [dreg:$0x7]  }
0x26: {  	[sflag:s24] =	ssyncadd.s32 $0xFFFFD900;
	[dreg:$0x13] =	wrdreg s21  }
0x27: {  	[spmem:s21], [sflag:s20] =	dma.local @!p0 [hbm:s9], $0x100  }
0x28: {  	s9 =	simm.s32 @!p0 $0x5  }
0x29: {  	_ =	swait.ge @!p0 [sflag:s9], $0x100  }
0x2a: {  	[sflag:s9] =	ssyncset.done @!p0 $0x0  }
0x2b: {  	[sflag:s9] =	ssyncadd.s32 @!p0 $0xFFFFFF00  }
0x2c: {  	[bflag:$0x0] =	sbarrier.arrive $0xFFFF  }
0x2d: {  	s29 =	rddreg [dreg:$0x8]  }
0x2e: {  	[tilespmem:s2], [sflag:$0x3] =	stream.linear.gather [hbm4b:s29+s2], $0x28, $0x38;
	[tilespmem:$0x1DA80] =	vst v63  }
0x2f: {  	s20 =	rddreg [dreg:$0x9]  }
0x30: {  	[tilespmem:s25], [sflag:$0x3] =	stream.linear.gather [hbm4b:s20+s2], $0x28, $0x38;
	[tilespmem:$0x1DA80] =	vst v63  }
0x31: {  	_ =	swait.ge [sflag:s26], $0x28  }
0x32: {  	[sflag:s26] =	ssyncset.done $0x0  }
0x33: {  	[sflag:s26] =	ssyncadd.s32 $0xFFFFFFD8  }
0x34: {  	_ =	swait.ge [sflag:s26], $0x28  }
0x35: {  	[sflag:s26] =	ssyncset.done $0x0  }
0x36: {  	s21 =	simm.s32 $0x200;
	[sflag:s26] =	ssyncadd.s32 $0xFFFFFFD8  }
0x37: {  	[tilespmem:s21], [sflag:$0x1] =	stream.indirect.gather [hbm4b:s3+s28], $0x80, s2, s28, $0xb8;
	[tilespmem:$0x1DA80] =	vst v63  }
0x38: {  	_ = 	snop  }
0x39: {  	[tilespmem:s30], [sflag:$0x1] =	stream.indirect.gather [hbm4b:s3+s28], $0x80, s25, s28, $0xb8;
	[tilespmem:$0x1DA80] =	vst v63  }
0x3a: {  	s22 =	rddreg [dreg:$0xa]  }
0x3b: {  	[tilespmem:s31], [sflag:$0x1] =	stream.linear.gather [hbm4b:s22+s2], $0x1400, $0x38;
	[tilespmem:$0x1DA80] =	vst v63  }
0x3c: {  	s23 =	rddreg [dreg:$0xb]  }
0x3d: {  	[tilespmem:s0], [sflag:$0x4] =	stream.linear.gather [hbm4b:s23+s2], $0x28, $0x38;
	[tilespmem:$0x1DA80] =	vst v63  }
0x3e: {  	s29 =	rddreg [dreg:$0xc];
	s23 =	simm.s32 $0x0  }
0x3f: {  	[tilespmem:s7], [sflag:$0x4] =	stream.linear.gather [hbm4b:s29+s2], $0x28, $0x38;
	[tilespmem:$0x1DA80] =	vst v63  }
.LBB2_2:
0x40: {  	_ =	swait.ge [sflag:s8], $0x1400  }
0x41: {  	[sflag:s8] =	ssyncset.done $0x0  }
0x42: {  	[sflag:s8] =	ssyncadd.s32 $0xFFFFEC00  }
0x43: {  	_ =	swait.ge [sflag:s8], $0x1400  }
0x44: {  	[sflag:s8] =	ssyncset.done $0x0  }
0x45: {  	[sflag:s8] =	ssyncadd.s32 $0xFFFFEC00  }
0x46: {  	_ =	swait.ge [sflag:s8], $0x1400  }
0x47: {  	[sflag:s8] =	ssyncset.done $0x0  }
0x48: {  	[sflag:s8] =	ssyncadd.s32 $0xFFFFEC00  }
0x49: {  	_ =	swait.ge [sflag:s10], $0x28  }
0x4a: {  	[sflag:s10] =	ssyncset.done $0x0  }
0x4b: {  	[sflag:s10] =	ssyncadd.s32 $0xFFFFFFD8  }
0x4c: {  	s21 =	smul.u32 $0x50, s23;
	_ =	swait.ge [sflag:s10], $0x28  }
0x4d: {  	[sflag:s10] =	ssyncset.done $0x0  }
0x4e: {  	s9 =	sadd.s32 s21, s14;
	[sflag:s10] =	ssyncadd.s32 $0xFFFFFFD8  }
0x4f: {  	[tilespmem:s11], [sflag:$0x2] =	stream.indirect.gather [hbm4b:s3+s28], $0x80, s0, s28, $0xb8;
	[tilespmem:$0x1DA80] =	vst v63  }
0x50: {  	s9 =	sshll.u32 s9, $0x4  }
0x51: {  	[tilespmem:s12], [sflag:$0x2] =	stream.indirect.gather [hbm4b:s3+s28], $0x80, s7, s28, $0xb8;
	[tilespmem:$0x1DA80] =	vst v63  }
0x52: {  	s20 =	simm.s32 $0x0;
	s22 =	simm.s32 $0x0;
	s9 =	sadd.s32 s4, s9  }
0x53: {  	[tilespmem:s13], [sflag:$0x2] =	stream.linear.gather [hbm4b:s9+s20], $0x1400, $0x38;
	[tilespmem:$0x1DA80] =	vst v63  }
0x54: {  	v0 =	vld [tilespmem:s22+$0x270]  }
0x55: {  	v1 =	vld [tilespmem:s22+$0x1670]  }
0x56: {  	v2 =	vld [tilespmem:s22+$0x200]  }
0x57: {  	v3 =	vld [tilespmem:s22+$0x2A70]  }
0x58: {  	v4 =	vld [tilespmem:s22+$0x1600]  }
0x59: {  	v5 =	vld [tilespmem:s22+$0x210]  }
0x5a: {  	v6 =	vld [tilespmem:s22+$0x1610]  }
0x5b: {  	v7 =	vld [tilespmem:s22+$0x1620]  }
0x5c: {  	v9 =	vld [tilespmem:s22+$0x1630]  }
0x5d: {  	v10 =	vld [tilespmem:s22+$0x240]  }
0x5e: {  	v11 =	vld [tilespmem:s22+$0x250]  }
0x5f: {  	v12 =	vld [tilespmem:s22+$0x1650]  }
0x60: {  	v13 =	vld [tilespmem:s22+$0x260];
	v0 =	vadd.f32 v1, v0  }
0x61: {  	v14 =	vld [tilespmem:s22+$0x1660]  }
0x62: {  	v15 =	vld [tilespmem:s22+$0x2A00];
	v0 =	vadd.f32 v3, v0  }
0x63: {  	v1 =	vld [tilespmem:s22+$0x220]  }
0x64: {  	v3 =	vld [tilespmem:s22+$0x230];
	v0 =	vmax.f32 v0, $0.0e+00  }
0x65: {  	[tilespmem:s22+$0x3E70] =	vst v0;
	v0 =	vld [tilespmem:s22+$0x1640]  }
0x66: {  	v16 =	vld [tilespmem:s22+$0x2A10]  }
0x67: {  	v17 =	vld [tilespmem:s22+$0x2A20]  }
0x68: {  	v8 =	vld [tilespmem:s22+$0x2A30];
	v2 =	vadd.f32 v4, v2;
	v18 =	vadd.f32 v6, v5  }
0x69: {  	v19 =	vadd.f32 v7, v1;
	v7 =	vld [tilespmem:s22+$0x2A40];
	v4 =	vadd.f32 v9, v3  }
0x6a: {  	v6 =	vld [tilespmem:s22+$0x2A50];
	v3 =	vadd.f32 v0, v10;
	v10 =	vadd.f32 v15, v2  }
0x6b: {  	s9 =	simm.s32 $0x80;
	v5 =	vld [tilespmem:s22+$0x2A60];
	v9 =	vadd.f32 v16, v18;
	v2 =	vadd.f32 v12, v11  }
0x6c: {  	s20 =	simm.s32 $0x400;
	v1 =	vld [tilespmem:s9+$0x270];
	v0 =	vadd.f32 v14, v13;
	v11 =	vmax.f32 v10, $0.0e+00;
	v10 =	vadd.f32 v17, v19  }
.LBB2_3:
0x6d: {  	p1 =	sne.s32 s20, $0x4E00;
	v12 =	vld [tilespmem:s9+$0x1670];
	[tilespmem:s22+$0x3E00] =	vst v11;
	v9 =	vmax.f32 v9, $0.0e+00;
	v4 =	vadd.f32 v8, v4  }
0x6e: {  	v8 =	vld [tilespmem:s9+$0x200];
	[tilespmem:s22+$0x3E10] =	vst v9;
	v9 =	vmax.f32 v10, $0.0e+00;
	v3 =	vadd.f32 v7, v3  }
0x6f: {  	v7 =	vld [tilespmem:s9+$0x2A70];
	[tilespmem:s22+$0x3E20] =	vst v9;
	v4 =	vmax.f32 v4, $0.0e+00;
	v2 =	vadd.f32 v6, v2  }
0x70: {  	v6 =	vld [tilespmem:s9+$0x1600];
	[tilespmem:s22+$0x3E30] =	vst v4;
	v3 =	vmax.f32 v3, $0.0e+00;
	v0 =	vadd.f32 v5, v0  }
0x71: {  	v4 =	vld [tilespmem:s9+$0x210];
	[tilespmem:s22+$0x3E40] =	vst v3;
	v2 =	vmax.f32 v2, $0.0e+00  }
0x72: {  	v3 =	vld [tilespmem:s9+$0x1610];
	v1 =	vadd.f32 v12, v1;
	[tilespmem:s22+$0x3E50] =	vst v2;
	v0 =	vmax.f32 v0, $0.0e+00  }
0x73: {  	v2 =	vld [tilespmem:s9+$0x220];
	[tilespmem:s22+$0x3E60] =	vst v0;
	s22 =	smov.u32 s9  }
0x74: {  	v0 =	vld [tilespmem:s22+$0x1620];
	v1 =	vadd.f32 v7, v1  }
0x75: {  	v5 =	vadd.f32 v6, v8;
	v6 =	vld [tilespmem:s22+$0x230]  }
0x76: {  	v7 =	vld [tilespmem:s22+$0x1630];
	v1 =	vmax.f32 v1, $0.0e+00  }
0x77: {  	v9 =	vadd.f32 v3, v4;
	v3 =	vld [tilespmem:s22+$0x240];
	[tilespmem:s22+$0x3E70] =	vst v1  }
0x78: {  	v1 =	vld [tilespmem:s22+$0x1640]  }
0x79: {  	v10 =	vadd.f32 v0, v2;
	v0 =	vld [tilespmem:s22+$0x250]  }
0x7a: {  	v2 =	vld [tilespmem:s22+$0x1650]  }
0x7b: {  	v4 =	vadd.f32 v7, v6;
	v6 =	vld [tilespmem:s22+$0x260]  }
0x7c: {  	v11 =	vld [tilespmem:s22+$0x1660]  }
0x7d: {  	v12 =	vld [tilespmem:s22+$0x2A00];
	v3 =	vadd.f32 v1, v3  }
0x7e: {  	v1 =	vld [tilespmem:s22+$0x2A10]  }
0x7f: {  	v13 =	vld [tilespmem:s22+$0x2A20];
	v2 =	vadd.f32 v2, v0  }
.Ltmp0:
0x80: {  	v8 =	vld [tilespmem:s22+$0x2A30];
	(pc) =	sbr.rel @p1 .LBB2_3-.Ltmp0, $4  }
0x81: {  	v7 =	vld [tilespmem:s22+$0x2A40];
	v0 =	vadd.f32 v11, v6  }
0x82: {  	v11 =	vadd.f32 v12, v5;
	v6 =	vld [tilespmem:s22+$0x2A50]  }
0x83: {  	s9 =	sshra.s32 s20, $0x2;
	v9 =	vadd.f32 v1, v9;
	v5 =	vld [tilespmem:s22+$0x2A60]  }
0x84: {  	s20 =	sadd.s32 $0x200, s20;
	v1 =	vld [tilespmem:s9+$0x270];
	v11 =	vmax.f32 v11, $0.0e+00;
	v10 =	vadd.f32 v13, v10  }
0x85: {  	v12 =	vld [tilespmem:s9+$0x1670];
	[tilespmem:s22+$0x3E00] =	vst v11;
	v9 =	vmax.f32 v9, $0.0e+00;
	v4 =	vadd.f32 v8, v4  }
0x86: {  	v11 =	vld [tilespmem:s9+$0x200];
	[tilespmem:s22+$0x3E10] =	vst v9;
	v8 =	vmax.f32 v10, $0.0e+00;
	v3 =	vadd.f32 v7, v3  }
0x87: {  	v9 =	vld [tilespmem:s9+$0x2A70];
	[tilespmem:s22+$0x3E20] =	vst v8;
	v4 =	vmax.f32 v4, $0.0e+00;
	v2 =	vadd.f32 v6, v2  }
0x88: {  	v7 =	vld [tilespmem:s9+$0x1600];
	[tilespmem:s22+$0x3E30] =	vst v4;
	v3 =	vmax.f32 v3, $0.0e+00;
	v0 =	vadd.f32 v5, v0  }
0x89: {  	v4 =	vld [tilespmem:s9+$0x210];
	[tilespmem:s22+$0x3E40] =	vst v3;
	v2 =	vmax.f32 v2, $0.0e+00  }
0x8a: {  	v3 =	vld [tilespmem:s9+$0x1610];
	[tilespmem:s22+$0x3E50] =	vst v2;
	v0 =	vmax.f32 v0, $0.0e+00  }
0x8b: {  	v2 =	vld [tilespmem:s9+$0x220];
	[tilespmem:s22+$0x3E60] =	vst v0  }
0x8c: {  	v0 =	vld [tilespmem:s9+$0x1620]  }
0x8d: {  	v5 =	vld [tilespmem:s9+$0x230]  }
0x8e: {  	v1 =	vadd.f32 v12, v1;
	v6 =	vld [tilespmem:s9+$0x1630]  }
0x8f: {  	v8 =	vld [tilespmem:s9+$0x240]  }
0x90: {  	v1 =	vadd.f32 v9, v1;
	v9 =	vld [tilespmem:s9+$0x250]  }
0x91: {  	v10 =	vld [tilespmem:s9+$0x1650]  }
0x92: {  	v58 =	vld [tilespmem:s9+$0x260]  }
0x93: {  	v13 =	vld [tilespmem:s9+$0x1660]  }
0x94: {  	v14 =	vld [tilespmem:s9+$0x2A00]  }
0x95: {  	v15 =	vld [tilespmem:s9+$0x2A10]  }
0x96: {  	v16 =	vld [tilespmem:s9+$0x2A20];
	v1 =	vmax.f32 v1, $0.0e+00  }
0x97: {  	[tilespmem:s9+$0x3E70] =	vst v1;
	v1 =	vld [tilespmem:s9+$0x1640]  }
0x98: {  	v7 =	vadd.f32 v7, v11;
	v11 =	vld [tilespmem:s9+$0x2A30]  }
0x99: {  	v3 =	vadd.f32 v3, v4;
	v4 =	vld [tilespmem:s9+$0x2A40]  }
0x9a: {  	v0 =	vadd.f32 v0, v2;
	v2 =	vadd.f32 v14, v7;
	v7 =	vld [tilespmem:s9+$0x2A50]  }
0x9b: {  	v5 =	vadd.f32 v6, v5;
	v3 =	vadd.f32 v15, v3;
	v6 =	vld [tilespmem:s9+$0x2A60]  }
0x9c: {  	v2 =	vmax.f32 v2, $0.0e+00;
	v0 =	vadd.f32 v16, v0;
	v1 =	vadd.f32 v1, v8  }
0x9d: {  	v8 =	vadd.f32 v10, v9;
	[tilespmem:s9+$0x3E00] =	vst v2;
	v2 =	vmax.f32 v3, $0.0e+00;
	v3 =	vadd.f32 v11, v5  }
0x9e: {  	v5 =	vadd.f32 v13, v58;
	[tilespmem:s9+$0x3E10] =	vst v2;
	v0 =	vmax.f32 v0, $0.0e+00;
	v1 =	vadd.f32 v4, v1  }
0x9f: {  	[tilespmem:s9+$0x3E20] =	vst v0;
	v0 =	vmax.f32 v3, $0.0e+00;
	v2 =	vadd.f32 v7, v8  }
0xa0: {  	[tilespmem:s9+$0x3E30] =	vst v0;
	v0 =	vmax.f32 v1, $0.0e+00;
	v1 =	vadd.f32 v6, v5  }
0xa1: {  	[tilespmem:s9+$0x3E40] =	vst v0;
	v0 =	vmax.f32 v2, $0.0e+00  }
0xa2: {  	[tilespmem:s9+$0x3E50] =	vst v0;
	v0 =	vmax.f32 v1, $0.0e+00  }
0xa3: {  	[tilespmem:s9+$0x3E60] =	vst v0;
	s9 =	simm.s32 $0x0  }
0xa4: {  	[spmem:s1] =	stream.indirect.scatter.add.f32 [tilespmem:s15], [sflag:$0x5], $0x80, s9, s28, $0xb8;
	[tilespmem:$0x1DA80] =	vst v63  }
0xa5: {  	_ =	swait.ge [sflag:s24], $0x1400  }
0xa6: {  	[sflag:s24] =	ssyncset.done $0x0  }
0xa7: {  	[sflag:s24] =	ssyncadd.s32 $0xFFFFEC00  }
0xa8: {  	[spmem:s1] =	stream.indirect.scatter.add.f32 [tilespmem:s15], [sflag:$0x5], $0x80, s25, s28, $0xb8;
	[tilespmem:$0x1DA80] =	vst v63  }
0xa9: {  	s20 =	sadd.s32 s21, s18;
	_ =	swait.ge [sflag:s24], $0x1400  }
0xaa: {  	s22 =	sshrl.u32 s20, $0x3;
	[sflag:s24] =	ssyncset.done $0x0  }
0xab: {  	s29 =	sadd.s32 s5, s22;
	[sflag:s24] =	ssyncadd.s32 $0xFFFFEC00  }
0xac: {  	[tilespmem:s9], [sflag:$0x3] =	stream.linear.gather [hbm4b:s29+s9], $0x28, $0x38;
	[tilespmem:$0x1DA80] =	vst v63  }
0xad: {  	s22 =	sadd.s32 s6, s22  }
0xae: {  	[tilespmem:s25], [sflag:$0x3] =	stream.linear.gather [hbm4b:s22+s9], $0x28, $0x38;
	[tilespmem:$0x1DA80] =	vst v63  }
0xaf: {  	_ =	swait.ge [sflag:s16], $0x1400  }
0xb0: {  	[sflag:s16] =	ssyncset.done $0x0  }
0xb1: {  	[sflag:s16] =	ssyncadd.s32 $0xFFFFEC00  }
0xb2: {  	_ =	swait.ge [sflag:s16], $0x1400  }
0xb3: {  	[sflag:s16] =	ssyncset.done $0x0  }
0xb4: {  	[sflag:s16] =	ssyncadd.s32 $0xFFFFEC00  }
0xb5: {  	_ =	swait.ge [sflag:s16], $0x1400  }
0xb6: {  	[sflag:s16] =	ssyncset.done $0x0  }
0xb7: {  	[sflag:s16] =	ssyncadd.s32 $0xFFFFEC00  }
0xb8: {  	_ =	swait.ge [sflag:s26], $0x28  }
0xb9: {  	[sflag:s26] =	ssyncset.done $0x0  }
0xba: {  	[sflag:s26] =	ssyncadd.s32 $0xFFFFFFD8  }
0xbb: {  	_ =	swait.ge [sflag:s26], $0x28  }
0xbc: {  	[sflag:s26] =	ssyncset.done $0x0  }
0xbd: {  	s29 =	simm.s32 $0x200;
	[sflag:s26] =	ssyncadd.s32 $0xFFFFFFD8  }
0xbe: {  	[tilespmem:s29], [sflag:$0x1] =	stream.indirect.gather [hbm4b:s3+s28], $0x80, s9, s28, $0xb8;
	[tilespmem:$0x1DA80] =	vst v63  }
0xbf: {  	s20 =	sshll.u32 s20, $0x4  }
0xc0: {  	[tilespmem:s30], [sflag:$0x1] =	stream.indirect.gather [hbm4b:s3+s28], $0x80, s25, s28, $0xb8;
	[tilespmem:$0x1DA80] =	vst v63  }
0xc1: {  	s20 =	sadd.s32 s4, s20;
	s22 =	simm.s32 $0x0  }
0xc2: {  	[tilespmem:s31], [sflag:$0x1] =	stream.linear.gather [hbm4b:s20+s9], $0x1400, $0x38;
	[tilespmem:$0x1DA80] =	vst v63  }
0xc3: {  	v0 =	vld [tilespmem:s22+$0x5270]  }
0xc4: {  	v1 =	vld [tilespmem:s22+$0x6670]  }
0xc5: {  	v2 =	vld [tilespmem:s22+$0x5200]  }
0xc6: {  	v3 =	vld [tilespmem:s22+$0x7A70]  }
0xc7: {  	v4 =	vld [tilespmem:s22+$0x6600]  }
0xc8: {  	v5 =	vld [tilespmem:s22+$0x5210]  }
0xc9: {  	v6 =	vld [tilespmem:s22+$0x6610]  }
0xca: {  	v7 =	vld [tilespmem:s22+$0x6620]  }
0xcb: {  	v9 =	vld [tilespmem:s22+$0x6630]  }
0xcc: {  	v10 =	vld [tilespmem:s22+$0x5240]  }
0xcd: {  	v11 =	vld [tilespmem:s22+$0x5250]  }
0xce: {  	v59 =	vld [tilespmem:s22+$0x6650]  }
0xcf: {  	v60 =	vld [tilespmem:s22+$0x5260];
	v0 =	vadd.f32 v1, v0  }
0xd0: {  	v61 =	vld [tilespmem:s22+$0x6660]  }
0xd1: {  	v62 =	vld [tilespmem:s22+$0x7A00];
	v0 =	vadd.f32 v3, v0  }
0xd2: {  	v1 =	vld [tilespmem:s22+$0x5220]  }
0xd3: {  	v3 =	vld [tilespmem:s22+$0x5230];
	v0 =	vmax.f32 v0, $0.0e+00  }
0xd4: {  	[tilespmem:s22+$0x8E70] =	vst v0;
	v0 =	vld [tilespmem:s22+$0x6640]  }
0xd5: {  	v63 =	vld [tilespmem:s22+$0x7A10]  }
0xd6: {  	v17 =	vld [tilespmem:s22+$0x7A20]  }
0xd7: {  	v8 =	vld [tilespmem:s22+$0x7A30];
	v2 =	vadd.f32 v4, v2;
	v18 =	vadd.f32 v6, v5  }
0xd8: {  	v19 =	vadd.f32 v7, v1;
	v7 =	vld [tilespmem:s22+$0x7A40];
	v4 =	vadd.f32 v9, v3  }
0xd9: {  	v6 =	vld [tilespmem:s22+$0x7A50];
	v3 =	vadd.f32 v0, v10;
	v10 =	vadd.f32 v62, v2  }
0xda: {  	s9 =	simm.s32 $0x80;
	v5 =	vld [tilespmem:s22+$0x7A60];
	v9 =	vadd.f32 v63, v18;
	v2 =	vadd.f32 v59, v11  }
0xdb: {  	s20 =	simm.s32 $0x400;
	v1 =	vld [tilespmem:s9+$0x5270];
	v0 =	vadd.f32 v61, v60;
	v11 =	vmax.f32 v10, $0.0e+00;
	v10 =	vadd.f32 v17, v19  }
.LBB2_5:
0xdc: {  	p1 =	sne.s32 s20, $0x4E00;
	v12 =	vld [tilespmem:s9+$0x6670];
	[tilespmem:s22+$0x8E00] =	vst v11;
	v9 =	vmax.f32 v9, $0.0e+00;
	v4 =	vadd.f32 v8, v4  }
0xdd: {  	v8 =	vld [tilespmem:s9+$0x5200];
	[tilespmem:s22+$0x8E10] =	vst v9;
	v9 =	vmax.f32 v10, $0.0e+00;
	v3 =	vadd.f32 v7, v3  }
0xde: {  	v7 =	vld [tilespmem:s9+$0x7A70];
	[tilespmem:s22+$0x8E20] =	vst v9;
	v4 =	vmax.f32 v4, $0.0e+00;
	v2 =	vadd.f32 v6, v2  }
0xdf: {  	v6 =	vld [tilespmem:s9+$0x6600];
	[tilespmem:s22+$0x8E30] =	vst v4;
	v3 =	vmax.f32 v3, $0.0e+00;
	v0 =	vadd.f32 v5, v0  }
0xe0: {  	v4 =	vld [tilespmem:s9+$0x5210];
	[tilespmem:s22+$0x8E40] =	vst v3;
	v2 =	vmax.f32 v2, $0.0e+00  }
0xe1: {  	v3 =	vld [tilespmem:s9+$0x6610];
	v1 =	vadd.f32 v12, v1;
	[tilespmem:s22+$0x8E50] =	vst v2;
	v0 =	vmax.f32 v0, $0.0e+00  }
0xe2: {  	v2 =	vld [tilespmem:s9+$0x5220];
	[tilespmem:s22+$0x8E60] =	vst v0;
	s22 =	smov.u32 s9  }
0xe3: {  	v0 =	vld [tilespmem:s22+$0x6620];
	v1 =	vadd.f32 v7, v1  }
0xe4: {  	v5 =	vadd.f32 v6, v8;
	v6 =	vld [tilespmem:s22+$0x5230]  }
0xe5: {  	v7 =	vld [tilespmem:s22+$0x6630];
	v1 =	vmax.f32 v1, $0.0e+00  }
0xe6: {  	v9 =	vadd.f32 v3, v4;
	v3 =	vld [tilespmem:s22+$0x5240];
	[tilespmem:s22+$0x8E70] =	vst v1  }
0xe7: {  	v1 =	vld [tilespmem:s22+$0x6640]  }
0xe8: {  	v10 =	vadd.f32 v0, v2;
	v0 =	vld [tilespmem:s22+$0x5250]  }
0xe9: {  	v2 =	vld [tilespmem:s22+$0x6650]  }
0xea: {  	v4 =	vadd.f32 v7, v6;
	v6 =	vld [tilespmem:s22+$0x5260]  }
0xeb: {  	v11 =	vld [tilespmem:s22+$0x6660]  }
0xec: {  	v12 =	vld [tilespmem:s22+$0x7A00];
	v3 =	vadd.f32 v1, v3  }
0xed: {  	v1 =	vld [tilespmem:s22+$0x7A10]  }
0xee: {  	v13 =	vld [tilespmem:s22+$0x7A20];
	v2 =	vadd.f32 v2, v0  }
.Ltmp1:
0xef: {  	v8 =	vld [tilespmem:s22+$0x7A30];
	(pc) =	sbr.rel @p1 .LBB2_5-.Ltmp1, $4  }
0xf0: {  	v7 =	vld [tilespmem:s22+$0x7A40];
	v0 =	vadd.f32 v11, v6  }
0xf1: {  	v11 =	vadd.f32 v12, v5;
	v6 =	vld [tilespmem:s22+$0x7A50]  }
0xf2: {  	s9 =	sshra.s32 s20, $0x2;
	v9 =	vadd.f32 v1, v9;
	v5 =	vld [tilespmem:s22+$0x7A60]  }
0xf3: {  	s20 =	sadd.s32 $0x200, s20;
	v1 =	vld [tilespmem:s9+$0x5270];
	v11 =	vmax.f32 v11, $0.0e+00;
	v10 =	vadd.f32 v13, v10  }
0xf4: {  	v12 =	vld [tilespmem:s9+$0x6670];
	[tilespmem:s22+$0x8E00] =	vst v11;
	v9 =	vmax.f32 v9, $0.0e+00;
	v4 =	vadd.f32 v8, v4  }
0xf5: {  	v11 =	vld [tilespmem:s9+$0x5200];
	[tilespmem:s22+$0x8E10] =	vst v9;
	v41 =	vmax.f32 v10, $0.0e+00;
	v3 =	vadd.f32 v7, v3  }
0xf6: {  	v9 =	vld [tilespmem:s9+$0x7A70];
	[tilespmem:s22+$0x8E20] =	vst v41;
	v4 =	vmax.f32 v4, $0.0e+00;
	v2 =	vadd.f32 v6, v2  }
0xf7: {  	v42 =	vld [tilespmem:s9+$0x6600];
	[tilespmem:s22+$0x8E30] =	vst v4;
	v3 =	vmax.f32 v3, $0.0e+00;
	v0 =	vadd.f32 v5, v0  }
0xf8: {  	v4 =	vld [tilespmem:s9+$0x5210];
	[tilespmem:s22+$0x8E40] =	vst v3;
	v2 =	vmax.f32 v2, $0.0e+00  }
0xf9: {  	v3 =	vld [tilespmem:s9+$0x6610];
	[tilespmem:s22+$0x8E50] =	vst v2;
	v0 =	vmax.f32 v0, $0.0e+00  }
0xfa: {  	v2 =	vld [tilespmem:s9+$0x5220];
	[tilespmem:s22+$0x8E60] =	vst v0  }
0xfb: {  	v0 =	vld [tilespmem:s9+$0x6620]  }
0xfc: {  	v43 =	vld [tilespmem:s9+$0x5230]  }
0xfd: {  	v44 =	vld [tilespmem:s9+$0x6630]  }
0xfe: {  	v8 =	vld [tilespmem:s9+$0x5240]  }
0xff: {  	v45 =	vld [tilespmem:s9+$0x6640]  }
0x100: {  	v46 =	vld [tilespmem:s9+$0x5250]  }
0x101: {  	v47 =	vld [tilespmem:s9+$0x6650]  }
0x102: {  	v48 =	vld [tilespmem:s9+$0x5260]  }
0x103: {  	v13 =	vld [tilespmem:s9+$0x6660]  }
0x104: {  	v14 =	vld [tilespmem:s9+$0x7A00]  }
0x105: {  	v15 =	vld [tilespmem:s9+$0x7A10]  }
0x106: {  	v1 =	vadd.f32 v12, v1;
	v16 =	vld [tilespmem:s9+$0x7A20]  }
0x107: {  	v49 =	vld [tilespmem:s9+$0x7A30];
	v7 =	vadd.f32 v42, v11  }
0x108: {  	v1 =	vadd.f32 v9, v1;
	v50 =	vld [tilespmem:s9+$0x7A40];
	v3 =	vadd.f32 v3, v4  }
0x109: {  	v52 =	vld [tilespmem:s9+$0x7A50];
	v0 =	vadd.f32 v0, v2;
	v51 =	vadd.f32 v14, v7  }
0x10a: {  	v53 =	vld [tilespmem:s9+$0x7A60];
	v1 =	vmax.f32 v1, $0.0e+00;
	v5 =	vadd.f32 v44, v43;
	v3 =	vadd.f32 v15, v3  }
0x10b: {  	[tilespmem:s9+$0x8E70] =	vst v1;
	v1 =	vadd.f32 v45, v8;
	v0 =	vadd.f32 v16, v0;
	v2 =	vmax.f32 v51, $0.0e+00  }
0x10c: {  	v54 =	vadd.f32 v47, v46;
	v55 =	vmax.f32 v3, $0.0e+00;
	v56 =	vadd.f32 v49, v5;
	[tilespmem:s9+$0x8E00] =	vst v2  }
0x10d: {  	v57 =	vadd.f32 v13, v48;
	v1 =	vadd.f32 v50, v1;
	[tilespmem:s9+$0x8E10] =	vst v55;
	v0 =	vmax.f32 v0, $0.0e+00  }
0x10e: {  	v59 =	vadd.f32 v52, v54;
	v58 =	vmax.f32 v56, $0.0e+00;
	[tilespmem:s9+$0x8E20] =	vst v0  }
0x10f: {  	v61 =	vadd.f32 v53, v57;
	v60 =	vmax.f32 v1, $0.0e+00;
	[tilespmem:s9+$0x8E30] =	vst v58  }
0x110: {  	v62 =	vmax.f32 v59, $0.0e+00;
	[tilespmem:s9+$0x8E40] =	vst v60  }
0x111: {  	v63 =	vmax.f32 v61, $0.0e+00;
	[tilespmem:s9+$0x8E50] =	vst v62  }
0x112: {  	[tilespmem:s9+$0x8E60] =	vst v63  }
0x113: {  	[spmem:s1] =	stream.indirect.scatter.add.f32 [tilespmem:s17], [sflag:$0x5], $0x80, s0, s28, $0xb8;
	[tilespmem:$0x1DA80] =	vst v63  }
0x114: {  	_ =	swait.ge [sflag:s24], $0x1400  }
0x115: {  	[sflag:s24] =	ssyncset.done $0x0  }
0x116: {  	s23 =	sadd.s32 $0x1, s23;
	[sflag:s24] =	ssyncadd.s32 $0xFFFFEC00  }
0x117: {  	[spmem:s1] =	stream.indirect.scatter.add.f32 [tilespmem:s17], [sflag:$0x5], $0x80, s7, s28, $0xb8;
	[tilespmem:$0x1DA80] =	vst v63  }
0x118: {  	s29 =	sadd.s32 s21, s19;
	p1 =	sne.s32 s23, $0x7C;
	_ =	swait.ge [sflag:s24], $0x1400  }
.Ltmp2:
0x119: {  	s9 =	sshrl.u32 s29, $0x3;
	[sflag:s24] =	ssyncset.done $0x0;
	(pc) =	sbr.rel @p1 .LBB2_2-.Ltmp2, $4  }
0x11a: {  	s20 =	sadd.s32 s5, s9;
	[sflag:s24] =	ssyncadd.s32 $0xFFFFEC00  }
0x11b: {  	[tilespmem:s0], [sflag:$0x4] =	stream.linear.gather [hbm4b:s20+s2], $0x28, $0x38;
	[tilespmem:$0x1DA80] =	vst v63  }
0x11c: {  	s9 =	sadd.s32 s6, s9  }
0x11d: {  	[tilespmem:s7], [sflag:$0x4] =	stream.linear.gather [hbm4b:s9+s2], $0x28, $0x38;
	[tilespmem:$0x1DA80] =	vst v63  }
0x11e: {  	_ =	swait.ge [sflag:s8], $0x1400  }
0x11f: {  	[sflag:s8] =	ssyncset.done $0x0  }
0x120: {  	[sflag:s8] =	ssyncadd.s32 $0xFFFFEC00  }
0x121: {  	_ =	swait.ge [sflag:s8], $0x1400  }
0x122: {  	[sflag:s8] =	ssyncset.done $0x0  }
0x123: {  	[sflag:s8] =	ssyncadd.s32 $0xFFFFEC00  }
0x124: {  	_ =	swait.ge [sflag:s8], $0x1400  }
0x125: {  	[sflag:s8] =	ssyncset.done $0x0  }
0x126: {  	[sflag:s8] =	ssyncadd.s32 $0xFFFFEC00  }
0x127: {  	_ =	swait.ge [sflag:s10], $0x28  }
0x128: {  	[sflag:s10] =	ssyncset.done $0x0  }
0x129: {  	[sflag:s10] =	ssyncadd.s32 $0xFFFFFFD8  }
0x12a: {  	_ =	swait.ge [sflag:s10], $0x28  }
0x12b: {  	[sflag:s10] =	ssyncset.done $0x0  }
0x12c: {  	[sflag:s10] =	ssyncadd.s32 $0xFFFFFFD8  }
0x12d: {  	[tilespmem:s11], [sflag:$0x2] =	stream.indirect.gather [hbm4b:s3+s28], $0x80, s0, s28, $0xb8;
	[tilespmem:$0x1DA80] =	vst v63  }
0x12e: {  	_ = 	snop  }
0x12f: {  	[tilespmem:s12], [sflag:$0x2] =	stream.indirect.gather [hbm4b:s3+s28], $0x80, s7, s28, $0xb8;
	[tilespmem:$0x1DA80] =	vst v63  }
0x130: {  	s9 =	simm.s32 $0x0;
	s21 =	simm.s32 $0x0;
	s20 =	rddreg [dreg:$0xd]  }
0x131: {  	[tilespmem:s13], [sflag:$0x2] =	stream.linear.gather [hbm4b:s20+s9], $0x1400, $0x38;
	[tilespmem:$0x1DA80] =	vst v63  }
0x132: {  	v0 =	vld [tilespmem:s21+$0x270]  }
0x133: {  	v1 =	vld [tilespmem:s21+$0x1670]  }
0x134: {  	v2 =	vld [tilespmem:s21+$0x200]  }
0x135: {  	v3 =	vld [tilespmem:s21+$0x2A70]  }
0x136: {  	v4 =	vld [tilespmem:s21+$0x1600]  }
0x137: {  	v5 =	vld [tilespmem:s21+$0x210]  }
0x138: {  	v6 =	vld [tilespmem:s21+$0x1610]  }
0x139: {  	v7 =	vld [tilespmem:s21+$0x1620]  }
0x13a: {  	v9 =	vld [tilespmem:s21+$0x1630]  }
0x13b: {  	v10 =	vld [tilespmem:s21+$0x240]  }
0x13c: {  	v11 =	vld [tilespmem:s21+$0x250]  }
0x13d: {  	v12 =	vld [tilespmem:s21+$0x1650]  }
0x13e: {  	v13 =	vld [tilespmem:s21+$0x260];
	v0 =	vadd.f32 v1, v0  }
0x13f: {  	v14 =	vld [tilespmem:s21+$0x1660]  }
0x140: {  	v15 =	vld [tilespmem:s21+$0x2A00];
	v0 =	vadd.f32 v3, v0  }
0x141: {  	v1 =	vld [tilespmem:s21+$0x220]  }
0x142: {  	v3 =	vld [tilespmem:s21+$0x230];
	v0 =	vmax.f32 v0, $0.0e+00  }
0x143: {  	[tilespmem:s21+$0x3E70] =	vst v0;
	v0 =	vld [tilespmem:s21+$0x1640]  }
0x144: {  	v16 =	vld [tilespmem:s21+$0x2A10]  }
0x145: {  	v17 =	vld [tilespmem:s21+$0x2A20]  }
0x146: {  	v8 =	vld [tilespmem:s21+$0x2A30];
	v2 =	vadd.f32 v4, v2;
	v18 =	vadd.f32 v6, v5  }
0x147: {  	v19 =	vadd.f32 v7, v1;
	v7 =	vld [tilespmem:s21+$0x2A40];
	v4 =	vadd.f32 v9, v3  }
0x148: {  	v6 =	vld [tilespmem:s21+$0x2A50];
	v3 =	vadd.f32 v0, v10;
	v10 =	vadd.f32 v15, v2  }
0x149: {  	s9 =	simm.s32 $0x80;
	v5 =	vld [tilespmem:s21+$0x2A60];
	v9 =	vadd.f32 v16, v18;
	v2 =	vadd.f32 v12, v11  }
0x14a: {  	s20 =	simm.s32 $0x400;
	v1 =	vld [tilespmem:s9+$0x270];
	v0 =	vadd.f32 v14, v13;
	v11 =	vmax.f32 v10, $0.0e+00;
	v10 =	vadd.f32 v17, v19  }
.LBB2_8:
0x14b: {  	p1 =	sne.s32 s20, $0x4E00;
	v12 =	vld [tilespmem:s9+$0x1670];
	[tilespmem:s21+$0x3E00] =	vst v11;
	v9 =	vmax.f32 v9, $0.0e+00;
	v4 =	vadd.f32 v8, v4  }
0x14c: {  	v8 =	vld [tilespmem:s9+$0x200];
	[tilespmem:s21+$0x3E10] =	vst v9;
	v9 =	vmax.f32 v10, $0.0e+00;
	v3 =	vadd.f32 v7, v3  }
0x14d: {  	v7 =	vld [tilespmem:s9+$0x2A70];
	[tilespmem:s21+$0x3E20] =	vst v9;
	v4 =	vmax.f32 v4, $0.0e+00;
	v2 =	vadd.f32 v6, v2  }
0x14e: {  	v6 =	vld [tilespmem:s9+$0x1600];
	[tilespmem:s21+$0x3E30] =	vst v4;
	v3 =	vmax.f32 v3, $0.0e+00;
	v0 =	vadd.f32 v5, v0  }
0x14f: {  	v4 =	vld [tilespmem:s9+$0x210];
	[tilespmem:s21+$0x3E40] =	vst v3;
	v2 =	vmax.f32 v2, $0.0e+00  }
0x150: {  	v3 =	vld [tilespmem:s9+$0x1610];
	v1 =	vadd.f32 v12, v1;
	[tilespmem:s21+$0x3E50] =	vst v2;
	v0 =	vmax.f32 v0, $0.0e+00  }
0x151: {  	v2 =	vld [tilespmem:s9+$0x220];
	[tilespmem:s21+$0x3E60] =	vst v0;
	s21 =	smov.u32 s9  }
0x152: {  	v0 =	vld [tilespmem:s21+$0x1620];
	v1 =	vadd.f32 v7, v1  }
0x153: {  	v5 =	vadd.f32 v6, v8;
	v6 =	vld [tilespmem:s21+$0x230]  }
0x154: {  	v7 =	vld [tilespmem:s21+$0x1630];
	v1 =	vmax.f32 v1, $0.0e+00  }
0x155: {  	v9 =	vadd.f32 v3, v4;
	v3 =	vld [tilespmem:s21+$0x240];
	[tilespmem:s21+$0x3E70] =	vst v1  }
0x156: {  	v1 =	vld [tilespmem:s21+$0x1640]  }
0x157: {  	v10 =	vadd.f32 v0, v2;
	v0 =	vld [tilespmem:s21+$0x250]  }
0x158: {  	v2 =	vld [tilespmem:s21+$0x1650]  }
0x159: {  	v4 =	vadd.f32 v7, v6;
	v6 =	vld [tilespmem:s21+$0x260]  }
0x15a: {  	v11 =	vld [tilespmem:s21+$0x1660]  }
0x15b: {  	v12 =	vld [tilespmem:s21+$0x2A00];
	v3 =	vadd.f32 v1, v3  }
0x15c: {  	v1 =	vld [tilespmem:s21+$0x2A10]  }
0x15d: {  	v13 =	vld [tilespmem:s21+$0x2A20];
	v2 =	vadd.f32 v2, v0  }
.Ltmp3:
0x15e: {  	v8 =	vld [tilespmem:s21+$0x2A30];
	(pc) =	sbr.rel @p1 .LBB2_8-.Ltmp3, $4  }
0x15f: {  	v7 =	vld [tilespmem:s21+$0x2A40];
	v0 =	vadd.f32 v11, v6  }
0x160: {  	v11 =	vadd.f32 v12, v5;
	v6 =	vld [tilespmem:s21+$0x2A50]  }
0x161: {  	s9 =	sshra.s32 s20, $0x2;
	v9 =	vadd.f32 v1, v9;
	v5 =	vld [tilespmem:s21+$0x2A60]  }
0x162: {  	s20 =	sadd.s32 $0x200, s20;
	v1 =	vld [tilespmem:s9+$0x270];
	v11 =	vmax.f32 v11, $0.0e+00;
	v10 =	vadd.f32 v13, v10  }
0x163: {  	v12 =	vld [tilespmem:s9+$0x1670];
	[tilespmem:s21+$0x3E00] =	vst v11;
	v9 =	vmax.f32 v9, $0.0e+00;
	v4 =	vadd.f32 v8, v4  }
0x164: {  	v11 =	vld [tilespmem:s9+$0x200];
	[tilespmem:s21+$0x3E10] =	vst v9;
	v8 =	vmax.f32 v10, $0.0e+00;
	v3 =	vadd.f32 v7, v3  }
0x165: {  	v9 =	vld [tilespmem:s9+$0x2A70];
	[tilespmem:s21+$0x3E20] =	vst v8;
	v4 =	vmax.f32 v4, $0.0e+00;
	v2 =	vadd.f32 v6, v2  }
0x166: {  	v7 =	vld [tilespmem:s9+$0x1600];
	[tilespmem:s21+$0x3E30] =	vst v4;
	v3 =	vmax.f32 v3, $0.0e+00;
	v0 =	vadd.f32 v5, v0  }
0x167: {  	v4 =	vld [tilespmem:s9+$0x210];
	[tilespmem:s21+$0x3E40] =	vst v3;
	v2 =	vmax.f32 v2, $0.0e+00  }
0x168: {  	v3 =	vld [tilespmem:s9+$0x1610];
	[tilespmem:s21+$0x3E50] =	vst v2;
	v0 =	vmax.f32 v0, $0.0e+00  }
0x169: {  	v2 =	vld [tilespmem:s9+$0x220];
	[tilespmem:s21+$0x3E60] =	vst v0  }
0x16a: {  	v0 =	vld [tilespmem:s9+$0x1620]  }
0x16b: {  	v5 =	vld [tilespmem:s9+$0x230]  }
0x16c: {  	v1 =	vadd.f32 v12, v1;
	v6 =	vld [tilespmem:s9+$0x1630]  }
0x16d: {  	v8 =	vld [tilespmem:s9+$0x240]  }
0x16e: {  	v1 =	vadd.f32 v9, v1;
	v9 =	vld [tilespmem:s9+$0x250]  }
0x16f: {  	v10 =	vld [tilespmem:s9+$0x1650]  }
0x170: {  	v58 =	vld [tilespmem:s9+$0x260]  }
0x171: {  	v13 =	vld [tilespmem:s9+$0x1660]  }
0x172: {  	v14 =	vld [tilespmem:s9+$0x2A00]  }
0x173: {  	v15 =	vld [tilespmem:s9+$0x2A10]  }
0x174: {  	v16 =	vld [tilespmem:s9+$0x2A20];
	v1 =	vmax.f32 v1, $0.0e+00  }
0x175: {  	[tilespmem:s9+$0x3E70] =	vst v1;
	v1 =	vld [tilespmem:s9+$0x1640]  }
0x176: {  	v7 =	vadd.f32 v7, v11;
	v11 =	vld [tilespmem:s9+$0x2A30]  }
0x177: {  	v3 =	vadd.f32 v3, v4;
	v4 =	vld [tilespmem:s9+$0x2A40]  }
0x178: {  	v0 =	vadd.f32 v0, v2;
	v2 =	vadd.f32 v14, v7;
	v7 =	vld [tilespmem:s9+$0x2A50]  }
0x179: {  	v5 =	vadd.f32 v6, v5;
	v3 =	vadd.f32 v15, v3;
	v6 =	vld [tilespmem:s9+$0x2A60]  }
0x17a: {  	v2 =	vmax.f32 v2, $0.0e+00;
	v0 =	vadd.f32 v16, v0;
	v1 =	vadd.f32 v1, v8  }
0x17b: {  	v8 =	vadd.f32 v10, v9;
	[tilespmem:s9+$0x3E00] =	vst v2;
	v2 =	vmax.f32 v3, $0.0e+00;
	v3 =	vadd.f32 v11, v5  }
0x17c: {  	v5 =	vadd.f32 v13, v58;
	[tilespmem:s9+$0x3E10] =	vst v2;
	v0 =	vmax.f32 v0, $0.0e+00;
	v1 =	vadd.f32 v4, v1  }
0x17d: {  	[tilespmem:s9+$0x3E20] =	vst v0;
	v0 =	vmax.f32 v3, $0.0e+00;
	v2 =	vadd.f32 v7, v8  }
0x17e: {  	[tilespmem:s9+$0x3E30] =	vst v0;
	v0 =	vmax.f32 v1, $0.0e+00;
	v1 =	vadd.f32 v6, v5  }
0x17f: {  	[tilespmem:s9+$0x3E40] =	vst v0;
	v0 =	vmax.f32 v2, $0.0e+00  }
0x180: {  	[tilespmem:s9+$0x3E50] =	vst v0;
	v0 =	vmax.f32 v1, $0.0e+00  }
0x181: {  	s29 =	simm.s32 $0x0;
	[tilespmem:s9+$0x3E60] =	vst v0  }
0x182: {  	[spmem:s1] =	stream.indirect.scatter.add.f32 [tilespmem:s15], [sflag:$0x5], $0x80, s29, s28, $0xb8;
	[tilespmem:$0x1DA80] =	vst v63  }
0x183: {  	_ =	swait.ge [sflag:s24], $0x1400  }
0x184: {  	[sflag:s24] =	ssyncset.done $0x0  }
0x185: {  	[sflag:s24] =	ssyncadd.s32 $0xFFFFEC00  }
0x186: {  	[spmem:s1] =	stream.indirect.scatter.add.f32 [tilespmem:s15], [sflag:$0x5], $0x80, s25, s28, $0xb8;
	[tilespmem:$0x1DA80] =	vst v63  }
0x187: {  	_ =	swait.ge [sflag:s24], $0x1400  }
0x188: {  	[sflag:s24] =	ssyncset.done $0x0  }
0x189: {  	[sflag:s24] =	ssyncadd.s32 $0xFFFFEC00  }
0x18a: {  	_ =	swait.ge [sflag:s16], $0x1400  }
0x18b: {  	[sflag:s16] =	ssyncset.done $0x0  }
0x18c: {  	[sflag:s16] =	ssyncadd.s32 $0xFFFFEC00  }
0x18d: {  	_ =	swait.ge [sflag:s16], $0x1400  }
0x18e: {  	[sflag:s16] =	ssyncset.done $0x0  }
0x18f: {  	[sflag:s16] =	ssyncadd.s32 $0xFFFFEC00  }
0x190: {  	_ =	swait.ge [sflag:s16], $0x1400  }
0x191: {  	[sflag:s16] =	ssyncset.done $0x0  }
0x192: {  	s21 =	simm.s32 $0x0;
	[sflag:s16] =	ssyncadd.s32 $0xFFFFEC00  }
0x193: {  	v0 =	vld [tilespmem:s21+$0x5270]  }
0x194: {  	v1 =	vld [tilespmem:s21+$0x6670]  }
0x195: {  	v2 =	vld [tilespmem:s21+$0x5200]  }
0x196: {  	v3 =	vld [tilespmem:s21+$0x7A70]  }
0x197: {  	v4 =	vld [tilespmem:s21+$0x6600]  }
0x198: {  	v5 =	vld [tilespmem:s21+$0x5210]  }
0x199: {  	v6 =	vld [tilespmem:s21+$0x6610]  }
0x19a: {  	v7 =	vld [tilespmem:s21+$0x6620]  }
0x19b: {  	v9 =	vld [tilespmem:s21+$0x6630]  }
0x19c: {  	v10 =	vld [tilespmem:s21+$0x5240]  }
0x19d: {  	v11 =	vld [tilespmem:s21+$0x5250]  }
0x19e: {  	v59 =	vld [tilespmem:s21+$0x6650]  }
0x19f: {  	v60 =	vld [tilespmem:s21+$0x5260];
	v0 =	vadd.f32 v1, v0  }
0x1a0: {  	v61 =	vld [tilespmem:s21+$0x6660]  }
0x1a1: {  	v62 =	vld [tilespmem:s21+$0x7A00];
	v0 =	vadd.f32 v3, v0  }
0x1a2: {  	v1 =	vld [tilespmem:s21+$0x5220]  }
0x1a3: {  	v3 =	vld [tilespmem:s21+$0x5230];
	v0 =	vmax.f32 v0, $0.0e+00  }
0x1a4: {  	[tilespmem:s21+$0x8E70] =	vst v0;
	v0 =	vld [tilespmem:s21+$0x6640]  }
0x1a5: {  	v63 =	vld [tilespmem:s21+$0x7A10]  }
0x1a6: {  	v17 =	vld [tilespmem:s21+$0x7A20]  }
0x1a7: {  	v8 =	vld [tilespmem:s21+$0x7A30];
	v2 =	vadd.f32 v4, v2;
	v18 =	vadd.f32 v6, v5  }
0x1a8: {  	v19 =	vadd.f32 v7, v1;
	v7 =	vld [tilespmem:s21+$0x7A40];
	v4 =	vadd.f32 v9, v3  }
0x1a9: {  	v6 =	vld [tilespmem:s21+$0x7A50];
	v3 =	vadd.f32 v0, v10;
	v10 =	vadd.f32 v62, v2  }
0x1aa: {  	s9 =	simm.s32 $0x80;
	v5 =	vld [tilespmem:s21+$0x7A60];
	v9 =	vadd.f32 v63, v18;
	v2 =	vadd.f32 v59, v11  }
0x1ab: {  	s20 =	simm.s32 $0x400;
	s22 =	rddreg [dreg:$0x11];
	v1 =	vld [tilespmem:s9+$0x5270];
	v0 =	vadd.f32 v61, v60;
	v11 =	vmax.f32 v10, $0.0e+00;
	v10 =	vadd.f32 v17, v19  }
.LBB2_10:
0x1ac: {  	p1 =	sne.s32 s20, $0x4E00;
	v12 =	vld [tilespmem:s9+$0x6670];
	[tilespmem:s21+$0x8E00] =	vst v11;
	v9 =	vmax.f32 v9, $0.0e+00;
	v4 =	vadd.f32 v8, v4  }
0x1ad: {  	v8 =	vld [tilespmem:s9+$0x5200];
	[tilespmem:s21+$0x8E10] =	vst v9;
	v9 =	vmax.f32 v10, $0.0e+00;
	v3 =	vadd.f32 v7, v3  }
0x1ae: {  	v7 =	vld [tilespmem:s9+$0x7A70];
	[tilespmem:s21+$0x8E20] =	vst v9;
	v4 =	vmax.f32 v4, $0.0e+00;
	v2 =	vadd.f32 v6, v2  }
0x1af: {  	v6 =	vld [tilespmem:s9+$0x6600];
	[tilespmem:s21+$0x8E30] =	vst v4;
	v3 =	vmax.f32 v3, $0.0e+00;
	v0 =	vadd.f32 v5, v0  }
0x1b0: {  	v4 =	vld [tilespmem:s9+$0x5210];
	[tilespmem:s21+$0x8E40] =	vst v3;
	v2 =	vmax.f32 v2, $0.0e+00  }
0x1b1: {  	v3 =	vld [tilespmem:s9+$0x6610];
	v1 =	vadd.f32 v12, v1;
	[tilespmem:s21+$0x8E50] =	vst v2;
	v0 =	vmax.f32 v0, $0.0e+00  }
0x1b2: {  	v2 =	vld [tilespmem:s9+$0x5220];
	[tilespmem:s21+$0x8E60] =	vst v0;
	s21 =	smov.u32 s9  }
0x1b3: {  	v0 =	vld [tilespmem:s21+$0x6620];
	v1 =	vadd.f32 v7, v1  }
0x1b4: {  	v5 =	vadd.f32 v6, v8;
	v6 =	vld [tilespmem:s21+$0x5230]  }
0x1b5: {  	v7 =	vld [tilespmem:s21+$0x6630];
	v1 =	vmax.f32 v1, $0.0e+00  }
0x1b6: {  	v9 =	vadd.f32 v3, v4;
	v3 =	vld [tilespmem:s21+$0x5240];
	[tilespmem:s21+$0x8E70] =	vst v1  }
0x1b7: {  	v1 =	vld [tilespmem:s21+$0x6640]  }
0x1b8: {  	v10 =	vadd.f32 v0, v2;
	v0 =	vld [tilespmem:s21+$0x5250]  }
0x1b9: {  	v2 =	vld [tilespmem:s21+$0x6650]  }
0x1ba: {  	v4 =	vadd.f32 v7, v6;
	v6 =	vld [tilespmem:s21+$0x5260]  }
0x1bb: {  	v11 =	vld [tilespmem:s21+$0x6660]  }
0x1bc: {  	v12 =	vld [tilespmem:s21+$0x7A00];
	v3 =	vadd.f32 v1, v3  }
0x1bd: {  	v1 =	vld [tilespmem:s21+$0x7A10]  }
0x1be: {  	v13 =	vld [tilespmem:s21+$0x7A20];
	v2 =	vadd.f32 v2, v0  }
.Ltmp4:
0x1bf: {  	v8 =	vld [tilespmem:s21+$0x7A30];
	(pc) =	sbr.rel @p1 .LBB2_10-.Ltmp4, $4  }
0x1c0: {  	v7 =	vld [tilespmem:s21+$0x7A40];
	v0 =	vadd.f32 v11, v6  }
0x1c1: {  	v11 =	vadd.f32 v12, v5;
	v6 =	vld [tilespmem:s21+$0x7A50]  }
0x1c2: {  	s9 =	sshra.s32 s20, $0x2;
	v9 =	vadd.f32 v1, v9;
	v5 =	vld [tilespmem:s21+$0x7A60]  }
0x1c3: {  	s20 =	sadd.s32 $0x200, s20;
	v1 =	vld [tilespmem:s9+$0x5270];
	v11 =	vmax.f32 v11, $0.0e+00;
	v10 =	vadd.f32 v13, v10  }
0x1c4: {  	v12 =	vld [tilespmem:s9+$0x6670];
	[tilespmem:s21+$0x8E00] =	vst v11;
	v9 =	vmax.f32 v9, $0.0e+00;
	v4 =	vadd.f32 v8, v4  }
0x1c5: {  	v11 =	vld [tilespmem:s9+$0x5200];
	[tilespmem:s21+$0x8E10] =	vst v9;
	v41 =	vmax.f32 v10, $0.0e+00;
	v3 =	vadd.f32 v7, v3  }
0x1c6: {  	v9 =	vld [tilespmem:s9+$0x7A70];
	[tilespmem:s21+$0x8E20] =	vst v41;
	v4 =	vmax.f32 v4, $0.0e+00;
	v2 =	vadd.f32 v6, v2  }
0x1c7: {  	v42 =	vld [tilespmem:s9+$0x6600];
	[tilespmem:s21+$0x8E30] =	vst v4;
	v3 =	vmax.f32 v3, $0.0e+00;
	v0 =	vadd.f32 v5, v0  }
0x1c8: {  	v4 =	vld [tilespmem:s9+$0x5210];
	[tilespmem:s21+$0x8E40] =	vst v3;
	v2 =	vmax.f32 v2, $0.0e+00  }
0x1c9: {  	v3 =	vld [tilespmem:s9+$0x6610];
	[tilespmem:s21+$0x8E50] =	vst v2;
	v0 =	vmax.f32 v0, $0.0e+00  }
0x1ca: {  	v2 =	vld [tilespmem:s9+$0x5220];
	[tilespmem:s21+$0x8E60] =	vst v0  }
0x1cb: {  	v0 =	vld [tilespmem:s9+$0x6620]  }
0x1cc: {  	v43 =	vld [tilespmem:s9+$0x5230]  }
0x1cd: {  	v44 =	vld [tilespmem:s9+$0x6630]  }
0x1ce: {  	v8 =	vld [tilespmem:s9+$0x5240]  }
0x1cf: {  	v45 =	vld [tilespmem:s9+$0x6640]  }
0x1d0: {  	v46 =	vld [tilespmem:s9+$0x5250]  }
0x1d1: {  	v47 =	vld [tilespmem:s9+$0x6650]  }
0x1d2: {  	v48 =	vld [tilespmem:s9+$0x5260]  }
0x1d3: {  	v13 =	vld [tilespmem:s9+$0x6660]  }
0x1d4: {  	v14 =	vld [tilespmem:s9+$0x7A00]  }
0x1d5: {  	v15 =	vld [tilespmem:s9+$0x7A10]  }
0x1d6: {  	v1 =	vadd.f32 v12, v1;
	v16 =	vld [tilespmem:s9+$0x7A20]  }
0x1d7: {  	v49 =	vld [tilespmem:s9+$0x7A30];
	v7 =	vadd.f32 v42, v11  }
0x1d8: {  	v1 =	vadd.f32 v9, v1;
	v50 =	vld [tilespmem:s9+$0x7A40];
	v3 =	vadd.f32 v3, v4  }
0x1d9: {  	v52 =	vld [tilespmem:s9+$0x7A50];
	v0 =	vadd.f32 v0, v2;
	v51 =	vadd.f32 v14, v7  }
0x1da: {  	v53 =	vld [tilespmem:s9+$0x7A60];
	v1 =	vmax.f32 v1, $0.0e+00;
	v5 =	vadd.f32 v44, v43;
	v3 =	vadd.f32 v15, v3  }
0x1db: {  	[tilespmem:s9+$0x8E70] =	vst v1;
	v1 =	vadd.f32 v45, v8;
	v0 =	vadd.f32 v16, v0;
	v2 =	vmax.f32 v51, $0.0e+00  }
0x1dc: {  	v54 =	vadd.f32 v47, v46;
	v55 =	vmax.f32 v3, $0.0e+00;
	v56 =	vadd.f32 v49, v5;
	[tilespmem:s9+$0x8E00] =	vst v2  }
0x1dd: {  	v57 =	vadd.f32 v13, v48;
	v1 =	vadd.f32 v50, v1;
	[tilespmem:s9+$0x8E10] =	vst v55;
	v0 =	vmax.f32 v0, $0.0e+00  }
0x1de: {  	v59 =	vadd.f32 v52, v54;
	v58 =	vmax.f32 v56, $0.0e+00;
	[tilespmem:s9+$0x8E20] =	vst v0  }
0x1df: {  	v61 =	vadd.f32 v53, v57;
	v60 =	vmax.f32 v1, $0.0e+00;
	[tilespmem:s9+$0x8E30] =	vst v58  }
0x1e0: {  	v62 =	vmax.f32 v59, $0.0e+00;
	[tilespmem:s9+$0x8E40] =	vst v60  }
0x1e1: {  	v63 =	vmax.f32 v61, $0.0e+00;
	[tilespmem:s9+$0x8E50] =	vst v62  }
0x1e2: {  	[tilespmem:s9+$0x8E60] =	vst v63  }
0x1e3: {  	[spmem:s1] =	stream.indirect.scatter.add.f32 [tilespmem:s17], [sflag:$0x5], $0x80, s0, s28, $0xb8;
	[tilespmem:$0x1DA80] =	vst v63  }
0x1e4: {  	_ =	swait.ge [sflag:s24], $0x1400  }
0x1e5: {  	[sflag:s24] =	ssyncset.done $0x0  }
0x1e6: {  	[sflag:s24] =	ssyncadd.s32 $0xFFFFEC00  }
0x1e7: {  	[spmem:s1] =	stream.indirect.scatter.add.f32 [tilespmem:s17], [sflag:$0x5], $0x80, s7, s28, $0xb8;
	[tilespmem:$0x1DA80] =	vst v63  }
0x1e8: {  	_ =	swait.ge [sflag:s24], $0x1400  }
0x1e9: {  	[sflag:s24] =	ssyncset.done $0x0  }
0x1ea: {  	[sflag:s24] =	ssyncadd.s32 $0xFFFFEC00  }
0x1eb: {  	[bflag:$0x0] =	sbarrier.arrive $0xFFFF  }
0x1ec: {  	s20 =	rddreg [dreg:$0x5]  }
0x1ed: {  	s21 =	rddreg [dreg:$0xe]  }
0x1ee: {  	s23 =	rddreg [dreg:$0x12]  }
0x1ef: {  	[hbm:s21], [sflag:s20] =	dma.local [spmem:s23], $0x2700  }
0x1f0: {  	_ =	swait.ge [sflag:s24], $0x2700  }
0x1f1: {  	[sflag:s24] =	ssyncset.done $0x0;
	s9 =	rddreg [dreg:$0xf]  }
0x1f2: {  	s21 =	rddreg [dreg:$0x13];
	[sflag:s24] =	ssyncadd.s32 $0xFFFFD900  }
0x1f3: {  	[hbm:s9], [sflag:s20] =	dma.local @!p0 [spmem:s21], $0x100  }
0x1f4: {  	s9 =	simm.s32 @!p0 $0x5  }
0x1f5: {  	_ =	swait.ge @!p0 [sflag:s9], $0x100  }
0x1f6: {  	s22 =	sadd.s32 $0x1, s22;
	s29 =	rddreg [dreg:$0x10]  }
0x1f7: {  	p1 =	sne.s32 s22, s29  }
.Ltmp5:
0x1f8: {  	_ = 	snop;
	(pc) =	sbr.rel @p1 .LBB2_1-.Ltmp5, $3  }
0x1f9: {  	_ =	sdelay $0x1  }
0x1fa: {  	[sflag:s9] =	ssyncset.done @!p0 $0x0  }
0x1fb: {  	[sflag:s9] =	ssyncadd.s32 @!p0 $0xFFFFFF00  }
0x1fc: {  	_ =	sfence.sel $0x180000  }
0x1fd: {  	[bflag:$0x0] =	sbarrier.arrive $0xFFFF  }
0x1fe: {  	_ =	strace $0x9000004D  }
0x1ff: {  	[bflag:$0x2] =	sbarrier.arrive $0xFFFF  }
0x200: {  	s0 =	rddreg [dreg:$0x2]  }
0x201: {  	s0 =	sadd.s32 @!p0 $0x100000, s0  }
0x202: {  	[sflag:s0] =	ssyncadd.tile.s32 @!p0 $0x1;
	_ =	shalt  }
.Lfunc_end2:
_tile_overlayer_lowered:
.L_overlay_start_2:
0x203: {  	(tag) =	ssettag $0x2  }
0x204: {  	s0 =	rddreg [dreg:$0x0];
	s2 =	stileid.u32  }
0x205: {  	s1 =	rddreg [dreg:$0x1];
	p0 =	sne.s32 s2, $0x0  }
0x206: {  	s3 =	rddreg [dreg:$0x2];
	[bflag:$0x3] =	sbarrier.arrive $0xFFFF;
	s2 =	simm.s32 @!p0 $0x1C05  }
0x207: {  	[timem:s3], [sflag:s2] =	dma.local @!p0 [hbm:s0], s1  }
0x208: {  	s0 =	simm.s32 @!p0 $0x5  }
0x209: {  	_ =	swait.ge @!p0 [sflag:s0], s1  }
0x20a: {  	s1 =	ssub.s32 @!p0 $0x0, s1;
	[sflag:s0] =	ssyncset.done @!p0 $0x0  }
0x20b: {  	[sflag:s0] =	ssyncadd.s32 @!p0 s1  }
0x20c: {  	[bflag:$0x3] =	sbarrier.arrive $0xFFFF  }
0x20d: {  	_ =	shalt  }

</sc_bundles>
